<compile_context>
chip_gen: v7x
topology: tpu7x:2x2x1
jax: 0.10.2.dev20260603
libtpu: 0.0.44.dev20260713+nightly
codegen_flags: <defaults>
</compile_context>

<pallas_src>
import math

import jax
import jax.numpy as jnp
from jax import lax
from jax.experimental import pallas as pl
from jax.experimental.pallas import tpu as pltpu
from jax.experimental.pallas import tpu_sc as plsc

N = 10000
E = 320000
D = 128
NCLS = 40
NC, NS = 2, 16
NW = NC * NS
L = 16
NPAD = 10240
NPW = NPAD // NW
NROWS = NPW + 8
SINK = NPW
CH = 48
SCAN = 4000
NSCAN = E // SCAN
CAPP = 12480
QROWS = NPAD + 8
INV_SQRT_D = 1.0 / math.sqrt(D)


def _compact_body(src_hbm, dst_hbm, lists_out, counts_out,
                  src_a, dst_a, src_b, dst_b, comp_src, comp_dstl, cbuf,
                  sem_a, sem_b):
    c = lax.axis_index("c")
    s_id = lax.axis_index("s")
    wid = s_id * NC + c
    lo = wid * NPW
    iota = lax.iota(jnp.int32, L)

    def issue(sbuf, dbuf, i, sem):
        o = jnp.minimum(i, NSCAN - 1) * SCAN
        pltpu.async_copy(src_hbm.at[pl.ds(o, SCAN)], sbuf, sem)
        pltpu.async_copy(dst_hbm.at[pl.ds(o, SCAN)], dbuf, sem)

    def drain(sbuf, dbuf, sem):
        pltpu.make_async_copy(src_hbm.at[pl.ds(0, SCAN)], sbuf, sem).wait()
        pltpu.make_async_copy(dst_hbm.at[pl.ds(0, SCAN)], dbuf, sem).wait()

    def process(sbuf, dbuf, cur):
        def group(g, cur2):
            sv = sbuf[pl.ds(g * L, L)]
            dv = dbuf[pl.ds(g * L, L)]
            m = (dv >= lo) & (dv < lo + NPW)
            plsc.store_compressed(comp_src.at[pl.ds(cur2, L)], sv, mask=m)
            plsc.store_compressed(comp_dstl.at[pl.ds(cur2, L)], dv, mask=m)
            return cur2 + jnp.sum(m.astype(jnp.int32), axis=0)

        return lax.fori_loop(0, SCAN // L, group, cur)

    issue(src_a, dst_a, 0, sem_a)

    def scan2(i2, cur):
        drain(src_a, dst_a, sem_a)
        issue(src_b, dst_b, 2 * i2 + 1, sem_b)
        cur = process(src_a, dst_a, cur)
        drain(src_b, dst_b, sem_b)
        issue(src_a, dst_a, 2 * i2 + 2, sem_a)
        return process(src_b, dst_b, cur)

    cur = lax.fori_loop(0, NSCAN // 2, scan2, jnp.int32(0))
    drain(src_a, dst_a, sem_a)
    for t in range(2 * CH // L):
        plsc.store_scatter(comp_src, [cur + t * L + iota],
                           jnp.zeros((L,), jnp.int32))
        plsc.store_scatter(comp_dstl, [cur + t * L + iota],
                           jnp.full((L,), SINK, jnp.int32) + lo)
    cnt = ((cur + 2 * CH - 1) // (2 * CH)) * (2 * CH)
    cbuf[...] = jnp.broadcast_to(cnt, (L,))
    pltpu.sync_copy(cbuf, counts_out.at[pl.ds(wid * L, L)])
    pltpu.sync_copy(comp_src, lists_out.at[pl.ds(wid * 2 * CAPP, CAPP)])
    pltpu.sync_copy(comp_dstl, lists_out.at[pl.ds(wid * 2 * CAPP + CAPP, CAPP)])


_compact_call = pl.kernel(
    _compact_body,
    out_type=(jax.ShapeDtypeStruct((NW * 2 * CAPP,), jnp.int32),
              jax.ShapeDtypeStruct((NW * L,), jnp.int32)),
    mesh=plsc.VectorSubcoreMesh(core_axis_name="c", subcore_axis_name="s",
                                num_cores=NC, num_subcores=NS),
    compiler_params=pltpu.CompilerParams(needs_layout_passes=False),
    scratch_types=[
        pltpu.VMEM((SCAN,), jnp.int32),
        pltpu.VMEM((SCAN,), jnp.int32),
        pltpu.VMEM((SCAN,), jnp.int32),
        pltpu.VMEM((SCAN,), jnp.int32),
        pltpu.VMEM((CAPP,), jnp.int32),
        pltpu.VMEM((CAPP,), jnp.int32),
        pltpu.VMEM((L,), jnp.int32),
        pltpu.SemaphoreType.DMA,
        pltpu.SemaphoreType.DMA,
    ],
)


def _edge_body(q_hbm, k_hbm, v_hbm, lists_hbm, counts_hbm,
               num_out, den_out,
               src_a, dstl_a, q_a, k_a, v_a,
               src_b, dstl_b, q_b, k_b, v_b,
               num_loc, den_loc, s_buf, cnt_v,
               sem_ia, sem_ib, sem_ga, sem_gb):
    c = lax.axis_index("c")
    s_id = lax.axis_index("s")
    wid = s_id * NC + c
    lo = wid * NPW
    iota = lax.iota(jnp.int32, L)
    tail = jnp.where(iota == 0, 1.0, 0.0).astype(jnp.float32)
    zero16 = jnp.zeros((L,), jnp.float32)

    def zero_row(r, carry):
        rr = jnp.full((L,), r, jnp.int32)
        for g in range(D // L):
            plsc.store_scatter(num_loc, [rr, g * L + iota], zero16)
        plsc.store_scatter(den_loc, [rr, iota], zero16)
        return carry

    lax.fori_loop(0, NROWS, zero_row, 0)

    pltpu.sync_copy(counts_hbm.at[pl.ds(wid * L, L)], cnt_v)
    nchunks = jnp.max(cnt_v[...], axis=0) // CH
    lbase = wid * 2 * CAPP

    def issue_idx(sbuf, dbuf, ci, sem):
        o = lbase + jnp.minimum(ci, nchunks - 1) * CH
        pltpu.async_copy(lists_hbm.at[pl.ds(o, CH)], sbuf, sem)
        pltpu.async_copy(lists_hbm.at[pl.ds(o + CAPP, CH)], dbuf, sem)

    def drain_idx(sbuf, dbuf, sem):
        pltpu.make_async_copy(lists_hbm.at[pl.ds(lbase, CH)], sbuf, sem).wait()
        pltpu.make_async_copy(lists_hbm.at[pl.ds(lbase, CH)], dbuf, sem).wait()

    def issue_g(sbuf, dbuf, qb, kb, vb, sem):
        pltpu.async_copy(q_hbm.at[dbuf], qb, sem)
        pltpu.async_copy(k_hbm.at[sbuf], kb, sem)
        pltpu.async_copy(v_hbm.at[sbuf], vb, sem)

    def drain_g(sbuf, dbuf, qb, kb, vb, sem):
        pltpu.make_async_copy(q_hbm.at[dbuf], qb, sem).wait()
        pltpu.make_async_copy(k_hbm.at[sbuf], kb, sem).wait()
        pltpu.make_async_copy(v_hbm.at[sbuf], vb, sem).wait()

    def compute(dbuf, qb, kb, vb):
        def sub_body(t, carry2):
            rows16 = t * L + iota
            zacc = jnp.zeros((L,), jnp.float32)

            def dot_body(i, accs):
                a0, a1, a2, a3 = accs
                acc4 = [a0, a1, a2, a3]
                for dd in range(8):
                    dcol = jnp.full((L,), i * 8 + dd, jnp.int32)
                    qc = plsc.load_gather(qb, [rows16, dcol])
                    kc = plsc.load_gather(kb, [rows16, dcol])
                    acc4[dd % 4] = acc4[dd % 4] + qc * kc
                return tuple(acc4)

            a0, a1, a2, a3 = lax.fori_loop(0, D // 8, dot_body,
                                           (zacc, zacc, zacc, zacc))
            sc = (a0 + a1) + (a2 + a3)
            s_buf[...] = jnp.exp(sc * INV_SQRT_D)

            def j_body(j, carry3):
                jj = jnp.full((L,), j, jnp.int32)
                bs = plsc.load_gather(s_buf, [jj])
                erow = jnp.full((L,), t * L + j, jnp.int32)
                dlv = plsc.load_gather(dbuf, [erow]) - lo
                for g in range(D // L):
                    col = g * L + iota
                    vv = plsc.load_gather(vb, [erow, col])
                    plsc.addupdate_scatter(num_loc, [dlv, col], bs * vv)
                plsc.addupdate_scatter(den_loc, [dlv, iota], bs * tail)
                return carry3

            lax.fori_loop(0, L, j_body, 0)
            return carry2

        lax.fori_loop(0, CH // L, sub_body, 0)

    issue_idx(src_a, dstl_a, 0, sem_ia)
    drain_idx(src_a, dstl_a, sem_ia)
    issue_g(src_a, dstl_a, q_a, k_a, v_a, sem_ga)
    issue_idx(src_b, dstl_b, 1, sem_ib)

    def chunk2(i2, carry):
        drain_idx(src_b, dstl_b, sem_ib)
        issue_g(src_b, dstl_b, q_b, k_b, v_b, sem_gb)
        drain_g(src_a, dstl_a, q_a, k_a, v_a, sem_ga)
        compute(dstl_a, q_a, k_a, v_a)
        issue_idx(src_a, dstl_a, 2 * i2 + 2, sem_ia)
        drain_idx(src_a, dstl_a, sem_ia)
        issue_g(src_a, dstl_a, q_a, k_a, v_a, sem_ga)
        drain_g(src_b, dstl_b, q_b, k_b, v_b, sem_gb)
        compute(dstl_b, q_b, k_b, v_b)
        issue_idx(src_b, dstl_b, 2 * i2 + 3, sem_ib)
        return carry

    lax.fori_loop(0, nchunks // 2, chunk2, 0)
    drain_g(src_a, dstl_a, q_a, k_a, v_a, sem_ga)
    drain_idx(src_b, dstl_b, sem_ib)
    pltpu.sync_copy(num_loc.at[pl.ds(0, NPW), :], num_out.at[pl.ds(lo, NPW), :])
    pltpu.sync_copy(den_loc.at[pl.ds(0, NPW), :], den_out.at[pl.ds(lo, NPW), :])


_edge_call = pl.kernel(
    _edge_body,
    out_type=(jax.ShapeDtypeStruct((NPAD, D), jnp.float32),
              jax.ShapeDtypeStruct((NPAD, L), jnp.float32)),
    mesh=plsc.VectorSubcoreMesh(core_axis_name="c", subcore_axis_name="s",
                                num_cores=NC, num_subcores=NS),
    compiler_params=pltpu.CompilerParams(needs_layout_passes=False),
    scratch_types=[
        pltpu.VMEM((CH,), jnp.int32),
        pltpu.VMEM((CH,), jnp.int32),
        pltpu.VMEM((CH, D), jnp.float32),
        pltpu.VMEM((CH, D), jnp.float32),
        pltpu.VMEM((CH, D), jnp.float32),
        pltpu.VMEM((CH,), jnp.int32),
        pltpu.VMEM((CH,), jnp.int32),
        pltpu.VMEM((CH, D), jnp.float32),
        pltpu.VMEM((CH, D), jnp.float32),
        pltpu.VMEM((CH, D), jnp.float32),
        pltpu.VMEM((NROWS, D), jnp.float32),
        pltpu.VMEM((NROWS, L), jnp.float32),
        pltpu.VMEM((L,), jnp.float32),
        pltpu.VMEM((L,), jnp.int32),
        pltpu.SemaphoreType.DMA,
        pltpu.SemaphoreType.DMA,
        pltpu.SemaphoreType.DMA,
        pltpu.SemaphoreType.DMA,
    ],
)



BN = 2000
GRID = N // BN


def _qkv_body(h_ref, w_ref, b_ref, q_ref, k_ref, v_ref):
    y = jnp.dot(h_ref[...], w_ref[...],
                preferred_element_type=jnp.float32) + b_ref[...]
    q_ref[...] = y[:, :D]
    k_ref[...] = y[:, D:2 * D]
    v_ref[...] = y[:, 2 * D:]


def _qkv_call(h, w, b):
    return pl.pallas_call(
        _qkv_body,
        grid=(GRID,),
        in_specs=[
            pl.BlockSpec((BN, D), lambda i: (i, 0)),
            pl.BlockSpec((D, 3 * D), lambda i: (0, 0)),
            pl.BlockSpec((1, 3 * D), lambda i: (0, 0)),
        ],
        out_specs=(pl.BlockSpec((BN, D), lambda i: (i, 0)),
                   pl.BlockSpec((BN, D), lambda i: (i, 0)),
                   pl.BlockSpec((BN, D), lambda i: (i, 0))),
        out_shape=(jax.ShapeDtypeStruct((N, D), jnp.float32),
                   jax.ShapeDtypeStruct((N, D), jnp.float32),
                   jax.ShapeDtypeStruct((N, D), jnp.float32)),
    )(h, w, b)


def _normalize(num_ref, den_ref):
    return num_ref[...] / (den_ref[...][:, :1] + 1e-9)


def _combine_body(num_ref, den_ref, w_ref, b_ref, q_ref, k_ref, v_ref):
    h = _normalize(num_ref, den_ref)
    y = jnp.dot(h, w_ref[...], preferred_element_type=jnp.float32) + b_ref[...]
    q_ref[...] = y[:, :D]
    k_ref[...] = y[:, D:2 * D]
    v_ref[...] = y[:, 2 * D:]


def _combine_call(num, den, w, b):
    return pl.pallas_call(
        _combine_body,
        grid=(GRID,),
        in_specs=[
            pl.BlockSpec((BN, D), lambda i: (i, 0)),
            pl.BlockSpec((BN, L), lambda i: (i, 0)),
            pl.BlockSpec((D, 3 * D), lambda i: (0, 0)),
            pl.BlockSpec((1, 3 * D), lambda i: (0, 0)),
        ],
        out_specs=(pl.BlockSpec((BN, D), lambda i: (i, 0)),
                   pl.BlockSpec((BN, D), lambda i: (i, 0)),
                   pl.BlockSpec((BN, D), lambda i: (i, 0))),
        out_shape=(jax.ShapeDtypeStruct((N, D), jnp.float32),
                   jax.ShapeDtypeStruct((N, D), jnp.float32),
                   jax.ShapeDtypeStruct((N, D), jnp.float32)),
    )(num, den, w, b)


def _final_body(num_ref, den_ref, w_ref, b_ref, out_ref):
    h = _normalize(num_ref, den_ref)
    logits = jnp.dot(h, w_ref[...],
                     preferred_element_type=jnp.float32) + b_ref[...]
    m = jnp.max(logits, axis=1, keepdims=True)
    z = logits - m
    lse = jnp.log(jnp.sum(jnp.exp(z), axis=1, keepdims=True))
    out_ref[...] = z - lse


def _final_call(num, den, w, b):
    return pl.pallas_call(
        _final_body,
        grid=(GRID,),
        in_specs=[
            pl.BlockSpec((BN, D), lambda i: (i, 0)),
            pl.BlockSpec((BN, L), lambda i: (i, 0)),
            pl.BlockSpec((D, NCLS), lambda i: (0, 0)),
            pl.BlockSpec((1, NCLS), lambda i: (0, 0)),
        ],
        out_specs=pl.BlockSpec((BN, NCLS), lambda i: (i, 0)),
        out_shape=jax.ShapeDtypeStruct((N, NCLS), jnp.float32),
    )(num, den, w, b)


def kernel(edge_index, h, Wq0, bq0, Wk0, bk0, Wv0, bv0,
           Wq1, bq1, Wk1, bk1, Wv1, bv1, Wout, bout):
    src = edge_index[0].astype(jnp.int32)
    dst = edge_index[1].astype(jnp.int32)
    W0 = jnp.concatenate([Wq0, Wk0, Wv0], axis=1)
    b0 = jnp.concatenate([bq0, bk0, bv0])[None, :]
    W1 = jnp.concatenate([Wq1, Wk1, Wv1], axis=1)
    b1 = jnp.concatenate([bq1, bk1, bv1])[None, :]

    lists, counts = _compact_call(src, dst)

    q0, k0, v0 = _qkv_call(h, W0, b0)
    q0p = jnp.pad(q0, ((0, QROWS - N), (0, 0)))
    num0, den0 = _edge_call(q0p, k0, v0, lists, counts)
    q1, k1, v1 = _combine_call(num0[:N], den0[:N], W1, b1)
    q1p = jnp.pad(q1, ((0, QROWS - N), (0, 0)))
    num1, den1 = _edge_call(q1p, k1, v1, lists, counts)
    return _final_call(num1[:N], den1[:N], Wout, bout[None, :])

# --- scband reference (transcript-rebuilt; emitter-appended) ---
"""Pipeline reference for scband-net-33191507263722 (READ-ONLY COPY).

The authoritative reference and input builder live on the scoring server;
editing this copy changes nothing except your own understanding.
"""

import jax, jax.numpy as jnp
import numpy as np
import math

NUM_LAYERS = 2
N_NODES = 10000
N_EDGES = 320000
D = 128
N_CLASSES = 40


def setup_inputs(seed: int = 0) -> dict:
    key = jax.random.key(seed)
    ks = jax.random.split(key, 20)
    inp = {}
    inp["edge_index"] = jax.random.randint(ks[0], (2, N_EDGES), 0, N_NODES)
    inp["h"] = jax.random.normal(ks[1], (N_NODES, D), dtype=jnp.float32)
    ki = 2
    sc = 1.0 / math.sqrt(D)
    for l in range(NUM_LAYERS):
        inp[f"Wq{l}"] = jax.random.normal(ks[ki], (D, D), dtype=jnp.float32) * sc; ki += 1
        inp[f"bq{l}"] = jnp.zeros((D,), dtype=jnp.float32)
        inp[f"Wk{l}"] = jax.random.normal(ks[ki], (D, D), dtype=jnp.float32) * sc; ki += 1
        inp[f"bk{l}"] = jnp.zeros((D,), dtype=jnp.float32)
        inp[f"Wv{l}"] = jax.random.normal(ks[ki], (D, D), dtype=jnp.float32) * sc; ki += 1
        inp[f"bv{l}"] = jnp.zeros((D,), dtype=jnp.float32)
    inp["Wout"] = jax.random.normal(ks[ki], (D, N_CLASSES), dtype=jnp.float32) * sc
    inp["bout"] = jnp.zeros((N_CLASSES,), dtype=jnp.float32)
    return inp


def _sparse_mha_layer(h, src, dst, Wq, bq, Wk, bk, Wv, bv):
    # Single-head sparse attention over graph edges (SparseMHA_fused, num_heads=1).
    d = h.shape[-1]
    q = h @ Wq + bq
    k = h @ Wk + bk
    v = h @ Wv + bv
    # SDDMM: edge scores score[e] = <q[dst], k[src]> / sqrt(d)
    score = jnp.sum(q[dst] * k[src], axis=-1) / jnp.sqrt(jnp.asarray(d, jnp.float32))
    # segment softmax over incoming edges of each dst node
    m = jax.ops.segment_max(score, dst, num_segments=N_NODES)
    m = jnp.where(jnp.isfinite(m), m, 0.0)
    e = jnp.exp(score - m[dst])
    denom = jax.ops.segment_sum(e, dst, num_segments=N_NODES)
    attn = e / (denom[dst] + 1e-9)
    # SpMM: aggregate attn-weighted values
    out = jax.ops.segment_sum(attn[:, None] * v[src], dst, num_segments=N_NODES)
    return out


def reference(edge_index, h, Wq0, bq0, Wk0, bk0, Wv0, bv0, Wq1, bq1, Wk1, bk1, Wv1, bv1, Wout, bout):
    src = edge_index[0]
    dst = edge_index[1]
    h = _sparse_mha_layer(h, src, dst, Wq0, bq0, Wk0, bk0, Wv0, bv0)
    h = _sparse_mha_layer(h, src, dst, Wq1, bq1, Wk1, bk1, Wv1, bv1)
    logits = h @ Wout + bout
    return jax.nn.log_softmax(logits, axis=-1)

if __name__ == "__main__":
    import jax
    _d = setup_inputs()
    print(jax.jit(kernel)(*tuple(_d.values())))

</pallas_src>

<mosaic_0001>
#map = affine_map<(d0, d1) -> (0, 0)>
#map1 = affine_map<(d0, d1) -> (0)>
module attributes {stable_mosaic.version = 14 : i64} {
  func.func @_edge_body(%arg0: i32, %arg1: i32, %arg2: memref<10248x128xf32, #tpu.memory_space<hbm>>, %arg3: memref<10000x128xf32, #tpu.memory_space<hbm>>, %arg4: memref<10000x128xf32, #tpu.memory_space<hbm>>, %arg5: memref<798720xi32, #tpu.memory_space<hbm>>, %arg6: memref<512xi32, #tpu.memory_space<hbm>>, %arg7: memref<10240x128xf32, #tpu.memory_space<hbm>>, %arg8: memref<10240x16xf32, #tpu.memory_space<hbm>>, %arg9: memref<48xi32, #tpu.memory_space<vmem>>, %arg10: memref<48xi32, #tpu.memory_space<vmem>>, %arg11: memref<48x128xf32, #tpu.memory_space<vmem>>, %arg12: memref<48x128xf32, #tpu.memory_space<vmem>>, %arg13: memref<48x128xf32, #tpu.memory_space<vmem>>, %arg14: memref<48xi32, #tpu.memory_space<vmem>>, %arg15: memref<48xi32, #tpu.memory_space<vmem>>, %arg16: memref<48x128xf32, #tpu.memory_space<vmem>>, %arg17: memref<48x128xf32, #tpu.memory_space<vmem>>, %arg18: memref<48x128xf32, #tpu.memory_space<vmem>>, %arg19: memref<328x128xf32, #tpu.memory_space<vmem>>, %arg20: memref<328x16xf32, #tpu.memory_space<vmem>>, %arg21: memref<16xf32, #tpu.memory_space<vmem>>, %arg22: memref<16xi32, #tpu.memory_space<vmem>>, %arg23: memref<!tpu.dma_semaphore, #tpu.memory_space<semaphore_mem>>, %arg24: memref<!tpu.dma_semaphore, #tpu.memory_space<semaphore_mem>>, %arg25: memref<!tpu.dma_semaphore, #tpu.memory_space<semaphore_mem>>, %arg26: memref<!tpu.dma_semaphore, #tpu.memory_space<semaphore_mem>>) attributes {dimension_semantics = [#tpu.dimension_semantics<core_parallel>, #tpu.dimension_semantics<subcore_parallel>], iteration_bounds = array<i64: 2, 16>, scalar_prefetch = 0 : i64, scratch_operands = 18 : i64, tpu.core_type = #tpu.core_type<sc_vector_subcore>, window_params = [{transform_indices = #map}, {transform_indices = #map}, {transform_indices = #map}, {transform_indices = #map1}, {transform_indices = #map1}, {transform_indices = #map}, {transform_indices = #map}]} {
    %mul3A = arith.constant 2 : i32
    %mul3A_0 = arith.muli %arg1, %mul3A : i32
    %add3A = arith.addi %mul3A_0, %arg0 : i32
    %mul3A_1 = arith.constant 320 : i32
    %mul3A_2 = arith.muli %add3A, %mul3A_1 : i32
    %iota3A = tpu.iota {dimensions = array<i32: 0>} : vector<16xi32>
    %eq3A = arith.constant 0 : i32
    %eq3A_3 = vector.broadcast %eq3A : i32 to vector<16xi32>
    %eq3A_4 = arith.cmpi eq, %iota3A, %eq3A_3 : vector<16xi32>
    %jit3A = arith.constant 1.000000e+00 : f32
    %jit3A_5 = arith.constant 0.000000e+00 : f32
    %broadcast_in_dim3A = vector.broadcast %jit3A : f32 to vector<16xf32>
    %broadcast_in_dim3A_6 = vector.broadcast %jit3A_5 : f32 to vector<16xf32>
    %select_n3A = arith.select %eq3A_4, %broadcast_in_dim3A, %broadcast_in_dim3A_6 : vector<16xi1>, vector<16xf32>
    %broadcast_in_dim3A_7 = arith.constant 0.000000e+00 : f32
    %broadcast_in_dim3A_8 = vector.broadcast %broadcast_in_dim3A_7 : f32 to vector<16xf32>
    %scan3A = arith.constant 0 : i32
    %scan3A_9 = arith.constant 0 : i32
    %scan3A_10 = arith.constant 328 : i32
    %scan3A_11 = arith.addi %scan3A_9, %scan3A_10 : i32
    %scan3A_12 = arith.constant 1 : i32
    scf.for %scan3A_128 = %scan3A_9 to %scan3A_11 step %scan3A_12  : i32 {
      %broadcast_in_dim3A_129 = vector.broadcast %scan3A_128 : i32 to vector<16xi32>
      %add3A_130 = arith.constant 0 : i32
      %add3A_131 = vector.broadcast %add3A_130 : i32 to vector<16xi32>
      %add3A_132 = arith.addi %add3A_131, %iota3A : vector<16xi32>
      tpu.vector_store_idx %arg19[%broadcast_in_dim3A_129, %add3A_132], %broadcast_in_dim3A_8 : memref<328x128xf32, #tpu.memory_space<vmem>>[vector<16xi32>, vector<16xi32>], vector<16xf32>,
      %add3A_133 = arith.constant 16 : i32
      %add3A_134 = vector.broadcast %add3A_133 : i32 to vector<16xi32>
      %add3A_135 = arith.addi %add3A_134, %iota3A : vector<16xi32>
      tpu.vector_store_idx %arg19[%broadcast_in_dim3A_129, %add3A_135], %broadcast_in_dim3A_8 : memref<328x128xf32, #tpu.memory_space<vmem>>[vector<16xi32>, vector<16xi32>], vector<16xf32>,
      %add3A_136 = arith.constant 32 : i32
      %add3A_137 = vector.broadcast %add3A_136 : i32 to vector<16xi32>
      %add3A_138 = arith.addi %add3A_137, %iota3A : vector<16xi32>
      tpu.vector_store_idx %arg19[%broadcast_in_dim3A_129, %add3A_138], %broadcast_in_dim3A_8 : memref<328x128xf32, #tpu.memory_space<vmem>>[vector<16xi32>, vector<16xi32>], vector<16xf32>,
      %add3A_139 = arith.constant 48 : i32
      %add3A_140 = vector.broadcast %add3A_139 : i32 to vector<16xi32>
      %add3A_141 = arith.addi %add3A_140, %iota3A : vector<16xi32>
      tpu.vector_store_idx %arg19[%broadcast_in_dim3A_129, %add3A_141], %broadcast_in_dim3A_8 : memref<328x128xf32, #tpu.memory_space<vmem>>[vector<16xi32>, vector<16xi32>], vector<16xf32>,
      %add3A_142 = arith.constant 64 : i32
      %add3A_143 = vector.broadcast %add3A_142 : i32 to vector<16xi32>
      %add3A_144 = arith.addi %add3A_143, %iota3A : vector<16xi32>
      tpu.vector_store_idx %arg19[%broadcast_in_dim3A_129, %add3A_144], %broadcast_in_dim3A_8 : memref<328x128xf32, #tpu.memory_space<vmem>>[vector<16xi32>, vector<16xi32>], vector<16xf32>,
      %add3A_145 = arith.constant 80 : i32
      %add3A_146 = vector.broadcast %add3A_145 : i32 to vector<16xi32>
      %add3A_147 = arith.addi %add3A_146, %iota3A : vector<16xi32>
      tpu.vector_store_idx %arg19[%broadcast_in_dim3A_129, %add3A_147], %broadcast_in_dim3A_8 : memref<328x128xf32, #tpu.memory_space<vmem>>[vector<16xi32>, vector<16xi32>], vector<16xf32>,
      %add3A_148 = arith.constant 96 : i32
      %add3A_149 = vector.broadcast %add3A_148 : i32 to vector<16xi32>
      %add3A_150 = arith.addi %add3A_149, %iota3A : vector<16xi32>
      tpu.vector_store_idx %arg19[%broadcast_in_dim3A_129, %add3A_150], %broadcast_in_dim3A_8 : memref<328x128xf32, #tpu.memory_space<vmem>>[vector<16xi32>, vector<16xi32>], vector<16xf32>,
      %add3A_151 = arith.constant 112 : i32
      %add3A_152 = vector.broadcast %add3A_151 : i32 to vector<16xi32>
      %add3A_153 = arith.addi %add3A_152, %iota3A : vector<16xi32>
      tpu.vector_store_idx %arg19[%broadcast_in_dim3A_129, %add3A_153], %broadcast_in_dim3A_8 : memref<328x128xf32, #tpu.memory_space<vmem>>[vector<16xi32>, vector<16xi32>], vector<16xf32>,
      tpu.vector_store_idx %arg20[%broadcast_in_dim3A_129, %iota3A], %broadcast_in_dim3A_8 : memref<328x16xf32, #tpu.memory_space<vmem>>[vector<16xi32>, vector<16xi32>], vector<16xf32>,
    }
    %scan3A_13 = arith.constant 328 : i32
    %mul3A_14 = arith.constant 16 : i32
    %mul3A_15 = arith.muli %add3A, %mul3A_14 : i32
    "tpu.region"() ({
      %run_scoped3A = tpu.sem_alloc : memref<!tpu.dma_semaphore, #tpu.memory_space<semaphore_mem>>
      %dma_start3A_128 = tpu.memref_slice %arg6[%mul3A_15] : memref<512xi32, #tpu.memory_space<hbm>> -> memref<16xi32, #tpu.memory_space<hbm>>
      %dma_start3A_129 = tpu.memref_slice %arg6[%mul3A_15] : memref<512xi32, #tpu.memory_space<hbm>> -> memref<16xi32, #tpu.memory_space<hbm>>
      tpu.enqueue_dma source(%dma_start3A_129 : memref<16xi32, #tpu.memory_space<hbm>>) target(%arg22 : memref<16xi32, #tpu.memory_space<vmem>>) target_semaphore(%run_scoped3A : memref<!tpu.dma_semaphore, #tpu.memory_space<semaphore_mem>>)
      %dma_wait3A_130 = tpu.memref_slice %arg6[%mul3A_15] : memref<512xi32, #tpu.memory_space<hbm>> -> memref<16xi32, #tpu.memory_space<hbm>>
      %dma_wait3A_131 = tpu.memref_slice %arg6[%mul3A_15] : memref<512xi32, #tpu.memory_space<hbm>> -> memref<16xi32, #tpu.memory_space<hbm>>
      tpu.wait_dma2 semaphore(%run_scoped3A : memref<!tpu.dma_semaphore, #tpu.memory_space<semaphore_mem>>) src(%dma_wait3A_131 : memref<16xi32, #tpu.memory_space<hbm>>) dst(%arg22 : memref<16xi32, #tpu.memory_space<vmem>>)
      tpu.yield
    }) : () -> ()
    %get3A = arith.constant 0 : index
    %get3A_16 = tpu.vector_load %arg22[%get3A] {strides = array<i32>} : memref<16xi32, #tpu.memory_space<vmem>>, vector<16xi32>,
    %reduce_max3A = arith.constant true
    %reduce_max3A_17 = vector.broadcast %reduce_max3A : i1 to vector<16xi1>
    %reduce_max3A_18 = arith.constant -2147483648 : i32
    %reduce_max3A_19 = vector.broadcast %reduce_max3A_18 : i32 to vector<16xi32>
    %reduce_max3A_20 = arith.xori %get3A_16, %reduce_max3A_19 : vector<16xi32>
    %reduce_max3A_21 = tpu.scan <max>, %reduce_max3A_20 masked %reduce_max3A_17 : vector<16xi32>, vector<16xi1> -> vector<16xi32>
    %reduce_max3A_22 = arith.xori %reduce_max3A_21, %reduce_max3A_19 : vector<16xi32>
    %reduce_max3A_23 = vector.extract %reduce_max3A_22[15] : i32 from vector<16xi32>
    %jit3A_24 = arith.constant 48 : i32
    %div3A = arith.divsi %reduce_max3A_23, %jit3A_24 : i32
    %sign3A = arith.constant 0 : i32
    %sign3A_25 = arith.cmpi sgt, %reduce_max3A_23, %sign3A : i32
    %sign3A_26 = arith.extui %sign3A_25 : i1 to i32
    %sign3A_27 = arith.constant 0 : i32
    %sign3A_28 = arith.cmpi slt, %reduce_max3A_23, %sign3A_27 : i32
    %sign3A_29 = arith.extui %sign3A_28 : i1 to i32
    %sign3A_30 = arith.subi %sign3A_26, %sign3A_29 : i32
    %sign3A_31 = arith.constant 0 : i32
    %sign3A_32 = arith.cmpi sgt, %jit3A_24, %sign3A_31 : i32
    %sign3A_33 = arith.extui %sign3A_32 : i1 to i32
    %sign3A_34 = arith.constant 0 : i32
    %sign3A_35 = arith.cmpi slt, %jit3A_24, %sign3A_34 : i32
    %sign3A_36 = arith.extui %sign3A_35 : i1 to i32
    %sign3A_37 = arith.subi %sign3A_33, %sign3A_36 : i32
    %ne3A = arith.cmpi ne, %sign3A_30, %sign3A_37 : i32
    %rem3A = arith.remsi %reduce_max3A_23, %jit3A_24 : i32
    %ne3A_38 = arith.constant 0 : i32
    %ne3A_39 = arith.cmpi ne, %rem3A, %ne3A_38 : i32
    %and3A = arith.andi %ne3A, %ne3A_39 : i1
    %sub3A = arith.constant 1 : i32
    %sub3A_40 = arith.subi %div3A, %sub3A : i32
    %select_n3A_41 = arith.select %and3A, %sub3A_40, %div3A : i32
    %mul3A_42 = arith.constant 2 : i32
    %mul3A_43 = arith.muli %add3A, %mul3A_42 : i32
    %mul3A_44 = arith.constant 12480 : i32
    %mul3A_45 = arith.muli %mul3A_43, %mul3A_44 : i32
    %sub3A_46 = arith.constant 1 : i32
    %sub3A_47 = arith.subi %select_n3A_41, %sub3A_46 : i32
    %min3A = arith.constant 0 : i32
    %min3A_48 = arith.minsi %min3A, %sub3A_47 : i32
    %mul3A_49 = arith.constant 48 : i32
    %mul3A_50 = arith.muli %min3A_48, %mul3A_49 : i32
    %add3A_51 = arith.addi %mul3A_45, %mul3A_50 : i32
    %dma_start3A = tpu.memref_slice %arg5[%add3A_51] : memref<798720xi32, #tpu.memory_space<hbm>> -> memref<48xi32, #tpu.memory_space<hbm>>
    %dma_start3A_52 = tpu.memref_slice %arg5[%add3A_51] : memref<798720xi32, #tpu.memory_space<hbm>> -> memref<48xi32, #tpu.memory_space<hbm>>
    tpu.enqueue_dma source(%dma_start3A_52 : memref<48xi32, #tpu.memory_space<hbm>>) target(%arg9 : memref<48xi32, #tpu.memory_space<vmem>>) target_semaphore(%arg23 : memref<!tpu.dma_semaphore, #tpu.memory_space<semaphore_mem>>)
    %add3A_53 = arith.constant 12480 : i32
    %add3A_54 = arith.addi %add3A_51, %add3A_53 : i32
    %dma_start3A_55 = tpu.memref_slice %arg5[%add3A_54] : memref<798720xi32, #tpu.memory_space<hbm>> -> memref<48xi32, #tpu.memory_space<hbm>>
    %dma_start3A_56 = tpu.memref_slice %arg5[%add3A_54] : memref<798720xi32, #tpu.memory_space<hbm>> -> memref<48xi32, #tpu.memory_space<hbm>>
    tpu.enqueue_dma source(%dma_start3A_56 : memref<48xi32, #tpu.memory_space<hbm>>) target(%arg10 : memref<48xi32, #tpu.memory_space<vmem>>) target_semaphore(%arg23 : memref<!tpu.dma_semaphore, #tpu.memory_space<semaphore_mem>>)
    %dma_wait3A = tpu.memref_slice %arg5[%mul3A_45] : memref<798720xi32, #tpu.memory_space<hbm>> -> memref<48xi32, #tpu.memory_space<hbm>>
    %dma_wait3A_57 = tpu.memref_slice %arg5[%mul3A_45] : memref<798720xi32, #tpu.memory_space<hbm>> -> memref<48xi32, #tpu.memory_space<hbm>>
    tpu.wait_dma2 semaphore(%arg23 : memref<!tpu.dma_semaphore, #tpu.memory_space<semaphore_mem>>) src(%dma_wait3A_57 : memref<48xi32, #tpu.memory_space<hbm>>) dst(%arg9 : memref<48xi32, #tpu.memory_space<vmem>>)
    %dma_wait3A_58 = tpu.memref_slice %arg5[%mul3A_45] : memref<798720xi32, #tpu.memory_space<hbm>> -> memref<48xi32, #tpu.memory_space<hbm>>
    %dma_wait3A_59 = tpu.memref_slice %arg5[%mul3A_45] : memref<798720xi32, #tpu.memory_space<hbm>> -> memref<48xi32, #tpu.memory_space<hbm>>
    tpu.wait_dma2 semaphore(%arg23 : memref<!tpu.dma_semaphore, #tpu.memory_space<semaphore_mem>>) src(%dma_wait3A_59 : memref<48xi32, #tpu.memory_space<hbm>>) dst(%arg10 : memref<48xi32, #tpu.memory_space<vmem>>)
    %dma_start3A_60 = arith.constant 0 : i32
    %dma_start3A_61 = arith.constant 0 : i32
    %dma_start3A_62 = tpu.memref_slice %arg2[%dma_start3A_60, %dma_start3A_61] : memref<10248x128xf32, #tpu.memory_space<hbm>> -> memref<10248x128xf32, #tpu.memory_space<hbm>>
    tpu.enqueue_indirect_dma source(%dma_start3A_62 : memref<10248x128xf32, #tpu.memory_space<hbm>>) target(%arg11 : memref<48x128xf32, #tpu.memory_space<vmem>>) offsets(%arg10 : memref<48xi32, #tpu.memory_space<vmem>>) semaphore(%arg25 : memref<!tpu.dma_semaphore, #tpu.memory_space<semaphore_mem>>)
    %dma_start3A_63 = arith.constant 0 : i32
    %dma_start3A_64 = arith.constant 0 : i32
    %dma_start3A_65 = tpu.memref_slice %arg3[%dma_start3A_63, %dma_start3A_64] : memref<10000x128xf32, #tpu.memory_space<hbm>> -> memref<10000x128xf32, #tpu.memory_space<hbm>>
    tpu.enqueue_indirect_dma source(%dma_start3A_65 : memref<10000x128xf32, #tpu.memory_space<hbm>>) target(%arg12 : memref<48x128xf32, #tpu.memory_space<vmem>>) offsets(%arg9 : memref<48xi32, #tpu.memory_space<vmem>>) semaphore(%arg25 : memref<!tpu.dma_semaphore, #tpu.memory_space<semaphore_mem>>)
    %dma_start3A_66 = arith.constant 0 : i32
    %dma_start3A_67 = arith.constant 0 : i32
    %dma_start3A_68 = tpu.memref_slice %arg4[%dma_start3A_66, %dma_start3A_67] : memref<10000x128xf32, #tpu.memory_space<hbm>> -> memref<10000x128xf32, #tpu.memory_space<hbm>>
    tpu.enqueue_indirect_dma source(%dma_start3A_68 : memref<10000x128xf32, #tpu.memory_space<hbm>>) target(%arg13 : memref<48x128xf32, #tpu.memory_space<vmem>>) offsets(%arg9 : memref<48xi32, #tpu.memory_space<vmem>>) semaphore(%arg25 : memref<!tpu.dma_semaphore, #tpu.memory_space<semaphore_mem>>)
    %sub3A_69 = arith.constant 1 : i32
    %sub3A_70 = arith.subi %select_n3A_41, %sub3A_69 : i32
    %min3A_71 = arith.constant 1 : i32
    %min3A_72 = arith.minsi %min3A_71, %sub3A_70 : i32
    %mul3A_73 = arith.constant 48 : i32
    %mul3A_74 = arith.muli %min3A_72, %mul3A_73 : i32
    %add3A_75 = arith.addi %mul3A_45, %mul3A_74 : i32
    %dma_start3A_76 = tpu.memref_slice %arg5[%add3A_75] : memref<798720xi32, #tpu.memory_space<hbm>> -> memref<48xi32, #tpu.memory_space<hbm>>
    %dma_start3A_77 = tpu.memref_slice %arg5[%add3A_75] : memref<798720xi32, #tpu.memory_space<hbm>> -> memref<48xi32, #tpu.memory_space<hbm>>
    tpu.enqueue_dma source(%dma_start3A_77 : memref<48xi32, #tpu.memory_space<hbm>>) target(%arg14 : memref<48xi32, #tpu.memory_space<vmem>>) target_semaphore(%arg24 : memref<!tpu.dma_semaphore, #tpu.memory_space<semaphore_mem>>)
    %add3A_78 = arith.constant 12480 : i32
    %add3A_79 = arith.addi %add3A_75, %add3A_78 : i32
    %dma_start3A_80 = tpu.memref_slice %arg5[%add3A_79] : memref<798720xi32, #tpu.memory_space<hbm>> -> memref<48xi32, #tpu.memory_space<hbm>>
    %dma_start3A_81 = tpu.memref_slice %arg5[%add3A_79] : memref<798720xi32, #tpu.memory_space<hbm>> -> memref<48xi32, #tpu.memory_space<hbm>>
    tpu.enqueue_dma source(%dma_start3A_81 : memref<48xi32, #tpu.memory_space<hbm>>) target(%arg15 : memref<48xi32, #tpu.memory_space<vmem>>) target_semaphore(%arg24 : memref<!tpu.dma_semaphore, #tpu.memory_space<semaphore_mem>>)
    %jit3A_82 = arith.constant 2 : i32
    %div3A_83 = arith.divsi %select_n3A_41, %jit3A_82 : i32
    %sign3A_84 = arith.constant 0 : i32
    %sign3A_85 = arith.cmpi sgt, %select_n3A_41, %sign3A_84 : i32
    %sign3A_86 = arith.extui %sign3A_85 : i1 to i32
    %sign3A_87 = arith.constant 0 : i32
    %sign3A_88 = arith.cmpi slt, %select_n3A_41, %sign3A_87 : i32
    %sign3A_89 = arith.extui %sign3A_88 : i1 to i32
    %sign3A_90 = arith.subi %sign3A_86, %sign3A_89 : i32
    %sign3A_91 = arith.constant 0 : i32
    %sign3A_92 = arith.cmpi sgt, %jit3A_82, %sign3A_91 : i32
    %sign3A_93 = arith.extui %sign3A_92 : i1 to i32
    %sign3A_94 = arith.constant 0 : i32
    %sign3A_95 = arith.cmpi slt, %jit3A_82, %sign3A_94 : i32
    %sign3A_96 = arith.extui %sign3A_95 : i1 to i32
    %sign3A_97 = arith.subi %sign3A_93, %sign3A_96 : i32
    %ne3A_98 = arith.cmpi ne, %sign3A_90, %sign3A_97 : i32
    %rem3A_99 = arith.remsi %select_n3A_41, %jit3A_82 : i32
    %ne3A_100 = arith.constant 0 : i32
    %ne3A_101 = arith.cmpi ne, %rem3A_99, %ne3A_100 : i32
    %and3A_102 = arith.andi %ne3A_98, %ne3A_101 : i1
    %sub3A_103 = arith.constant 1 : i32
    %sub3A_104 = arith.subi %div3A_83, %sub3A_103 : i32
    %select_n3A_105 = arith.select %and3A_102, %sub3A_104, %div3A_83 : i32
    %while3A = arith.constant 0 : i32
    %while3A_106 = arith.constant 0 : i32
    %while3A_107 = arith.subi %select_n3A_105, %while3A_106 : i32
    %while3A_108 = arith.addi %while3A_106, %while3A_107 : i32
    %while3A_109 = arith.constant 1 : i32
    %while3A_110 = arith.divsi %while3A_107, %while3A_109 : i32
    %while3A_111 = arith.muli %while3A_110, %while3A_109 : i32
    %while3A_112 = arith.addi %while3A_106, %while3A_111 : i32
    %while3A_113 = arith.constant 1 : i32
    scf.for %while3A_128 = %while3A_106 to %while3A_112 step %while3A_113  : i32 {
      %dma_wait3A_129 = tpu.memref_slice %arg5[%mul3A_45] : memref<798720xi32, #tpu.memory_space<hbm>> -> memref<48xi32, #tpu.memory_space<hbm>>
      %dma_wait3A_130 = tpu.memref_slice %arg5[%mul3A_45] : memref<798720xi32, #tpu.memory_space<hbm>> -> memref<48xi32, #tpu.memory_space<hbm>>
      tpu.wait_dma2 semaphore(%arg24 : memref<!tpu.dma_semaphore, #tpu.memory_space<semaphore_mem>>) src(%dma_wait3A_130 : memref<48xi32, #tpu.memory_space<hbm>>) dst(%arg14 : memref<48xi32, #tpu.memory_space<vmem>>)
      %dma_wait3A_131 = tpu.memref_slice %arg5[%mul3A_45] : memref<798720xi32, #tpu.memory_space<hbm>> -> memref<48xi32, #tpu.memory_space<hbm>>
      %dma_wait3A_132 = tpu.memref_slice %arg5[%mul3A_45] : memref<798720xi32, #tpu.memory_space<hbm>> -> memref<48xi32, #tpu.memory_space<hbm>>
      tpu.wait_dma2 semaphore(%arg24 : memref<!tpu.dma_semaphore, #tpu.memory_space<semaphore_mem>>) src(%dma_wait3A_132 : memref<48xi32, #tpu.memory_space<hbm>>) dst(%arg15 : memref<48xi32, #tpu.memory_space<vmem>>)
      %dma_start3A_133 = arith.constant 0 : i32
      %dma_start3A_134 = arith.constant 0 : i32
      %dma_start3A_135 = tpu.memref_slice %arg2[%dma_start3A_133, %dma_start3A_134] : memref<10248x128xf32, #tpu.memory_space<hbm>> -> memref<10248x128xf32, #tpu.memory_space<hbm>>
      tpu.enqueue_indirect_dma source(%dma_start3A_135 : memref<10248x128xf32, #tpu.memory_space<hbm>>) target(%arg16 : memref<48x128xf32, #tpu.memory_space<vmem>>) offsets(%arg15 : memref<48xi32, #tpu.memory_space<vmem>>) semaphore(%arg26 : memref<!tpu.dma_semaphore, #tpu.memory_space<semaphore_mem>>)
      %dma_start3A_136 = arith.constant 0 : i32
      %dma_start3A_137 = arith.constant 0 : i32
      %dma_start3A_138 = tpu.memref_slice %arg3[%dma_start3A_136, %dma_start3A_137] : memref<10000x128xf32, #tpu.memory_space<hbm>> -> memref<10000x128xf32, #tpu.memory_space<hbm>>
      tpu.enqueue_indirect_dma source(%dma_start3A_138 : memref<10000x128xf32, #tpu.memory_space<hbm>>) target(%arg17 : memref<48x128xf32, #tpu.memory_space<vmem>>) offsets(%arg14 : memref<48xi32, #tpu.memory_space<vmem>>) semaphore(%arg26 : memref<!tpu.dma_semaphore, #tpu.memory_space<semaphore_mem>>)
      %dma_start3A_139 = arith.constant 0 : i32
      %dma_start3A_140 = arith.constant 0 : i32
      %dma_start3A_141 = tpu.memref_slice %arg4[%dma_start3A_139, %dma_start3A_140] : memref<10000x128xf32, #tpu.memory_space<hbm>> -> memref<10000x128xf32, #tpu.memory_space<hbm>>
      tpu.enqueue_indirect_dma source(%dma_start3A_141 : memref<10000x128xf32, #tpu.memory_space<hbm>>) target(%arg18 : memref<48x128xf32, #tpu.memory_space<vmem>>) offsets(%arg14 : memref<48xi32, #tpu.memory_space<vmem>>) semaphore(%arg26 : memref<!tpu.dma_semaphore, #tpu.memory_space<semaphore_mem>>)
      %dma_wait3A_142 = arith.constant 0 : i32
      %dma_wait3A_143 = arith.constant 0 : i32
      %dma_wait3A_144 = tpu.memref_slice %arg2[%dma_wait3A_142, %dma_wait3A_143] : memref<10248x128xf32, #tpu.memory_space<hbm>> -> memref<10248x128xf32, #tpu.memory_space<hbm>>
      tpu.wait_indirect_dma semaphore(%arg25 : memref<!tpu.dma_semaphore, #tpu.memory_space<semaphore_mem>>) src(%dma_wait3A_144 : memref<10248x128xf32, #tpu.memory_space<hbm>>) dst(%arg11 : memref<48x128xf32, #tpu.memory_space<vmem>>)
      %dma_wait3A_145 = arith.constant 0 : i32
      %dma_wait3A_146 = arith.constant 0 : i32
      %dma_wait3A_147 = tpu.memref_slice %arg3[%dma_wait3A_145, %dma_wait3A_146] : memref<10000x128xf32, #tpu.memory_space<hbm>> -> memref<10000x128xf32, #tpu.memory_space<hbm>>
      tpu.wait_indirect_dma semaphore(%arg25 : memref<!tpu.dma_semaphore, #tpu.memory_space<semaphore_mem>>) src(%dma_wait3A_147 : memref<10000x128xf32, #tpu.memory_space<hbm>>) dst(%arg12 : memref<48x128xf32, #tpu.memory_space<vmem>>)
      %dma_wait3A_148 = arith.constant 0 : i32
      %dma_wait3A_149 = arith.constant 0 : i32
      %dma_wait3A_150 = tpu.memref_slice %arg4[%dma_wait3A_148, %dma_wait3A_149] : memref<10000x128xf32, #tpu.memory_space<hbm>> -> memref<10000x128xf32, #tpu.memory_space<hbm>>
      tpu.wait_indirect_dma semaphore(%arg25 : memref<!tpu.dma_semaphore, #tpu.memory_space<semaphore_mem>>) src(%dma_wait3A_150 : memref<10000x128xf32, #tpu.memory_space<hbm>>) dst(%arg13 : memref<48x128xf32, #tpu.memory_space<vmem>>)
      %scan3A_151 = arith.constant 0 : i32
      %scan3A_152 = arith.constant 0 : i32
      %scan3A_153 = arith.constant 3 : i32
      %scan3A_154 = arith.addi %scan3A_152, %scan3A_153 : i32
      %scan3A_155 = arith.constant 1 : i32
      scf.for %scan3A_217 = %scan3A_152 to %scan3A_154 step %scan3A_155  : i32 {
        %mul3A_218 = arith.constant 16 : i32
        %mul3A_219 = arith.muli %scan3A_217, %mul3A_218 : i32
        %add3A_220 = vector.broadcast %mul3A_219 : i32 to vector<16xi32>
        %add3A_221 = arith.addi %add3A_220, %iota3A : vector<16xi32>
        %broadcast_in_dim3A_222 = arith.constant 0.000000e+00 : f32
        %broadcast_in_dim3A_223 = vector.broadcast %broadcast_in_dim3A_222 : f32 to vector<16xf32>
        %scan3A_224 = arith.constant 0 : i32
        %scan3A_225 = arith.constant 16 : i32
        %scan3A_226 = arith.addi %scan3A_224, %scan3A_225 : i32
        %scan3A_227 = arith.constant 1 : i32
        %scan3A_228:4 = scf.for %scan3A_243 = %scan3A_224 to %scan3A_226 step %scan3A_227 iter_args(%scan3A_244 = %broadcast_in_dim3A_223, %scan3A_245 = %broadcast_in_dim3A_223, %scan3A_246 = %broadcast_in_dim3A_223, %scan3A_247 = %broadcast_in_dim3A_223) -> (vector<16xf32>, vector<16xf32>, vector<16xf32>, vector<16xf32>)  : i32 {
          %mul3A_248 = arith.constant 8 : i32
          %mul3A_249 = arith.muli %scan3A_243, %mul3A_248 : i32
          %add3A_250 = arith.constant 0 : i32
          %add3A_251 = arith.addi %mul3A_249, %add3A_250 : i32
          %broadcast_in_dim3A_252 = vector.broadcast %add3A_251 : i32 to vector<16xi32>
          %gather3A = tpu.vector_load_idx %arg11[%add3A_221, %broadcast_in_dim3A_252] : memref<48x128xf32, #tpu.memory_space<vmem>>[vector<16xi32>, vector<16xi32>], vector<16xf32>,
          %gather3A_253 = tpu.vector_load_idx %arg12[%add3A_221, %broadcast_in_dim3A_252] : memref<48x128xf32, #tpu.memory_space<vmem>>[vector<16xi32>, vector<16xi32>], vector<16xf32>,
          %mul3A_254 = arith.mulf %gather3A, %gather3A_253 : vector<16xf32>
          %add3A_255 = arith.addf %scan3A_244, %mul3A_254 : vector<16xf32>
          %mul3A_256 = arith.constant 8 : i32
          %mul3A_257 = arith.muli %scan3A_243, %mul3A_256 : i32
          %add3A_258 = arith.constant 1 : i32
          %add3A_259 = arith.addi %mul3A_257, %add3A_258 : i32
          %broadcast_in_dim3A_260 = vector.broadcast %add3A_259 : i32 to vector<16xi32>
          %gather3A_261 = tpu.vector_load_idx %arg11[%add3A_221, %broadcast_in_dim3A_260] : memref<48x128xf32, #tpu.memory_space<vmem>>[vector<16xi32>, vector<16xi32>], vector<16xf32>,
          %gather3A_262 = tpu.vector_load_idx %arg12[%add3A_221, %broadcast_in_dim3A_260] : memref<48x128xf32, #tpu.memory_space<vmem>>[vector<16xi32>, vector<16xi32>], vector<16xf32>,
          %mul3A_263 = arith.mulf %gather3A_261, %gather3A_262 : vector<16xf32>
          %add3A_264 = arith.addf %scan3A_245, %mul3A_263 : vector<16xf32>
          %mul3A_265 = arith.constant 8 : i32
          %mul3A_266 = arith.muli %scan3A_243, %mul3A_265 : i32
          %add3A_267 = arith.constant 2 : i32
          %add3A_268 = arith.addi %mul3A_266, %add3A_267 : i32
          %broadcast_in_dim3A_269 = vector.broadcast %add3A_268 : i32 to vector<16xi32>
          %gather3A_270 = tpu.vector_load_idx %arg11[%add3A_221, %broadcast_in_dim3A_269] : memref<48x128xf32, #tpu.memory_space<vmem>>[vector<16xi32>, vector<16xi32>], vector<16xf32>,
          %gather3A_271 = tpu.vector_load_idx %arg12[%add3A_221, %broadcast_in_dim3A_269] : memref<48x128xf32, #tpu.memory_space<vmem>>[vector<16xi32>, vector<16xi32>], vector<16xf32>,
          %mul3A_272 = arith.mulf %gather3A_270, %gather3A_271 : vector<16xf32>
          %add3A_273 = arith.addf %scan3A_246, %mul3A_272 : vector<16xf32>
          %mul3A_274 = arith.constant 8 : i32
          %mul3A_275 = arith.muli %scan3A_243, %mul3A_274 : i32
          %add3A_276 = arith.constant 3 : i32
          %add3A_277 = arith.addi %mul3A_275, %add3A_276 : i32
          %broadcast_in_dim3A_278 = vector.broadcast %add3A_277 : i32 to vector<16xi32>
          %gather3A_279 = tpu.vector_load_idx %arg11[%add3A_221, %broadcast_in_dim3A_278] : memref<48x128xf32, #tpu.memory_space<vmem>>[vector<16xi32>, vector<16xi32>], vector<16xf32>,
          %gather3A_280 = tpu.vector_load_idx %arg12[%add3A_221, %broadcast_in_dim3A_278] : memref<48x128xf32, #tpu.memory_space<vmem>>[vector<16xi32>, vector<16xi32>], vector<16xf32>,
          %mul3A_281 = arith.mulf %gather3A_279, %gather3A_280 : vector<16xf32>
          %add3A_282 = arith.addf %scan3A_247, %mul3A_281 : vector<16xf32>
          %mul3A_283 = arith.constant 8 : i32
          %mul3A_284 = arith.muli %scan3A_243, %mul3A_283 : i32
          %add3A_285 = arith.constant 4 : i32
          %add3A_286 = arith.addi %mul3A_284, %add3A_285 : i32
          %broadcast_in_dim3A_287 = vector.broadcast %add3A_286 : i32 to vector<16xi32>
          %gather3A_288 = tpu.vector_load_idx %arg11[%add3A_221, %broadcast_in_dim3A_287] : memref<48x128xf32, #tpu.memory_space<vmem>>[vector<16xi32>, vector<16xi32>], vector<16xf32>,
          %gather3A_289 = tpu.vector_load_idx %arg12[%add3A_221, %broadcast_in_dim3A_287] : memref<48x128xf32, #tpu.memory_space<vmem>>[vector<16xi32>, vector<16xi32>], vector<16xf32>,
          %mul3A_290 = arith.mulf %gather3A_288, %gather3A_289 : vector<16xf32>
          %add3A_291 = arith.addf %add3A_255, %mul3A_290 : vector<16xf32>
          %mul3A_292 = arith.constant 8 : i32
          %mul3A_293 = arith.muli %scan3A_243, %mul3A_292 : i32
          %add3A_294 = arith.constant 5 : i32
          %add3A_295 = arith.addi %mul3A_293, %add3A_294 : i32
          %broadcast_in_dim3A_296 = vector.broadcast %add3A_295 : i32 to vector<16xi32>
          %gather3A_297 = tpu.vector_load_idx %arg11[%add3A_221, %broadcast_in_dim3A_296] : memref<48x128xf32, #tpu.memory_space<vmem>>[vector<16xi32>, vector<16xi32>], vector<16xf32>,
          %gather3A_298 = tpu.vector_load_idx %arg12[%add3A_221, %broadcast_in_dim3A_296] : memref<48x128xf32, #tpu.memory_space<vmem>>[vector<16xi32>, vector<16xi32>], vector<16xf32>,
          %mul3A_299 = arith.mulf %gather3A_297, %gather3A_298 : vector<16xf32>
          %add3A_300 = arith.addf %add3A_264, %mul3A_299 : vector<16xf32>
          %mul3A_301 = arith.constant 8 : i32
          %mul3A_302 = arith.muli %scan3A_243, %mul3A_301 : i32
          %add3A_303 = arith.constant 6 : i32
          %add3A_304 = arith.addi %mul3A_302, %add3A_303 : i32
          %broadcast_in_dim3A_305 = vector.broadcast %add3A_304 : i32 to vector<16xi32>
          %gather3A_306 = tpu.vector_load_idx %arg11[%add3A_221, %broadcast_in_dim3A_305] : memref<48x128xf32, #tpu.memory_space<vmem>>[vector<16xi32>, vector<16xi32>], vector<16xf32>,
          %gather3A_307 = tpu.vector_load_idx %arg12[%add3A_221, %broadcast_in_dim3A_305] : memref<48x128xf32, #tpu.memory_space<vmem>>[vector<16xi32>, vector<16xi32>], vector<16xf32>,
          %mul3A_308 = arith.mulf %gather3A_306, %gather3A_307 : vector<16xf32>
          %add3A_309 = arith.addf %add3A_273, %mul3A_308 : vector<16xf32>
          %mul3A_310 = arith.constant 8 : i32
          %mul3A_311 = arith.muli %scan3A_243, %mul3A_310 : i32
          %add3A_312 = arith.constant 7 : i32
          %add3A_313 = arith.addi %mul3A_311, %add3A_312 : i32
          %broadcast_in_dim3A_314 = vector.broadcast %add3A_313 : i32 to vector<16xi32>
          %gather3A_315 = tpu.vector_load_idx %arg11[%add3A_221, %broadcast_in_dim3A_314] : memref<48x128xf32, #tpu.memory_space<vmem>>[vector<16xi32>, vector<16xi32>], vector<16xf32>,
          %gather3A_316 = tpu.vector_load_idx %arg12[%add3A_221, %broadcast_in_dim3A_314] : memref<48x128xf32, #tpu.memory_space<vmem>>[vector<16xi32>, vector<16xi32>], vector<16xf32>,
          %mul3A_317 = arith.mulf %gather3A_315, %gather3A_316 : vector<16xf32>
          %add3A_318 = arith.addf %add3A_282, %mul3A_317 : vector<16xf32>
          scf.yield %add3A_291, %add3A_300, %add3A_309, %add3A_318 : vector<16xf32>, vector<16xf32>, vector<16xf32>, vector<16xf32>
        }
        %scan3A_229 = arith.constant 16 : i32
        %add3A_230 = arith.addf %scan3A_228#0, %scan3A_228#1 : vector<16xf32>
        %add3A_231 = arith.addf %scan3A_228#2, %scan3A_228#3 : vector<16xf32>
        %add3A_232 = arith.addf %add3A_230, %add3A_231 : vector<16xf32>
        %mul3A_233 = arith.constant 0.0883883461 : f32
        %mul3A_234 = vector.broadcast %mul3A_233 : f32 to vector<16xf32>
        %mul3A_235 = arith.mulf %add3A_232, %mul3A_234 : vector<16xf32>
        %exp3A = math.exp %mul3A_235 : vector<16xf32>
        %swap3A = arith.constant 0 : index
        %swap3A_236 = tpu.vector_load %arg21[%swap3A] {strides = array<i32>} : memref<16xf32, #tpu.memory_space<vmem>>, vector<16xf32>,
        tpu.vector_store %arg21[%swap3A], %exp3A {strides = array<i32>} : memref<16xf32, #tpu.memory_space<vmem>>, vector<16xf32>,
        %scan3A_237 = arith.constant 0 : i32
        %scan3A_238 = arith.constant 0 : i32
        %scan3A_239 = arith.constant 16 : i32
        %scan3A_240 = arith.addi %scan3A_238, %scan3A_239 : i32
        %scan3A_241 = arith.constant 1 : i32
        scf.for %scan3A_243 = %scan3A_238 to %scan3A_240 step %scan3A_241  : i32 {
          %broadcast_in_dim3A_244 = vector.broadcast %scan3A_243 : i32 to vector<16xi32>
          %gather3A = tpu.vector_load_idx %arg21[%broadcast_in_dim3A_244] : memref<16xf32, #tpu.memory_space<vmem>>[vector<16xi32>], vector<16xf32>,
          %mul3A_245 = arith.constant 16 : i32
          %mul3A_246 = arith.muli %scan3A_217, %mul3A_245 : i32
          %add3A_247 = arith.addi %mul3A_246, %scan3A_243 : i32
          %broadcast_in_dim3A_248 = vector.broadcast %add3A_247 : i32 to vector<16xi32>
          %gather3A_249 = tpu.vector_load_idx %arg10[%broadcast_in_dim3A_248] : memref<48xi32, #tpu.memory_space<vmem>>[vector<16xi32>], vector<16xi32>,
          %sub3A_250 = vector.broadcast %mul3A_2 : i32 to vector<16xi32>
          %sub3A_251 = arith.subi %gather3A_249, %sub3A_250 : vector<16xi32>
          %add3A_252 = arith.constant 0 : i32
          %add3A_253 = vector.broadcast %add3A_252 : i32 to vector<16xi32>
          %add3A_254 = arith.addi %add3A_253, %iota3A : vector<16xi32>
          %gather3A_255 = tpu.vector_load_idx %arg13[%broadcast_in_dim3A_248, %add3A_254] : memref<48x128xf32, #tpu.memory_space<vmem>>[vector<16xi32>, vector<16xi32>], vector<16xf32>,
          %mul3A_256 = arith.mulf %gather3A, %gather3A_255 : vector<16xf32>
          tpu.vector_store_idx %arg19[%sub3A_251, %add3A_254], %mul3A_256 {add = true} : memref<328x128xf32, #tpu.memory_space<vmem>>[vector<16xi32>, vector<16xi32>], vector<16xf32>,
          %add3A_257 = arith.constant 16 : i32
          %add3A_258 = vector.broadcast %add3A_257 : i32 to vector<16xi32>
          %add3A_259 = arith.addi %add3A_258, %iota3A : vector<16xi32>
          %gather3A_260 = tpu.vector_load_idx %arg13[%broadcast_in_dim3A_248, %add3A_259] : memref<48x128xf32, #tpu.memory_space<vmem>>[vector<16xi32>, vector<16xi32>], vector<16xf32>,
          %mul3A_261 = arith.mulf %gather3A, %gather3A_260 : vector<16xf32>
          tpu.vector_store_idx %arg19[%sub3A_251, %add3A_259], %mul3A_261 {add = true} : memref<328x128xf32, #tpu.memory_space<vmem>>[vector<16xi32>, vector<16xi32>], vector<16xf32>,
          %add3A_262 = arith.constant 32 : i32
          %add3A_263 = vector.broadcast %add3A_262 : i32 to vector<16xi32>
          %add3A_264 = arith.addi %add3A_263, %iota3A : vector<16xi32>
          %gather3A_265 = tpu.vector_load_idx %arg13[%broadcast_in_dim3A_248, %add3A_264] : memref<48x128xf32, #tpu.memory_space<vmem>>[vector<16xi32>, vector<16xi32>], vector<16xf32>,
          %mul3A_266 = arith.mulf %gather3A, %gather3A_265 : vector<16xf32>
          tpu.vector_store_idx %arg19[%sub3A_251, %add3A_264], %mul3A_266 {add = true} : memref<328x128xf32, #tpu.memory_space<vmem>>[vector<16xi32>, vector<16xi32>], vector<16xf32>,
          %add3A_267 = arith.constant 48 : i32
          %add3A_268 = vector.broadcast %add3A_267 : i32 to vector<16xi32>
          %add3A_269 = arith.addi %add3A_268, %iota3A : vector<16xi32>
          %gather3A_270 = tpu.vector_load_idx %arg13[%broadcast_in_dim3A_248, %add3A_269] : memref<48x128xf32, #tpu.memory_space<vmem>>[vector<16xi32>, vector<16xi32>], vector<16xf32>,
          %mul3A_271 = arith.mulf %gather3A, %gather3A_270 : vector<16xf32>
          tpu.vector_store_idx %arg19[%sub3A_251, %add3A_269], %mul3A_271 {add = true} : memref<328x128xf32, #tpu.memory_space<vmem>>[vector<16xi32>, vector<16xi32>], vector<16xf32>,
          %add3A_272 = arith.constant 64 : i32
          %add3A_273 = vector.broadcast %add3A_272 : i32 to vector<16xi32>
          %add3A_274 = arith.addi %add3A_273, %iota3A : vector<16xi32>
          %gather3A_275 = tpu.vector_load_idx %arg13[%broadcast_in_dim3A_248, %add3A_274] : memref<48x128xf32, #tpu.memory_space<vmem>>[vector<16xi32>, vector<16xi32>], vector<16xf32>,
          %mul3A_276 = arith.mulf %gather3A, %gather3A_275 : vector<16xf32>
          tpu.vector_store_idx %arg19[%sub3A_251, %add3A_274], %mul3A_276 {add = true} : memref<328x128xf32, #tpu.memory_space<vmem>>[vector<16xi32>, vector<16xi32>], vector<16xf32>,
          %add3A_277 = arith.constant 80 : i32
          %add3A_278 = vector.broadcast %add3A_277 : i32 to vector<16xi32>
          %add3A_279 = arith.addi %add3A_278, %iota3A : vector<16xi32>
          %gather3A_280 = tpu.vector_load_idx %arg13[%broadcast_in_dim3A_248, %add3A_279] : memref<48x128xf32, #tpu.memory_space<vmem>>[vector<16xi32>, vector<16xi32>], vector<16xf32>,
          %mul3A_281 = arith.mulf %gather3A, %gather3A_280 : vector<16xf32>
          tpu.vector_store_idx %arg19[%sub3A_251, %add3A_279], %mul3A_281 {add = true} : memref<328x128xf32, #tpu.memory_space<vmem>>[vector<16xi32>, vector<16xi32>], vector<16xf32>,
          %add3A_282 = arith.constant 96 : i32
          %add3A_283 = vector.broadcast %add3A_282 : i32 to vector<16xi32>
          %add3A_284 = arith.addi %add3A_283, %iota3A : vector<16xi32>
          %gather3A_285 = tpu.vector_load_idx %arg13[%broadcast_in_dim3A_248, %add3A_284] : memref<48x128xf32, #tpu.memory_space<vmem>>[vector<16xi32>, vector<16xi32>], vector<16xf32>,
          %mul3A_286 = arith.mulf %gather3A, %gather3A_285 : vector<16xf32>
          tpu.vector_store_idx %arg19[%sub3A_251, %add3A_284], %mul3A_286 {add = true} : memref<328x128xf32, #tpu.memory_space<vmem>>[vector<16xi32>, vector<16xi32>], vector<16xf32>,
          %add3A_287 = arith.constant 112 : i32
          %add3A_288 = vector.broadcast %add3A_287 : i32 to vector<16xi32>
          %add3A_289 = arith.addi %add3A_288, %iota3A : vector<16xi32>
          %gather3A_290 = tpu.vector_load_idx %arg13[%broadcast_in_dim3A_248, %add3A_289] : memref<48x128xf32, #tpu.memory_space<vmem>>[vector<16xi32>, vector<16xi32>], vector<16xf32>,
          %mul3A_291 = arith.mulf %gather3A, %gather3A_290 : vector<16xf32>
          tpu.vector_store_idx %arg19[%sub3A_251, %add3A_289], %mul3A_291 {add = true} : memref<328x128xf32, #tpu.memory_space<vmem>>[vector<16xi32>, vector<16xi32>], vector<16xf32>,
          %mul3A_292 = arith.mulf %gather3A, %select_n3A : vector<16xf32>
          tpu.vector_store_idx %arg20[%sub3A_251, %iota3A], %mul3A_292 {add = true} : memref<328x16xf32, #tpu.memory_space<vmem>>[vector<16xi32>, vector<16xi32>], vector<16xf32>,
        }
        %scan3A_242 = arith.constant 16 : i32
      }
      %scan3A_156 = arith.constant 3 : i32
      %mul3A_157 = arith.constant 2 : i32
      %mul3A_158 = arith.muli %mul3A_157, %while3A_128 : i32
      %add3A_159 = arith.constant 2 : i32
      %add3A_160 = arith.addi %mul3A_158, %add3A_159 : i32
      %sub3A_161 = arith.constant 1 : i32
      %sub3A_162 = arith.subi %select_n3A_41, %sub3A_161 : i32
      %min3A_163 = arith.minsi %add3A_160, %sub3A_162 : i32
      %mul3A_164 = arith.constant 48 : i32
      %mul3A_165 = arith.muli %min3A_163, %mul3A_164 : i32
      %add3A_166 = arith.addi %mul3A_45, %mul3A_165 : i32
      %dma_start3A_167 = tpu.memref_slice %arg5[%add3A_166] : memref<798720xi32, #tpu.memory_space<hbm>> -> memref<48xi32, #tpu.memory_space<hbm>>
      %dma_start3A_168 = tpu.memref_slice %arg5[%add3A_166] : memref<798720xi32, #tpu.memory_space<hbm>> -> memref<48xi32, #tpu.memory_space<hbm>>
      tpu.enqueue_dma source(%dma_start3A_168 : memref<48xi32, #tpu.memory_space<hbm>>) target(%arg9 : memref<48xi32, #tpu.memory_space<vmem>>) target_semaphore(%arg23 : memref<!tpu.dma_semaphore, #tpu.memory_space<semaphore_mem>>)
      %add3A_169 = arith.constant 12480 : i32
      %add3A_170 = arith.addi %add3A_166, %add3A_169 : i32
      %dma_start3A_171 = tpu.memref_slice %arg5[%add3A_170] : memref<798720xi32, #tpu.memory_space<hbm>> -> memref<48xi32, #tpu.memory_space<hbm>>
      %dma_start3A_172 = tpu.memref_slice %arg5[%add3A_170] : memref<798720xi32, #tpu.memory_space<hbm>> -> memref<48xi32, #tpu.memory_space<hbm>>
      tpu.enqueue_dma source(%dma_start3A_172 : memref<48xi32, #tpu.memory_space<hbm>>) target(%arg10 : memref<48xi32, #tpu.memory_space<vmem>>) target_semaphore(%arg23 : memref<!tpu.dma_semaphore, #tpu.memory_space<semaphore_mem>>)
      %dma_wait3A_173 = tpu.memref_slice %arg5[%mul3A_45] : memref<798720xi32, #tpu.memory_space<hbm>> -> memref<48xi32, #tpu.memory_space<hbm>>
      %dma_wait3A_174 = tpu.memref_slice %arg5[%mul3A_45] : memref<798720xi32, #tpu.memory_space<hbm>> -> memref<48xi32, #tpu.memory_space<hbm>>
      tpu.wait_dma2 semaphore(%arg23 : memref<!tpu.dma_semaphore, #tpu.memory_space<semaphore_mem>>) src(%dma_wait3A_174 : memref<48xi32, #tpu.memory_space<hbm>>) dst(%arg9 : memref<48xi32, #tpu.memory_space<vmem>>)
      %dma_wait3A_175 = tpu.memref_slice %arg5[%mul3A_45] : memref<798720xi32, #tpu.memory_space<hbm>> -> memref<48xi32, #tpu.memory_space<hbm>>
      %dma_wait3A_176 = tpu.memref_slice %arg5[%mul3A_45] : memref<798720xi32, #tpu.memory_space<hbm>> -> memref<48xi32, #tpu.memory_space<hbm>>
      tpu.wait_dma2 semaphore(%arg23 : memref<!tpu.dma_semaphore, #tpu.memory_space<semaphore_mem>>) src(%dma_wait3A_176 : memref<48xi32, #tpu.memory_space<hbm>>) dst(%arg10 : memref<48xi32, #tpu.memory_space<vmem>>)
      %dma_start3A_177 = arith.constant 0 : i32
      %dma_start3A_178 = arith.constant 0 : i32
      %dma_start3A_179 = tpu.memref_slice %arg2[%dma_start3A_177, %dma_start3A_178] : memref<10248x128xf32, #tpu.memory_space<hbm>> -> memref<10248x128xf32, #tpu.memory_space<hbm>>
      tpu.enqueue_indirect_dma source(%dma_start3A_179 : memref<10248x128xf32, #tpu.memory_space<hbm>>) target(%arg11 : memref<48x128xf32, #tpu.memory_space<vmem>>) offsets(%arg10 : memref<48xi32, #tpu.memory_space<vmem>>) semaphore(%arg25 : memref<!tpu.dma_semaphore, #tpu.memory_space<semaphore_mem>>)
      %dma_start3A_180 = arith.constant 0 : i32
      %dma_start3A_181 = arith.constant 0 : i32
      %dma_start3A_182 = tpu.memref_slice %arg3[%dma_start3A_180, %dma_start3A_181] : memref<10000x128xf32, #tpu.memory_space<hbm>> -> memref<10000x128xf32, #tpu.memory_space<hbm>>
      tpu.enqueue_indirect_dma source(%dma_start3A_182 : memref<10000x128xf32, #tpu.memory_space<hbm>>) target(%arg12 : memref<48x128xf32, #tpu.memory_space<vmem>>) offsets(%arg9 : memref<48xi32, #tpu.memory_space<vmem>>) semaphore(%arg25 : memref<!tpu.dma_semaphore, #tpu.memory_space<semaphore_mem>>)
      %dma_start3A_183 = arith.constant 0 : i32
      %dma_start3A_184 = arith.constant 0 : i32
      %dma_start3A_185 = tpu.memref_slice %arg4[%dma_start3A_183, %dma_start3A_184] : memref<10000x128xf32, #tpu.memory_space<hbm>> -> memref<10000x128xf32, #tpu.memory_space<hbm>>
      tpu.enqueue_indirect_dma source(%dma_start3A_185 : memref<10000x128xf32, #tpu.memory_space<hbm>>) target(%arg13 : memref<48x128xf32, #tpu.memory_space<vmem>>) offsets(%arg9 : memref<48xi32, #tpu.memory_space<vmem>>) semaphore(%arg25 : memref<!tpu.dma_semaphore, #tpu.memory_space<semaphore_mem>>)
      %dma_wait3A_186 = arith.constant 0 : i32
      %dma_wait3A_187 = arith.constant 0 : i32
      %dma_wait3A_188 = tpu.memref_slice %arg2[%dma_wait3A_186, %dma_wait3A_187] : memref<10248x128xf32, #tpu.memory_space<hbm>> -> memref<10248x128xf32, #tpu.memory_space<hbm>>
      tpu.wait_indirect_dma semaphore(%arg26 : memref<!tpu.dma_semaphore, #tpu.memory_space<semaphore_mem>>) src(%dma_wait3A_188 : memref<10248x128xf32, #tpu.memory_space<hbm>>) dst(%arg16 : memref<48x128xf32, #tpu.memory_space<vmem>>)
      %dma_wait3A_189 = arith.constant 0 : i32
      %dma_wait3A_190 = arith.constant 0 : i32
      %dma_wait3A_191 = tpu.memref_slice %arg3[%dma_wait3A_189, %dma_wait3A_190] : memref<10000x128xf32, #tpu.memory_space<hbm>> -> memref<10000x128xf32, #tpu.memory_space<hbm>>
      tpu.wait_indirect_dma semaphore(%arg26 : memref<!tpu.dma_semaphore, #tpu.memory_space<semaphore_mem>>) src(%dma_wait3A_191 : memref<10000x128xf32, #tpu.memory_space<hbm>>) dst(%arg17 : memref<48x128xf32, #tpu.memory_space<vmem>>)
      %dma_wait3A_192 = arith.constant 0 : i32
      %dma_wait3A_193 = arith.constant 0 : i32
      %dma_wait3A_194 = tpu.memref_slice %arg4[%dma_wait3A_192, %dma_wait3A_193] : memref<10000x128xf32, #tpu.memory_space<hbm>> -> memref<10000x128xf32, #tpu.memory_space<hbm>>
      tpu.wait_indirect_dma semaphore(%arg26 : memref<!tpu.dma_semaphore, #tpu.memory_space<semaphore_mem>>) src(%dma_wait3A_194 : memref<10000x128xf32, #tpu.memory_space<hbm>>) dst(%arg18 : memref<48x128xf32, #tpu.memory_space<vmem>>)
      %scan3A_195 = arith.constant 0 : i32
      %scan3A_196 = arith.constant 0 : i32
      %scan3A_197 = arith.constant 3 : i32
      %scan3A_198 = arith.addi %scan3A_196, %scan3A_197 : i32
      %scan3A_199 = arith.constant 1 : i32
      scf.for %scan3A_217 = %scan3A_196 to %scan3A_198 step %scan3A_199  : i32 {
        %mul3A_218 = arith.constant 16 : i32
        %mul3A_219 = arith.muli %scan3A_217, %mul3A_218 : i32
        %add3A_220 = vector.broadcast %mul3A_219 : i32 to vector<16xi32>
        %add3A_221 = arith.addi %add3A_220, %iota3A : vector<16xi32>
        %broadcast_in_dim3A_222 = arith.constant 0.000000e+00 : f32
        %broadcast_in_dim3A_223 = vector.broadcast %broadcast_in_dim3A_222 : f32 to vector<16xf32>
        %scan3A_224 = arith.constant 0 : i32
        %scan3A_225 = arith.constant 16 : i32
        %scan3A_226 = arith.addi %scan3A_224, %scan3A_225 : i32
        %scan3A_227 = arith.constant 1 : i32
        %scan3A_228:4 = scf.for %scan3A_243 = %scan3A_224 to %scan3A_226 step %scan3A_227 iter_args(%scan3A_244 = %broadcast_in_dim3A_223, %scan3A_245 = %broadcast_in_dim3A_223, %scan3A_246 = %broadcast_in_dim3A_223, %scan3A_247 = %broadcast_in_dim3A_223) -> (vector<16xf32>, vector<16xf32>, vector<16xf32>, vector<16xf32>)  : i32 {
          %mul3A_248 = arith.constant 8 : i32
          %mul3A_249 = arith.muli %scan3A_243, %mul3A_248 : i32
          %add3A_250 = arith.constant 0 : i32
          %add3A_251 = arith.addi %mul3A_249, %add3A_250 : i32
          %broadcast_in_dim3A_252 = vector.broadcast %add3A_251 : i32 to vector<16xi32>
          %gather3A = tpu.vector_load_idx %arg16[%add3A_221, %broadcast_in_dim3A_252] : memref<48x128xf32, #tpu.memory_space<vmem>>[vector<16xi32>, vector<16xi32>], vector<16xf32>,
          %gather3A_253 = tpu.vector_load_idx %arg17[%add3A_221, %broadcast_in_dim3A_252] : memref<48x128xf32, #tpu.memory_space<vmem>>[vector<16xi32>, vector<16xi32>], vector<16xf32>,
          %mul3A_254 = arith.mulf %gather3A, %gather3A_253 : vector<16xf32>
          %add3A_255 = arith.addf %scan3A_244, %mul3A_254 : vector<16xf32>
          %mul3A_256 = arith.constant 8 : i32
          %mul3A_257 = arith.muli %scan3A_243, %mul3A_256 : i32
          %add3A_258 = arith.constant 1 : i32
          %add3A_259 = arith.addi %mul3A_257, %add3A_258 : i32
          %broadcast_in_dim3A_260 = vector.broadcast %add3A_259 : i32 to vector<16xi32>
          %gather3A_261 = tpu.vector_load_idx %arg16[%add3A_221, %broadcast_in_dim3A_260] : memref<48x128xf32, #tpu.memory_space<vmem>>[vector<16xi32>, vector<16xi32>], vector<16xf32>,
          %gather3A_262 = tpu.vector_load_idx %arg17[%add3A_221, %broadcast_in_dim3A_260] : memref<48x128xf32, #tpu.memory_space<vmem>>[vector<16xi32>, vector<16xi32>], vector<16xf32>,
          %mul3A_263 = arith.mulf %gather3A_261, %gather3A_262 : vector<16xf32>
          %add3A_264 = arith.addf %scan3A_245, %mul3A_263 : vector<16xf32>
          %mul3A_265 = arith.constant 8 : i32
          %mul3A_266 = arith.muli %scan3A_243, %mul3A_265 : i32
          %add3A_267 = arith.constant 2 : i32
          %add3A_268 = arith.addi %mul3A_266, %add3A_267 : i32
          %broadcast_in_dim3A_269 = vector.broadcast %add3A_268 : i32 to vector<16xi32>
          %gather3A_270 = tpu.vector_load_idx %arg16[%add3A_221, %broadcast_in_dim3A_269] : memref<48x128xf32, #tpu.memory_space<vmem>>[vector<16xi32>, vector<16xi32>], vector<16xf32>,
          %gather3A_271 = tpu.vector_load_idx %arg17[%add3A_221, %broadcast_in_dim3A_269] : memref<48x128xf32, #tpu.memory_space<vmem>>[vector<16xi32>, vector<16xi32>], vector<16xf32>,
          %mul3A_272 = arith.mulf %gather3A_270, %gather3A_271 : vector<16xf32>
          %add3A_273 = arith.addf %scan3A_246, %mul3A_272 : vector<16xf32>
          %mul3A_274 = arith.constant 8 : i32
          %mul3A_275 = arith.muli %scan3A_243, %mul3A_274 : i32
          %add3A_276 = arith.constant 3 : i32
          %add3A_277 = arith.addi %mul3A_275, %add3A_276 : i32
          %broadcast_in_dim3A_278 = vector.broadcast %add3A_277 : i32 to vector<16xi32>
          %gather3A_279 = tpu.vector_load_idx %arg16[%add3A_221, %broadcast_in_dim3A_278] : memref<48x128xf32, #tpu.memory_space<vmem>>[vector<16xi32>, vector<16xi32>], vector<16xf32>,
          %gather3A_280 = tpu.vector_load_idx %arg17[%add3A_221, %broadcast_in_dim3A_278] : memref<48x128xf32, #tpu.memory_space<vmem>>[vector<16xi32>, vector<16xi32>], vector<16xf32>,
          %mul3A_281 = arith.mulf %gather3A_279, %gather3A_280 : vector<16xf32>
          %add3A_282 = arith.addf %scan3A_247, %mul3A_281 : vector<16xf32>
          %mul3A_283 = arith.constant 8 : i32
          %mul3A_284 = arith.muli %scan3A_243, %mul3A_283 : i32
          %add3A_285 = arith.constant 4 : i32
          %add3A_286 = arith.addi %mul3A_284, %add3A_285 : i32
          %broadcast_in_dim3A_287 = vector.broadcast %add3A_286 : i32 to vector<16xi32>
          %gather3A_288 = tpu.vector_load_idx %arg16[%add3A_221, %broadcast_in_dim3A_287] : memref<48x128xf32, #tpu.memory_space<vmem>>[vector<16xi32>, vector<16xi32>], vector<16xf32>,
          %gather3A_289 = tpu.vector_load_idx %arg17[%add3A_221, %broadcast_in_dim3A_287] : memref<48x128xf32, #tpu.memory_space<vmem>>[vector<16xi32>, vector<16xi32>], vector<16xf32>,
          %mul3A_290 = arith.mulf %gather3A_288, %gather3A_289 : vector<16xf32>
          %add3A_291 = arith.addf %add3A_255, %mul3A_290 : vector<16xf32>
          %mul3A_292 = arith.constant 8 : i32
          %mul3A_293 = arith.muli %scan3A_243, %mul3A_292 : i32
          %add3A_294 = arith.constant 5 : i32
          %add3A_295 = arith.addi %mul3A_293, %add3A_294 : i32
          %broadcast_in_dim3A_296 = vector.broadcast %add3A_295 : i32 to vector<16xi32>
          %gather3A_297 = tpu.vector_load_idx %arg16[%add3A_221, %broadcast_in_dim3A_296] : memref<48x128xf32, #tpu.memory_space<vmem>>[vector<16xi32>, vector<16xi32>], vector<16xf32>,
          %gather3A_298 = tpu.vector_load_idx %arg17[%add3A_221, %broadcast_in_dim3A_296] : memref<48x128xf32, #tpu.memory_space<vmem>>[vector<16xi32>, vector<16xi32>], vector<16xf32>,
          %mul3A_299 = arith.mulf %gather3A_297, %gather3A_298 : vector<16xf32>
          %add3A_300 = arith.addf %add3A_264, %mul3A_299 : vector<16xf32>
          %mul3A_301 = arith.constant 8 : i32
          %mul3A_302 = arith.muli %scan3A_243, %mul3A_301 : i32
          %add3A_303 = arith.constant 6 : i32
          %add3A_304 = arith.addi %mul3A_302, %add3A_303 : i32
          %broadcast_in_dim3A_305 = vector.broadcast %add3A_304 : i32 to vector<16xi32>
          %gather3A_306 = tpu.vector_load_idx %arg16[%add3A_221, %broadcast_in_dim3A_305] : memref<48x128xf32, #tpu.memory_space<vmem>>[vector<16xi32>, vector<16xi32>], vector<16xf32>,
          %gather3A_307 = tpu.vector_load_idx %arg17[%add3A_221, %broadcast_in_dim3A_305] : memref<48x128xf32, #tpu.memory_space<vmem>>[vector<16xi32>, vector<16xi32>], vector<16xf32>,
          %mul3A_308 = arith.mulf %gather3A_306, %gather3A_307 : vector<16xf32>
          %add3A_309 = arith.addf %add3A_273, %mul3A_308 : vector<16xf32>
          %mul3A_310 = arith.constant 8 : i32
          %mul3A_311 = arith.muli %scan3A_243, %mul3A_310 : i32
          %add3A_312 = arith.constant 7 : i32
          %add3A_313 = arith.addi %mul3A_311, %add3A_312 : i32
          %broadcast_in_dim3A_314 = vector.broadcast %add3A_313 : i32 to vector<16xi32>
          %gather3A_315 = tpu.vector_load_idx %arg16[%add3A_221, %broadcast_in_dim3A_314] : memref<48x128xf32, #tpu.memory_space<vmem>>[vector<16xi32>, vector<16xi32>], vector<16xf32>,
          %gather3A_316 = tpu.vector_load_idx %arg17[%add3A_221, %broadcast_in_dim3A_314] : memref<48x128xf32, #tpu.memory_space<vmem>>[vector<16xi32>, vector<16xi32>], vector<16xf32>,
          %mul3A_317 = arith.mulf %gather3A_315, %gather3A_316 : vector<16xf32>
          %add3A_318 = arith.addf %add3A_282, %mul3A_317 : vector<16xf32>
          scf.yield %add3A_291, %add3A_300, %add3A_309, %add3A_318 : vector<16xf32>, vector<16xf32>, vector<16xf32>, vector<16xf32>
        }
        %scan3A_229 = arith.constant 16 : i32
        %add3A_230 = arith.addf %scan3A_228#0, %scan3A_228#1 : vector<16xf32>
        %add3A_231 = arith.addf %scan3A_228#2, %scan3A_228#3 : vector<16xf32>
        %add3A_232 = arith.addf %add3A_230, %add3A_231 : vector<16xf32>
        %mul3A_233 = arith.constant 0.0883883461 : f32
        %mul3A_234 = vector.broadcast %mul3A_233 : f32 to vector<16xf32>
        %mul3A_235 = arith.mulf %add3A_232, %mul3A_234 : vector<16xf32>
        %exp3A = math.exp %mul3A_235 : vector<16xf32>
        %swap3A = arith.constant 0 : index
        %swap3A_236 = tpu.vector_load %arg21[%swap3A] {strides = array<i32>} : memref<16xf32, #tpu.memory_space<vmem>>, vector<16xf32>,
        tpu.vector_store %arg21[%swap3A], %exp3A {strides = array<i32>} : memref<16xf32, #tpu.memory_space<vmem>>, vector<16xf32>,
        %scan3A_237 = arith.constant 0 : i32
        %scan3A_238 = arith.constant 0 : i32
        %scan3A_239 = arith.constant 16 : i32
        %scan3A_240 = arith.addi %scan3A_238, %scan3A_239 : i32
        %scan3A_241 = arith.constant 1 : i32
        scf.for %scan3A_243 = %scan3A_238 to %scan3A_240 step %scan3A_241  : i32 {
          %broadcast_in_dim3A_244 = vector.broadcast %scan3A_243 : i32 to vector<16xi32>
          %gather3A = tpu.vector_load_idx %arg21[%broadcast_in_dim3A_244] : memref<16xf32, #tpu.memory_space<vmem>>[vector<16xi32>], vector<16xf32>,
          %mul3A_245 = arith.constant 16 : i32
          %mul3A_246 = arith.muli %scan3A_217, %mul3A_245 : i32
          %add3A_247 = arith.addi %mul3A_246, %scan3A_243 : i32
          %broadcast_in_dim3A_248 = vector.broadcast %add3A_247 : i32 to vector<16xi32>
          %gather3A_249 = tpu.vector_load_idx %arg15[%broadcast_in_dim3A_248] : memref<48xi32, #tpu.memory_space<vmem>>[vector<16xi32>], vector<16xi32>,
          %sub3A_250 = vector.broadcast %mul3A_2 : i32 to vector<16xi32>
          %sub3A_251 = arith.subi %gather3A_249, %sub3A_250 : vector<16xi32>
          %add3A_252 = arith.constant 0 : i32
          %add3A_253 = vector.broadcast %add3A_252 : i32 to vector<16xi32>
          %add3A_254 = arith.addi %add3A_253, %iota3A : vector<16xi32>
          %gather3A_255 = tpu.vector_load_idx %arg18[%broadcast_in_dim3A_248, %add3A_254] : memref<48x128xf32, #tpu.memory_space<vmem>>[vector<16xi32>, vector<16xi32>], vector<16xf32>,
          %mul3A_256 = arith.mulf %gather3A, %gather3A_255 : vector<16xf32>
          tpu.vector_store_idx %arg19[%sub3A_251, %add3A_254], %mul3A_256 {add = true} : memref<328x128xf32, #tpu.memory_space<vmem>>[vector<16xi32>, vector<16xi32>], vector<16xf32>,
          %add3A_257 = arith.constant 16 : i32
          %add3A_258 = vector.broadcast %add3A_257 : i32 to vector<16xi32>
          %add3A_259 = arith.addi %add3A_258, %iota3A : vector<16xi32>
          %gather3A_260 = tpu.vector_load_idx %arg18[%broadcast_in_dim3A_248, %add3A_259] : memref<48x128xf32, #tpu.memory_space<vmem>>[vector<16xi32>, vector<16xi32>], vector<16xf32>,
          %mul3A_261 = arith.mulf %gather3A, %gather3A_260 : vector<16xf32>
          tpu.vector_store_idx %arg19[%sub3A_251, %add3A_259], %mul3A_261 {add = true} : memref<328x128xf32, #tpu.memory_space<vmem>>[vector<16xi32>, vector<16xi32>], vector<16xf32>,
          %add3A_262 = arith.constant 32 : i32
          %add3A_263 = vector.broadcast %add3A_262 : i32 to vector<16xi32>
          %add3A_264 = arith.addi %add3A_263, %iota3A : vector<16xi32>
          %gather3A_265 = tpu.vector_load_idx %arg18[%broadcast_in_dim3A_248, %add3A_264] : memref<48x128xf32, #tpu.memory_space<vmem>>[vector<16xi32>, vector<16xi32>], vector<16xf32>,
          %mul3A_266 = arith.mulf %gather3A, %gather3A_265 : vector<16xf32>
          tpu.vector_store_idx %arg19[%sub3A_251, %add3A_264], %mul3A_266 {add = true} : memref<328x128xf32, #tpu.memory_space<vmem>>[vector<16xi32>, vector<16xi32>], vector<16xf32>,
          %add3A_267 = arith.constant 48 : i32
          %add3A_268 = vector.broadcast %add3A_267 : i32 to vector<16xi32>
          %add3A_269 = arith.addi %add3A_268, %iota3A : vector<16xi32>
          %gather3A_270 = tpu.vector_load_idx %arg18[%broadcast_in_dim3A_248, %add3A_269] : memref<48x128xf32, #tpu.memory_space<vmem>>[vector<16xi32>, vector<16xi32>], vector<16xf32>,
          %mul3A_271 = arith.mulf %gather3A, %gather3A_270 : vector<16xf32>
          tpu.vector_store_idx %arg19[%sub3A_251, %add3A_269], %mul3A_271 {add = true} : memref<328x128xf32, #tpu.memory_space<vmem>>[vector<16xi32>, vector<16xi32>], vector<16xf32>,
          %add3A_272 = arith.constant 64 : i32
          %add3A_273 = vector.broadcast %add3A_272 : i32 to vector<16xi32>
          %add3A_274 = arith.addi %add3A_273, %iota3A : vector<16xi32>
          %gather3A_275 = tpu.vector_load_idx %arg18[%broadcast_in_dim3A_248, %add3A_274] : memref<48x128xf32, #tpu.memory_space<vmem>>[vector<16xi32>, vector<16xi32>], vector<16xf32>,
          %mul3A_276 = arith.mulf %gather3A, %gather3A_275 : vector<16xf32>
          tpu.vector_store_idx %arg19[%sub3A_251, %add3A_274], %mul3A_276 {add = true} : memref<328x128xf32, #tpu.memory_space<vmem>>[vector<16xi32>, vector<16xi32>], vector<16xf32>,
          %add3A_277 = arith.constant 80 : i32
          %add3A_278 = vector.broadcast %add3A_277 : i32 to vector<16xi32>
          %add3A_279 = arith.addi %add3A_278, %iota3A : vector<16xi32>
          %gather3A_280 = tpu.vector_load_idx %arg18[%broadcast_in_dim3A_248, %add3A_279] : memref<48x128xf32, #tpu.memory_space<vmem>>[vector<16xi32>, vector<16xi32>], vector<16xf32>,
          %mul3A_281 = arith.mulf %gather3A, %gather3A_280 : vector<16xf32>
          tpu.vector_store_idx %arg19[%sub3A_251, %add3A_279], %mul3A_281 {add = true} : memref<328x128xf32, #tpu.memory_space<vmem>>[vector<16xi32>, vector<16xi32>], vector<16xf32>,
          %add3A_282 = arith.constant 96 : i32
          %add3A_283 = vector.broadcast %add3A_282 : i32 to vector<16xi32>
          %add3A_284 = arith.addi %add3A_283, %iota3A : vector<16xi32>
          %gather3A_285 = tpu.vector_load_idx %arg18[%broadcast_in_dim3A_248, %add3A_284] : memref<48x128xf32, #tpu.memory_space<vmem>>[vector<16xi32>, vector<16xi32>], vector<16xf32>,
          %mul3A_286 = arith.mulf %gather3A, %gather3A_285 : vector<16xf32>
          tpu.vector_store_idx %arg19[%sub3A_251, %add3A_284], %mul3A_286 {add = true} : memref<328x128xf32, #tpu.memory_space<vmem>>[vector<16xi32>, vector<16xi32>], vector<16xf32>,
          %add3A_287 = arith.constant 112 : i32
          %add3A_288 = vector.broadcast %add3A_287 : i32 to vector<16xi32>
          %add3A_289 = arith.addi %add3A_288, %iota3A : vector<16xi32>
          %gather3A_290 = tpu.vector_load_idx %arg18[%broadcast_in_dim3A_248, %add3A_289] : memref<48x128xf32, #tpu.memory_space<vmem>>[vector<16xi32>, vector<16xi32>], vector<16xf32>,
          %mul3A_291 = arith.mulf %gather3A, %gather3A_290 : vector<16xf32>
          tpu.vector_store_idx %arg19[%sub3A_251, %add3A_289], %mul3A_291 {add = true} : memref<328x128xf32, #tpu.memory_space<vmem>>[vector<16xi32>, vector<16xi32>], vector<16xf32>,
          %mul3A_292 = arith.mulf %gather3A, %select_n3A : vector<16xf32>
          tpu.vector_store_idx %arg20[%sub3A_251, %iota3A], %mul3A_292 {add = true} : memref<328x16xf32, #tpu.memory_space<vmem>>[vector<16xi32>, vector<16xi32>], vector<16xf32>,
        }
        %scan3A_242 = arith.constant 16 : i32
      }
      %scan3A_200 = arith.constant 3 : i32
      %mul3A_201 = arith.constant 2 : i32
      %mul3A_202 = arith.muli %mul3A_201, %while3A_128 : i32
      %add3A_203 = arith.constant 3 : i32
      %add3A_204 = arith.addi %mul3A_202, %add3A_203 : i32
      %sub3A_205 = arith.constant 1 : i32
      %sub3A_206 = arith.subi %select_n3A_41, %sub3A_205 : i32
      %min3A_207 = arith.minsi %add3A_204, %sub3A_206 : i32
      %mul3A_208 = arith.constant 48 : i32
      %mul3A_209 = arith.muli %min3A_207, %mul3A_208 : i32
      %add3A_210 = arith.addi %mul3A_45, %mul3A_209 : i32
      %dma_start3A_211 = tpu.memref_slice %arg5[%add3A_210] : memref<798720xi32, #tpu.memory_space<hbm>> -> memref<48xi32, #tpu.memory_space<hbm>>
      %dma_start3A_212 = tpu.memref_slice %arg5[%add3A_210] : memref<798720xi32, #tpu.memory_space<hbm>> -> memref<48xi32, #tpu.memory_space<hbm>>
      tpu.enqueue_dma source(%dma_start3A_212 : memref<48xi32, #tpu.memory_space<hbm>>) target(%arg14 : memref<48xi32, #tpu.memory_space<vmem>>) target_semaphore(%arg24 : memref<!tpu.dma_semaphore, #tpu.memory_space<semaphore_mem>>)
      %add3A_213 = arith.constant 12480 : i32
      %add3A_214 = arith.addi %add3A_210, %add3A_213 : i32
      %dma_start3A_215 = tpu.memref_slice %arg5[%add3A_214] : memref<798720xi32, #tpu.memory_space<hbm>> -> memref<48xi32, #tpu.memory_space<hbm>>
      %dma_start3A_216 = tpu.memref_slice %arg5[%add3A_214] : memref<798720xi32, #tpu.memory_space<hbm>> -> memref<48xi32, #tpu.memory_space<hbm>>
      tpu.enqueue_dma source(%dma_start3A_216 : memref<48xi32, #tpu.memory_space<hbm>>) target(%arg15 : memref<48xi32, #tpu.memory_space<vmem>>) target_semaphore(%arg24 : memref<!tpu.dma_semaphore, #tpu.memory_space<semaphore_mem>>)
    }
    %while3A_114 = arith.constant 1 : i32
    scf.for %while3A_128 = %while3A_112 to %while3A_108 step %while3A_114  : i32 {
      %dma_wait3A_129 = tpu.memref_slice %arg5[%mul3A_45] : memref<798720xi32, #tpu.memory_space<hbm>> -> memref<48xi32, #tpu.memory_space<hbm>>
      %dma_wait3A_130 = tpu.memref_slice %arg5[%mul3A_45] : memref<798720xi32, #tpu.memory_space<hbm>> -> memref<48xi32, #tpu.memory_space<hbm>>
      tpu.wait_dma2 semaphore(%arg24 : memref<!tpu.dma_semaphore, #tpu.memory_space<semaphore_mem>>) src(%dma_wait3A_130 : memref<48xi32, #tpu.memory_space<hbm>>) dst(%arg14 : memref<48xi32, #tpu.memory_space<vmem>>)
      %dma_wait3A_131 = tpu.memref_slice %arg5[%mul3A_45] : memref<798720xi32, #tpu.memory_space<hbm>> -> memref<48xi32, #tpu.memory_space<hbm>>
      %dma_wait3A_132 = tpu.memref_slice %arg5[%mul3A_45] : memref<798720xi32, #tpu.memory_space<hbm>> -> memref<48xi32, #tpu.memory_space<hbm>>
      tpu.wait_dma2 semaphore(%arg24 : memref<!tpu.dma_semaphore, #tpu.memory_space<semaphore_mem>>) src(%dma_wait3A_132 : memref<48xi32, #tpu.memory_space<hbm>>) dst(%arg15 : memref<48xi32, #tpu.memory_space<vmem>>)
      %dma_start3A_133 = arith.constant 0 : i32
      %dma_start3A_134 = arith.constant 0 : i32
      %dma_start3A_135 = tpu.memref_slice %arg2[%dma_start3A_133, %dma_start3A_134] : memref<10248x128xf32, #tpu.memory_space<hbm>> -> memref<10248x128xf32, #tpu.memory_space<hbm>>
      tpu.enqueue_indirect_dma source(%dma_start3A_135 : memref<10248x128xf32, #tpu.memory_space<hbm>>) target(%arg16 : memref<48x128xf32, #tpu.memory_space<vmem>>) offsets(%arg15 : memref<48xi32, #tpu.memory_space<vmem>>) semaphore(%arg26 : memref<!tpu.dma_semaphore, #tpu.memory_space<semaphore_mem>>)
      %dma_start3A_136 = arith.constant 0 : i32
      %dma_start3A_137 = arith.constant 0 : i32
      %dma_start3A_138 = tpu.memref_slice %arg3[%dma_start3A_136, %dma_start3A_137] : memref<10000x128xf32, #tpu.memory_space<hbm>> -> memref<10000x128xf32, #tpu.memory_space<hbm>>
      tpu.enqueue_indirect_dma source(%dma_start3A_138 : memref<10000x128xf32, #tpu.memory_space<hbm>>) target(%arg17 : memref<48x128xf32, #tpu.memory_space<vmem>>) offsets(%arg14 : memref<48xi32, #tpu.memory_space<vmem>>) semaphore(%arg26 : memref<!tpu.dma_semaphore, #tpu.memory_space<semaphore_mem>>)
      %dma_start3A_139 = arith.constant 0 : i32
      %dma_start3A_140 = arith.constant 0 : i32
      %dma_start3A_141 = tpu.memref_slice %arg4[%dma_start3A_139, %dma_start3A_140] : memref<10000x128xf32, #tpu.memory_space<hbm>> -> memref<10000x128xf32, #tpu.memory_space<hbm>>
      tpu.enqueue_indirect_dma source(%dma_start3A_141 : memref<10000x128xf32, #tpu.memory_space<hbm>>) target(%arg18 : memref<48x128xf32, #tpu.memory_space<vmem>>) offsets(%arg14 : memref<48xi32, #tpu.memory_space<vmem>>) semaphore(%arg26 : memref<!tpu.dma_semaphore, #tpu.memory_space<semaphore_mem>>)
      %dma_wait3A_142 = arith.constant 0 : i32
      %dma_wait3A_143 = arith.constant 0 : i32
      %dma_wait3A_144 = tpu.memref_slice %arg2[%dma_wait3A_142, %dma_wait3A_143] : memref<10248x128xf32, #tpu.memory_space<hbm>> -> memref<10248x128xf32, #tpu.memory_space<hbm>>
      tpu.wait_indirect_dma semaphore(%arg25 : memref<!tpu.dma_semaphore, #tpu.memory_space<semaphore_mem>>) src(%dma_wait3A_144 : memref<10248x128xf32, #tpu.memory_space<hbm>>) dst(%arg11 : memref<48x128xf32, #tpu.memory_space<vmem>>)
      %dma_wait3A_145 = arith.constant 0 : i32
      %dma_wait3A_146 = arith.constant 0 : i32
      %dma_wait3A_147 = tpu.memref_slice %arg3[%dma_wait3A_145, %dma_wait3A_146] : memref<10000x128xf32, #tpu.memory_space<hbm>> -> memref<10000x128xf32, #tpu.memory_space<hbm>>
      tpu.wait_indirect_dma semaphore(%arg25 : memref<!tpu.dma_semaphore, #tpu.memory_space<semaphore_mem>>) src(%dma_wait3A_147 : memref<10000x128xf32, #tpu.memory_space<hbm>>) dst(%arg12 : memref<48x128xf32, #tpu.memory_space<vmem>>)
      %dma_wait3A_148 = arith.constant 0 : i32
      %dma_wait3A_149 = arith.constant 0 : i32
      %dma_wait3A_150 = tpu.memref_slice %arg4[%dma_wait3A_148, %dma_wait3A_149] : memref<10000x128xf32, #tpu.memory_space<hbm>> -> memref<10000x128xf32, #tpu.memory_space<hbm>>
      tpu.wait_indirect_dma semaphore(%arg25 : memref<!tpu.dma_semaphore, #tpu.memory_space<semaphore_mem>>) src(%dma_wait3A_150 : memref<10000x128xf32, #tpu.memory_space<hbm>>) dst(%arg13 : memref<48x128xf32, #tpu.memory_space<vmem>>)
      %scan3A_151 = arith.constant 0 : i32
      %scan3A_152 = arith.constant 0 : i32
      %scan3A_153 = arith.constant 3 : i32
      %scan3A_154 = arith.addi %scan3A_152, %scan3A_153 : i32
      %scan3A_155 = arith.constant 1 : i32
      scf.for %scan3A_217 = %scan3A_152 to %scan3A_154 step %scan3A_155  : i32 {
        %mul3A_218 = arith.constant 16 : i32
        %mul3A_219 = arith.muli %scan3A_217, %mul3A_218 : i32
        %add3A_220 = vector.broadcast %mul3A_219 : i32 to vector<16xi32>
        %add3A_221 = arith.addi %add3A_220, %iota3A : vector<16xi32>
        %broadcast_in_dim3A_222 = arith.constant 0.000000e+00 : f32
        %broadcast_in_dim3A_223 = vector.broadcast %broadcast_in_dim3A_222 : f32 to vector<16xf32>
        %scan3A_224 = arith.constant 0 : i32
        %scan3A_225 = arith.constant 16 : i32
        %scan3A_226 = arith.addi %scan3A_224, %scan3A_225 : i32
        %scan3A_227 = arith.constant 1 : i32
        %scan3A_228:4 = scf.for %scan3A_243 = %scan3A_224 to %scan3A_226 step %scan3A_227 iter_args(%scan3A_244 = %broadcast_in_dim3A_223, %scan3A_245 = %broadcast_in_dim3A_223, %scan3A_246 = %broadcast_in_dim3A_223, %scan3A_247 = %broadcast_in_dim3A_223) -> (vector<16xf32>, vector<16xf32>, vector<16xf32>, vector<16xf32>)  : i32 {
          %mul3A_248 = arith.constant 8 : i32
          %mul3A_249 = arith.muli %scan3A_243, %mul3A_248 : i32
          %add3A_250 = arith.constant 0 : i32
          %add3A_251 = arith.addi %mul3A_249, %add3A_250 : i32
          %broadcast_in_dim3A_252 = vector.broadcast %add3A_251 : i32 to vector<16xi32>
          %gather3A = tpu.vector_load_idx %arg11[%add3A_221, %broadcast_in_dim3A_252] : memref<48x128xf32, #tpu.memory_space<vmem>>[vector<16xi32>, vector<16xi32>], vector<16xf32>,
          %gather3A_253 = tpu.vector_load_idx %arg12[%add3A_221, %broadcast_in_dim3A_252] : memref<48x128xf32, #tpu.memory_space<vmem>>[vector<16xi32>, vector<16xi32>], vector<16xf32>,
          %mul3A_254 = arith.mulf %gather3A, %gather3A_253 : vector<16xf32>
          %add3A_255 = arith.addf %scan3A_244, %mul3A_254 : vector<16xf32>
          %mul3A_256 = arith.constant 8 : i32
          %mul3A_257 = arith.muli %scan3A_243, %mul3A_256 : i32
          %add3A_258 = arith.constant 1 : i32
          %add3A_259 = arith.addi %mul3A_257, %add3A_258 : i32
          %broadcast_in_dim3A_260 = vector.broadcast %add3A_259 : i32 to vector<16xi32>
          %gather3A_261 = tpu.vector_load_idx %arg11[%add3A_221, %broadcast_in_dim3A_260] : memref<48x128xf32, #tpu.memory_space<vmem>>[vector<16xi32>, vector<16xi32>], vector<16xf32>,
          %gather3A_262 = tpu.vector_load_idx %arg12[%add3A_221, %broadcast_in_dim3A_260] : memref<48x128xf32, #tpu.memory_space<vmem>>[vector<16xi32>, vector<16xi32>], vector<16xf32>,
          %mul3A_263 = arith.mulf %gather3A_261, %gather3A_262 : vector<16xf32>
          %add3A_264 = arith.addf %scan3A_245, %mul3A_263 : vector<16xf32>
          %mul3A_265 = arith.constant 8 : i32
          %mul3A_266 = arith.muli %scan3A_243, %mul3A_265 : i32
          %add3A_267 = arith.constant 2 : i32
          %add3A_268 = arith.addi %mul3A_266, %add3A_267 : i32
          %broadcast_in_dim3A_269 = vector.broadcast %add3A_268 : i32 to vector<16xi32>
          %gather3A_270 = tpu.vector_load_idx %arg11[%add3A_221, %broadcast_in_dim3A_269] : memref<48x128xf32, #tpu.memory_space<vmem>>[vector<16xi32>, vector<16xi32>], vector<16xf32>,
          %gather3A_271 = tpu.vector_load_idx %arg12[%add3A_221, %broadcast_in_dim3A_269] : memref<48x128xf32, #tpu.memory_space<vmem>>[vector<16xi32>, vector<16xi32>], vector<16xf32>,
          %mul3A_272 = arith.mulf %gather3A_270, %gather3A_271 : vector<16xf32>
          %add3A_273 = arith.addf %scan3A_246, %mul3A_272 : vector<16xf32>
          %mul3A_274 = arith.constant 8 : i32
          %mul3A_275 = arith.muli %scan3A_243, %mul3A_274 : i32
          %add3A_276 = arith.constant 3 : i32
          %add3A_277 = arith.addi %mul3A_275, %add3A_276 : i32
          %broadcast_in_dim3A_278 = vector.broadcast %add3A_277 : i32 to vector<16xi32>
          %gather3A_279 = tpu.vector_load_idx %arg11[%add3A_221, %broadcast_in_dim3A_278] : memref<48x128xf32, #tpu.memory_space<vmem>>[vector<16xi32>, vector<16xi32>], vector<16xf32>,
          %gather3A_280 = tpu.vector_load_idx %arg12[%add3A_221, %broadcast_in_dim3A_278] : memref<48x128xf32, #tpu.memory_space<vmem>>[vector<16xi32>, vector<16xi32>], vector<16xf32>,
          %mul3A_281 = arith.mulf %gather3A_279, %gather3A_280 : vector<16xf32>
          %add3A_282 = arith.addf %scan3A_247, %mul3A_281 : vector<16xf32>
          %mul3A_283 = arith.constant 8 : i32
          %mul3A_284 = arith.muli %scan3A_243, %mul3A_283 : i32
          %add3A_285 = arith.constant 4 : i32
          %add3A_286 = arith.addi %mul3A_284, %add3A_285 : i32
          %broadcast_in_dim3A_287 = vector.broadcast %add3A_286 : i32 to vector<16xi32>
          %gather3A_288 = tpu.vector_load_idx %arg11[%add3A_221, %broadcast_in_dim3A_287] : memref<48x128xf32, #tpu.memory_space<vmem>>[vector<16xi32>, vector<16xi32>], vector<16xf32>,
          %gather3A_289 = tpu.vector_load_idx %arg12[%add3A_221, %broadcast_in_dim3A_287] : memref<48x128xf32, #tpu.memory_space<vmem>>[vector<16xi32>, vector<16xi32>], vector<16xf32>,
          %mul3A_290 = arith.mulf %gather3A_288, %gather3A_289 : vector<16xf32>
          %add3A_291 = arith.addf %add3A_255, %mul3A_290 : vector<16xf32>
          %mul3A_292 = arith.constant 8 : i32
          %mul3A_293 = arith.muli %scan3A_243, %mul3A_292 : i32
          %add3A_294 = arith.constant 5 : i32
          %add3A_295 = arith.addi %mul3A_293, %add3A_294 : i32
          %broadcast_in_dim3A_296 = vector.broadcast %add3A_295 : i32 to vector<16xi32>
          %gather3A_297 = tpu.vector_load_idx %arg11[%add3A_221, %broadcast_in_dim3A_296] : memref<48x128xf32, #tpu.memory_space<vmem>>[vector<16xi32>, vector<16xi32>], vector<16xf32>,
          %gather3A_298 = tpu.vector_load_idx %arg12[%add3A_221, %broadcast_in_dim3A_296] : memref<48x128xf32, #tpu.memory_space<vmem>>[vector<16xi32>, vector<16xi32>], vector<16xf32>,
          %mul3A_299 = arith.mulf %gather3A_297, %gather3A_298 : vector<16xf32>
          %add3A_300 = arith.addf %add3A_264, %mul3A_299 : vector<16xf32>
          %mul3A_301 = arith.constant 8 : i32
          %mul3A_302 = arith.muli %scan3A_243, %mul3A_301 : i32
          %add3A_303 = arith.constant 6 : i32
          %add3A_304 = arith.addi %mul3A_302, %add3A_303 : i32
          %broadcast_in_dim3A_305 = vector.broadcast %add3A_304 : i32 to vector<16xi32>
          %gather3A_306 = tpu.vector_load_idx %arg11[%add3A_221, %broadcast_in_dim3A_305] : memref<48x128xf32, #tpu.memory_space<vmem>>[vector<16xi32>, vector<16xi32>], vector<16xf32>,
          %gather3A_307 = tpu.vector_load_idx %arg12[%add3A_221, %broadcast_in_dim3A_305] : memref<48x128xf32, #tpu.memory_space<vmem>>[vector<16xi32>, vector<16xi32>], vector<16xf32>,
          %mul3A_308 = arith.mulf %gather3A_306, %gather3A_307 : vector<16xf32>
          %add3A_309 = arith.addf %add3A_273, %mul3A_308 : vector<16xf32>
          %mul3A_310 = arith.constant 8 : i32
          %mul3A_311 = arith.muli %scan3A_243, %mul3A_310 : i32
          %add3A_312 = arith.constant 7 : i32
          %add3A_313 = arith.addi %mul3A_311, %add3A_312 : i32
          %broadcast_in_dim3A_314 = vector.broadcast %add3A_313 : i32 to vector<16xi32>
          %gather3A_315 = tpu.vector_load_idx %arg11[%add3A_221, %broadcast_in_dim3A_314] : memref<48x128xf32, #tpu.memory_space<vmem>>[vector<16xi32>, vector<16xi32>], vector<16xf32>,
          %gather3A_316 = tpu.vector_load_idx %arg12[%add3A_221, %broadcast_in_dim3A_314] : memref<48x128xf32, #tpu.memory_space<vmem>>[vector<16xi32>, vector<16xi32>], vector<16xf32>,
          %mul3A_317 = arith.mulf %gather3A_315, %gather3A_316 : vector<16xf32>
          %add3A_318 = arith.addf %add3A_282, %mul3A_317 : vector<16xf32>
          scf.yield %add3A_291, %add3A_300, %add3A_309, %add3A_318 : vector<16xf32>, vector<16xf32>, vector<16xf32>, vector<16xf32>
        }
        %scan3A_229 = arith.constant 16 : i32
        %add3A_230 = arith.addf %scan3A_228#0, %scan3A_228#1 : vector<16xf32>
        %add3A_231 = arith.addf %scan3A_228#2, %scan3A_228#3 : vector<16xf32>
        %add3A_232 = arith.addf %add3A_230, %add3A_231 : vector<16xf32>
        %mul3A_233 = arith.constant 0.0883883461 : f32
        %mul3A_234 = vector.broadcast %mul3A_233 : f32 to vector<16xf32>
        %mul3A_235 = arith.mulf %add3A_232, %mul3A_234 : vector<16xf32>
        %exp3A = math.exp %mul3A_235 : vector<16xf32>
        %swap3A = arith.constant 0 : index
        %swap3A_236 = tpu.vector_load %arg21[%swap3A] {strides = array<i32>} : memref<16xf32, #tpu.memory_space<vmem>>, vector<16xf32>,
        tpu.vector_store %arg21[%swap3A], %exp3A {strides = array<i32>} : memref<16xf32, #tpu.memory_space<vmem>>, vector<16xf32>,
        %scan3A_237 = arith.constant 0 : i32
        %scan3A_238 = arith.constant 0 : i32
        %scan3A_239 = arith.constant 16 : i32
        %scan3A_240 = arith.addi %scan3A_238, %scan3A_239 : i32
        %scan3A_241 = arith.constant 1 : i32
        scf.for %scan3A_243 = %scan3A_238 to %scan3A_240 step %scan3A_241  : i32 {
          %broadcast_in_dim3A_244 = vector.broadcast %scan3A_243 : i32 to vector<16xi32>
          %gather3A = tpu.vector_load_idx %arg21[%broadcast_in_dim3A_244] : memref<16xf32, #tpu.memory_space<vmem>>[vector<16xi32>], vector<16xf32>,
          %mul3A_245 = arith.constant 16 : i32
          %mul3A_246 = arith.muli %scan3A_217, %mul3A_245 : i32
          %add3A_247 = arith.addi %mul3A_246, %scan3A_243 : i32
          %broadcast_in_dim3A_248 = vector.broadcast %add3A_247 : i32 to vector<16xi32>
          %gather3A_249 = tpu.vector_load_idx %arg10[%broadcast_in_dim3A_248] : memref<48xi32, #tpu.memory_space<vmem>>[vector<16xi32>], vector<16xi32>,
          %sub3A_250 = vector.broadcast %mul3A_2 : i32 to vector<16xi32>
          %sub3A_251 = arith.subi %gather3A_249, %sub3A_250 : vector<16xi32>
          %add3A_252 = arith.constant 0 : i32
          %add3A_253 = vector.broadcast %add3A_252 : i32 to vector<16xi32>
          %add3A_254 = arith.addi %add3A_253, %iota3A : vector<16xi32>
          %gather3A_255 = tpu.vector_load_idx %arg13[%broadcast_in_dim3A_248, %add3A_254] : memref<48x128xf32, #tpu.memory_space<vmem>>[vector<16xi32>, vector<16xi32>], vector<16xf32>,
          %mul3A_256 = arith.mulf %gather3A, %gather3A_255 : vector<16xf32>
          tpu.vector_store_idx %arg19[%sub3A_251, %add3A_254], %mul3A_256 {add = true} : memref<328x128xf32, #tpu.memory_space<vmem>>[vector<16xi32>, vector<16xi32>], vector<16xf32>,
          %add3A_257 = arith.constant 16 : i32
          %add3A_258 = vector.broadcast %add3A_257 : i32 to vector<16xi32>
          %add3A_259 = arith.addi %add3A_258, %iota3A : vector<16xi32>
          %gather3A_260 = tpu.vector_load_idx %arg13[%broadcast_in_dim3A_248, %add3A_259] : memref<48x128xf32, #tpu.memory_space<vmem>>[vector<16xi32>, vector<16xi32>], vector<16xf32>,
          %mul3A_261 = arith.mulf %gather3A, %gather3A_260 : vector<16xf32>
          tpu.vector_store_idx %arg19[%sub3A_251, %add3A_259], %mul3A_261 {add = true} : memref<328x128xf32, #tpu.memory_space<vmem>>[vector<16xi32>, vector<16xi32>], vector<16xf32>,
          %add3A_262 = arith.constant 32 : i32
          %add3A_263 = vector.broadcast %add3A_262 : i32 to vector<16xi32>
          %add3A_264 = arith.addi %add3A_263, %iota3A : vector<16xi32>
          %gather3A_265 = tpu.vector_load_idx %arg13[%broadcast_in_dim3A_248, %add3A_264] : memref<48x128xf32, #tpu.memory_space<vmem>>[vector<16xi32>, vector<16xi32>], vector<16xf32>,
          %mul3A_266 = arith.mulf %gather3A, %gather3A_265 : vector<16xf32>
          tpu.vector_store_idx %arg19[%sub3A_251, %add3A_264], %mul3A_266 {add = true} : memref<328x128xf32, #tpu.memory_space<vmem>>[vector<16xi32>, vector<16xi32>], vector<16xf32>,
          %add3A_267 = arith.constant 48 : i32
          %add3A_268 = vector.broadcast %add3A_267 : i32 to vector<16xi32>
          %add3A_269 = arith.addi %add3A_268, %iota3A : vector<16xi32>
          %gather3A_270 = tpu.vector_load_idx %arg13[%broadcast_in_dim3A_248, %add3A_269] : memref<48x128xf32, #tpu.memory_space<vmem>>[vector<16xi32>, vector<16xi32>], vector<16xf32>,
          %mul3A_271 = arith.mulf %gather3A, %gather3A_270 : vector<16xf32>
          tpu.vector_store_idx %arg19[%sub3A_251, %add3A_269], %mul3A_271 {add = true} : memref<328x128xf32, #tpu.memory_space<vmem>>[vector<16xi32>, vector<16xi32>], vector<16xf32>,
          %add3A_272 = arith.constant 64 : i32
          %add3A_273 = vector.broadcast %add3A_272 : i32 to vector<16xi32>
          %add3A_274 = arith.addi %add3A_273, %iota3A : vector<16xi32>
          %gather3A_275 = tpu.vector_load_idx %arg13[%broadcast_in_dim3A_248, %add3A_274] : memref<48x128xf32, #tpu.memory_space<vmem>>[vector<16xi32>, vector<16xi32>], vector<16xf32>,
          %mul3A_276 = arith.mulf %gather3A, %gather3A_275 : vector<16xf32>
          tpu.vector_store_idx %arg19[%sub3A_251, %add3A_274], %mul3A_276 {add = true} : memref<328x128xf32, #tpu.memory_space<vmem>>[vector<16xi32>, vector<16xi32>], vector<16xf32>,
          %add3A_277 = arith.constant 80 : i32
          %add3A_278 = vector.broadcast %add3A_277 : i32 to vector<16xi32>
          %add3A_279 = arith.addi %add3A_278, %iota3A : vector<16xi32>
          %gather3A_280 = tpu.vector_load_idx %arg13[%broadcast_in_dim3A_248, %add3A_279] : memref<48x128xf32, #tpu.memory_space<vmem>>[vector<16xi32>, vector<16xi32>], vector<16xf32>,
          %mul3A_281 = arith.mulf %gather3A, %gather3A_280 : vector<16xf32>
          tpu.vector_store_idx %arg19[%sub3A_251, %add3A_279], %mul3A_281 {add = true} : memref<328x128xf32, #tpu.memory_space<vmem>>[vector<16xi32>, vector<16xi32>], vector<16xf32>,
          %add3A_282 = arith.constant 96 : i32
          %add3A_283 = vector.broadcast %add3A_282 : i32 to vector<16xi32>
          %add3A_284 = arith.addi %add3A_283, %iota3A : vector<16xi32>
          %gather3A_285 = tpu.vector_load_idx %arg13[%broadcast_in_dim3A_248, %add3A_284] : memref<48x128xf32, #tpu.memory_space<vmem>>[vector<16xi32>, vector<16xi32>], vector<16xf32>,
          %mul3A_286 = arith.mulf %gather3A, %gather3A_285 : vector<16xf32>
          tpu.vector_store_idx %arg19[%sub3A_251, %add3A_284], %mul3A_286 {add = true} : memref<328x128xf32, #tpu.memory_space<vmem>>[vector<16xi32>, vector<16xi32>], vector<16xf32>,
          %add3A_287 = arith.constant 112 : i32
          %add3A_288 = vector.broadcast %add3A_287 : i32 to vector<16xi32>
          %add3A_289 = arith.addi %add3A_288, %iota3A : vector<16xi32>
          %gather3A_290 = tpu.vector_load_idx %arg13[%broadcast_in_dim3A_248, %add3A_289] : memref<48x128xf32, #tpu.memory_space<vmem>>[vector<16xi32>, vector<16xi32>], vector<16xf32>,
          %mul3A_291 = arith.mulf %gather3A, %gather3A_290 : vector<16xf32>
          tpu.vector_store_idx %arg19[%sub3A_251, %add3A_289], %mul3A_291 {add = true} : memref<328x128xf32, #tpu.memory_space<vmem>>[vector<16xi32>, vector<16xi32>], vector<16xf32>,
          %mul3A_292 = arith.mulf %gather3A, %select_n3A : vector<16xf32>
          tpu.vector_store_idx %arg20[%sub3A_251, %iota3A], %mul3A_292 {add = true} : memref<328x16xf32, #tpu.memory_space<vmem>>[vector<16xi32>, vector<16xi32>], vector<16xf32>,
        }
        %scan3A_242 = arith.constant 16 : i32
      }
      %scan3A_156 = arith.constant 3 : i32
      %mul3A_157 = arith.constant 2 : i32
      %mul3A_158 = arith.muli %mul3A_157, %while3A_128 : i32
      %add3A_159 = arith.constant 2 : i32
      %add3A_160 = arith.addi %mul3A_158, %add3A_159 : i32
      %sub3A_161 = arith.constant 1 : i32
      %sub3A_162 = arith.subi %select_n3A_41, %sub3A_161 : i32
      %min3A_163 = arith.minsi %add3A_160, %sub3A_162 : i32
      %mul3A_164 = arith.constant 48 : i32
      %mul3A_165 = arith.muli %min3A_163, %mul3A_164 : i32
      %add3A_166 = arith.addi %mul3A_45, %mul3A_165 : i32
      %dma_start3A_167 = tpu.memref_slice %arg5[%add3A_166] : memref<798720xi32, #tpu.memory_space<hbm>> -> memref<48xi32, #tpu.memory_space<hbm>>
      %dma_start3A_168 = tpu.memref_slice %arg5[%add3A_166] : memref<798720xi32, #tpu.memory_space<hbm>> -> memref<48xi32, #tpu.memory_space<hbm>>
      tpu.enqueue_dma source(%dma_start3A_168 : memref<48xi32, #tpu.memory_space<hbm>>) target(%arg9 : memref<48xi32, #tpu.memory_space<vmem>>) target_semaphore(%arg23 : memref<!tpu.dma_semaphore, #tpu.memory_space<semaphore_mem>>)
      %add3A_169 = arith.constant 12480 : i32
      %add3A_170 = arith.addi %add3A_166, %add3A_169 : i32
      %dma_start3A_171 = tpu.memref_slice %arg5[%add3A_170] : memref<798720xi32, #tpu.memory_space<hbm>> -> memref<48xi32, #tpu.memory_space<hbm>>
      %dma_start3A_172 = tpu.memref_slice %arg5[%add3A_170] : memref<798720xi32, #tpu.memory_space<hbm>> -> memref<48xi32, #tpu.memory_space<hbm>>
      tpu.enqueue_dma source(%dma_start3A_172 : memref<48xi32, #tpu.memory_space<hbm>>) target(%arg10 : memref<48xi32, #tpu.memory_space<vmem>>) target_semaphore(%arg23 : memref<!tpu.dma_semaphore, #tpu.memory_space<semaphore_mem>>)
      %dma_wait3A_173 = tpu.memref_slice %arg5[%mul3A_45] : memref<798720xi32, #tpu.memory_space<hbm>> -> memref<48xi32, #tpu.memory_space<hbm>>
      %dma_wait3A_174 = tpu.memref_slice %arg5[%mul3A_45] : memref<798720xi32, #tpu.memory_space<hbm>> -> memref<48xi32, #tpu.memory_space<hbm>>
      tpu.wait_dma2 semaphore(%arg23 : memref<!tpu.dma_semaphore, #tpu.memory_space<semaphore_mem>>) src(%dma_wait3A_174 : memref<48xi32, #tpu.memory_space<hbm>>) dst(%arg9 : memref<48xi32, #tpu.memory_space<vmem>>)
      %dma_wait3A_175 = tpu.memref_slice %arg5[%mul3A_45] : memref<798720xi32, #tpu.memory_space<hbm>> -> memref<48xi32, #tpu.memory_space<hbm>>
      %dma_wait3A_176 = tpu.memref_slice %arg5[%mul3A_45] : memref<798720xi32, #tpu.memory_space<hbm>> -> memref<48xi32, #tpu.memory_space<hbm>>
      tpu.wait_dma2 semaphore(%arg23 : memref<!tpu.dma_semaphore, #tpu.memory_space<semaphore_mem>>) src(%dma_wait3A_176 : memref<48xi32, #tpu.memory_space<hbm>>) dst(%arg10 : memref<48xi32, #tpu.memory_space<vmem>>)
      %dma_start3A_177 = arith.constant 0 : i32
      %dma_start3A_178 = arith.constant 0 : i32
      %dma_start3A_179 = tpu.memref_slice %arg2[%dma_start3A_177, %dma_start3A_178] : memref<10248x128xf32, #tpu.memory_space<hbm>> -> memref<10248x128xf32, #tpu.memory_space<hbm>>
      tpu.enqueue_indirect_dma source(%dma_start3A_179 : memref<10248x128xf32, #tpu.memory_space<hbm>>) target(%arg11 : memref<48x128xf32, #tpu.memory_space<vmem>>) offsets(%arg10 : memref<48xi32, #tpu.memory_space<vmem>>) semaphore(%arg25 : memref<!tpu.dma_semaphore, #tpu.memory_space<semaphore_mem>>)
      %dma_start3A_180 = arith.constant 0 : i32
      %dma_start3A_181 = arith.constant 0 : i32
      %dma_start3A_182 = tpu.memref_slice %arg3[%dma_start3A_180, %dma_start3A_181] : memref<10000x128xf32, #tpu.memory_space<hbm>> -> memref<10000x128xf32, #tpu.memory_space<hbm>>
      tpu.enqueue_indirect_dma source(%dma_start3A_182 : memref<10000x128xf32, #tpu.memory_space<hbm>>) target(%arg12 : memref<48x128xf32, #tpu.memory_space<vmem>>) offsets(%arg9 : memref<48xi32, #tpu.memory_space<vmem>>) semaphore(%arg25 : memref<!tpu.dma_semaphore, #tpu.memory_space<semaphore_mem>>)
      %dma_start3A_183 = arith.constant 0 : i32
      %dma_start3A_184 = arith.constant 0 : i32
      %dma_start3A_185 = tpu.memref_slice %arg4[%dma_start3A_183, %dma_start3A_184] : memref<10000x128xf32, #tpu.memory_space<hbm>> -> memref<10000x128xf32, #tpu.memory_space<hbm>>
      tpu.enqueue_indirect_dma source(%dma_start3A_185 : memref<10000x128xf32, #tpu.memory_space<hbm>>) target(%arg13 : memref<48x128xf32, #tpu.memory_space<vmem>>) offsets(%arg9 : memref<48xi32, #tpu.memory_space<vmem>>) semaphore(%arg25 : memref<!tpu.dma_semaphore, #tpu.memory_space<semaphore_mem>>)
      %dma_wait3A_186 = arith.constant 0 : i32
      %dma_wait3A_187 = arith.constant 0 : i32
      %dma_wait3A_188 = tpu.memref_slice %arg2[%dma_wait3A_186, %dma_wait3A_187] : memref<10248x128xf32, #tpu.memory_space<hbm>> -> memref<10248x128xf32, #tpu.memory_space<hbm>>
      tpu.wait_indirect_dma semaphore(%arg26 : memref<!tpu.dma_semaphore, #tpu.memory_space<semaphore_mem>>) src(%dma_wait3A_188 : memref<10248x128xf32, #tpu.memory_space<hbm>>) dst(%arg16 : memref<48x128xf32, #tpu.memory_space<vmem>>)
      %dma_wait3A_189 = arith.constant 0 : i32
      %dma_wait3A_190 = arith.constant 0 : i32
      %dma_wait3A_191 = tpu.memref_slice %arg3[%dma_wait3A_189, %dma_wait3A_190] : memref<10000x128xf32, #tpu.memory_space<hbm>> -> memref<10000x128xf32, #tpu.memory_space<hbm>>
      tpu.wait_indirect_dma semaphore(%arg26 : memref<!tpu.dma_semaphore, #tpu.memory_space<semaphore_mem>>) src(%dma_wait3A_191 : memref<10000x128xf32, #tpu.memory_space<hbm>>) dst(%arg17 : memref<48x128xf32, #tpu.memory_space<vmem>>)
      %dma_wait3A_192 = arith.constant 0 : i32
      %dma_wait3A_193 = arith.constant 0 : i32
      %dma_wait3A_194 = tpu.memref_slice %arg4[%dma_wait3A_192, %dma_wait3A_193] : memref<10000x128xf32, #tpu.memory_space<hbm>> -> memref<10000x128xf32, #tpu.memory_space<hbm>>
      tpu.wait_indirect_dma semaphore(%arg26 : memref<!tpu.dma_semaphore, #tpu.memory_space<semaphore_mem>>) src(%dma_wait3A_194 : memref<10000x128xf32, #tpu.memory_space<hbm>>) dst(%arg18 : memref<48x128xf32, #tpu.memory_space<vmem>>)
      %scan3A_195 = arith.constant 0 : i32
      %scan3A_196 = arith.constant 0 : i32
      %scan3A_197 = arith.constant 3 : i32
      %scan3A_198 = arith.addi %scan3A_196, %scan3A_197 : i32
      %scan3A_199 = arith.constant 1 : i32
      scf.for %scan3A_217 = %scan3A_196 to %scan3A_198 step %scan3A_199  : i32 {
        %mul3A_218 = arith.constant 16 : i32
        %mul3A_219 = arith.muli %scan3A_217, %mul3A_218 : i32
        %add3A_220 = vector.broadcast %mul3A_219 : i32 to vector<16xi32>
        %add3A_221 = arith.addi %add3A_220, %iota3A : vector<16xi32>
        %broadcast_in_dim3A_222 = arith.constant 0.000000e+00 : f32
        %broadcast_in_dim3A_223 = vector.broadcast %broadcast_in_dim3A_222 : f32 to vector<16xf32>
        %scan3A_224 = arith.constant 0 : i32
        %scan3A_225 = arith.constant 16 : i32
        %scan3A_226 = arith.addi %scan3A_224, %scan3A_225 : i32
        %scan3A_227 = arith.constant 1 : i32
        %scan3A_228:4 = scf.for %scan3A_243 = %scan3A_224 to %scan3A_226 step %scan3A_227 iter_args(%scan3A_244 = %broadcast_in_dim3A_223, %scan3A_245 = %broadcast_in_dim3A_223, %scan3A_246 = %broadcast_in_dim3A_223, %scan3A_247 = %broadcast_in_dim3A_223) -> (vector<16xf32>, vector<16xf32>, vector<16xf32>, vector<16xf32>)  : i32 {
          %mul3A_248 = arith.constant 8 : i32
          %mul3A_249 = arith.muli %scan3A_243, %mul3A_248 : i32
          %add3A_250 = arith.constant 0 : i32
          %add3A_251 = arith.addi %mul3A_249, %add3A_250 : i32
          %broadcast_in_dim3A_252 = vector.broadcast %add3A_251 : i32 to vector<16xi32>
          %gather3A = tpu.vector_load_idx %arg16[%add3A_221, %broadcast_in_dim3A_252] : memref<48x128xf32, #tpu.memory_space<vmem>>[vector<16xi32>, vector<16xi32>], vector<16xf32>,
          %gather3A_253 = tpu.vector_load_idx %arg17[%add3A_221, %broadcast_in_dim3A_252] : memref<48x128xf32, #tpu.memory_space<vmem>>[vector<16xi32>, vector<16xi32>], vector<16xf32>,
          %mul3A_254 = arith.mulf %gather3A, %gather3A_253 : vector<16xf32>
          %add3A_255 = arith.addf %scan3A_244, %mul3A_254 : vector<16xf32>
          %mul3A_256 = arith.constant 8 : i32
          %mul3A_257 = arith.muli %scan3A_243, %mul3A_256 : i32
          %add3A_258 = arith.constant 1 : i32
          %add3A_259 = arith.addi %mul3A_257, %add3A_258 : i32
          %broadcast_in_dim3A_260 = vector.broadcast %add3A_259 : i32 to vector<16xi32>
          %gather3A_261 = tpu.vector_load_idx %arg16[%add3A_221, %broadcast_in_dim3A_260] : memref<48x128xf32, #tpu.memory_space<vmem>>[vector<16xi32>, vector<16xi32>], vector<16xf32>,
          %gather3A_262 = tpu.vector_load_idx %arg17[%add3A_221, %broadcast_in_dim3A_260] : memref<48x128xf32, #tpu.memory_space<vmem>>[vector<16xi32>, vector<16xi32>], vector<16xf32>,
          %mul3A_263 = arith.mulf %gather3A_261, %gather3A_262 : vector<16xf32>
          %add3A_264 = arith.addf %scan3A_245, %mul3A_263 : vector<16xf32>
          %mul3A_265 = arith.constant 8 : i32
          %mul3A_266 = arith.muli %scan3A_243, %mul3A_265 : i32
          %add3A_267 = arith.constant 2 : i32
          %add3A_268 = arith.addi %mul3A_266, %add3A_267 : i32
          %broadcast_in_dim3A_269 = vector.broadcast %add3A_268 : i32 to vector<16xi32>
          %gather3A_270 = tpu.vector_load_idx %arg16[%add3A_221, %broadcast_in_dim3A_269] : memref<48x128xf32, #tpu.memory_space<vmem>>[vector<16xi32>, vector<16xi32>], vector<16xf32>,
          %gather3A_271 = tpu.vector_load_idx %arg17[%add3A_221, %broadcast_in_dim3A_269] : memref<48x128xf32, #tpu.memory_space<vmem>>[vector<16xi32>, vector<16xi32>], vector<16xf32>,
          %mul3A_272 = arith.mulf %gather3A_270, %gather3A_271 : vector<16xf32>
          %add3A_273 = arith.addf %scan3A_246, %mul3A_272 : vector<16xf32>
          %mul3A_274 = arith.constant 8 : i32
          %mul3A_275 = arith.muli %scan3A_243, %mul3A_274 : i32
          %add3A_276 = arith.constant 3 : i32
          %add3A_277 = arith.addi %mul3A_275, %add3A_276 : i32
          %broadcast_in_dim3A_278 = vector.broadcast %add3A_277 : i32 to vector<16xi32>
          %gather3A_279 = tpu.vector_load_idx %arg16[%add3A_221, %broadcast_in_dim3A_278] : memref<48x128xf32, #tpu.memory_space<vmem>>[vector<16xi32>, vector<16xi32>], vector<16xf32>,
          %gather3A_280 = tpu.vector_load_idx %arg17[%add3A_221, %broadcast_in_dim3A_278] : memref<48x128xf32, #tpu.memory_space<vmem>>[vector<16xi32>, vector<16xi32>], vector<16xf32>,
          %mul3A_281 = arith.mulf %gather3A_279, %gather3A_280 : vector<16xf32>
          %add3A_282 = arith.addf %scan3A_247, %mul3A_281 : vector<16xf32>
          %mul3A_283 = arith.constant 8 : i32
          %mul3A_284 = arith.muli %scan3A_243, %mul3A_283 : i32
          %add3A_285 = arith.constant 4 : i32
          %add3A_286 = arith.addi %mul3A_284, %add3A_285 : i32
          %broadcast_in_dim3A_287 = vector.broadcast %add3A_286 : i32 to vector<16xi32>
          %gather3A_288 = tpu.vector_load_idx %arg16[%add3A_221, %broadcast_in_dim3A_287] : memref<48x128xf32, #tpu.memory_space<vmem>>[vector<16xi32>, vector<16xi32>], vector<16xf32>,
          %gather3A_289 = tpu.vector_load_idx %arg17[%add3A_221, %broadcast_in_dim3A_287] : memref<48x128xf32, #tpu.memory_space<vmem>>[vector<16xi32>, vector<16xi32>], vector<16xf32>,
          %mul3A_290 = arith.mulf %gather3A_288, %gather3A_289 : vector<16xf32>
          %add3A_291 = arith.addf %add3A_255, %mul3A_290 : vector<16xf32>
          %mul3A_292 = arith.constant 8 : i32
          %mul3A_293 = arith.muli %scan3A_243, %mul3A_292 : i32
          %add3A_294 = arith.constant 5 : i32
          %add3A_295 = arith.addi %mul3A_293, %add3A_294 : i32
          %broadcast_in_dim3A_296 = vector.broadcast %add3A_295 : i32 to vector<16xi32>
          %gather3A_297 = tpu.vector_load_idx %arg16[%add3A_221, %broadcast_in_dim3A_296] : memref<48x128xf32, #tpu.memory_space<vmem>>[vector<16xi32>, vector<16xi32>], vector<16xf32>,
          %gather3A_298 = tpu.vector_load_idx %arg17[%add3A_221, %broadcast_in_dim3A_296] : memref<48x128xf32, #tpu.memory_space<vmem>>[vector<16xi32>, vector<16xi32>], vector<16xf32>,
          %mul3A_299 = arith.mulf %gather3A_297, %gather3A_298 : vector<16xf32>
          %add3A_300 = arith.addf %add3A_264, %mul3A_299 : vector<16xf32>
          %mul3A_301 = arith.constant 8 : i32
          %mul3A_302 = arith.muli %scan3A_243, %mul3A_301 : i32
          %add3A_303 = arith.constant 6 : i32
          %add3A_304 = arith.addi %mul3A_302, %add3A_303 : i32
          %broadcast_in_dim3A_305 = vector.broadcast %add3A_304 : i32 to vector<16xi32>
          %gather3A_306 = tpu.vector_load_idx %arg16[%add3A_221, %broadcast_in_dim3A_305] : memref<48x128xf32, #tpu.memory_space<vmem>>[vector<16xi32>, vector<16xi32>], vector<16xf32>,
          %gather3A_307 = tpu.vector_load_idx %arg17[%add3A_221, %broadcast_in_dim3A_305] : memref<48x128xf32, #tpu.memory_space<vmem>>[vector<16xi32>, vector<16xi32>], vector<16xf32>,
          %mul3A_308 = arith.mulf %gather3A_306, %gather3A_307 : vector<16xf32>
          %add3A_309 = arith.addf %add3A_273, %mul3A_308 : vector<16xf32>
          %mul3A_310 = arith.constant 8 : i32
          %mul3A_311 = arith.muli %scan3A_243, %mul3A_310 : i32
          %add3A_312 = arith.constant 7 : i32
          %add3A_313 = arith.addi %mul3A_311, %add3A_312 : i32
          %broadcast_in_dim3A_314 = vector.broadcast %add3A_313 : i32 to vector<16xi32>
          %gather3A_315 = tpu.vector_load_idx %arg16[%add3A_221, %broadcast_in_dim3A_314] : memref<48x128xf32, #tpu.memory_space<vmem>>[vector<16xi32>, vector<16xi32>], vector<16xf32>,
          %gather3A_316 = tpu.vector_load_idx %arg17[%add3A_221, %broadcast_in_dim3A_314] : memref<48x128xf32, #tpu.memory_space<vmem>>[vector<16xi32>, vector<16xi32>], vector<16xf32>,
          %mul3A_317 = arith.mulf %gather3A_315, %gather3A_316 : vector<16xf32>
          %add3A_318 = arith.addf %add3A_282, %mul3A_317 : vector<16xf32>
          scf.yield %add3A_291, %add3A_300, %add3A_309, %add3A_318 : vector<16xf32>, vector<16xf32>, vector<16xf32>, vector<16xf32>
        }
        %scan3A_229 = arith.constant 16 : i32
        %add3A_230 = arith.addf %scan3A_228#0, %scan3A_228#1 : vector<16xf32>
        %add3A_231 = arith.addf %scan3A_228#2, %scan3A_228#3 : vector<16xf32>
        %add3A_232 = arith.addf %add3A_230, %add3A_231 : vector<16xf32>
        %mul3A_233 = arith.constant 0.0883883461 : f32
        %mul3A_234 = vector.broadcast %mul3A_233 : f32 to vector<16xf32>
        %mul3A_235 = arith.mulf %add3A_232, %mul3A_234 : vector<16xf32>
        %exp3A = math.exp %mul3A_235 : vector<16xf32>
        %swap3A = arith.constant 0 : index
        %swap3A_236 = tpu.vector_load %arg21[%swap3A] {strides = array<i32>} : memref<16xf32, #tpu.memory_space<vmem>>, vector<16xf32>,
        tpu.vector_store %arg21[%swap3A], %exp3A {strides = array<i32>} : memref<16xf32, #tpu.memory_space<vmem>>, vector<16xf32>,
        %scan3A_237 = arith.constant 0 : i32
        %scan3A_238 = arith.constant 0 : i32
        %scan3A_239 = arith.constant 16 : i32
        %scan3A_240 = arith.addi %scan3A_238, %scan3A_239 : i32
        %scan3A_241 = arith.constant 1 : i32
        scf.for %scan3A_243 = %scan3A_238 to %scan3A_240 step %scan3A_241  : i32 {
          %broadcast_in_dim3A_244 = vector.broadcast %scan3A_243 : i32 to vector<16xi32>
          %gather3A = tpu.vector_load_idx %arg21[%broadcast_in_dim3A_244] : memref<16xf32, #tpu.memory_space<vmem>>[vector<16xi32>], vector<16xf32>,
          %mul3A_245 = arith.constant 16 : i32
          %mul3A_246 = arith.muli %scan3A_217, %mul3A_245 : i32
          %add3A_247 = arith.addi %mul3A_246, %scan3A_243 : i32
          %broadcast_in_dim3A_248 = vector.broadcast %add3A_247 : i32 to vector<16xi32>
          %gather3A_249 = tpu.vector_load_idx %arg15[%broadcast_in_dim3A_248] : memref<48xi32, #tpu.memory_space<vmem>>[vector<16xi32>], vector<16xi32>,
          %sub3A_250 = vector.broadcast %mul3A_2 : i32 to vector<16xi32>
          %sub3A_251 = arith.subi %gather3A_249, %sub3A_250 : vector<16xi32>
          %add3A_252 = arith.constant 0 : i32
          %add3A_253 = vector.broadcast %add3A_252 : i32 to vector<16xi32>
          %add3A_254 = arith.addi %add3A_253, %iota3A : vector<16xi32>
          %gather3A_255 = tpu.vector_load_idx %arg18[%broadcast_in_dim3A_248, %add3A_254] : memref<48x128xf32, #tpu.memory_space<vmem>>[vector<16xi32>, vector<16xi32>], vector<16xf32>,
          %mul3A_256 = arith.mulf %gather3A, %gather3A_255 : vector<16xf32>
          tpu.vector_store_idx %arg19[%sub3A_251, %add3A_254], %mul3A_256 {add = true} : memref<328x128xf32, #tpu.memory_space<vmem>>[vector<16xi32>, vector<16xi32>], vector<16xf32>,
          %add3A_257 = arith.constant 16 : i32
          %add3A_258 = vector.broadcast %add3A_257 : i32 to vector<16xi32>
          %add3A_259 = arith.addi %add3A_258, %iota3A : vector<16xi32>
          %gather3A_260 = tpu.vector_load_idx %arg18[%broadcast_in_dim3A_248, %add3A_259] : memref<48x128xf32, #tpu.memory_space<vmem>>[vector<16xi32>, vector<16xi32>], vector<16xf32>,
          %mul3A_261 = arith.mulf %gather3A, %gather3A_260 : vector<16xf32>
          tpu.vector_store_idx %arg19[%sub3A_251, %add3A_259], %mul3A_261 {add = true} : memref<328x128xf32, #tpu.memory_space<vmem>>[vector<16xi32>, vector<16xi32>], vector<16xf32>,
          %add3A_262 = arith.constant 32 : i32
          %add3A_263 = vector.broadcast %add3A_262 : i32 to vector<16xi32>
          %add3A_264 = arith.addi %add3A_263, %iota3A : vector<16xi32>
          %gather3A_265 = tpu.vector_load_idx %arg18[%broadcast_in_dim3A_248, %add3A_264] : memref<48x128xf32, #tpu.memory_space<vmem>>[vector<16xi32>, vector<16xi32>], vector<16xf32>,
          %mul3A_266 = arith.mulf %gather3A, %gather3A_265 : vector<16xf32>
          tpu.vector_store_idx %arg19[%sub3A_251, %add3A_264], %mul3A_266 {add = true} : memref<328x128xf32, #tpu.memory_space<vmem>>[vector<16xi32>, vector<16xi32>], vector<16xf32>,
          %add3A_267 = arith.constant 48 : i32
          %add3A_268 = vector.broadcast %add3A_267 : i32 to vector<16xi32>
          %add3A_269 = arith.addi %add3A_268, %iota3A : vector<16xi32>
          %gather3A_270 = tpu.vector_load_idx %arg18[%broadcast_in_dim3A_248, %add3A_269] : memref<48x128xf32, #tpu.memory_space<vmem>>[vector<16xi32>, vector<16xi32>], vector<16xf32>,
          %mul3A_271 = arith.mulf %gather3A, %gather3A_270 : vector<16xf32>
          tpu.vector_store_idx %arg19[%sub3A_251, %add3A_269], %mul3A_271 {add = true} : memref<328x128xf32, #tpu.memory_space<vmem>>[vector<16xi32>, vector<16xi32>], vector<16xf32>,
          %add3A_272 = arith.constant 64 : i32
          %add3A_273 = vector.broadcast %add3A_272 : i32 to vector<16xi32>
          %add3A_274 = arith.addi %add3A_273, %iota3A : vector<16xi32>
          %gather3A_275 = tpu.vector_load_idx %arg18[%broadcast_in_dim3A_248, %add3A_274] : memref<48x128xf32, #tpu.memory_space<vmem>>[vector<16xi32>, vector<16xi32>], vector<16xf32>,
          %mul3A_276 = arith.mulf %gather3A, %gather3A_275 : vector<16xf32>
          tpu.vector_store_idx %arg19[%sub3A_251, %add3A_274], %mul3A_276 {add = true} : memref<328x128xf32, #tpu.memory_space<vmem>>[vector<16xi32>, vector<16xi32>], vector<16xf32>,
          %add3A_277 = arith.constant 80 : i32
          %add3A_278 = vector.broadcast %add3A_277 : i32 to vector<16xi32>
          %add3A_279 = arith.addi %add3A_278, %iota3A : vector<16xi32>
          %gather3A_280 = tpu.vector_load_idx %arg18[%broadcast_in_dim3A_248, %add3A_279] : memref<48x128xf32, #tpu.memory_space<vmem>>[vector<16xi32>, vector<16xi32>], vector<16xf32>,
          %mul3A_281 = arith.mulf %gather3A, %gather3A_280 : vector<16xf32>
          tpu.vector_store_idx %arg19[%sub3A_251, %add3A_279], %mul3A_281 {add = true} : memref<328x128xf32, #tpu.memory_space<vmem>>[vector<16xi32>, vector<16xi32>], vector<16xf32>,
          %add3A_282 = arith.constant 96 : i32
          %add3A_283 = vector.broadcast %add3A_282 : i32 to vector<16xi32>
          %add3A_284 = arith.addi %add3A_283, %iota3A : vector<16xi32>
          %gather3A_285 = tpu.vector_load_idx %arg18[%broadcast_in_dim3A_248, %add3A_284] : memref<48x128xf32, #tpu.memory_space<vmem>>[vector<16xi32>, vector<16xi32>], vector<16xf32>,
          %mul3A_286 = arith.mulf %gather3A, %gather3A_285 : vector<16xf32>
          tpu.vector_store_idx %arg19[%sub3A_251, %add3A_284], %mul3A_286 {add = true} : memref<328x128xf32, #tpu.memory_space<vmem>>[vector<16xi32>, vector<16xi32>], vector<16xf32>,
          %add3A_287 = arith.constant 112 : i32
          %add3A_288 = vector.broadcast %add3A_287 : i32 to vector<16xi32>
          %add3A_289 = arith.addi %add3A_288, %iota3A : vector<16xi32>
          %gather3A_290 = tpu.vector_load_idx %arg18[%broadcast_in_dim3A_248, %add3A_289] : memref<48x128xf32, #tpu.memory_space<vmem>>[vector<16xi32>, vector<16xi32>], vector<16xf32>,
          %mul3A_291 = arith.mulf %gather3A, %gather3A_290 : vector<16xf32>
          tpu.vector_store_idx %arg19[%sub3A_251, %add3A_289], %mul3A_291 {add = true} : memref<328x128xf32, #tpu.memory_space<vmem>>[vector<16xi32>, vector<16xi32>], vector<16xf32>,
          %mul3A_292 = arith.mulf %gather3A, %select_n3A : vector<16xf32>
          tpu.vector_store_idx %arg20[%sub3A_251, %iota3A], %mul3A_292 {add = true} : memref<328x16xf32, #tpu.memory_space<vmem>>[vector<16xi32>, vector<16xi32>], vector<16xf32>,
        }
        %scan3A_242 = arith.constant 16 : i32
      }
      %scan3A_200 = arith.constant 3 : i32
      %mul3A_201 = arith.constant 2 : i32
      %mul3A_202 = arith.muli %mul3A_201, %while3A_128 : i32
      %add3A_203 = arith.constant 3 : i32
      %add3A_204 = arith.addi %mul3A_202, %add3A_203 : i32
      %sub3A_205 = arith.constant 1 : i32
      %sub3A_206 = arith.subi %select_n3A_41, %sub3A_205 : i32
      %min3A_207 = arith.minsi %add3A_204, %sub3A_206 : i32
      %mul3A_208 = arith.constant 48 : i32
      %mul3A_209 = arith.muli %min3A_207, %mul3A_208 : i32
      %add3A_210 = arith.addi %mul3A_45, %mul3A_209 : i32
      %dma_start3A_211 = tpu.memref_slice %arg5[%add3A_210] : memref<798720xi32, #tpu.memory_space<hbm>> -> memref<48xi32, #tpu.memory_space<hbm>>
      %dma_start3A_212 = tpu.memref_slice %arg5[%add3A_210] : memref<798720xi32, #tpu.memory_space<hbm>> -> memref<48xi32, #tpu.memory_space<hbm>>
      tpu.enqueue_dma source(%dma_start3A_212 : memref<48xi32, #tpu.memory_space<hbm>>) target(%arg14 : memref<48xi32, #tpu.memory_space<vmem>>) target_semaphore(%arg24 : memref<!tpu.dma_semaphore, #tpu.memory_space<semaphore_mem>>)
      %add3A_213 = arith.constant 12480 : i32
      %add3A_214 = arith.addi %add3A_210, %add3A_213 : i32
      %dma_start3A_215 = tpu.memref_slice %arg5[%add3A_214] : memref<798720xi32, #tpu.memory_space<hbm>> -> memref<48xi32, #tpu.memory_space<hbm>>
      %dma_start3A_216 = tpu.memref_slice %arg5[%add3A_214] : memref<798720xi32, #tpu.memory_space<hbm>> -> memref<48xi32, #tpu.memory_space<hbm>>
      tpu.enqueue_dma source(%dma_start3A_216 : memref<48xi32, #tpu.memory_space<hbm>>) target(%arg15 : memref<48xi32, #tpu.memory_space<vmem>>) target_semaphore(%arg24 : memref<!tpu.dma_semaphore, #tpu.memory_space<semaphore_mem>>)
    }
    %dma_wait3A_115 = arith.constant 0 : i32
    %dma_wait3A_116 = arith.constant 0 : i32
    %dma_wait3A_117 = tpu.memref_slice %arg2[%dma_wait3A_115, %dma_wait3A_116] : memref<10248x128xf32, #tpu.memory_space<hbm>> -> memref<10248x128xf32, #tpu.memory_space<hbm>>
    tpu.wait_indirect_dma semaphore(%arg25 : memref<!tpu.dma_semaphore, #tpu.memory_space<semaphore_mem>>) src(%dma_wait3A_117 : memref<10248x128xf32, #tpu.memory_space<hbm>>) dst(%arg11 : memref<48x128xf32, #tpu.memory_space<vmem>>)
    %dma_wait3A_118 = arith.constant 0 : i32
    %dma_wait3A_119 = arith.constant 0 : i32
    %dma_wait3A_120 = tpu.memref_slice %arg3[%dma_wait3A_118, %dma_wait3A_119] : memref<10000x128xf32, #tpu.memory_space<hbm>> -> memref<10000x128xf32, #tpu.memory_space<hbm>>
    tpu.wait_indirect_dma semaphore(%arg25 : memref<!tpu.dma_semaphore, #tpu.memory_space<semaphore_mem>>) src(%dma_wait3A_120 : memref<10000x128xf32, #tpu.memory_space<hbm>>) dst(%arg12 : memref<48x128xf32, #tpu.memory_space<vmem>>)
    %dma_wait3A_121 = arith.constant 0 : i32
    %dma_wait3A_122 = arith.constant 0 : i32
    %dma_wait3A_123 = tpu.memref_slice %arg4[%dma_wait3A_121, %dma_wait3A_122] : memref<10000x128xf32, #tpu.memory_space<hbm>> -> memref<10000x128xf32, #tpu.memory_space<hbm>>
    tpu.wait_indirect_dma semaphore(%arg25 : memref<!tpu.dma_semaphore, #tpu.memory_space<semaphore_mem>>) src(%dma_wait3A_123 : memref<10000x128xf32, #tpu.memory_space<hbm>>) dst(%arg13 : memref<48x128xf32, #tpu.memory_space<vmem>>)
    %dma_wait3A_124 = tpu.memref_slice %arg5[%mul3A_45] : memref<798720xi32, #tpu.memory_space<hbm>> -> memref<48xi32, #tpu.memory_space<hbm>>
    %dma_wait3A_125 = tpu.memref_slice %arg5[%mul3A_45] : memref<798720xi32, #tpu.memory_space<hbm>> -> memref<48xi32, #tpu.memory_space<hbm>>
    tpu.wait_dma2 semaphore(%arg24 : memref<!tpu.dma_semaphore, #tpu.memory_space<semaphore_mem>>) src(%dma_wait3A_125 : memref<48xi32, #tpu.memory_space<hbm>>) dst(%arg14 : memref<48xi32, #tpu.memory_space<vmem>>)
    %dma_wait3A_126 = tpu.memref_slice %arg5[%mul3A_45] : memref<798720xi32, #tpu.memory_space<hbm>> -> memref<48xi32, #tpu.memory_space<hbm>>
    %dma_wait3A_127 = tpu.memref_slice %arg5[%mul3A_45] : memref<798720xi32, #tpu.memory_space<hbm>> -> memref<48xi32, #tpu.memory_space<hbm>>
    tpu.wait_dma2 semaphore(%arg24 : memref<!tpu.dma_semaphore, #tpu.memory_space<semaphore_mem>>) src(%dma_wait3A_127 : memref<48xi32, #tpu.memory_space<hbm>>) dst(%arg15 : memref<48xi32, #tpu.memory_space<vmem>>)
    "tpu.region"() ({
      %run_scoped3A = tpu.sem_alloc : memref<!tpu.dma_semaphore, #tpu.memory_space<semaphore_mem>>
      %dma_start3A_128 = arith.constant 0 : i32
      %dma_start3A_129 = arith.constant 0 : i32
      %dma_start3A_130 = tpu.memref_slice %arg19[%dma_start3A_128, %dma_start3A_129] : memref<328x128xf32, #tpu.memory_space<vmem>> -> memref<320x128xf32, #tpu.memory_space<vmem>>
      %dma_start3A_131 = arith.constant 0 : i32
      %dma_start3A_132 = tpu.memref_slice %arg7[%mul3A_2, %dma_start3A_131] : memref<10240x128xf32, #tpu.memory_space<hbm>> -> memref<320x128xf32, #tpu.memory_space<hbm>>
      %dma_start3A_133 = arith.constant 0 : i32
      %dma_start3A_134 = tpu.memref_slice %arg7[%mul3A_2, %dma_start3A_133] : memref<10240x128xf32, #tpu.memory_space<hbm>> -> memref<320x128xf32, #tpu.memory_space<hbm>>
      %dma_start3A_135 = arith.constant 0 : i32
      %dma_start3A_136 = arith.constant 0 : i32
      %dma_start3A_137 = tpu.memref_slice %arg19[%dma_start3A_135, %dma_start3A_136] : memref<328x128xf32, #tpu.memory_space<vmem>> -> memref<320x128xf32, #tpu.memory_space<vmem>>
      tpu.enqueue_dma source(%dma_start3A_137 : memref<320x128xf32, #tpu.memory_space<vmem>>) target(%dma_start3A_134 : memref<320x128xf32, #tpu.memory_space<hbm>>) target_semaphore(%run_scoped3A : memref<!tpu.dma_semaphore, #tpu.memory_space<semaphore_mem>>)
      %dma_wait3A_138 = arith.constant 0 : i32
      %dma_wait3A_139 = arith.constant 0 : i32
      %dma_wait3A_140 = tpu.memref_slice %arg19[%dma_wait3A_138, %dma_wait3A_139] : memref<328x128xf32, #tpu.memory_space<vmem>> -> memref<320x128xf32, #tpu.memory_space<vmem>>
      %dma_wait3A_141 = arith.constant 0 : i32
      %dma_wait3A_142 = tpu.memref_slice %arg7[%mul3A_2, %dma_wait3A_141] : memref<10240x128xf32, #tpu.memory_space<hbm>> -> memref<320x128xf32, #tpu.memory_space<hbm>>
      %dma_wait3A_143 = arith.constant 0 : i32
      %dma_wait3A_144 = tpu.memref_slice %arg7[%mul3A_2, %dma_wait3A_143] : memref<10240x128xf32, #tpu.memory_space<hbm>> -> memref<320x128xf32, #tpu.memory_space<hbm>>
      %dma_wait3A_145 = arith.constant 0 : i32
      %dma_wait3A_146 = arith.constant 0 : i32
      %dma_wait3A_147 = tpu.memref_slice %arg19[%dma_wait3A_145, %dma_wait3A_146] : memref<328x128xf32, #tpu.memory_space<vmem>> -> memref<320x128xf32, #tpu.memory_space<vmem>>
      tpu.wait_dma2 semaphore(%run_scoped3A : memref<!tpu.dma_semaphore, #tpu.memory_space<semaphore_mem>>) src(%dma_wait3A_147 : memref<320x128xf32, #tpu.memory_space<vmem>>) dst(%dma_wait3A_144 : memref<320x128xf32, #tpu.memory_space<hbm>>)
      tpu.yield
    }) : () -> ()
    "tpu.region"() ({
      %run_scoped3A = tpu.sem_alloc : memref<!tpu.dma_semaphore, #tpu.memory_space<semaphore_mem>>
      %dma_start3A_128 = arith.constant 0 : i32
      %dma_start3A_129 = arith.constant 0 : i32
      %dma_start3A_130 = tpu.memref_slice %arg20[%dma_start3A_128, %dma_start3A_129] : memref<328x16xf32, #tpu.memory_space<vmem>> -> memref<320x16xf32, #tpu.memory_space<vmem>>
      %dma_start3A_131 = arith.constant 0 : i32
      %dma_start3A_132 = tpu.memref_slice %arg8[%mul3A_2, %dma_start3A_131] : memref<10240x16xf32, #tpu.memory_space<hbm>> -> memref<320x16xf32, #tpu.memory_space<hbm>>
      %dma_start3A_133 = arith.constant 0 : i32
      %dma_start3A_134 = tpu.memref_slice %arg8[%mul3A_2, %dma_start3A_133] : memref<10240x16xf32, #tpu.memory_space<hbm>> -> memref<320x16xf32, #tpu.memory_space<hbm>>
      %dma_start3A_135 = arith.constant 0 : i32
      %dma_start3A_136 = arith.constant 0 : i32
      %dma_start3A_137 = tpu.memref_slice %arg20[%dma_start3A_135, %dma_start3A_136] : memref<328x16xf32, #tpu.memory_space<vmem>> -> memref<320x16xf32, #tpu.memory_space<vmem>>
      tpu.enqueue_dma source(%dma_start3A_137 : memref<320x16xf32, #tpu.memory_space<vmem>>) target(%dma_start3A_134 : memref<320x16xf32, #tpu.memory_space<hbm>>) target_semaphore(%run_scoped3A : memref<!tpu.dma_semaphore, #tpu.memory_space<semaphore_mem>>)
      %dma_wait3A_138 = arith.constant 0 : i32
      %dma_wait3A_139 = arith.constant 0 : i32
      %dma_wait3A_140 = tpu.memref_slice %arg20[%dma_wait3A_138, %dma_wait3A_139] : memref<328x16xf32, #tpu.memory_space<vmem>> -> memref<320x16xf32, #tpu.memory_space<vmem>>
      %dma_wait3A_141 = arith.constant 0 : i32
      %dma_wait3A_142 = tpu.memref_slice %arg8[%mul3A_2, %dma_wait3A_141] : memref<10240x16xf32, #tpu.memory_space<hbm>> -> memref<320x16xf32, #tpu.memory_space<hbm>>
      %dma_wait3A_143 = arith.constant 0 : i32
      %dma_wait3A_144 = tpu.memref_slice %arg8[%mul3A_2, %dma_wait3A_143] : memref<10240x16xf32, #tpu.memory_space<hbm>> -> memref<320x16xf32, #tpu.memory_space<hbm>>
      %dma_wait3A_145 = arith.constant 0 : i32
      %dma_wait3A_146 = arith.constant 0 : i32
      %dma_wait3A_147 = tpu.memref_slice %arg20[%dma_wait3A_145, %dma_wait3A_146] : memref<328x16xf32, #tpu.memory_space<vmem>> -> memref<320x16xf32, #tpu.memory_space<vmem>>
      tpu.wait_dma2 semaphore(%run_scoped3A : memref<!tpu.dma_semaphore, #tpu.memory_space<semaphore_mem>>) src(%dma_wait3A_147 : memref<320x16xf32, #tpu.memory_space<vmem>>) dst(%dma_wait3A_144 : memref<320x16xf32, #tpu.memory_space<hbm>>)
      tpu.yield
    }) : () -> ()
    return
  }
}

#map = affine_map<(d0, d1) -> (0, 0)>
#map1 = affine_map<(d0, d1) -> (0)>
module attributes {stable_mosaic.version = 14 : i64} {
  func.func @_edge_body(%arg0: i32, %arg1: i32, %arg2: memref<10248x128xf32, #tpu.memory_space<hbm>>, %arg3: memref<10000x128xf32, #tpu.memory_space<hbm>>, %arg4: memref<10000x128xf32, #tpu.memory_space<hbm>>, %arg5: memref<798720xi32, #tpu.memory_space<hbm>>, %arg6: memref<512xi32, #tpu.memory_space<hbm>>, %arg7: memref<10240x128xf32, #tpu.memory_space<hbm>>, %arg8: memref<10240x16xf32, #tpu.memory_space<hbm>>, %arg9: memref<48xi32, #tpu.memory_space<vmem>>, %arg10: memref<48xi32, #tpu.memory_space<vmem>>, %arg11: memref<48x128xf32, #tpu.memory_space<vmem>>, %arg12: memref<48x128xf32, #tpu.memory_space<vmem>>, %arg13: memref<48x128xf32, #tpu.memory_space<vmem>>, %arg14: memref<48xi32, #tpu.memory_space<vmem>>, %arg15: memref<48xi32, #tpu.memory_space<vmem>>, %arg16: memref<48x128xf32, #tpu.memory_space<vmem>>, %arg17: memref<48x128xf32, #tpu.memory_space<vmem>>, %arg18: memref<48x128xf32, #tpu.memory_space<vmem>>, %arg19: memref<328x128xf32, #tpu.memory_space<vmem>>, %arg20: memref<328x16xf32, #tpu.memory_space<vmem>>, %arg21: memref<16xf32, #tpu.memory_space<vmem>>, %arg22: memref<16xi32, #tpu.memory_space<vmem>>, %arg23: memref<!tpu.dma_semaphore, #tpu.memory_space<semaphore_mem>>, %arg24: memref<!tpu.dma_semaphore, #tpu.memory_space<semaphore_mem>>, %arg25: memref<!tpu.dma_semaphore, #tpu.memory_space<semaphore_mem>>, %arg26: memref<!tpu.dma_semaphore, #tpu.memory_space<semaphore_mem>>) attributes {dimension_semantics = [#tpu.dimension_semantics<core_parallel>, #tpu.dimension_semantics<subcore_parallel>], iteration_bounds = array<i64: 2, 16>, scalar_prefetch = 0 : i64, scratch_operands = 18 : i64, tpu.core_type = #tpu.core_type<sc_vector_subcore>, window_params = [{transform_indices = #map}, {transform_indices = #map}, {transform_indices = #map}, {transform_indices = #map1}, {transform_indices = #map1}, {transform_indices = #map}, {transform_indices = #map}]} {
    %mul3A = arith.constant 2 : i32
    %mul3A_0 = arith.muli %arg1, %mul3A : i32
    %add3A = arith.addi %mul3A_0, %arg0 : i32
    %mul3A_1 = arith.constant 320 : i32
    %mul3A_2 = arith.muli %add3A, %mul3A_1 : i32
    %iota3A = tpu.iota {dimensions = array<i32: 0>} : vector<16xi32>
    %eq3A = arith.constant 0 : i32
    %eq3A_3 = vector.broadcast %eq3A : i32 to vector<16xi32>
    %eq3A_4 = arith.cmpi eq, %iota3A, %eq3A_3 : vector<16xi32>
    %jit3A = arith.constant 1.000000e+00 : f32
    %jit3A_5 = arith.constant 0.000000e+00 : f32
    %broadcast_in_dim3A = vector.broadcast %jit3A : f32 to vector<16xf32>
    %broadcast_in_dim3A_6 = vector.broadcast %jit3A_5 : f32 to vector<16xf32>
    %select_n3A = arith.select %eq3A_4, %broadcast_in_dim3A, %broadcast_in_dim3A_6 : vector<16xi1>, vector<16xf32>
    %broadcast_in_dim3A_7 = arith.constant 0.000000e+00 : f32
    %broadcast_in_dim3A_8 = vector.broadcast %broadcast_in_dim3A_7 : f32 to vector<16xf32>
    %scan3A = arith.constant 0 : i32
    %scan3A_9 = arith.constant 0 : i32
    %scan3A_10 = arith.constant 328 : i32
    %scan3A_11 = arith.addi %scan3A_9, %scan3A_10 : i32
    %scan3A_12 = arith.constant 1 : i32
    scf.for %scan3A_128 = %scan3A_9 to %scan3A_11 step %scan3A_12  : i32 {
      %broadcast_in_dim3A_129 = vector.broadcast %scan3A_128 : i32 to vector<16xi32>
      %add3A_130 = arith.constant 0 : i32
      %add3A_131 = vector.broadcast %add3A_130 : i32 to vector<16xi32>
      %add3A_132 = arith.addi %add3A_131, %iota3A : vector<16xi32>
      tpu.vector_store_idx %arg19[%broadcast_in_dim3A_129, %add3A_132], %broadcast_in_dim3A_8 : memref<328x128xf32, #tpu.memory_space<vmem>>[vector<16xi32>, vector<16xi32>], vector<16xf32>,
      %add3A_133 = arith.constant 16 : i32
      %add3A_134 = vector.broadcast %add3A_133 : i32 to vector<16xi32>
      %add3A_135 = arith.addi %add3A_134, %iota3A : vector<16xi32>
      tpu.vector_store_idx %arg19[%broadcast_in_dim3A_129, %add3A_135], %broadcast_in_dim3A_8 : memref<328x128xf32, #tpu.memory_space<vmem>>[vector<16xi32>, vector<16xi32>], vector<16xf32>,
      %add3A_136 = arith.constant 32 : i32
      %add3A_137 = vector.broadcast %add3A_136 : i32 to vector<16xi32>
      %add3A_138 = arith.addi %add3A_137, %iota3A : vector<16xi32>
      tpu.vector_store_idx %arg19[%broadcast_in_dim3A_129, %add3A_138], %broadcast_in_dim3A_8 : memref<328x128xf32, #tpu.memory_space<vmem>>[vector<16xi32>, vector<16xi32>], vector<16xf32>,
      %add3A_139 = arith.constant 48 : i32
      %add3A_140 = vector.broadcast %add3A_139 : i32 to vector<16xi32>
      %add3A_141 = arith.addi %add3A_140, %iota3A : vector<16xi32>
      tpu.vector_store_idx %arg19[%broadcast_in_dim3A_129, %add3A_141], %broadcast_in_dim3A_8 : memref<328x128xf32, #tpu.memory_space<vmem>>[vector<16xi32>, vector<16xi32>], vector<16xf32>,
      %add3A_142 = arith.constant 64 : i32
      %add3A_143 = vector.broadcast %add3A_142 : i32 to vector<16xi32>
      %add3A_144 = arith.addi %add3A_143, %iota3A : vector<16xi32>
      tpu.vector_store_idx %arg19[%broadcast_in_dim3A_129, %add3A_144], %broadcast_in_dim3A_8 : memref<328x128xf32, #tpu.memory_space<vmem>>[vector<16xi32>, vector<16xi32>], vector<16xf32>,
      %add3A_145 = arith.constant 80 : i32
      %add3A_146 = vector.broadcast %add3A_145 : i32 to vector<16xi32>
      %add3A_147 = arith.addi %add3A_146, %iota3A : vector<16xi32>
      tpu.vector_store_idx %arg19[%broadcast_in_dim3A_129, %add3A_147], %broadcast_in_dim3A_8 : memref<328x128xf32, #tpu.memory_space<vmem>>[vector<16xi32>, vector<16xi32>], vector<16xf32>,
      %add3A_148 = arith.constant 96 : i32
      %add3A_149 = vector.broadcast %add3A_148 : i32 to vector<16xi32>
      %add3A_150 = arith.addi %add3A_149, %iota3A : vector<16xi32>
      tpu.vector_store_idx %arg19[%broadcast_in_dim3A_129, %add3A_150], %broadcast_in_dim3A_8 : memref<328x128xf32, #tpu.memory_space<vmem>>[vector<16xi32>, vector<16xi32>], vector<16xf32>,
      %add3A_151 = arith.constant 112 : i32
      %add3A_152 = vector.broadcast %add3A_151 : i32 to vector<16xi32>
      %add3A_153 = arith.addi %add3A_152, %iota3A : vector<16xi32>
      tpu.vector_store_idx %arg19[%broadcast_in_dim3A_129, %add3A_153], %broadcast_in_dim3A_8 : memref<328x128xf32, #tpu.memory_space<vmem>>[vector<16xi32>, vector<16xi32>], vector<16xf32>,
      tpu.vector_store_idx %arg20[%broadcast_in_dim3A_129, %iota3A], %broadcast_in_dim3A_8 : memref<328x16xf32, #tpu.memory_space<vmem>>[vector<16xi32>, vector<16xi32>], vector<16xf32>,
    }
    %scan3A_13 = arith.constant 328 : i32
    %mul3A_14 = arith.constant 16 : i32
    %mul3A_15 = arith.muli %add3A, %mul3A_14 : i32
    "tpu.region"() ({
      %run_scoped3A = tpu.sem_alloc : memref<!tpu.dma_semaphore, #tpu.memory_space<semaphore_mem>>
      %dma_start3A_128 = tpu.memref_slice %arg6[%mul3A_15] : memref<512xi32, #tpu.memory_space<hbm>> -> memref<16xi32, #tpu.memory_space<hbm>>
      %dma_start3A_129 = tpu.memref_slice %arg6[%mul3A_15] : memref<512xi32, #tpu.memory_space<hbm>> -> memref<16xi32, #tpu.memory_space<hbm>>
      tpu.enqueue_dma source(%dma_start3A_129 : memref<16xi32, #tpu.memory_space<hbm>>) target(%arg22 : memref<16xi32, #tpu.memory_space<vmem>>) target_semaphore(%run_scoped3A : memref<!tpu.dma_semaphore, #tpu.memory_space<semaphore_mem>>)
      %dma_wait3A_130 = tpu.memref_slice %arg6[%mul3A_15] : memref<512xi32, #tpu.memory_space<hbm>> -> memref<16xi32, #tpu.memory_space<hbm>>
      %dma_wait3A_131 = tpu.memref_slice %arg6[%mul3A_15] : memref<512xi32, #tpu.memory_space<hbm>> -> memref<16xi32, #tpu.memory_space<hbm>>
      tpu.wait_dma2 semaphore(%run_scoped3A : memref<!tpu.dma_semaphore, #tpu.memory_space<semaphore_mem>>) src(%dma_wait3A_131 : memref<16xi32, #tpu.memory_space<hbm>>) dst(%arg22 : memref<16xi32, #tpu.memory_space<vmem>>)
      tpu.yield
    }) : () -> ()
    %get3A = arith.constant 0 : index
    %get3A_16 = tpu.vector_load %arg22[%get3A] {strides = array<i32>} : memref<16xi32, #tpu.memory_space<vmem>>, vector<16xi32>,
    %reduce_max3A = arith.constant true
    %reduce_max3A_17 = vector.broadcast %reduce_max3A : i1 to vector<16xi1>
    %reduce_max3A_18 = arith.constant -2147483648 : i32
    %reduce_max3A_19 = vector.broadcast %reduce_max3A_18 : i32 to vector<16xi32>
    %reduce_max3A_20 = arith.xori %get3A_16, %reduce_max3A_19 : vector<16xi32>
    %reduce_max3A_21 = tpu.scan <max>, %reduce_max3A_20 masked %reduce_max3A_17 : vector<16xi32>, vector<16xi1> -> vector<16xi32>
    %reduce_max3A_22 = arith.xori %reduce_max3A_21, %reduce_max3A_19 : vector<16xi32>
    %reduce_max3A_23 = vector.extract %reduce_max3A_22[15] : i32 from vector<16xi32>
    %jit3A_24 = arith.constant 48 : i32
    %div3A = arith.divsi %reduce_max3A_23, %jit3A_24 : i32
    %sign3A = arith.constant 0 : i32
    %sign3A_25 = arith.cmpi sgt, %reduce_max3A_23, %sign3A : i32
    %sign3A_26 = arith.extui %sign3A_25 : i1 to i32
    %sign3A_27 = arith.constant 0 : i32
    %sign3A_28 = arith.cmpi slt, %reduce_max3A_23, %sign3A_27 : i32
    %sign3A_29 = arith.extui %sign3A_28 : i1 to i32
    %sign3A_30 = arith.subi %sign3A_26, %sign3A_29 : i32
    %sign3A_31 = arith.constant 0 : i32
    %sign3A_32 = arith.cmpi sgt, %jit3A_24, %sign3A_31 : i32
    %sign3A_33 = arith.extui %sign3A_32 : i1 to i32
    %sign3A_34 = arith.constant 0 : i32
    %sign3A_35 = arith.cmpi slt, %jit3A_24, %sign3A_34 : i32
    %sign3A_36 = arith.extui %sign3A_35 : i1 to i32
    %sign3A_37 = arith.subi %sign3A_33, %sign3A_36 : i32
    %ne3A = arith.cmpi ne, %sign3A_30, %sign3A_37 : i32
    %rem3A = arith.remsi %reduce_max3A_23, %jit3A_24 : i32
    %ne3A_38 = arith.constant 0 : i32
    %ne3A_39 = arith.cmpi ne, %rem3A, %ne3A_38 : i32
    %and3A = arith.andi %ne3A, %ne3A_39 : i1
    %sub3A = arith.constant 1 : i32
    %sub3A_40 = arith.subi %div3A, %sub3A : i32
    %select_n3A_41 = arith.select %and3A, %sub3A_40, %div3A : i32
    %mul3A_42 = arith.constant 2 : i32
    %mul3A_43 = arith.muli %add3A, %mul3A_42 : i32
    %mul3A_44 = arith.constant 12480 : i32
    %mul3A_45 = arith.muli %mul3A_43, %mul3A_44 : i32
    %sub3A_46 = arith.constant 1 : i32
    %sub3A_47 = arith.subi %select_n3A_41, %sub3A_46 : i32
    %min3A = arith.constant 0 : i32
    %min3A_48 = arith.minsi %min3A, %sub3A_47 : i32
    %mul3A_49 = arith.constant 48 : i32
    %mul3A_50 = arith.muli %min3A_48, %mul3A_49 : i32
    %add3A_51 = arith.addi %mul3A_45, %mul3A_50 : i32
    %dma_start3A = tpu.memref_slice %arg5[%add3A_51] : memref<798720xi32, #tpu.memory_space<hbm>> -> memref<48xi32, #tpu.memory_space<hbm>>
    %dma_start3A_52 = tpu.memref_slice %arg5[%add3A_51] : memref<798720xi32, #tpu.memory_space<hbm>> -> memref<48xi32, #tpu.memory_space<hbm>>
    tpu.enqueue_dma source(%dma_start3A_52 : memref<48xi32, #tpu.memory_space<hbm>>) target(%arg9 : memref<48xi32, #tpu.memory_space<vmem>>) target_semaphore(%arg23 : memref<!tpu.dma_semaphore, #tpu.memory_space<semaphore_mem>>)
    %add3A_53 = arith.constant 12480 : i32
    %add3A_54 = arith.addi %add3A_51, %add3A_53 : i32
    %dma_start3A_55 = tpu.memref_slice %arg5[%add3A_54] : memref<798720xi32, #tpu.memory_space<hbm>> -> memref<48xi32, #tpu.memory_space<hbm>>
    %dma_start3A_56 = tpu.memref_slice %arg5[%add3A_54] : memref<798720xi32, #tpu.memory_space<hbm>> -> memref<48xi32, #tpu.memory_space<hbm>>
    tpu.enqueue_dma source(%dma_start3A_56 : memref<48xi32, #tpu.memory_space<hbm>>) target(%arg10 : memref<48xi32, #tpu.memory_space<vmem>>) target_semaphore(%arg23 : memref<!tpu.dma_semaphore, #tpu.memory_space<semaphore_mem>>)
    %dma_wait3A = tpu.memref_slice %arg5[%mul3A_45] : memref<798720xi32, #tpu.memory_space<hbm>> -> memref<48xi32, #tpu.memory_space<hbm>>
    %dma_wait3A_57 = tpu.memref_slice %arg5[%mul3A_45] : memref<798720xi32, #tpu.memory_space<hbm>> -> memref<48xi32, #tpu.memory_space<hbm>>
    tpu.wait_dma2 semaphore(%arg23 : memref<!tpu.dma_semaphore, #tpu.memory_space<semaphore_mem>>) src(%dma_wait3A_57 : memref<48xi32, #tpu.memory_space<hbm>>) dst(%arg9 : memref<48xi32, #tpu.memory_space<vmem>>)
    %dma_wait3A_58 = tpu.memref_slice %arg5[%mul3A_45] : memref<798720xi32, #tpu.memory_space<hbm>> -> memref<48xi32, #tpu.memory_space<hbm>>
    %dma_wait3A_59 = tpu.memref_slice %arg5[%mul3A_45] : memref<798720xi32, #tpu.memory_space<hbm>> -> memref<48xi32, #tpu.memory_space<hbm>>
    tpu.wait_dma2 semaphore(%arg23 : memref<!tpu.dma_semaphore, #tpu.memory_space<semaphore_mem>>) src(%dma_wait3A_59 : memref<48xi32, #tpu.memory_space<hbm>>) dst(%arg10 : memref<48xi32, #tpu.memory_space<vmem>>)
    %dma_start3A_60 = arith.constant 0 : i32
    %dma_start3A_61 = arith.constant 0 : i32
    %dma_start3A_62 = tpu.memref_slice %arg2[%dma_start3A_60, %dma_start3A_61] : memref<10248x128xf32, #tpu.memory_space<hbm>> -> memref<10248x128xf32, #tpu.memory_space<hbm>>
    tpu.enqueue_indirect_dma source(%dma_start3A_62 : memref<10248x128xf32, #tpu.memory_space<hbm>>) target(%arg11 : memref<48x128xf32, #tpu.memory_space<vmem>>) offsets(%arg10 : memref<48xi32, #tpu.memory_space<vmem>>) semaphore(%arg25 : memref<!tpu.dma_semaphore, #tpu.memory_space<semaphore_mem>>)
    %dma_start3A_63 = arith.constant 0 : i32
    %dma_start3A_64 = arith.constant 0 : i32
    %dma_start3A_65 = tpu.memref_slice %arg3[%dma_start3A_63, %dma_start3A_64] : memref<10000x128xf32, #tpu.memory_space<hbm>> -> memref<10000x128xf32, #tpu.memory_space<hbm>>
    tpu.enqueue_indirect_dma source(%dma_start3A_65 : memref<10000x128xf32, #tpu.memory_space<hbm>>) target(%arg12 : memref<48x128xf32, #tpu.memory_space<vmem>>) offsets(%arg9 : memref<48xi32, #tpu.memory_space<vmem>>) semaphore(%arg25 : memref<!tpu.dma_semaphore, #tpu.memory_space<semaphore_mem>>)
    %dma_start3A_66 = arith.constant 0 : i32
    %dma_start3A_67 = arith.constant 0 : i32
    %dma_start3A_68 = tpu.memref_slice %arg4[%dma_start3A_66, %dma_start3A_67] : memref<10000x128xf32, #tpu.memory_space<hbm>> -> memref<10000x128xf32, #tpu.memory_space<hbm>>
    tpu.enqueue_indirect_dma source(%dma_start3A_68 : memref<10000x128xf32, #tpu.memory_space<hbm>>) target(%arg13 : memref<48x128xf32, #tpu.memory_space<vmem>>) offsets(%arg9 : memref<48xi32, #tpu.memory_space<vmem>>) semaphore(%arg25 : memref<!tpu.dma_semaphore, #tpu.memory_space<semaphore_mem>>)
    %sub3A_69 = arith.constant 1 : i32
    %sub3A_70 = arith.subi %select_n3A_41, %sub3A_69 : i32
    %min3A_71 = arith.constant 1 : i32
    %min3A_72 = arith.minsi %min3A_71, %sub3A_70 : i32
    %mul3A_73 = arith.constant 48 : i32
    %mul3A_74 = arith.muli %min3A_72, %mul3A_73 : i32
    %add3A_75 = arith.addi %mul3A_45, %mul3A_74 : i32
    %dma_start3A_76 = tpu.memref_slice %arg5[%add3A_75] : memref<798720xi32, #tpu.memory_space<hbm>> -> memref<48xi32, #tpu.memory_space<hbm>>
    %dma_start3A_77 = tpu.memref_slice %arg5[%add3A_75] : memref<798720xi32, #tpu.memory_space<hbm>> -> memref<48xi32, #tpu.memory_space<hbm>>
    tpu.enqueue_dma source(%dma_start3A_77 : memref<48xi32, #tpu.memory_space<hbm>>) target(%arg14 : memref<48xi32, #tpu.memory_space<vmem>>) target_semaphore(%arg24 : memref<!tpu.dma_semaphore, #tpu.memory_space<semaphore_mem>>)
    %add3A_78 = arith.constant 12480 : i32
    %add3A_79 = arith.addi %add3A_75, %add3A_78 : i32
    %dma_start3A_80 = tpu.memref_slice %arg5[%add3A_79] : memref<798720xi32, #tpu.memory_space<hbm>> -> memref<48xi32, #tpu.memory_space<hbm>>
    %dma_start3A_81 = tpu.memref_slice %arg5[%add3A_79] : memref<798720xi32, #tpu.memory_space<hbm>> -> memref<48xi32, #tpu.memory_space<hbm>>
    tpu.enqueue_dma source(%dma_start3A_81 : memref<48xi32, #tpu.memory_space<hbm>>) target(%arg15 : memref<48xi32, #tpu.memory_space<vmem>>) target_semaphore(%arg24 : memref<!tpu.dma_semaphore, #tpu.memory_space<semaphore_mem>>)
    %jit3A_82 = arith.constant 2 : i32
    %div3A_83 = arith.divsi %select_n3A_41, %jit3A_82 : i32
    %sign3A_84 = arith.constant 0 : i32
    %sign3A_85 = arith.cmpi sgt, %select_n3A_41, %sign3A_84 : i32
    %sign3A_86 = arith.extui %sign3A_85 : i1 to i32
    %sign3A_87 = arith.constant 0 : i32
    %sign3A_88 = arith.cmpi slt, %select_n3A_41, %sign3A_87 : i32
    %sign3A_89 = arith.extui %sign3A_88 : i1 to i32
    %sign3A_90 = arith.subi %sign3A_86, %sign3A_89 : i32
    %sign3A_91 = arith.constant 0 : i32
    %sign3A_92 = arith.cmpi sgt, %jit3A_82, %sign3A_91 : i32
    %sign3A_93 = arith.extui %sign3A_92 : i1 to i32
    %sign3A_94 = arith.constant 0 : i32
    %sign3A_95 = arith.cmpi slt, %jit3A_82, %sign3A_94 : i32
    %sign3A_96 = arith.extui %sign3A_95 : i1 to i32
    %sign3A_97 = arith.subi %sign3A_93, %sign3A_96 : i32
    %ne3A_98 = arith.cmpi ne, %sign3A_90, %sign3A_97 : i32
    %rem3A_99 = arith.remsi %select_n3A_41, %jit3A_82 : i32
    %ne3A_100 = arith.constant 0 : i32
    %ne3A_101 = arith.cmpi ne, %rem3A_99, %ne3A_100 : i32
    %and3A_102 = arith.andi %ne3A_98, %ne3A_101 : i1
    %sub3A_103 = arith.constant 1 : i32
    %sub3A_104 = arith.subi %div3A_83, %sub3A_103 : i32
    %select_n3A_105 = arith.select %and3A_102, %sub3A_104, %div3A_83 : i32
    %while3A = arith.constant 0 : i32
    %while3A_106 = arith.constant 0 : i32
    %while3A_107 = arith.subi %select_n3A_105, %while3A_106 : i32
    %while3A_108 = arith.addi %while3A_106, %while3A_107 : i32
    %while3A_109 = arith.constant 1 : i32
    %while3A_110 = arith.divsi %while3A_107, %while3A_109 : i32
    %while3A_111 = arith.muli %while3A_110, %while3A_109 : i32
    %while3A_112 = arith.addi %while3A_106, %while3A_111 : i32
    %while3A_113 = arith.constant 1 : i32
    scf.for %while3A_128 = %while3A_106 to %while3A_112 step %while3A_113  : i32 {
      %dma_wait3A_129 = tpu.memref_slice %arg5[%mul3A_45] : memref<798720xi32, #tpu.memory_space<hbm>> -> memref<48xi32, #tpu.memory_space<hbm>>
      %dma_wait3A_130 = tpu.memref_slice %arg5[%mul3A_45] : memref<798720xi32, #tpu.memory_space<hbm>> -> memref<48xi32, #tpu.memory_space<hbm>>
      tpu.wait_dma2 semaphore(%arg24 : memref<!tpu.dma_semaphore, #tpu.memory_space<semaphore_mem>>) src(%dma_wait3A_130 : memref<48xi32, #tpu.memory_space<hbm>>) dst(%arg14 : memref<48xi32, #tpu.memory_space<vmem>>)
      %dma_wait3A_131 = tpu.memref_slice %arg5[%mul3A_45] : memref<798720xi32, #tpu.memory_space<hbm>> -> memref<48xi32, #tpu.memory_space<hbm>>
      %dma_wait3A_132 = tpu.memref_slice %arg5[%mul3A_45] : memref<798720xi32, #tpu.memory_space<hbm>> -> memref<48xi32, #tpu.memory_space<hbm>>
      tpu.wait_dma2 semaphore(%arg24 : memref<!tpu.dma_semaphore, #tpu.memory_space<semaphore_mem>>) src(%dma_wait3A_132 : memref<48xi32, #tpu.memory_space<hbm>>) dst(%arg15 : memref<48xi32, #tpu.memory_space<vmem>>)
      %dma_start3A_133 = arith.constant 0 : i32
      %dma_start3A_134 = arith.constant 0 : i32
      %dma_start3A_135 = tpu.memref_slice %arg2[%dma_start3A_133, %dma_start3A_134] : memref<10248x128xf32, #tpu.memory_space<hbm>> -> memref<10248x128xf32, #tpu.memory_space<hbm>>
      tpu.enqueue_indirect_dma source(%dma_start3A_135 : memref<10248x128xf32, #tpu.memory_space<hbm>>) target(%arg16 : memref<48x128xf32, #tpu.memory_space<vmem>>) offsets(%arg15 : memref<48xi32, #tpu.memory_space<vmem>>) semaphore(%arg26 : memref<!tpu.dma_semaphore, #tpu.memory_space<semaphore_mem>>)
      %dma_start3A_136 = arith.constant 0 : i32
      %dma_start3A_137 = arith.constant 0 : i32
      %dma_start3A_138 = tpu.memref_slice %arg3[%dma_start3A_136, %dma_start3A_137] : memref<10000x128xf32, #tpu.memory_space<hbm>> -> memref<10000x128xf32, #tpu.memory_space<hbm>>
      tpu.enqueue_indirect_dma source(%dma_start3A_138 : memref<10000x128xf32, #tpu.memory_space<hbm>>) target(%arg17 : memref<48x128xf32, #tpu.memory_space<vmem>>) offsets(%arg14 : memref<48xi32, #tpu.memory_space<vmem>>) semaphore(%arg26 : memref<!tpu.dma_semaphore, #tpu.memory_space<semaphore_mem>>)
      %dma_start3A_139 = arith.constant 0 : i32
      %dma_start3A_140 = arith.constant 0 : i32
      %dma_start3A_141 = tpu.memref_slice %arg4[%dma_start3A_139, %dma_start3A_140] : memref<10000x128xf32, #tpu.memory_space<hbm>> -> memref<10000x128xf32, #tpu.memory_space<hbm>>
      tpu.enqueue_indirect_dma source(%dma_start3A_141 : memref<10000x128xf32, #tpu.memory_space<hbm>>) target(%arg18 : memref<48x128xf32, #tpu.memory_space<vmem>>) offsets(%arg14 : memref<48xi32, #tpu.memory_space<vmem>>) semaphore(%arg26 : memref<!tpu.dma_semaphore, #tpu.memory_space<semaphore_mem>>)
      %dma_wait3A_142 = arith.constant 0 : i32
      %dma_wait3A_143 = arith.constant 0 : i32
      %dma_wait3A_144 = tpu.memref_slice %arg2[%dma_wait3A_142, %dma_wait3A_143] : memref<10248x128xf32, #tpu.memory_space<hbm>> -> memref<10248x128xf32, #tpu.memory_space<hbm>>
      tpu.wait_indirect_dma semaphore(%arg25 : memref<!tpu.dma_semaphore, #tpu.memory_space<semaphore_mem>>) src(%dma_wait3A_144 : memref<10248x128xf32, #tpu.memory_space<hbm>>) dst(%arg11 : memref<48x128xf32, #tpu.memory_space<vmem>>)
      %dma_wait3A_145 = arith.constant 0 : i32
      %dma_wait3A_146 = arith.constant 0 : i32
      %dma_wait3A_147 = tpu.memref_slice %arg3[%dma_wait3A_145, %dma_wait3A_146] : memref<10000x128xf32, #tpu.memory_space<hbm>> -> memref<10000x128xf32, #tpu.memory_space<hbm>>
      tpu.wait_indirect_dma semaphore(%arg25 : memref<!tpu.dma_semaphore, #tpu.memory_space<semaphore_mem>>) src(%dma_wait3A_147 : memref<10000x128xf32, #tpu.memory_space<hbm>>) dst(%arg12 : memref<48x128xf32, #tpu.memory_space<vmem>>)
      %dma_wait3A_148 = arith.constant 0 : i32
      %dma_wait3A_149 = arith.constant 0 : i32
      %dma_wait3A_150 = tpu.memref_slice %arg4[%dma_wait3A_148, %dma_wait3A_149] : memref<10000x128xf32, #tpu.memory_space<hbm>> -> memref<10000x128xf32, #tpu.memory_space<hbm>>
      tpu.wait_indirect_dma semaphore(%arg25 : memref<!tpu.dma_semaphore, #tpu.memory_space<semaphore_mem>>) src(%dma_wait3A_150 : memref<10000x128xf32, #tpu.memory_space<hbm>>) dst(%arg13 : memref<48x128xf32, #tpu.memory_space<vmem>>)
      %scan3A_151 = arith.constant 0 : i32
      %scan3A_152 = arith.constant 0 : i32
      %scan3A_153 = arith.constant 3 : i32
      %scan3A_154 = arith.addi %scan3A_152, %scan3A_153 : i32
      %scan3A_155 = arith.constant 1 : i32
      scf.for %scan3A_217 = %scan3A_152 to %scan3A_154 step %scan3A_155  : i32 {
        %mul3A_218 = arith.constant 16 : i32
        %mul3A_219 = arith.muli %scan3A_217, %mul3A_218 : i32
        %add3A_220 = vector.broadcast %mul3A_219 : i32 to vector<16xi32>
        %add3A_221 = arith.addi %add3A_220, %iota3A : vector<16xi32>
        %broadcast_in_dim3A_222 = arith.constant 0.000000e+00 : f32
        %broadcast_in_dim3A_223 = vector.broadcast %broadcast_in_dim3A_222 : f32 to vector<16xf32>
        %scan3A_224 = arith.constant 0 : i32
        %scan3A_225 = arith.constant 16 : i32
        %scan3A_226 = arith.addi %scan3A_224, %scan3A_225 : i32
        %scan3A_227 = arith.constant 1 : i32
        %scan3A_228:4 = scf.for %scan3A_243 = %scan3A_224 to %scan3A_226 step %scan3A_227 iter_args(%scan3A_244 = %broadcast_in_dim3A_223, %scan3A_245 = %broadcast_in_dim3A_223, %scan3A_246 = %broadcast_in_dim3A_223, %scan3A_247 = %broadcast_in_dim3A_223) -> (vector<16xf32>, vector<16xf32>, vector<16xf32>, vector<16xf32>)  : i32 {
          %mul3A_248 = arith.constant 8 : i32
          %mul3A_249 = arith.muli %scan3A_243, %mul3A_248 : i32
          %add3A_250 = arith.constant 0 : i32
          %add3A_251 = arith.addi %mul3A_249, %add3A_250 : i32
          %broadcast_in_dim3A_252 = vector.broadcast %add3A_251 : i32 to vector<16xi32>
          %gather3A = tpu.vector_load_idx %arg11[%add3A_221, %broadcast_in_dim3A_252] : memref<48x128xf32, #tpu.memory_space<vmem>>[vector<16xi32>, vector<16xi32>], vector<16xf32>,
          %gather3A_253 = tpu.vector_load_idx %arg12[%add3A_221, %broadcast_in_dim3A_252] : memref<48x128xf32, #tpu.memory_space<vmem>>[vector<16xi32>, vector<16xi32>], vector<16xf32>,
          %mul3A_254 = arith.mulf %gather3A, %gather3A_253 : vector<16xf32>
          %add3A_255 = arith.addf %scan3A_244, %mul3A_254 : vector<16xf32>
          %mul3A_256 = arith.constant 8 : i32
          %mul3A_257 = arith.muli %scan3A_243, %mul3A_256 : i32
          %add3A_258 = arith.constant 1 : i32
          %add3A_259 = arith.addi %mul3A_257, %add3A_258 : i32
          %broadcast_in_dim3A_260 = vector.broadcast %add3A_259 : i32 to vector<16xi32>
          %gather3A_261 = tpu.vector_load_idx %arg11[%add3A_221, %broadcast_in_dim3A_260] : memref<48x128xf32, #tpu.memory_space<vmem>>[vector<16xi32>, vector<16xi32>], vector<16xf32>,
          %gather3A_262 = tpu.vector_load_idx %arg12[%add3A_221, %broadcast_in_dim3A_260] : memref<48x128xf32, #tpu.memory_space<vmem>>[vector<16xi32>, vector<16xi32>], vector<16xf32>,
          %mul3A_263 = arith.mulf %gather3A_261, %gather3A_262 : vector<16xf32>
          %add3A_264 = arith.addf %scan3A_245, %mul3A_263 : vector<16xf32>
          %mul3A_265 = arith.constant 8 : i32
          %mul3A_266 = arith.muli %scan3A_243, %mul3A_265 : i32
          %add3A_267 = arith.constant 2 : i32
          %add3A_268 = arith.addi %mul3A_266, %add3A_267 : i32
          %broadcast_in_dim3A_269 = vector.broadcast %add3A_268 : i32 to vector<16xi32>
          %gather3A_270 = tpu.vector_load_idx %arg11[%add3A_221, %broadcast_in_dim3A_269] : memref<48x128xf32, #tpu.memory_space<vmem>>[vector<16xi32>, vector<16xi32>], vector<16xf32>,
          %gather3A_271 = tpu.vector_load_idx %arg12[%add3A_221, %broadcast_in_dim3A_269] : memref<48x128xf32, #tpu.memory_space<vmem>>[vector<16xi32>, vector<16xi32>], vector<16xf32>,
          %mul3A_272 = arith.mulf %gather3A_270, %gather3A_271 : vector<16xf32>
          %add3A_273 = arith.addf %scan3A_246, %mul3A_272 : vector<16xf32>
          %mul3A_274 = arith.constant 8 : i32
          %mul3A_275 = arith.muli %scan3A_243, %mul3A_274 : i32
          %add3A_276 = arith.constant 3 : i32
          %add3A_277 = arith.addi %mul3A_275, %add3A_276 : i32
          %broadcast_in_dim3A_278 = vector.broadcast %add3A_277 : i32 to vector<16xi32>
          %gather3A_279 = tpu.vector_load_idx %arg11[%add3A_221, %broadcast_in_dim3A_278] : memref<48x128xf32, #tpu.memory_space<vmem>>[vector<16xi32>, vector<16xi32>], vector<16xf32>,
          %gather3A_280 = tpu.vector_load_idx %arg12[%add3A_221, %broadcast_in_dim3A_278] : memref<48x128xf32, #tpu.memory_space<vmem>>[vector<16xi32>, vector<16xi32>], vector<16xf32>,
          %mul3A_281 = arith.mulf %gather3A_279, %gather3A_280 : vector<16xf32>
          %add3A_282 = arith.addf %scan3A_247, %mul3A_281 : vector<16xf32>
          %mul3A_283 = arith.constant 8 : i32
          %mul3A_284 = arith.muli %scan3A_243, %mul3A_283 : i32
          %add3A_285 = arith.constant 4 : i32
          %add3A_286 = arith.addi %mul3A_284, %add3A_285 : i32
          %broadcast_in_dim3A_287 = vector.broadcast %add3A_286 : i32 to vector<16xi32>
          %gather3A_288 = tpu.vector_load_idx %arg11[%add3A_221, %broadcast_in_dim3A_287] : memref<48x128xf32, #tpu.memory_space<vmem>>[vector<16xi32>, vector<16xi32>], vector<16xf32>,
          %gather3A_289 = tpu.vector_load_idx %arg12[%add3A_221, %broadcast_in_dim3A_287] : memref<48x128xf32, #tpu.memory_space<vmem>>[vector<16xi32>, vector<16xi32>], vector<16xf32>,
          %mul3A_290 = arith.mulf %gather3A_288, %gather3A_289 : vector<16xf32>
          %add3A_291 = arith.addf %add3A_255, %mul3A_290 : vector<16xf32>
          %mul3A_292 = arith.constant 8 : i32
          %mul3A_293 = arith.muli %scan3A_243, %mul3A_292 : i32
          %add3A_294 = arith.constant 5 : i32
          %add3A_295 = arith.addi %mul3A_293, %add3A_294 : i32
          %broadcast_in_dim3A_296 = vector.broadcast %add3A_295 : i32 to vector<16xi32>
          %gather3A_297 = tpu.vector_load_idx %arg11[%add3A_221, %broadcast_in_dim3A_296] : memref<48x128xf32, #tpu.memory_space<vmem>>[vector<16xi32>, vector<16xi32>], vector<16xf32>,
          %gather3A_298 = tpu.vector_load_idx %arg12[%add3A_221, %broadcast_in_dim3A_296] : memref<48x128xf32, #tpu.memory_space<vmem>>[vector<16xi32>, vector<16xi32>], vector<16xf32>,
          %mul3A_299 = arith.mulf %gather3A_297, %gather3A_298 : vector<16xf32>
          %add3A_300 = arith.addf %add3A_264, %mul3A_299 : vector<16xf32>
          %mul3A_301 = arith.constant 8 : i32
          %mul3A_302 = arith.muli %scan3A_243, %mul3A_301 : i32
          %add3A_303 = arith.constant 6 : i32
          %add3A_304 = arith.addi %mul3A_302, %add3A_303 : i32
          %broadcast_in_dim3A_305 = vector.broadcast %add3A_304 : i32 to vector<16xi32>
          %gather3A_306 = tpu.vector_load_idx %arg11[%add3A_221, %broadcast_in_dim3A_305] : memref<48x128xf32, #tpu.memory_space<vmem>>[vector<16xi32>, vector<16xi32>], vector<16xf32>,
          %gather3A_307 = tpu.vector_load_idx %arg12[%add3A_221, %broadcast_in_dim3A_305] : memref<48x128xf32, #tpu.memory_space<vmem>>[vector<16xi32>, vector<16xi32>], vector<16xf32>,
          %mul3A_308 = arith.mulf %gather3A_306, %gather3A_307 : vector<16xf32>
          %add3A_309 = arith.addf %add3A_273, %mul3A_308 : vector<16xf32>
          %mul3A_310 = arith.constant 8 : i32
          %mul3A_311 = arith.muli %scan3A_243, %mul3A_310 : i32
          %add3A_312 = arith.constant 7 : i32
          %add3A_313 = arith.addi %mul3A_311, %add3A_312 : i32
          %broadcast_in_dim3A_314 = vector.broadcast %add3A_313 : i32 to vector<16xi32>
          %gather3A_315 = tpu.vector_load_idx %arg11[%add3A_221, %broadcast_in_dim3A_314] : memref<48x128xf32, #tpu.memory_space<vmem>>[vector<16xi32>, vector<16xi32>], vector<16xf32>,
          %gather3A_316 = tpu.vector_load_idx %arg12[%add3A_221, %broadcast_in_dim3A_314] : memref<48x128xf32, #tpu.memory_space<vmem>>[vector<16xi32>, vector<16xi32>], vector<16xf32>,
          %mul3A_317 = arith.mulf %gather3A_315, %gather3A_316 : vector<16xf32>
          %add3A_318 = arith.addf %add3A_282, %mul3A_317 : vector<16xf32>
          scf.yield %add3A_291, %add3A_300, %add3A_309, %add3A_318 : vector<16xf32>, vector<16xf32>, vector<16xf32>, vector<16xf32>
        }
        %scan3A_229 = arith.constant 16 : i32
        %add3A_230 = arith.addf %scan3A_228#0, %scan3A_228#1 : vector<16xf32>
        %add3A_231 = arith.addf %scan3A_228#2, %scan3A_228#3 : vector<16xf32>
        %add3A_232 = arith.addf %add3A_230, %add3A_231 : vector<16xf32>
        %mul3A_233 = arith.constant 0.0883883461 : f32
        %mul3A_234 = vector.broadcast %mul3A_233 : f32 to vector<16xf32>
        %mul3A_235 = arith.mulf %add3A_232, %mul3A_234 : vector<16xf32>
        %exp3A = math.exp %mul3A_235 : vector<16xf32>
        %swap3A = arith.constant 0 : index
        %swap3A_236 = tpu.vector_load %arg21[%swap3A] {strides = array<i32>} : memref<16xf32, #tpu.memory_space<vmem>>, vector<16xf32>,
        tpu.vector_store %arg21[%swap3A], %exp3A {strides = array<i32>} : memref<16xf32, #tpu.memory_space<vmem>>, vector<16xf32>,
        %scan3A_237 = arith.constant 0 : i32
        %scan3A_238 = arith.constant 0 : i32
        %scan3A_239 = arith.constant 16 : i32
        %scan3A_240 = arith.addi %scan3A_238, %scan3A_239 : i32
        %scan3A_241 = arith.constant 1 : i32
        scf.for %scan3A_243 = %scan3A_238 to %scan3A_240 step %scan3A_241  : i32 {
          %broadcast_in_dim3A_244 = vector.broadcast %scan3A_243 : i32 to vector<16xi32>
          %gather3A = tpu.vector_load_idx %arg21[%broadcast_in_dim3A_244] : memref<16xf32, #tpu.memory_space<vmem>>[vector<16xi32>], vector<16xf32>,
          %mul3A_245 = arith.constant 16 : i32
          %mul3A_246 = arith.muli %scan3A_217, %mul3A_245 : i32
          %add3A_247 = arith.addi %mul3A_246, %scan3A_243 : i32
          %broadcast_in_dim3A_248 = vector.broadcast %add3A_247 : i32 to vector<16xi32>
          %gather3A_249 = tpu.vector_load_idx %arg10[%broadcast_in_dim3A_248] : memref<48xi32, #tpu.memory_space<vmem>>[vector<16xi32>], vector<16xi32>,
          %sub3A_250 = vector.broadcast %mul3A_2 : i32 to vector<16xi32>
          %sub3A_251 = arith.subi %gather3A_249, %sub3A_250 : vector<16xi32>
          %add3A_252 = arith.constant 0 : i32
          %add3A_253 = vector.broadcast %add3A_252 : i32 to vector<16xi32>
          %add3A_254 = arith.addi %add3A_253, %iota3A : vector<16xi32>
          %gather3A_255 = tpu.vector_load_idx %arg13[%broadcast_in_dim3A_248, %add3A_254] : memref<48x128xf32, #tpu.memory_space<vmem>>[vector<16xi32>, vector<16xi32>], vector<16xf32>,
          %mul3A_256 = arith.mulf %gather3A, %gather3A_255 : vector<16xf32>
          tpu.vector_store_idx %arg19[%sub3A_251, %add3A_254], %mul3A_256 {add = true} : memref<328x128xf32, #tpu.memory_space<vmem>>[vector<16xi32>, vector<16xi32>], vector<16xf32>,
          %add3A_257 = arith.constant 16 : i32
          %add3A_258 = vector.broadcast %add3A_257 : i32 to vector<16xi32>
          %add3A_259 = arith.addi %add3A_258, %iota3A : vector<16xi32>
          %gather3A_260 = tpu.vector_load_idx %arg13[%broadcast_in_dim3A_248, %add3A_259] : memref<48x128xf32, #tpu.memory_space<vmem>>[vector<16xi32>, vector<16xi32>], vector<16xf32>,
          %mul3A_261 = arith.mulf %gather3A, %gather3A_260 : vector<16xf32>
          tpu.vector_store_idx %arg19[%sub3A_251, %add3A_259], %mul3A_261 {add = true} : memref<328x128xf32, #tpu.memory_space<vmem>>[vector<16xi32>, vector<16xi32>], vector<16xf32>,
          %add3A_262 = arith.constant 32 : i32
          %add3A_263 = vector.broadcast %add3A_262 : i32 to vector<16xi32>
          %add3A_264 = arith.addi %add3A_263, %iota3A : vector<16xi32>
          %gather3A_265 = tpu.vector_load_idx %arg13[%broadcast_in_dim3A_248, %add3A_264] : memref<48x128xf32, #tpu.memory_space<vmem>>[vector<16xi32>, vector<16xi32>], vector<16xf32>,
          %mul3A_266 = arith.mulf %gather3A, %gather3A_265 : vector<16xf32>
          tpu.vector_store_idx %arg19[%sub3A_251, %add3A_264], %mul3A_266 {add = true} : memref<328x128xf32, #tpu.memory_space<vmem>>[vector<16xi32>, vector<16xi32>], vector<16xf32>,
          %add3A_267 = arith.constant 48 : i32
          %add3A_268 = vector.broadcast %add3A_267 : i32 to vector<16xi32>
          %add3A_269 = arith.addi %add3A_268, %iota3A : vector<16xi32>
          %gather3A_270 = tpu.vector_load_idx %arg13[%broadcast_in_dim3A_248, %add3A_269] : memref<48x128xf32, #tpu.memory_space<vmem>>[vector<16xi32>, vector<16xi32>], vector<16xf32>,
          %mul3A_271 = arith.mulf %gather3A, %gather3A_270 : vector<16xf32>
          tpu.vector_store_idx %arg19[%sub3A_251, %add3A_269], %mul3A_271 {add = true} : memref<328x128xf32, #tpu.memory_space<vmem>>[vector<16xi32>, vector<16xi32>], vector<16xf32>,
          %add3A_272 = arith.constant 64 : i32
          %add3A_273 = vector.broadcast %add3A_272 : i32 to vector<16xi32>
          %add3A_274 = arith.addi %add3A_273, %iota3A : vector<16xi32>
          %gather3A_275 = tpu.vector_load_idx %arg13[%broadcast_in_dim3A_248, %add3A_274] : memref<48x128xf32, #tpu.memory_space<vmem>>[vector<16xi32>, vector<16xi32>], vector<16xf32>,
          %mul3A_276 = arith.mulf %gather3A, %gather3A_275 : vector<16xf32>
          tpu.vector_store_idx %arg19[%sub3A_251, %add3A_274], %mul3A_276 {add = true} : memref<328x128xf32, #tpu.memory_space<vmem>>[vector<16xi32>, vector<16xi32>], vector<16xf32>,
          %add3A_277 = arith.constant 80 : i32
          %add3A_278 = vector.broadcast %add3A_277 : i32 to vector<16xi32>
          %add3A_279 = arith.addi %add3A_278, %iota3A : vector<16xi32>
          %gather3A_280 = tpu.vector_load_idx %arg13[%broadcast_in_dim3A_248, %add3A_279] : memref<48x128xf32, #tpu.memory_space<vmem>>[vector<16xi32>, vector<16xi32>], vector<16xf32>,
          %mul3A_281 = arith.mulf %gather3A, %gather3A_280 : vector<16xf32>
          tpu.vector_store_idx %arg19[%sub3A_251, %add3A_279], %mul3A_281 {add = true} : memref<328x128xf32, #tpu.memory_space<vmem>>[vector<16xi32>, vector<16xi32>], vector<16xf32>,
          %add3A_282 = arith.constant 96 : i32
          %add3A_283 = vector.broadcast %add3A_282 : i32 to vector<16xi32>
          %add3A_284 = arith.addi %add3A_283, %iota3A : vector<16xi32>
          %gather3A_285 = tpu.vector_load_idx %arg13[%broadcast_in_dim3A_248, %add3A_284] : memref<48x128xf32, #tpu.memory_space<vmem>>[vector<16xi32>, vector<16xi32>], vector<16xf32>,
          %mul3A_286 = arith.mulf %gather3A, %gather3A_285 : vector<16xf32>
          tpu.vector_store_idx %arg19[%sub3A_251, %add3A_284], %mul3A_286 {add = true} : memref<328x128xf32, #tpu.memory_space<vmem>>[vector<16xi32>, vector<16xi32>], vector<16xf32>,
          %add3A_287 = arith.constant 112 : i32
          %add3A_288 = vector.broadcast %add3A_287 : i32 to vector<16xi32>
          %add3A_289 = arith.addi %add3A_288, %iota3A : vector<16xi32>
          %gather3A_290 = tpu.vector_load_idx %arg13[%broadcast_in_dim3A_248, %add3A_289] : memref<48x128xf32, #tpu.memory_space<vmem>>[vector<16xi32>, vector<16xi32>], vector<16xf32>,
          %mul3A_291 = arith.mulf %gather3A, %gather3A_290 : vector<16xf32>
          tpu.vector_store_idx %arg19[%sub3A_251, %add3A_289], %mul3A_291 {add = true} : memref<328x128xf32, #tpu.memory_space<vmem>>[vector<16xi32>, vector<16xi32>], vector<16xf32>,
          %mul3A_292 = arith.mulf %gather3A, %select_n3A : vector<16xf32>
          tpu.vector_store_idx %arg20[%sub3A_251, %iota3A], %mul3A_292 {add = true} : memref<328x16xf32, #tpu.memory_space<vmem>>[vector<16xi32>, vector<16xi32>], vector<16xf32>,
        }
        %scan3A_242 = arith.constant 16 : i32
      }
      %scan3A_156 = arith.constant 3 : i32
      %mul3A_157 = arith.constant 2 : i32
      %mul3A_158 = arith.muli %mul3A_157, %while3A_128 : i32
      %add3A_159 = arith.constant 2 : i32
      %add3A_160 = arith.addi %mul3A_158, %add3A_159 : i32
      %sub3A_161 = arith.constant 1 : i32
      %sub3A_162 = arith.subi %select_n3A_41, %sub3A_161 : i32
      %min3A_163 = arith.minsi %add3A_160, %sub3A_162 : i32
      %mul3A_164 = arith.constant 48 : i32
      %mul3A_165 = arith.muli %min3A_163, %mul3A_164 : i32
      %add3A_166 = arith.addi %mul3A_45, %mul3A_165 : i32
      %dma_start3A_167 = tpu.memref_slice %arg5[%add3A_166] : memref<798720xi32, #tpu.memory_space<hbm>> -> memref<48xi32, #tpu.memory_space<hbm>>
      %dma_start3A_168 = tpu.memref_slice %arg5[%add3A_166] : memref<798720xi32, #tpu.memory_space<hbm>> -> memref<48xi32, #tpu.memory_space<hbm>>
      tpu.enqueue_dma source(%dma_start3A_168 : memref<48xi32, #tpu.memory_space<hbm>>) target(%arg9 : memref<48xi32, #tpu.memory_space<vmem>>) target_semaphore(%arg23 : memref<!tpu.dma_semaphore, #tpu.memory_space<semaphore_mem>>)
      %add3A_169 = arith.constant 12480 : i32
      %add3A_170 = arith.addi %add3A_166, %add3A_169 : i32
      %dma_start3A_171 = tpu.memref_slice %arg5[%add3A_170] : memref<798720xi32, #tpu.memory_space<hbm>> -> memref<48xi32, #tpu.memory_space<hbm>>
      %dma_start3A_172 = tpu.memref_slice %arg5[%add3A_170] : memref<798720xi32, #tpu.memory_space<hbm>> -> memref<48xi32, #tpu.memory_space<hbm>>
      tpu.enqueue_dma source(%dma_start3A_172 : memref<48xi32, #tpu.memory_space<hbm>>) target(%arg10 : memref<48xi32, #tpu.memory_space<vmem>>) target_semaphore(%arg23 : memref<!tpu.dma_semaphore, #tpu.memory_space<semaphore_mem>>)
      %dma_wait3A_173 = tpu.memref_slice %arg5[%mul3A_45] : memref<798720xi32, #tpu.memory_space<hbm>> -> memref<48xi32, #tpu.memory_space<hbm>>
      %dma_wait3A_174 = tpu.memref_slice %arg5[%mul3A_45] : memref<798720xi32, #tpu.memory_space<hbm>> -> memref<48xi32, #tpu.memory_space<hbm>>
      tpu.wait_dma2 semaphore(%arg23 : memref<!tpu.dma_semaphore, #tpu.memory_space<semaphore_mem>>) src(%dma_wait3A_174 : memref<48xi32, #tpu.memory_space<hbm>>) dst(%arg9 : memref<48xi32, #tpu.memory_space<vmem>>)
      %dma_wait3A_175 = tpu.memref_slice %arg5[%mul3A_45] : memref<798720xi32, #tpu.memory_space<hbm>> -> memref<48xi32, #tpu.memory_space<hbm>>
      %dma_wait3A_176 = tpu.memref_slice %arg5[%mul3A_45] : memref<798720xi32, #tpu.memory_space<hbm>> -> memref<48xi32, #tpu.memory_space<hbm>>
      tpu.wait_dma2 semaphore(%arg23 : memref<!tpu.dma_semaphore, #tpu.memory_space<semaphore_mem>>) src(%dma_wait3A_176 : memref<48xi32, #tpu.memory_space<hbm>>) dst(%arg10 : memref<48xi32, #tpu.memory_space<vmem>>)
      %dma_start3A_177 = arith.constant 0 : i32
      %dma_start3A_178 = arith.constant 0 : i32
      %dma_start3A_179 = tpu.memref_slice %arg2[%dma_start3A_177, %dma_start3A_178] : memref<10248x128xf32, #tpu.memory_space<hbm>> -> memref<10248x128xf32, #tpu.memory_space<hbm>>
      tpu.enqueue_indirect_dma source(%dma_start3A_179 : memref<10248x128xf32, #tpu.memory_space<hbm>>) target(%arg11 : memref<48x128xf32, #tpu.memory_space<vmem>>) offsets(%arg10 : memref<48xi32, #tpu.memory_space<vmem>>) semaphore(%arg25 : memref<!tpu.dma_semaphore, #tpu.memory_space<semaphore_mem>>)
      %dma_start3A_180 = arith.constant 0 : i32
      %dma_start3A_181 = arith.constant 0 : i32
      %dma_start3A_182 = tpu.memref_slice %arg3[%dma_start3A_180, %dma_start3A_181] : memref<10000x128xf32, #tpu.memory_space<hbm>> -> memref<10000x128xf32, #tpu.memory_space<hbm>>
      tpu.enqueue_indirect_dma source(%dma_start3A_182 : memref<10000x128xf32, #tpu.memory_space<hbm>>) target(%arg12 : memref<48x128xf32, #tpu.memory_space<vmem>>) offsets(%arg9 : memref<48xi32, #tpu.memory_space<vmem>>) semaphore(%arg25 : memref<!tpu.dma_semaphore, #tpu.memory_space<semaphore_mem>>)
      %dma_start3A_183 = arith.constant 0 : i32
      %dma_start3A_184 = arith.constant 0 : i32
      %dma_start3A_185 = tpu.memref_slice %arg4[%dma_start3A_183, %dma_start3A_184] : memref<10000x128xf32, #tpu.memory_space<hbm>> -> memref<10000x128xf32, #tpu.memory_space<hbm>>
      tpu.enqueue_indirect_dma source(%dma_start3A_185 : memref<10000x128xf32, #tpu.memory_space<hbm>>) target(%arg13 : memref<48x128xf32, #tpu.memory_space<vmem>>) offsets(%arg9 : memref<48xi32, #tpu.memory_space<vmem>>) semaphore(%arg25 : memref<!tpu.dma_semaphore, #tpu.memory_space<semaphore_mem>>)
      %dma_wait3A_186 = arith.constant 0 : i32
      %dma_wait3A_187 = arith.constant 0 : i32
      %dma_wait3A_188 = tpu.memref_slice %arg2[%dma_wait3A_186, %dma_wait3A_187] : memref<10248x128xf32, #tpu.memory_space<hbm>> -> memref<10248x128xf32, #tpu.memory_space<hbm>>
      tpu.wait_indirect_dma semaphore(%arg26 : memref<!tpu.dma_semaphore, #tpu.memory_space<semaphore_mem>>) src(%dma_wait3A_188 : memref<10248x128xf32, #tpu.memory_space<hbm>>) dst(%arg16 : memref<48x128xf32, #tpu.memory_space<vmem>>)
      %dma_wait3A_189 = arith.constant 0 : i32
      %dma_wait3A_190 = arith.constant 0 : i32
      %dma_wait3A_191 = tpu.memref_slice %arg3[%dma_wait3A_189, %dma_wait3A_190] : memref<10000x128xf32, #tpu.memory_space<hbm>> -> memref<10000x128xf32, #tpu.memory_space<hbm>>
      tpu.wait_indirect_dma semaphore(%arg26 : memref<!tpu.dma_semaphore, #tpu.memory_space<semaphore_mem>>) src(%dma_wait3A_191 : memref<10000x128xf32, #tpu.memory_space<hbm>>) dst(%arg17 : memref<48x128xf32, #tpu.memory_space<vmem>>)
      %dma_wait3A_192 = arith.constant 0 : i32
      %dma_wait3A_193 = arith.constant 0 : i32
      %dma_wait3A_194 = tpu.memref_slice %arg4[%dma_wait3A_192, %dma_wait3A_193] : memref<10000x128xf32, #tpu.memory_space<hbm>> -> memref<10000x128xf32, #tpu.memory_space<hbm>>
      tpu.wait_indirect_dma semaphore(%arg26 : memref<!tpu.dma_semaphore, #tpu.memory_space<semaphore_mem>>) src(%dma_wait3A_194 : memref<10000x128xf32, #tpu.memory_space<hbm>>) dst(%arg18 : memref<48x128xf32, #tpu.memory_space<vmem>>)
      %scan3A_195 = arith.constant 0 : i32
      %scan3A_196 = arith.constant 0 : i32
      %scan3A_197 = arith.constant 3 : i32
      %scan3A_198 = arith.addi %scan3A_196, %scan3A_197 : i32
      %scan3A_199 = arith.constant 1 : i32
      scf.for %scan3A_217 = %scan3A_196 to %scan3A_198 step %scan3A_199  : i32 {
        %mul3A_218 = arith.constant 16 : i32
        %mul3A_219 = arith.muli %scan3A_217, %mul3A_218 : i32
        %add3A_220 = vector.broadcast %mul3A_219 : i32 to vector<16xi32>
        %add3A_221 = arith.addi %add3A_220, %iota3A : vector<16xi32>
        %broadcast_in_dim3A_222 = arith.constant 0.000000e+00 : f32
        %broadcast_in_dim3A_223 = vector.broadcast %broadcast_in_dim3A_222 : f32 to vector<16xf32>
        %scan3A_224 = arith.constant 0 : i32
        %scan3A_225 = arith.constant 16 : i32
        %scan3A_226 = arith.addi %scan3A_224, %scan3A_225 : i32
        %scan3A_227 = arith.constant 1 : i32
        %scan3A_228:4 = scf.for %scan3A_243 = %scan3A_224 to %scan3A_226 step %scan3A_227 iter_args(%scan3A_244 = %broadcast_in_dim3A_223, %scan3A_245 = %broadcast_in_dim3A_223, %scan3A_246 = %broadcast_in_dim3A_223, %scan3A_247 = %broadcast_in_dim3A_223) -> (vector<16xf32>, vector<16xf32>, vector<16xf32>, vector<16xf32>)  : i32 {
          %mul3A_248 = arith.constant 8 : i32
          %mul3A_249 = arith.muli %scan3A_243, %mul3A_248 : i32
          %add3A_250 = arith.constant 0 : i32
          %add3A_251 = arith.addi %mul3A_249, %add3A_250 : i32
          %broadcast_in_dim3A_252 = vector.broadcast %add3A_251 : i32 to vector<16xi32>
          %gather3A = tpu.vector_load_idx %arg16[%add3A_221, %broadcast_in_dim3A_252] : memref<48x128xf32, #tpu.memory_space<vmem>>[vector<16xi32>, vector<16xi32>], vector<16xf32>,
          %gather3A_253 = tpu.vector_load_idx %arg17[%add3A_221, %broadcast_in_dim3A_252] : memref<48x128xf32, #tpu.memory_space<vmem>>[vector<16xi32>, vector<16xi32>], vector<16xf32>,
          %mul3A_254 = arith.mulf %gather3A, %gather3A_253 : vector<16xf32>
          %add3A_255 = arith.addf %scan3A_244, %mul3A_254 : vector<16xf32>
          %mul3A_256 = arith.constant 8 : i32
          %mul3A_257 = arith.muli %scan3A_243, %mul3A_256 : i32
          %add3A_258 = arith.constant 1 : i32
          %add3A_259 = arith.addi %mul3A_257, %add3A_258 : i32
          %broadcast_in_dim3A_260 = vector.broadcast %add3A_259 : i32 to vector<16xi32>
          %gather3A_261 = tpu.vector_load_idx %arg16[%add3A_221, %broadcast_in_dim3A_260] : memref<48x128xf32, #tpu.memory_space<vmem>>[vector<16xi32>, vector<16xi32>], vector<16xf32>,
          %gather3A_262 = tpu.vector_load_idx %arg17[%add3A_221, %broadcast_in_dim3A_260] : memref<48x128xf32, #tpu.memory_space<vmem>>[vector<16xi32>, vector<16xi32>], vector<16xf32>,
          %mul3A_263 = arith.mulf %gather3A_261, %gather3A_262 : vector<16xf32>
          %add3A_264 = arith.addf %scan3A_245, %mul3A_263 : vector<16xf32>
          %mul3A_265 = arith.constant 8 : i32
          %mul3A_266 = arith.muli %scan3A_243, %mul3A_265 : i32
          %add3A_267 = arith.constant 2 : i32
          %add3A_268 = arith.addi %mul3A_266, %add3A_267 : i32
          %broadcast_in_dim3A_269 = vector.broadcast %add3A_268 : i32 to vector<16xi32>
          %gather3A_270 = tpu.vector_load_idx %arg16[%add3A_221, %broadcast_in_dim3A_269] : memref<48x128xf32, #tpu.memory_space<vmem>>[vector<16xi32>, vector<16xi32>], vector<16xf32>,
          %gather3A_271 = tpu.vector_load_idx %arg17[%add3A_221, %broadcast_in_dim3A_269] : memref<48x128xf32, #tpu.memory_space<vmem>>[vector<16xi32>, vector<16xi32>], vector<16xf32>,
          %mul3A_272 = arith.mulf %gather3A_270, %gather3A_271 : vector<16xf32>
          %add3A_273 = arith.addf %scan3A_246, %mul3A_272 : vector<16xf32>
          %mul3A_274 = arith.constant 8 : i32
          %mul3A_275 = arith.muli %scan3A_243, %mul3A_274 : i32
          %add3A_276 = arith.constant 3 : i32
          %add3A_277 = arith.addi %mul3A_275, %add3A_276 : i32
          %broadcast_in_dim3A_278 = vector.broadcast %add3A_277 : i32 to vector<16xi32>
          %gather3A_279 = tpu.vector_load_idx %arg16[%add3A_221, %broadcast_in_dim3A_278] : memref<48x128xf32, #tpu.memory_space<vmem>>[vector<16xi32>, vector<16xi32>], vector<16xf32>,
          %gather3A_280 = tpu.vector_load_idx %arg17[%add3A_221, %broadcast_in_dim3A_278] : memref<48x128xf32, #tpu.memory_space<vmem>>[vector<16xi32>, vector<16xi32>], vector<16xf32>,
          %mul3A_281 = arith.mulf %gather3A_279, %gather3A_280 : vector<16xf32>
          %add3A_282 = arith.addf %scan3A_247, %mul3A_281 : vector<16xf32>
          %mul3A_283 = arith.constant 8 : i32
          %mul3A_284 = arith.muli %scan3A_243, %mul3A_283 : i32
          %add3A_285 = arith.constant 4 : i32
          %add3A_286 = arith.addi %mul3A_284, %add3A_285 : i32
          %broadcast_in_dim3A_287 = vector.broadcast %add3A_286 : i32 to vector<16xi32>
          %gather3A_288 = tpu.vector_load_idx %arg16[%add3A_221, %broadcast_in_dim3A_287] : memref<48x128xf32, #tpu.memory_space<vmem>>[vector<16xi32>, vector<16xi32>], vector<16xf32>,
          %gather3A_289 = tpu.vector_load_idx %arg17[%add3A_221, %broadcast_in_dim3A_287] : memref<48x128xf32, #tpu.memory_space<vmem>>[vector<16xi32>, vector<16xi32>], vector<16xf32>,
          %mul3A_290 = arith.mulf %gather3A_288, %gather3A_289 : vector<16xf32>
          %add3A_291 = arith.addf %add3A_255, %mul3A_290 : vector<16xf32>
          %mul3A_292 = arith.constant 8 : i32
          %mul3A_293 = arith.muli %scan3A_243, %mul3A_292 : i32
          %add3A_294 = arith.constant 5 : i32
          %add3A_295 = arith.addi %mul3A_293, %add3A_294 : i32
          %broadcast_in_dim3A_296 = vector.broadcast %add3A_295 : i32 to vector<16xi32>
          %gather3A_297 = tpu.vector_load_idx %arg16[%add3A_221, %broadcast_in_dim3A_296] : memref<48x128xf32, #tpu.memory_space<vmem>>[vector<16xi32>, vector<16xi32>], vector<16xf32>,
          %gather3A_298 = tpu.vector_load_idx %arg17[%add3A_221, %broadcast_in_dim3A_296] : memref<48x128xf32, #tpu.memory_space<vmem>>[vector<16xi32>, vector<16xi32>], vector<16xf32>,
          %mul3A_299 = arith.mulf %gather3A_297, %gather3A_298 : vector<16xf32>
          %add3A_300 = arith.addf %add3A_264, %mul3A_299 : vector<16xf32>
          %mul3A_301 = arith.constant 8 : i32
          %mul3A_302 = arith.muli %scan3A_243, %mul3A_301 : i32
          %add3A_303 = arith.constant 6 : i32
          %add3A_304 = arith.addi %mul3A_302, %add3A_303 : i32
          %broadcast_in_dim3A_305 = vector.broadcast %add3A_304 : i32 to vector<16xi32>
          %gather3A_306 = tpu.vector_load_idx %arg16[%add3A_221, %broadcast_in_dim3A_305] : memref<48x128xf32, #tpu.memory_space<vmem>>[vector<16xi32>, vector<16xi32>], vector<16xf32>,
          %gather3A_307 = tpu.vector_load_idx %arg17[%add3A_221, %broadcast_in_dim3A_305] : memref<48x128xf32, #tpu.memory_space<vmem>>[vector<16xi32>, vector<16xi32>], vector<16xf32>,
          %mul3A_308 = arith.mulf %gather3A_306, %gather3A_307 : vector<16xf32>
          %add3A_309 = arith.addf %add3A_273, %mul3A_308 : vector<16xf32>
          %mul3A_310 = arith.constant 8 : i32
          %mul3A_311 = arith.muli %scan3A_243, %mul3A_310 : i32
          %add3A_312 = arith.constant 7 : i32
          %add3A_313 = arith.addi %mul3A_311, %add3A_312 : i32
          %broadcast_in_dim3A_314 = vector.broadcast %add3A_313 : i32 to vector<16xi32>
          %gather3A_315 = tpu.vector_load_idx %arg16[%add3A_221, %broadcast_in_dim3A_314] : memref<48x128xf32, #tpu.memory_space<vmem>>[vector<16xi32>, vector<16xi32>], vector<16xf32>,
          %gather3A_316 = tpu.vector_load_idx %arg17[%add3A_221, %broadcast_in_dim3A_314] : memref<48x128xf32, #tpu.memory_space<vmem>>[vector<16xi32>, vector<16xi32>], vector<16xf32>,
          %mul3A_317 = arith.mulf %gather3A_315, %gather3A_316 : vector<16xf32>
          %add3A_318 = arith.addf %add3A_282, %mul3A_317 : vector<16xf32>
          scf.yield %add3A_291, %add3A_300, %add3A_309, %add3A_318 : vector<16xf32>, vector<16xf32>, vector<16xf32>, vector<16xf32>
        }
        %scan3A_229 = arith.constant 16 : i32
        %add3A_230 = arith.addf %scan3A_228#0, %scan3A_228#1 : vector<16xf32>
        %add3A_231 = arith.addf %scan3A_228#2, %scan3A_228#3 : vector<16xf32>
        %add3A_232 = arith.addf %add3A_230, %add3A_231 : vector<16xf32>
        %mul3A_233 = arith.constant 0.0883883461 : f32
        %mul3A_234 = vector.broadcast %mul3A_233 : f32 to vector<16xf32>
        %mul3A_235 = arith.mulf %add3A_232, %mul3A_234 : vector<16xf32>
        %exp3A = math.exp %mul3A_235 : vector<16xf32>
        %swap3A = arith.constant 0 : index
        %swap3A_236 = tpu.vector_load %arg21[%swap3A] {strides = array<i32>} : memref<16xf32, #tpu.memory_space<vmem>>, vector<16xf32>,
        tpu.vector_store %arg21[%swap3A], %exp3A {strides = array<i32>} : memref<16xf32, #tpu.memory_space<vmem>>, vector<16xf32>,
        %scan3A_237 = arith.constant 0 : i32
        %scan3A_238 = arith.constant 0 : i32
        %scan3A_239 = arith.constant 16 : i32
        %scan3A_240 = arith.addi %scan3A_238, %scan3A_239 : i32
        %scan3A_241 = arith.constant 1 : i32
        scf.for %scan3A_243 = %scan3A_238 to %scan3A_240 step %scan3A_241  : i32 {
          %broadcast_in_dim3A_244 = vector.broadcast %scan3A_243 : i32 to vector<16xi32>
          %gather3A = tpu.vector_load_idx %arg21[%broadcast_in_dim3A_244] : memref<16xf32, #tpu.memory_space<vmem>>[vector<16xi32>], vector<16xf32>,
          %mul3A_245 = arith.constant 16 : i32
          %mul3A_246 = arith.muli %scan3A_217, %mul3A_245 : i32
          %add3A_247 = arith.addi %mul3A_246, %scan3A_243 : i32
          %broadcast_in_dim3A_248 = vector.broadcast %add3A_247 : i32 to vector<16xi32>
          %gather3A_249 = tpu.vector_load_idx %arg15[%broadcast_in_dim3A_248] : memref<48xi32, #tpu.memory_space<vmem>>[vector<16xi32>], vector<16xi32>,
          %sub3A_250 = vector.broadcast %mul3A_2 : i32 to vector<16xi32>
          %sub3A_251 = arith.subi %gather3A_249, %sub3A_250 : vector<16xi32>
          %add3A_252 = arith.constant 0 : i32
          %add3A_253 = vector.broadcast %add3A_252 : i32 to vector<16xi32>
          %add3A_254 = arith.addi %add3A_253, %iota3A : vector<16xi32>
          %gather3A_255 = tpu.vector_load_idx %arg18[%broadcast_in_dim3A_248, %add3A_254] : memref<48x128xf32, #tpu.memory_space<vmem>>[vector<16xi32>, vector<16xi32>], vector<16xf32>,
          %mul3A_256 = arith.mulf %gather3A, %gather3A_255 : vector<16xf32>
          tpu.vector_store_idx %arg19[%sub3A_251, %add3A_254], %mul3A_256 {add = true} : memref<328x128xf32, #tpu.memory_space<vmem>>[vector<16xi32>, vector<16xi32>], vector<16xf32>,
          %add3A_257 = arith.constant 16 : i32
          %add3A_258 = vector.broadcast %add3A_257 : i32 to vector<16xi32>
          %add3A_259 = arith.addi %add3A_258, %iota3A : vector<16xi32>
          %gather3A_260 = tpu.vector_load_idx %arg18[%broadcast_in_dim3A_248, %add3A_259] : memref<48x128xf32, #tpu.memory_space<vmem>>[vector<16xi32>, vector<16xi32>], vector<16xf32>,
          %mul3A_261 = arith.mulf %gather3A, %gather3A_260 : vector<16xf32>
          tpu.vector_store_idx %arg19[%sub3A_251, %add3A_259], %mul3A_261 {add = true} : memref<328x128xf32, #tpu.memory_space<vmem>>[vector<16xi32>, vector<16xi32>], vector<16xf32>,
          %add3A_262 = arith.constant 32 : i32
          %add3A_263 = vector.broadcast %add3A_262 : i32 to vector<16xi32>
          %add3A_264 = arith.addi %add3A_263, %iota3A : vector<16xi32>
          %gather3A_265 = tpu.vector_load_idx %arg18[%broadcast_in_dim3A_248, %add3A_264] : memref<48x128xf32, #tpu.memory_space<vmem>>[vector<16xi32>, vector<16xi32>], vector<16xf32>,
          %mul3A_266 = arith.mulf %gather3A, %gather3A_265 : vector<16xf32>
          tpu.vector_store_idx %arg19[%sub3A_251, %add3A_264], %mul3A_266 {add = true} : memref<328x128xf32, #tpu.memory_space<vmem>>[vector<16xi32>, vector<16xi32>], vector<16xf32>,
          %add3A_267 = arith.constant 48 : i32
          %add3A_268 = vector.broadcast %add3A_267 : i32 to vector<16xi32>
          %add3A_269 = arith.addi %add3A_268, %iota3A : vector<16xi32>
          %gather3A_270 = tpu.vector_load_idx %arg18[%broadcast_in_dim3A_248, %add3A_269] : memref<48x128xf32, #tpu.memory_space<vmem>>[vector<16xi32>, vector<16xi32>], vector<16xf32>,
          %mul3A_271 = arith.mulf %gather3A, %gather3A_270 : vector<16xf32>
          tpu.vector_store_idx %arg19[%sub3A_251, %add3A_269], %mul3A_271 {add = true} : memref<328x128xf32, #tpu.memory_space<vmem>>[vector<16xi32>, vector<16xi32>], vector<16xf32>,
          %add3A_272 = arith.constant 64 : i32
          %add3A_273 = vector.broadcast %add3A_272 : i32 to vector<16xi32>
          %add3A_274 = arith.addi %add3A_273, %iota3A : vector<16xi32>
          %gather3A_275 = tpu.vector_load_idx %arg18[%broadcast_in_dim3A_248, %add3A_274] : memref<48x128xf32, #tpu.memory_space<vmem>>[vector<16xi32>, vector<16xi32>], vector<16xf32>,
          %mul3A_276 = arith.mulf %gather3A, %gather3A_275 : vector<16xf32>
          tpu.vector_store_idx %arg19[%sub3A_251, %add3A_274], %mul3A_276 {add = true} : memref<328x128xf32, #tpu.memory_space<vmem>>[vector<16xi32>, vector<16xi32>], vector<16xf32>,
          %add3A_277 = arith.constant 80 : i32
          %add3A_278 = vector.broadcast %add3A_277 : i32 to vector<16xi32>
          %add3A_279 = arith.addi %add3A_278, %iota3A : vector<16xi32>
          %gather3A_280 = tpu.vector_load_idx %arg18[%broadcast_in_dim3A_248, %add3A_279] : memref<48x128xf32, #tpu.memory_space<vmem>>[vector<16xi32>, vector<16xi32>], vector<16xf32>,
          %mul3A_281 = arith.mulf %gather3A, %gather3A_280 : vector<16xf32>
          tpu.vector_store_idx %arg19[%sub3A_251, %add3A_279], %mul3A_281 {add = true} : memref<328x128xf32, #tpu.memory_space<vmem>>[vector<16xi32>, vector<16xi32>], vector<16xf32>,
          %add3A_282 = arith.constant 96 : i32
          %add3A_283 = vector.broadcast %add3A_282 : i32 to vector<16xi32>
          %add3A_284 = arith.addi %add3A_283, %iota3A : vector<16xi32>
          %gather3A_285 = tpu.vector_load_idx %arg18[%broadcast_in_dim3A_248, %add3A_284] : memref<48x128xf32, #tpu.memory_space<vmem>>[vector<16xi32>, vector<16xi32>], vector<16xf32>,
          %mul3A_286 = arith.mulf %gather3A, %gather3A_285 : vector<16xf32>
          tpu.vector_store_idx %arg19[%sub3A_251, %add3A_284], %mul3A_286 {add = true} : memref<328x128xf32, #tpu.memory_space<vmem>>[vector<16xi32>, vector<16xi32>], vector<16xf32>,
          %add3A_287 = arith.constant 112 : i32
          %add3A_288 = vector.broadcast %add3A_287 : i32 to vector<16xi32>
          %add3A_289 = arith.addi %add3A_288, %iota3A : vector<16xi32>
          %gather3A_290 = tpu.vector_load_idx %arg18[%broadcast_in_dim3A_248, %add3A_289] : memref<48x128xf32, #tpu.memory_space<vmem>>[vector<16xi32>, vector<16xi32>], vector<16xf32>,
          %mul3A_291 = arith.mulf %gather3A, %gather3A_290 : vector<16xf32>
          tpu.vector_store_idx %arg19[%sub3A_251, %add3A_289], %mul3A_291 {add = true} : memref<328x128xf32, #tpu.memory_space<vmem>>[vector<16xi32>, vector<16xi32>], vector<16xf32>,
          %mul3A_292 = arith.mulf %gather3A, %select_n3A : vector<16xf32>
          tpu.vector_store_idx %arg20[%sub3A_251, %iota3A], %mul3A_292 {add = true} : memref<328x16xf32, #tpu.memory_space<vmem>>[vector<16xi32>, vector<16xi32>], vector<16xf32>,
        }
        %scan3A_242 = arith.constant 16 : i32
      }
      %scan3A_200 = arith.constant 3 : i32
      %mul3A_201 = arith.constant 2 : i32
      %mul3A_202 = arith.muli %mul3A_201, %while3A_128 : i32
      %add3A_203 = arith.constant 3 : i32
      %add3A_204 = arith.addi %mul3A_202, %add3A_203 : i32
      %sub3A_205 = arith.constant 1 : i32
      %sub3A_206 = arith.subi %select_n3A_41, %sub3A_205 : i32
      %min3A_207 = arith.minsi %add3A_204, %sub3A_206 : i32
      %mul3A_208 = arith.constant 48 : i32
      %mul3A_209 = arith.muli %min3A_207, %mul3A_208 : i32
      %add3A_210 = arith.addi %mul3A_45, %mul3A_209 : i32
      %dma_start3A_211 = tpu.memref_slice %arg5[%add3A_210] : memref<798720xi32, #tpu.memory_space<hbm>> -> memref<48xi32, #tpu.memory_space<hbm>>
      %dma_start3A_212 = tpu.memref_slice %arg5[%add3A_210] : memref<798720xi32, #tpu.memory_space<hbm>> -> memref<48xi32, #tpu.memory_space<hbm>>
      tpu.enqueue_dma source(%dma_start3A_212 : memref<48xi32, #tpu.memory_space<hbm>>) target(%arg14 : memref<48xi32, #tpu.memory_space<vmem>>) target_semaphore(%arg24 : memref<!tpu.dma_semaphore, #tpu.memory_space<semaphore_mem>>)
      %add3A_213 = arith.constant 12480 : i32
      %add3A_214 = arith.addi %add3A_210, %add3A_213 : i32
      %dma_start3A_215 = tpu.memref_slice %arg5[%add3A_214] : memref<798720xi32, #tpu.memory_space<hbm>> -> memref<48xi32, #tpu.memory_space<hbm>>
      %dma_start3A_216 = tpu.memref_slice %arg5[%add3A_214] : memref<798720xi32, #tpu.memory_space<hbm>> -> memref<48xi32, #tpu.memory_space<hbm>>
      tpu.enqueue_dma source(%dma_start3A_216 : memref<48xi32, #tpu.memory_space<hbm>>) target(%arg15 : memref<48xi32, #tpu.memory_space<vmem>>) target_semaphore(%arg24 : memref<!tpu.dma_semaphore, #tpu.memory_space<semaphore_mem>>)
    }
    %while3A_114 = arith.constant 1 : i32
    scf.for %while3A_128 = %while3A_112 to %while3A_108 step %while3A_114  : i32 {
      %dma_wait3A_129 = tpu.memref_slice %arg5[%mul3A_45] : memref<798720xi32, #tpu.memory_space<hbm>> -> memref<48xi32, #tpu.memory_space<hbm>>
      %dma_wait3A_130 = tpu.memref_slice %arg5[%mul3A_45] : memref<798720xi32, #tpu.memory_space<hbm>> -> memref<48xi32, #tpu.memory_space<hbm>>
      tpu.wait_dma2 semaphore(%arg24 : memref<!tpu.dma_semaphore, #tpu.memory_space<semaphore_mem>>) src(%dma_wait3A_130 : memref<48xi32, #tpu.memory_space<hbm>>) dst(%arg14 : memref<48xi32, #tpu.memory_space<vmem>>)
      %dma_wait3A_131 = tpu.memref_slice %arg5[%mul3A_45] : memref<798720xi32, #tpu.memory_space<hbm>> -> memref<48xi32, #tpu.memory_space<hbm>>
      %dma_wait3A_132 = tpu.memref_slice %arg5[%mul3A_45] : memref<798720xi32, #tpu.memory_space<hbm>> -> memref<48xi32, #tpu.memory_space<hbm>>
      tpu.wait_dma2 semaphore(%arg24 : memref<!tpu.dma_semaphore, #tpu.memory_space<semaphore_mem>>) src(%dma_wait3A_132 : memref<48xi32, #tpu.memory_space<hbm>>) dst(%arg15 : memref<48xi32, #tpu.memory_space<vmem>>)
      %dma_start3A_133 = arith.constant 0 : i32
      %dma_start3A_134 = arith.constant 0 : i32
      %dma_start3A_135 = tpu.memref_slice %arg2[%dma_start3A_133, %dma_start3A_134] : memref<10248x128xf32, #tpu.memory_space<hbm>> -> memref<10248x128xf32, #tpu.memory_space<hbm>>
      tpu.enqueue_indirect_dma source(%dma_start3A_135 : memref<10248x128xf32, #tpu.memory_space<hbm>>) target(%arg16 : memref<48x128xf32, #tpu.memory_space<vmem>>) offsets(%arg15 : memref<48xi32, #tpu.memory_space<vmem>>) semaphore(%arg26 : memref<!tpu.dma_semaphore, #tpu.memory_space<semaphore_mem>>)
      %dma_start3A_136 = arith.constant 0 : i32
      %dma_start3A_137 = arith.constant 0 : i32
      %dma_start3A_138 = tpu.memref_slice %arg3[%dma_start3A_136, %dma_start3A_137] : memref<10000x128xf32, #tpu.memory_space<hbm>> -> memref<10000x128xf32, #tpu.memory_space<hbm>>
      tpu.enqueue_indirect_dma source(%dma_start3A_138 : memref<10000x128xf32, #tpu.memory_space<hbm>>) target(%arg17 : memref<48x128xf32, #tpu.memory_space<vmem>>) offsets(%arg14 : memref<48xi32, #tpu.memory_space<vmem>>) semaphore(%arg26 : memref<!tpu.dma_semaphore, #tpu.memory_space<semaphore_mem>>)
      %dma_start3A_139 = arith.constant 0 : i32
      %dma_start3A_140 = arith.constant 0 : i32
      %dma_start3A_141 = tpu.memref_slice %arg4[%dma_start3A_139, %dma_start3A_140] : memref<10000x128xf32, #tpu.memory_space<hbm>> -> memref<10000x128xf32, #tpu.memory_space<hbm>>
      tpu.enqueue_indirect_dma source(%dma_start3A_141 : memref<10000x128xf32, #tpu.memory_space<hbm>>) target(%arg18 : memref<48x128xf32, #tpu.memory_space<vmem>>) offsets(%arg14 : memref<48xi32, #tpu.memory_space<vmem>>) semaphore(%arg26 : memref<!tpu.dma_semaphore, #tpu.memory_space<semaphore_mem>>)
      %dma_wait3A_142 = arith.constant 0 : i32
      %dma_wait3A_143 = arith.constant 0 : i32
      %dma_wait3A_144 = tpu.memref_slice %arg2[%dma_wait3A_142, %dma_wait3A_143] : memref<10248x128xf32, #tpu.memory_space<hbm>> -> memref<10248x128xf32, #tpu.memory_space<hbm>>
      tpu.wait_indirect_dma semaphore(%arg25 : memref<!tpu.dma_semaphore, #tpu.memory_space<semaphore_mem>>) src(%dma_wait3A_144 : memref<10248x128xf32, #tpu.memory_space<hbm>>) dst(%arg11 : memref<48x128xf32, #tpu.memory_space<vmem>>)
      %dma_wait3A_145 = arith.constant 0 : i32
      %dma_wait3A_146 = arith.constant 0 : i32
      %dma_wait3A_147 = tpu.memref_slice %arg3[%dma_wait3A_145, %dma_wait3A_146] : memref<10000x128xf32, #tpu.memory_space<hbm>> -> memref<10000x128xf32, #tpu.memory_space<hbm>>
      tpu.wait_indirect_dma semaphore(%arg25 : memref<!tpu.dma_semaphore, #tpu.memory_space<semaphore_mem>>) src(%dma_wait3A_147 : memref<10000x128xf32, #tpu.memory_space<hbm>>) dst(%arg12 : memref<48x128xf32, #tpu.memory_space<vmem>>)
      %dma_wait3A_148 = arith.constant 0 : i32
      %dma_wait3A_149 = arith.constant 0 : i32
      %dma_wait3A_150 = tpu.memref_slice %arg4[%dma_wait3A_148, %dma_wait3A_149] : memref<10000x128xf32, #tpu.memory_space<hbm>> -> memref<10000x128xf32, #tpu.memory_space<hbm>>
      tpu.wait_indirect_dma semaphore(%arg25 : memref<!tpu.dma_semaphore, #tpu.memory_space<semaphore_mem>>) src(%dma_wait3A_150 : memref<10000x128xf32, #tpu.memory_space<hbm>>) dst(%arg13 : memref<48x128xf32, #tpu.memory_space<vmem>>)
      %scan3A_151 = arith.constant 0 : i32
      %scan3A_152 = arith.constant 0 : i32
      %scan3A_153 = arith.constant 3 : i32
      %scan3A_154 = arith.addi %scan3A_152, %scan3A_153 : i32
      %scan3A_155 = arith.constant 1 : i32
      scf.for %scan3A_217 = %scan3A_152 to %scan3A_154 step %scan3A_155  : i32 {
        %mul3A_218 = arith.constant 16 : i32
        %mul3A_219 = arith.muli %scan3A_217, %mul3A_218 : i32
        %add3A_220 = vector.broadcast %mul3A_219 : i32 to vector<16xi32>
        %add3A_221 = arith.addi %add3A_220, %iota3A : vector<16xi32>
        %broadcast_in_dim3A_222 = arith.constant 0.000000e+00 : f32
        %broadcast_in_dim3A_223 = vector.broadcast %broadcast_in_dim3A_222 : f32 to vector<16xf32>
        %scan3A_224 = arith.constant 0 : i32
        %scan3A_225 = arith.constant 16 : i32
        %scan3A_226 = arith.addi %scan3A_224, %scan3A_225 : i32
        %scan3A_227 = arith.constant 1 : i32
        %scan3A_228:4 = scf.for %scan3A_243 = %scan3A_224 to %scan3A_226 step %scan3A_227 iter_args(%scan3A_244 = %broadcast_in_dim3A_223, %scan3A_245 = %broadcast_in_dim3A_223, %scan3A_246 = %broadcast_in_dim3A_223, %scan3A_247 = %broadcast_in_dim3A_223) -> (vector<16xf32>, vector<16xf32>, vector<16xf32>, vector<16xf32>)  : i32 {
          %mul3A_248 = arith.constant 8 : i32
          %mul3A_249 = arith.muli %scan3A_243, %mul3A_248 : i32
          %add3A_250 = arith.constant 0 : i32
          %add3A_251 = arith.addi %mul3A_249, %add3A_250 : i32
          %broadcast_in_dim3A_252 = vector.broadcast %add3A_251 : i32 to vector<16xi32>
          %gather3A = tpu.vector_load_idx %arg11[%add3A_221, %broadcast_in_dim3A_252] : memref<48x128xf32, #tpu.memory_space<vmem>>[vector<16xi32>, vector<16xi32>], vector<16xf32>,
          %gather3A_253 = tpu.vector_load_idx %arg12[%add3A_221, %broadcast_in_dim3A_252] : memref<48x128xf32, #tpu.memory_space<vmem>>[vector<16xi32>, vector<16xi32>], vector<16xf32>,
          %mul3A_254 = arith.mulf %gather3A, %gather3A_253 : vector<16xf32>
          %add3A_255 = arith.addf %scan3A_244, %mul3A_254 : vector<16xf32>
          %mul3A_256 = arith.constant 8 : i32
          %mul3A_257 = arith.muli %scan3A_243, %mul3A_256 : i32
          %add3A_258 = arith.constant 1 : i32
          %add3A_259 = arith.addi %mul3A_257, %add3A_258 : i32
          %broadcast_in_dim3A_260 = vector.broadcast %add3A_259 : i32 to vector<16xi32>
          %gather3A_261 = tpu.vector_load_idx %arg11[%add3A_221, %broadcast_in_dim3A_260] : memref<48x128xf32, #tpu.memory_space<vmem>>[vector<16xi32>, vector<16xi32>], vector<16xf32>,
          %gather3A_262 = tpu.vector_load_idx %arg12[%add3A_221, %broadcast_in_dim3A_260] : memref<48x128xf32, #tpu.memory_space<vmem>>[vector<16xi32>, vector<16xi32>], vector<16xf32>,
          %mul3A_263 = arith.mulf %gather3A_261, %gather3A_262 : vector<16xf32>
          %add3A_264 = arith.addf %scan3A_245, %mul3A_263 : vector<16xf32>
          %mul3A_265 = arith.constant 8 : i32
          %mul3A_266 = arith.muli %scan3A_243, %mul3A_265 : i32
          %add3A_267 = arith.constant 2 : i32
          %add3A_268 = arith.addi %mul3A_266, %add3A_267 : i32
          %broadcast_in_dim3A_269 = vector.broadcast %add3A_268 : i32 to vector<16xi32>
          %gather3A_270 = tpu.vector_load_idx %arg11[%add3A_221, %broadcast_in_dim3A_269] : memref<48x128xf32, #tpu.memory_space<vmem>>[vector<16xi32>, vector<16xi32>], vector<16xf32>,
          %gather3A_271 = tpu.vector_load_idx %arg12[%add3A_221, %broadcast_in_dim3A_269] : memref<48x128xf32, #tpu.memory_space<vmem>>[vector<16xi32>, vector<16xi32>], vector<16xf32>,
          %mul3A_272 = arith.mulf %gather3A_270, %gather3A_271 : vector<16xf32>
          %add3A_273 = arith.addf %scan3A_246, %mul3A_272 : vector<16xf32>
          %mul3A_274 = arith.constant 8 : i32
          %mul3A_275 = arith.muli %scan3A_243, %mul3A_274 : i32
          %add3A_276 = arith.constant 3 : i32
          %add3A_277 = arith.addi %mul3A_275, %add3A_276 : i32
          %broadcast_in_dim3A_278 = vector.broadcast %add3A_277 : i32 to vector<16xi32>
          %gather3A_279 = tpu.vector_load_idx %arg11[%add3A_221, %broadcast_in_dim3A_278] : memref<48x128xf32, #tpu.memory_space<vmem>>[vector<16xi32>, vector<16xi32>], vector<16xf32>,
          %gather3A_280 = tpu.vector_load_idx %arg12[%add3A_221, %broadcast_in_dim3A_278] : memref<48x128xf32, #tpu.memory_space<vmem>>[vector<16xi32>, vector<16xi32>], vector<16xf32>,
          %mul3A_281 = arith.mulf %gather3A_279, %gather3A_280 : vector<16xf32>
          %add3A_282 = arith.addf %scan3A_247, %mul3A_281 : vector<16xf32>
          %mul3A_283 = arith.constant 8 : i32
          %mul3A_284 = arith.muli %scan3A_243, %mul3A_283 : i32
          %add3A_285 = arith.constant 4 : i32
          %add3A_286 = arith.addi %mul3A_284, %add3A_285 : i32
          %broadcast_in_dim3A_287 = vector.broadcast %add3A_286 : i32 to vector<16xi32>
          %gather3A_288 = tpu.vector_load_idx %arg11[%add3A_221, %broadcast_in_dim3A_287] : memref<48x128xf32, #tpu.memory_space<vmem>>[vector<16xi32>, vector<16xi32>], vector<16xf32>,
          %gather3A_289 = tpu.vector_load_idx %arg12[%add3A_221, %broadcast_in_dim3A_287] : memref<48x128xf32, #tpu.memory_space<vmem>>[vector<16xi32>, vector<16xi32>], vector<16xf32>,
          %mul3A_290 = arith.mulf %gather3A_288, %gather3A_289 : vector<16xf32>
          %add3A_291 = arith.addf %add3A_255, %mul3A_290 : vector<16xf32>
          %mul3A_292 = arith.constant 8 : i32
          %mul3A_293 = arith.muli %scan3A_243, %mul3A_292 : i32
          %add3A_294 = arith.constant 5 : i32
          %add3A_295 = arith.addi %mul3A_293, %add3A_294 : i32
          %broadcast_in_dim3A_296 = vector.broadcast %add3A_295 : i32 to vector<16xi32>
          %gather3A_297 = tpu.vector_load_idx %arg11[%add3A_221, %broadcast_in_dim3A_296] : memref<48x128xf32, #tpu.memory_space<vmem>>[vector<16xi32>, vector<16xi32>], vector<16xf32>,
          %gather3A_298 = tpu.vector_load_idx %arg12[%add3A_221, %broadcast_in_dim3A_296] : memref<48x128xf32, #tpu.memory_space<vmem>>[vector<16xi32>, vector<16xi32>], vector<16xf32>,
          %mul3A_299 = arith.mulf %gather3A_297, %gather3A_298 : vector<16xf32>
          %add3A_300 = arith.addf %add3A_264, %mul3A_299 : vector<16xf32>
          %mul3A_301 = arith.constant 8 : i32
          %mul3A_302 = arith.muli %scan3A_243, %mul3A_301 : i32
          %add3A_303 = arith.constant 6 : i32
          %add3A_304 = arith.addi %mul3A_302, %add3A_303 : i32
          %broadcast_in_dim3A_305 = vector.broadcast %add3A_304 : i32 to vector<16xi32>
          %gather3A_306 = tpu.vector_load_idx %arg11[%add3A_221, %broadcast_in_dim3A_305] : memref<48x128xf32, #tpu.memory_space<vmem>>[vector<16xi32>, vector<16xi32>], vector<16xf32>,
          %gather3A_307 = tpu.vector_load_idx %arg12[%add3A_221, %broadcast_in_dim3A_305] : memref<48x128xf32, #tpu.memory_space<vmem>>[vector<16xi32>, vector<16xi32>], vector<16xf32>,
          %mul3A_308 = arith.mulf %gather3A_306, %gather3A_307 : vector<16xf32>
          %add3A_309 = arith.addf %add3A_273, %mul3A_308 : vector<16xf32>
          %mul3A_310 = arith.constant 8 : i32
          %mul3A_311 = arith.muli %scan3A_243, %mul3A_310 : i32
          %add3A_312 = arith.constant 7 : i32
          %add3A_313 = arith.addi %mul3A_311, %add3A_312 : i32
          %broadcast_in_dim3A_314 = vector.broadcast %add3A_313 : i32 to vector<16xi32>
          %gather3A_315 = tpu.vector_load_idx %arg11[%add3A_221, %broadcast_in_dim3A_314] : memref<48x128xf32, #tpu.memory_space<vmem>>[vector<16xi32>, vector<16xi32>], vector<16xf32>,
          %gather3A_316 = tpu.vector_load_idx %arg12[%add3A_221, %broadcast_in_dim3A_314] : memref<48x128xf32, #tpu.memory_space<vmem>>[vector<16xi32>, vector<16xi32>], vector<16xf32>,
          %mul3A_317 = arith.mulf %gather3A_315, %gather3A_316 : vector<16xf32>
          %add3A_318 = arith.addf %add3A_282, %mul3A_317 : vector<16xf32>
          scf.yield %add3A_291, %add3A_300, %add3A_309, %add3A_318 : vector<16xf32>, vector<16xf32>, vector<16xf32>, vector<16xf32>
        }
        %scan3A_229 = arith.constant 16 : i32
        %add3A_230 = arith.addf %scan3A_228#0, %scan3A_228#1 : vector<16xf32>
        %add3A_231 = arith.addf %scan3A_228#2, %scan3A_228#3 : vector<16xf32>
        %add3A_232 = arith.addf %add3A_230, %add3A_231 : vector<16xf32>
        %mul3A_233 = arith.constant 0.0883883461 : f32
        %mul3A_234 = vector.broadcast %mul3A_233 : f32 to vector<16xf32>
        %mul3A_235 = arith.mulf %add3A_232, %mul3A_234 : vector<16xf32>
        %exp3A = math.exp %mul3A_235 : vector<16xf32>
        %swap3A = arith.constant 0 : index
        %swap3A_236 = tpu.vector_load %arg21[%swap3A] {strides = array<i32>} : memref<16xf32, #tpu.memory_space<vmem>>, vector<16xf32>,
        tpu.vector_store %arg21[%swap3A], %exp3A {strides = array<i32>} : memref<16xf32, #tpu.memory_space<vmem>>, vector<16xf32>,
        %scan3A_237 = arith.constant 0 : i32
        %scan3A_238 = arith.constant 0 : i32
        %scan3A_239 = arith.constant 16 : i32
        %scan3A_240 = arith.addi %scan3A_238, %scan3A_239 : i32
        %scan3A_241 = arith.constant 1 : i32
        scf.for %scan3A_243 = %scan3A_238 to %scan3A_240 step %scan3A_241  : i32 {
          %broadcast_in_dim3A_244 = vector.broadcast %scan3A_243 : i32 to vector<16xi32>
          %gather3A = tpu.vector_load_idx %arg21[%broadcast_in_dim3A_244] : memref<16xf32, #tpu.memory_space<vmem>>[vector<16xi32>], vector<16xf32>,
          %mul3A_245 = arith.constant 16 : i32
          %mul3A_246 = arith.muli %scan3A_217, %mul3A_245 : i32
          %add3A_247 = arith.addi %mul3A_246, %scan3A_243 : i32
          %broadcast_in_dim3A_248 = vector.broadcast %add3A_247 : i32 to vector<16xi32>
          %gather3A_249 = tpu.vector_load_idx %arg10[%broadcast_in_dim3A_248] : memref<48xi32, #tpu.memory_space<vmem>>[vector<16xi32>], vector<16xi32>,
          %sub3A_250 = vector.broadcast %mul3A_2 : i32 to vector<16xi32>
          %sub3A_251 = arith.subi %gather3A_249, %sub3A_250 : vector<16xi32>
          %add3A_252 = arith.constant 0 : i32
          %add3A_253 = vector.broadcast %add3A_252 : i32 to vector<16xi32>
          %add3A_254 = arith.addi %add3A_253, %iota3A : vector<16xi32>
          %gather3A_255 = tpu.vector_load_idx %arg13[%broadcast_in_dim3A_248, %add3A_254] : memref<48x128xf32, #tpu.memory_space<vmem>>[vector<16xi32>, vector<16xi32>], vector<16xf32>,
          %mul3A_256 = arith.mulf %gather3A, %gather3A_255 : vector<16xf32>
          tpu.vector_store_idx %arg19[%sub3A_251, %add3A_254], %mul3A_256 {add = true} : memref<328x128xf32, #tpu.memory_space<vmem>>[vector<16xi32>, vector<16xi32>], vector<16xf32>,
          %add3A_257 = arith.constant 16 : i32
          %add3A_258 = vector.broadcast %add3A_257 : i32 to vector<16xi32>
          %add3A_259 = arith.addi %add3A_258, %iota3A : vector<16xi32>
          %gather3A_260 = tpu.vector_load_idx %arg13[%broadcast_in_dim3A_248, %add3A_259] : memref<48x128xf32, #tpu.memory_space<vmem>>[vector<16xi32>, vector<16xi32>], vector<16xf32>,
          %mul3A_261 = arith.mulf %gather3A, %gather3A_260 : vector<16xf32>
          tpu.vector_store_idx %arg19[%sub3A_251, %add3A_259], %mul3A_261 {add = true} : memref<328x128xf32, #tpu.memory_space<vmem>>[vector<16xi32>, vector<16xi32>], vector<16xf32>,
          %add3A_262 = arith.constant 32 : i32
          %add3A_263 = vector.broadcast %add3A_262 : i32 to vector<16xi32>
          %add3A_264 = arith.addi %add3A_263, %iota3A : vector<16xi32>
          %gather3A_265 = tpu.vector_load_idx %arg13[%broadcast_in_dim3A_248, %add3A_264] : memref<48x128xf32, #tpu.memory_space<vmem>>[vector<16xi32>, vector<16xi32>], vector<16xf32>,
          %mul3A_266 = arith.mulf %gather3A, %gather3A_265 : vector<16xf32>
          tpu.vector_store_idx %arg19[%sub3A_251, %add3A_264], %mul3A_266 {add = true} : memref<328x128xf32, #tpu.memory_space<vmem>>[vector<16xi32>, vector<16xi32>], vector<16xf32>,
          %add3A_267 = arith.constant 48 : i32
          %add3A_268 = vector.broadcast %add3A_267 : i32 to vector<16xi32>
          %add3A_269 = arith.addi %add3A_268, %iota3A : vector<16xi32>
          %gather3A_270 = tpu.vector_load_idx %arg13[%broadcast_in_dim3A_248, %add3A_269] : memref<48x128xf32, #tpu.memory_space<vmem>>[vector<16xi32>, vector<16xi32>], vector<16xf32>,
          %mul3A_271 = arith.mulf %gather3A, %gather3A_270 : vector<16xf32>
          tpu.vector_store_idx %arg19[%sub3A_251, %add3A_269], %mul3A_271 {add = true} : memref<328x128xf32, #tpu.memory_space<vmem>>[vector<16xi32>, vector<16xi32>], vector<16xf32>,
          %add3A_272 = arith.constant 64 : i32
          %add3A_273 = vector.broadcast %add3A_272 : i32 to vector<16xi32>
          %add3A_274 = arith.addi %add3A_273, %iota3A : vector<16xi32>
          %gather3A_275 = tpu.vector_load_idx %arg13[%broadcast_in_dim3A_248, %add3A_274] : memref<48x128xf32, #tpu.memory_space<vmem>>[vector<16xi32>, vector<16xi32>], vector<16xf32>,
          %mul3A_276 = arith.mulf %gather3A, %gather3A_275 : vector<16xf32>
          tpu.vector_store_idx %arg19[%sub3A_251, %add3A_274], %mul3A_276 {add = true} : memref<328x128xf32, #tpu.memory_space<vmem>>[vector<16xi32>, vector<16xi32>], vector<16xf32>,
          %add3A_277 = arith.constant 80 : i32
          %add3A_278 = vector.broadcast %add3A_277 : i32 to vector<16xi32>
          %add3A_279 = arith.addi %add3A_278, %iota3A : vector<16xi32>
          %gather3A_280 = tpu.vector_load_idx %arg13[%broadcast_in_dim3A_248, %add3A_279] : memref<48x128xf32, #tpu.memory_space<vmem>>[vector<16xi32>, vector<16xi32>], vector<16xf32>,
          %mul3A_281 = arith.mulf %gather3A, %gather3A_280 : vector<16xf32>
          tpu.vector_store_idx %arg19[%sub3A_251, %add3A_279], %mul3A_281 {add = true} : memref<328x128xf32, #tpu.memory_space<vmem>>[vector<16xi32>, vector<16xi32>], vector<16xf32>,
          %add3A_282 = arith.constant 96 : i32
          %add3A_283 = vector.broadcast %add3A_282 : i32 to vector<16xi32>
          %add3A_284 = arith.addi %add3A_283, %iota3A : vector<16xi32>
          %gather3A_285 = tpu.vector_load_idx %arg13[%broadcast_in_dim3A_248, %add3A_284] : memref<48x128xf32, #tpu.memory_space<vmem>>[vector<16xi32>, vector<16xi32>], vector<16xf32>,
          %mul3A_286 = arith.mulf %gather3A, %gather3A_285 : vector<16xf32>
          tpu.vector_store_idx %arg19[%sub3A_251, %add3A_284], %mul3A_286 {add = true} : memref<328x128xf32, #tpu.memory_space<vmem>>[vector<16xi32>, vector<16xi32>], vector<16xf32>,
          %add3A_287 = arith.constant 112 : i32
          %add3A_288 = vector.broadcast %add3A_287 : i32 to vector<16xi32>
          %add3A_289 = arith.addi %add3A_288, %iota3A : vector<16xi32>
          %gather3A_290 = tpu.vector_load_idx %arg13[%broadcast_in_dim3A_248, %add3A_289] : memref<48x128xf32, #tpu.memory_space<vmem>>[vector<16xi32>, vector<16xi32>], vector<16xf32>,
          %mul3A_291 = arith.mulf %gather3A, %gather3A_290 : vector<16xf32>
          tpu.vector_store_idx %arg19[%sub3A_251, %add3A_289], %mul3A_291 {add = true} : memref<328x128xf32, #tpu.memory_space<vmem>>[vector<16xi32>, vector<16xi32>], vector<16xf32>,
          %mul3A_292 = arith.mulf %gather3A, %select_n3A : vector<16xf32>
          tpu.vector_store_idx %arg20[%sub3A_251, %iota3A], %mul3A_292 {add = true} : memref<328x16xf32, #tpu.memory_space<vmem>>[vector<16xi32>, vector<16xi32>], vector<16xf32>,
        }
        %scan3A_242 = arith.constant 16 : i32
      }
      %scan3A_156 = arith.constant 3 : i32
      %mul3A_157 = arith.constant 2 : i32
      %mul3A_158 = arith.muli %mul3A_157, %while3A_128 : i32
      %add3A_159 = arith.constant 2 : i32
      %add3A_160 = arith.addi %mul3A_158, %add3A_159 : i32
      %sub3A_161 = arith.constant 1 : i32
      %sub3A_162 = arith.subi %select_n3A_41, %sub3A_161 : i32
      %min3A_163 = arith.minsi %add3A_160, %sub3A_162 : i32
      %mul3A_164 = arith.constant 48 : i32
      %mul3A_165 = arith.muli %min3A_163, %mul3A_164 : i32
      %add3A_166 = arith.addi %mul3A_45, %mul3A_165 : i32
      %dma_start3A_167 = tpu.memref_slice %arg5[%add3A_166] : memref<798720xi32, #tpu.memory_space<hbm>> -> memref<48xi32, #tpu.memory_space<hbm>>
      %dma_start3A_168 = tpu.memref_slice %arg5[%add3A_166] : memref<798720xi32, #tpu.memory_space<hbm>> -> memref<48xi32, #tpu.memory_space<hbm>>
      tpu.enqueue_dma source(%dma_start3A_168 : memref<48xi32, #tpu.memory_space<hbm>>) target(%arg9 : memref<48xi32, #tpu.memory_space<vmem>>) target_semaphore(%arg23 : memref<!tpu.dma_semaphore, #tpu.memory_space<semaphore_mem>>)
      %add3A_169 = arith.constant 12480 : i32
      %add3A_170 = arith.addi %add3A_166, %add3A_169 : i32
      %dma_start3A_171 = tpu.memref_slice %arg5[%add3A_170] : memref<798720xi32, #tpu.memory_space<hbm>> -> memref<48xi32, #tpu.memory_space<hbm>>
      %dma_start3A_172 = tpu.memref_slice %arg5[%add3A_170] : memref<798720xi32, #tpu.memory_space<hbm>> -> memref<48xi32, #tpu.memory_space<hbm>>
      tpu.enqueue_dma source(%dma_start3A_172 : memref<48xi32, #tpu.memory_space<hbm>>) target(%arg10 : memref<48xi32, #tpu.memory_space<vmem>>) target_semaphore(%arg23 : memref<!tpu.dma_semaphore, #tpu.memory_space<semaphore_mem>>)
      %dma_wait3A_173 = tpu.memref_slice %arg5[%mul3A_45] : memref<798720xi32, #tpu.memory_space<hbm>> -> memref<48xi32, #tpu.memory_space<hbm>>
      %dma_wait3A_174 = tpu.memref_slice %arg5[%mul3A_45] : memref<798720xi32, #tpu.memory_space<hbm>> -> memref<48xi32, #tpu.memory_space<hbm>>
      tpu.wait_dma2 semaphore(%arg23 : memref<!tpu.dma_semaphore, #tpu.memory_space<semaphore_mem>>) src(%dma_wait3A_174 : memref<48xi32, #tpu.memory_space<hbm>>) dst(%arg9 : memref<48xi32, #tpu.memory_space<vmem>>)
      %dma_wait3A_175 = tpu.memref_slice %arg5[%mul3A_45] : memref<798720xi32, #tpu.memory_space<hbm>> -> memref<48xi32, #tpu.memory_space<hbm>>
      %dma_wait3A_176 = tpu.memref_slice %arg5[%mul3A_45] : memref<798720xi32, #tpu.memory_space<hbm>> -> memref<48xi32, #tpu.memory_space<hbm>>
      tpu.wait_dma2 semaphore(%arg23 : memref<!tpu.dma_semaphore, #tpu.memory_space<semaphore_mem>>) src(%dma_wait3A_176 : memref<48xi32, #tpu.memory_space<hbm>>) dst(%arg10 : memref<48xi32, #tpu.memory_space<vmem>>)
      %dma_start3A_177 = arith.constant 0 : i32
      %dma_start3A_178 = arith.constant 0 : i32
      %dma_start3A_179 = tpu.memref_slice %arg2[%dma_start3A_177, %dma_start3A_178] : memref<10248x128xf32, #tpu.memory_space<hbm>> -> memref<10248x128xf32, #tpu.memory_space<hbm>>
      tpu.enqueue_indirect_dma source(%dma_start3A_179 : memref<10248x128xf32, #tpu.memory_space<hbm>>) target(%arg11 : memref<48x128xf32, #tpu.memory_space<vmem>>) offsets(%arg10 : memref<48xi32, #tpu.memory_space<vmem>>) semaphore(%arg25 : memref<!tpu.dma_semaphore, #tpu.memory_space<semaphore_mem>>)
      %dma_start3A_180 = arith.constant 0 : i32
      %dma_start3A_181 = arith.constant 0 : i32
      %dma_start3A_182 = tpu.memref_slice %arg3[%dma_start3A_180, %dma_start3A_181] : memref<10000x128xf32, #tpu.memory_space<hbm>> -> memref<10000x128xf32, #tpu.memory_space<hbm>>
      tpu.enqueue_indirect_dma source(%dma_start3A_182 : memref<10000x128xf32, #tpu.memory_space<hbm>>) target(%arg12 : memref<48x128xf32, #tpu.memory_space<vmem>>) offsets(%arg9 : memref<48xi32, #tpu.memory_space<vmem>>) semaphore(%arg25 : memref<!tpu.dma_semaphore, #tpu.memory_space<semaphore_mem>>)
      %dma_start3A_183 = arith.constant 0 : i32
      %dma_start3A_184 = arith.constant 0 : i32
      %dma_start3A_185 = tpu.memref_slice %arg4[%dma_start3A_183, %dma_start3A_184] : memref<10000x128xf32, #tpu.memory_space<hbm>> -> memref<10000x128xf32, #tpu.memory_space<hbm>>
      tpu.enqueue_indirect_dma source(%dma_start3A_185 : memref<10000x128xf32, #tpu.memory_space<hbm>>) target(%arg13 : memref<48x128xf32, #tpu.memory_space<vmem>>) offsets(%arg9 : memref<48xi32, #tpu.memory_space<vmem>>) semaphore(%arg25 : memref<!tpu.dma_semaphore, #tpu.memory_space<semaphore_mem>>)
      %dma_wait3A_186 = arith.constant 0 : i32
      %dma_wait3A_187 = arith.constant 0 : i32
      %dma_wait3A_188 = tpu.memref_slice %arg2[%dma_wait3A_186, %dma_wait3A_187] : memref<10248x128xf32, #tpu.memory_space<hbm>> -> memref<10248x128xf32, #tpu.memory_space<hbm>>
      tpu.wait_indirect_dma semaphore(%arg26 : memref<!tpu.dma_semaphore, #tpu.memory_space<semaphore_mem>>) src(%dma_wait3A_188 : memref<10248x128xf32, #tpu.memory_space<hbm>>) dst(%arg16 : memref<48x128xf32, #tpu.memory_space<vmem>>)
      %dma_wait3A_189 = arith.constant 0 : i32
      %dma_wait3A_190 = arith.constant 0 : i32
      %dma_wait3A_191 = tpu.memref_slice %arg3[%dma_wait3A_189, %dma_wait3A_190] : memref<10000x128xf32, #tpu.memory_space<hbm>> -> memref<10000x128xf32, #tpu.memory_space<hbm>>
      tpu.wait_indirect_dma semaphore(%arg26 : memref<!tpu.dma_semaphore, #tpu.memory_space<semaphore_mem>>) src(%dma_wait3A_191 : memref<10000x128xf32, #tpu.memory_space<hbm>>) dst(%arg17 : memref<48x128xf32, #tpu.memory_space<vmem>>)
      %dma_wait3A_192 = arith.constant 0 : i32
      %dma_wait3A_193 = arith.constant 0 : i32
      %dma_wait3A_194 = tpu.memref_slice %arg4[%dma_wait3A_192, %dma_wait3A_193] : memref<10000x128xf32, #tpu.memory_space<hbm>> -> memref<10000x128xf32, #tpu.memory_space<hbm>>
      tpu.wait_indirect_dma semaphore(%arg26 : memref<!tpu.dma_semaphore, #tpu.memory_space<semaphore_mem>>) src(%dma_wait3A_194 : memref<10000x128xf32, #tpu.memory_space<hbm>>) dst(%arg18 : memref<48x128xf32, #tpu.memory_space<vmem>>)
      %scan3A_195 = arith.constant 0 : i32
      %scan3A_196 = arith.constant 0 : i32
      %scan3A_197 = arith.constant 3 : i32
      %scan3A_198 = arith.addi %scan3A_196, %scan3A_197 : i32
      %scan3A_199 = arith.constant 1 : i32
      scf.for %scan3A_217 = %scan3A_196 to %scan3A_198 step %scan3A_199  : i32 {
        %mul3A_218 = arith.constant 16 : i32
        %mul3A_219 = arith.muli %scan3A_217, %mul3A_218 : i32
        %add3A_220 = vector.broadcast %mul3A_219 : i32 to vector<16xi32>
        %add3A_221 = arith.addi %add3A_220, %iota3A : vector<16xi32>
        %broadcast_in_dim3A_222 = arith.constant 0.000000e+00 : f32
        %broadcast_in_dim3A_223 = vector.broadcast %broadcast_in_dim3A_222 : f32 to vector<16xf32>
        %scan3A_224 = arith.constant 0 : i32
        %scan3A_225 = arith.constant 16 : i32
        %scan3A_226 = arith.addi %scan3A_224, %scan3A_225 : i32
        %scan3A_227 = arith.constant 1 : i32
        %scan3A_228:4 = scf.for %scan3A_243 = %scan3A_224 to %scan3A_226 step %scan3A_227 iter_args(%scan3A_244 = %broadcast_in_dim3A_223, %scan3A_245 = %broadcast_in_dim3A_223, %scan3A_246 = %broadcast_in_dim3A_223, %scan3A_247 = %broadcast_in_dim3A_223) -> (vector<16xf32>, vector<16xf32>, vector<16xf32>, vector<16xf32>)  : i32 {
          %mul3A_248 = arith.constant 8 : i32
          %mul3A_249 = arith.muli %scan3A_243, %mul3A_248 : i32
          %add3A_250 = arith.constant 0 : i32
          %add3A_251 = arith.addi %mul3A_249, %add3A_250 : i32
          %broadcast_in_dim3A_252 = vector.broadcast %add3A_251 : i32 to vector<16xi32>
          %gather3A = tpu.vector_load_idx %arg16[%add3A_221, %broadcast_in_dim3A_252] : memref<48x128xf32, #tpu.memory_space<vmem>>[vector<16xi32>, vector<16xi32>], vector<16xf32>,
          %gather3A_253 = tpu.vector_load_idx %arg17[%add3A_221, %broadcast_in_dim3A_252] : memref<48x128xf32, #tpu.memory_space<vmem>>[vector<16xi32>, vector<16xi32>], vector<16xf32>,
          %mul3A_254 = arith.mulf %gather3A, %gather3A_253 : vector<16xf32>
          %add3A_255 = arith.addf %scan3A_244, %mul3A_254 : vector<16xf32>
          %mul3A_256 = arith.constant 8 : i32
          %mul3A_257 = arith.muli %scan3A_243, %mul3A_256 : i32
          %add3A_258 = arith.constant 1 : i32
          %add3A_259 = arith.addi %mul3A_257, %add3A_258 : i32
          %broadcast_in_dim3A_260 = vector.broadcast %add3A_259 : i32 to vector<16xi32>
          %gather3A_261 = tpu.vector_load_idx %arg16[%add3A_221, %broadcast_in_dim3A_260] : memref<48x128xf32, #tpu.memory_space<vmem>>[vector<16xi32>, vector<16xi32>], vector<16xf32>,
          %gather3A_262 = tpu.vector_load_idx %arg17[%add3A_221, %broadcast_in_dim3A_260] : memref<48x128xf32, #tpu.memory_space<vmem>>[vector<16xi32>, vector<16xi32>], vector<16xf32>,
          %mul3A_263 = arith.mulf %gather3A_261, %gather3A_262 : vector<16xf32>
          %add3A_264 = arith.addf %scan3A_245, %mul3A_263 : vector<16xf32>
          %mul3A_265 = arith.constant 8 : i32
          %mul3A_266 = arith.muli %scan3A_243, %mul3A_265 : i32
          %add3A_267 = arith.constant 2 : i32
          %add3A_268 = arith.addi %mul3A_266, %add3A_267 : i32
          %broadcast_in_dim3A_269 = vector.broadcast %add3A_268 : i32 to vector<16xi32>
          %gather3A_270 = tpu.vector_load_idx %arg16[%add3A_221, %broadcast_in_dim3A_269] : memref<48x128xf32, #tpu.memory_space<vmem>>[vector<16xi32>, vector<16xi32>], vector<16xf32>,
          %gather3A_271 = tpu.vector_load_idx %arg17[%add3A_221, %broadcast_in_dim3A_269] : memref<48x128xf32, #tpu.memory_space<vmem>>[vector<16xi32>, vector<16xi32>], vector<16xf32>,
          %mul3A_272 = arith.mulf %gather3A_270, %gather3A_271 : vector<16xf32>
          %add3A_273 = arith.addf %scan3A_246, %mul3A_272 : vector<16xf32>
          %mul3A_274 = arith.constant 8 : i32
          %mul3A_275 = arith.muli %scan3A_243, %mul3A_274 : i32
          %add3A_276 = arith.constant 3 : i32
          %add3A_277 = arith.addi %mul3A_275, %add3A_276 : i32
          %broadcast_in_dim3A_278 = vector.broadcast %add3A_277 : i32 to vector<16xi32>
          %gather3A_279 = tpu.vector_load_idx %arg16[%add3A_221, %broadcast_in_dim3A_278] : memref<48x128xf32, #tpu.memory_space<vmem>>[vector<16xi32>, vector<16xi32>], vector<16xf32>,
          %gather3A_280 = tpu.vector_load_idx %arg17[%add3A_221, %broadcast_in_dim3A_278] : memref<48x128xf32, #tpu.memory_space<vmem>>[vector<16xi32>, vector<16xi32>], vector<16xf32>,
          %mul3A_281 = arith.mulf %gather3A_279, %gather3A_280 : vector<16xf32>
          %add3A_282 = arith.addf %scan3A_247, %mul3A_281 : vector<16xf32>
          %mul3A_283 = arith.constant 8 : i32
          %mul3A_284 = arith.muli %scan3A_243, %mul3A_283 : i32
          %add3A_285 = arith.constant 4 : i32
          %add3A_286 = arith.addi %mul3A_284, %add3A_285 : i32
          %broadcast_in_dim3A_287 = vector.broadcast %add3A_286 : i32 to vector<16xi32>
          %gather3A_288 = tpu.vector_load_idx %arg16[%add3A_221, %broadcast_in_dim3A_287] : memref<48x128xf32, #tpu.memory_space<vmem>>[vector<16xi32>, vector<16xi32>], vector<16xf32>,
          %gather3A_289 = tpu.vector_load_idx %arg17[%add3A_221, %broadcast_in_dim3A_287] : memref<48x128xf32, #tpu.memory_space<vmem>>[vector<16xi32>, vector<16xi32>], vector<16xf32>,
          %mul3A_290 = arith.mulf %gather3A_288, %gather3A_289 : vector<16xf32>
          %add3A_291 = arith.addf %add3A_255, %mul3A_290 : vector<16xf32>
          %mul3A_292 = arith.constant 8 : i32
          %mul3A_293 = arith.muli %scan3A_243, %mul3A_292 : i32
          %add3A_294 = arith.constant 5 : i32
          %add3A_295 = arith.addi %mul3A_293, %add3A_294 : i32
          %broadcast_in_dim3A_296 = vector.broadcast %add3A_295 : i32 to vector<16xi32>
          %gather3A_297 = tpu.vector_load_idx %arg16[%add3A_221, %broadcast_in_dim3A_296] : memref<48x128xf32, #tpu.memory_space<vmem>>[vector<16xi32>, vector<16xi32>], vector<16xf32>,
          %gather3A_298 = tpu.vector_load_idx %arg17[%add3A_221, %broadcast_in_dim3A_296] : memref<48x128xf32, #tpu.memory_space<vmem>>[vector<16xi32>, vector<16xi32>], vector<16xf32>,
          %mul3A_299 = arith.mulf %gather3A_297, %gather3A_298 : vector<16xf32>
          %add3A_300 = arith.addf %add3A_264, %mul3A_299 : vector<16xf32>
          %mul3A_301 = arith.constant 8 : i32
          %mul3A_302 = arith.muli %scan3A_243, %mul3A_301 : i32
          %add3A_303 = arith.constant 6 : i32
          %add3A_304 = arith.addi %mul3A_302, %add3A_303 : i32
          %broadcast_in_dim3A_305 = vector.broadcast %add3A_304 : i32 to vector<16xi32>
          %gather3A_306 = tpu.vector_load_idx %arg16[%add3A_221, %broadcast_in_dim3A_305] : memref<48x128xf32, #tpu.memory_space<vmem>>[vector<16xi32>, vector<16xi32>], vector<16xf32>,
          %gather3A_307 = tpu.vector_load_idx %arg17[%add3A_221, %broadcast_in_dim3A_305] : memref<48x128xf32, #tpu.memory_space<vmem>>[vector<16xi32>, vector<16xi32>], vector<16xf32>,
          %mul3A_308 = arith.mulf %gather3A_306, %gather3A_307 : vector<16xf32>
          %add3A_309 = arith.addf %add3A_273, %mul3A_308 : vector<16xf32>
          %mul3A_310 = arith.constant 8 : i32
          %mul3A_311 = arith.muli %scan3A_243, %mul3A_310 : i32
          %add3A_312 = arith.constant 7 : i32
          %add3A_313 = arith.addi %mul3A_311, %add3A_312 : i32
          %broadcast_in_dim3A_314 = vector.broadcast %add3A_313 : i32 to vector<16xi32>
          %gather3A_315 = tpu.vector_load_idx %arg16[%add3A_221, %broadcast_in_dim3A_314] : memref<48x128xf32, #tpu.memory_space<vmem>>[vector<16xi32>, vector<16xi32>], vector<16xf32>,
          %gather3A_316 = tpu.vector_load_idx %arg17[%add3A_221, %broadcast_in_dim3A_314] : memref<48x128xf32, #tpu.memory_space<vmem>>[vector<16xi32>, vector<16xi32>], vector<16xf32>,
          %mul3A_317 = arith.mulf %gather3A_315, %gather3A_316 : vector<16xf32>
          %add3A_318 = arith.addf %add3A_282, %mul3A_317 : vector<16xf32>
          scf.yield %add3A_291, %add3A_300, %add3A_309, %add3A_318 : vector<16xf32>, vector<16xf32>, vector<16xf32>, vector<16xf32>
        }
        %scan3A_229 = arith.constant 16 : i32
        %add3A_230 = arith.addf %scan3A_228#0, %scan3A_228#1 : vector<16xf32>
        %add3A_231 = arith.addf %scan3A_228#2, %scan3A_228#3 : vector<16xf32>
        %add3A_232 = arith.addf %add3A_230, %add3A_231 : vector<16xf32>
        %mul3A_233 = arith.constant 0.0883883461 : f32
        %mul3A_234 = vector.broadcast %mul3A_233 : f32 to vector<16xf32>
        %mul3A_235 = arith.mulf %add3A_232, %mul3A_234 : vector<16xf32>
        %exp3A = math.exp %mul3A_235 : vector<16xf32>
        %swap3A = arith.constant 0 : index
        %swap3A_236 = tpu.vector_load %arg21[%swap3A] {strides = array<i32>} : memref<16xf32, #tpu.memory_space<vmem>>, vector<16xf32>,
        tpu.vector_store %arg21[%swap3A], %exp3A {strides = array<i32>} : memref<16xf32, #tpu.memory_space<vmem>>, vector<16xf32>,
        %scan3A_237 = arith.constant 0 : i32
        %scan3A_238 = arith.constant 0 : i32
        %scan3A_239 = arith.constant 16 : i32
        %scan3A_240 = arith.addi %scan3A_238, %scan3A_239 : i32
        %scan3A_241 = arith.constant 1 : i32
        scf.for %scan3A_243 = %scan3A_238 to %scan3A_240 step %scan3A_241  : i32 {
          %broadcast_in_dim3A_244 = vector.broadcast %scan3A_243 : i32 to vector<16xi32>
          %gather3A = tpu.vector_load_idx %arg21[%broadcast_in_dim3A_244] : memref<16xf32, #tpu.memory_space<vmem>>[vector<16xi32>], vector<16xf32>,
          %mul3A_245 = arith.constant 16 : i32
          %mul3A_246 = arith.muli %scan3A_217, %mul3A_245 : i32
          %add3A_247 = arith.addi %mul3A_246, %scan3A_243 : i32
          %broadcast_in_dim3A_248 = vector.broadcast %add3A_247 : i32 to vector<16xi32>
          %gather3A_249 = tpu.vector_load_idx %arg15[%broadcast_in_dim3A_248] : memref<48xi32, #tpu.memory_space<vmem>>[vector<16xi32>], vector<16xi32>,
          %sub3A_250 = vector.broadcast %mul3A_2 : i32 to vector<16xi32>
          %sub3A_251 = arith.subi %gather3A_249, %sub3A_250 : vector<16xi32>
          %add3A_252 = arith.constant 0 : i32
          %add3A_253 = vector.broadcast %add3A_252 : i32 to vector<16xi32>
          %add3A_254 = arith.addi %add3A_253, %iota3A : vector<16xi32>
          %gather3A_255 = tpu.vector_load_idx %arg18[%broadcast_in_dim3A_248, %add3A_254] : memref<48x128xf32, #tpu.memory_space<vmem>>[vector<16xi32>, vector<16xi32>], vector<16xf32>,
          %mul3A_256 = arith.mulf %gather3A, %gather3A_255 : vector<16xf32>
          tpu.vector_store_idx %arg19[%sub3A_251, %add3A_254], %mul3A_256 {add = true} : memref<328x128xf32, #tpu.memory_space<vmem>>[vector<16xi32>, vector<16xi32>], vector<16xf32>,
          %add3A_257 = arith.constant 16 : i32
          %add3A_258 = vector.broadcast %add3A_257 : i32 to vector<16xi32>
          %add3A_259 = arith.addi %add3A_258, %iota3A : vector<16xi32>
          %gather3A_260 = tpu.vector_load_idx %arg18[%broadcast_in_dim3A_248, %add3A_259] : memref<48x128xf32, #tpu.memory_space<vmem>>[vector<16xi32>, vector<16xi32>], vector<16xf32>,
          %mul3A_261 = arith.mulf %gather3A, %gather3A_260 : vector<16xf32>
          tpu.vector_store_idx %arg19[%sub3A_251, %add3A_259], %mul3A_261 {add = true} : memref<328x128xf32, #tpu.memory_space<vmem>>[vector<16xi32>, vector<16xi32>], vector<16xf32>,
          %add3A_262 = arith.constant 32 : i32
          %add3A_263 = vector.broadcast %add3A_262 : i32 to vector<16xi32>
          %add3A_264 = arith.addi %add3A_263, %iota3A : vector<16xi32>
          %gather3A_265 = tpu.vector_load_idx %arg18[%broadcast_in_dim3A_248, %add3A_264] : memref<48x128xf32, #tpu.memory_space<vmem>>[vector<16xi32>, vector<16xi32>], vector<16xf32>,
          %mul3A_266 = arith.mulf %gather3A, %gather3A_265 : vector<16xf32>
          tpu.vector_store_idx %arg19[%sub3A_251, %add3A_264], %mul3A_266 {add = true} : memref<328x128xf32, #tpu.memory_space<vmem>>[vector<16xi32>, vector<16xi32>], vector<16xf32>,
          %add3A_267 = arith.constant 48 : i32
          %add3A_268 = vector.broadcast %add3A_267 : i32 to vector<16xi32>
          %add3A_269 = arith.addi %add3A_268, %iota3A : vector<16xi32>
          %gather3A_270 = tpu.vector_load_idx %arg18[%broadcast_in_dim3A_248, %add3A_269] : memref<48x128xf32, #tpu.memory_space<vmem>>[vector<16xi32>, vector<16xi32>], vector<16xf32>,
          %mul3A_271 = arith.mulf %gather3A, %gather3A_270 : vector<16xf32>
          tpu.vector_store_idx %arg19[%sub3A_251, %add3A_269], %mul3A_271 {add = true} : memref<328x128xf32, #tpu.memory_space<vmem>>[vector<16xi32>, vector<16xi32>], vector<16xf32>,
          %add3A_272 = arith.constant 64 : i32
          %add3A_273 = vector.broadcast %add3A_272 : i32 to vector<16xi32>
          %add3A_274 = arith.addi %add3A_273, %iota3A : vector<16xi32>
          %gather3A_275 = tpu.vector_load_idx %arg18[%broadcast_in_dim3A_248, %add3A_274] : memref<48x128xf32, #tpu.memory_space<vmem>>[vector<16xi32>, vector<16xi32>], vector<16xf32>,
          %mul3A_276 = arith.mulf %gather3A, %gather3A_275 : vector<16xf32>
          tpu.vector_store_idx %arg19[%sub3A_251, %add3A_274], %mul3A_276 {add = true} : memref<328x128xf32, #tpu.memory_space<vmem>>[vector<16xi32>, vector<16xi32>], vector<16xf32>,
          %add3A_277 = arith.constant 80 : i32
          %add3A_278 = vector.broadcast %add3A_277 : i32 to vector<16xi32>
          %add3A_279 = arith.addi %add3A_278, %iota3A : vector<16xi32>
          %gather3A_280 = tpu.vector_load_idx %arg18[%broadcast_in_dim3A_248, %add3A_279] : memref<48x128xf32, #tpu.memory_space<vmem>>[vector<16xi32>, vector<16xi32>], vector<16xf32>,
          %mul3A_281 = arith.mulf %gather3A, %gather3A_280 : vector<16xf32>
          tpu.vector_store_idx %arg19[%sub3A_251, %add3A_279], %mul3A_281 {add = true} : memref<328x128xf32, #tpu.memory_space<vmem>>[vector<16xi32>, vector<16xi32>], vector<16xf32>,
          %add3A_282 = arith.constant 96 : i32
          %add3A_283 = vector.broadcast %add3A_282 : i32 to vector<16xi32>
          %add3A_284 = arith.addi %add3A_283, %iota3A : vector<16xi32>
          %gather3A_285 = tpu.vector_load_idx %arg18[%broadcast_in_dim3A_248, %add3A_284] : memref<48x128xf32, #tpu.memory_space<vmem>>[vector<16xi32>, vector<16xi32>], vector<16xf32>,
          %mul3A_286 = arith.mulf %gather3A, %gather3A_285 : vector<16xf32>
          tpu.vector_store_idx %arg19[%sub3A_251, %add3A_284], %mul3A_286 {add = true} : memref<328x128xf32, #tpu.memory_space<vmem>>[vector<16xi32>, vector<16xi32>], vector<16xf32>,
          %add3A_287 = arith.constant 112 : i32
          %add3A_288 = vector.broadcast %add3A_287 : i32 to vector<16xi32>
          %add3A_289 = arith.addi %add3A_288, %iota3A : vector<16xi32>
          %gather3A_290 = tpu.vector_load_idx %arg18[%broadcast_in_dim3A_248, %add3A_289] : memref<48x128xf32, #tpu.memory_space<vmem>>[vector<16xi32>, vector<16xi32>], vector<16xf32>,
          %mul3A_291 = arith.mulf %gather3A, %gather3A_290 : vector<16xf32>
          tpu.vector_store_idx %arg19[%sub3A_251, %add3A_289], %mul3A_291 {add = true} : memref<328x128xf32, #tpu.memory_space<vmem>>[vector<16xi32>, vector<16xi32>], vector<16xf32>,
          %mul3A_292 = arith.mulf %gather3A, %select_n3A : vector<16xf32>
          tpu.vector_store_idx %arg20[%sub3A_251, %iota3A], %mul3A_292 {add = true} : memref<328x16xf32, #tpu.memory_space<vmem>>[vector<16xi32>, vector<16xi32>], vector<16xf32>,
        }
        %scan3A_242 = arith.constant 16 : i32
      }
      %scan3A_200 = arith.constant 3 : i32
      %mul3A_201 = arith.constant 2 : i32
      %mul3A_202 = arith.muli %mul3A_201, %while3A_128 : i32
      %add3A_203 = arith.constant 3 : i32
      %add3A_204 = arith.addi %mul3A_202, %add3A_203 : i32
      %sub3A_205 = arith.constant 1 : i32
      %sub3A_206 = arith.subi %select_n3A_41, %sub3A_205 : i32
      %min3A_207 = arith.minsi %add3A_204, %sub3A_206 : i32
      %mul3A_208 = arith.constant 48 : i32
      %mul3A_209 = arith.muli %min3A_207, %mul3A_208 : i32
      %add3A_210 = arith.addi %mul3A_45, %mul3A_209 : i32
      %dma_start3A_211 = tpu.memref_slice %arg5[%add3A_210] : memref<798720xi32, #tpu.memory_space<hbm>> -> memref<48xi32, #tpu.memory_space<hbm>>
      %dma_start3A_212 = tpu.memref_slice %arg5[%add3A_210] : memref<798720xi32, #tpu.memory_space<hbm>> -> memref<48xi32, #tpu.memory_space<hbm>>
      tpu.enqueue_dma source(%dma_start3A_212 : memref<48xi32, #tpu.memory_space<hbm>>) target(%arg14 : memref<48xi32, #tpu.memory_space<vmem>>) target_semaphore(%arg24 : memref<!tpu.dma_semaphore, #tpu.memory_space<semaphore_mem>>)
      %add3A_213 = arith.constant 12480 : i32
      %add3A_214 = arith.addi %add3A_210, %add3A_213 : i32
      %dma_start3A_215 = tpu.memref_slice %arg5[%add3A_214] : memref<798720xi32, #tpu.memory_space<hbm>> -> memref<48xi32, #tpu.memory_space<hbm>>
      %dma_start3A_216 = tpu.memref_slice %arg5[%add3A_214] : memref<798720xi32, #tpu.memory_space<hbm>> -> memref<48xi32, #tpu.memory_space<hbm>>
      tpu.enqueue_dma source(%dma_start3A_216 : memref<48xi32, #tpu.memory_space<hbm>>) target(%arg15 : memref<48xi32, #tpu.memory_space<vmem>>) target_semaphore(%arg24 : memref<!tpu.dma_semaphore, #tpu.memory_space<semaphore_mem>>)
    }
    %dma_wait3A_115 = arith.constant 0 : i32
    %dma_wait3A_116 = arith.constant 0 : i32
    %dma_wait3A_117 = tpu.memref_slice %arg2[%dma_wait3A_115, %dma_wait3A_116] : memref<10248x128xf32, #tpu.memory_space<hbm>> -> memref<10248x128xf32, #tpu.memory_space<hbm>>
    tpu.wait_indirect_dma semaphore(%arg25 : memref<!tpu.dma_semaphore, #tpu.memory_space<semaphore_mem>>) src(%dma_wait3A_117 : memref<10248x128xf32, #tpu.memory_space<hbm>>) dst(%arg11 : memref<48x128xf32, #tpu.memory_space<vmem>>)
    %dma_wait3A_118 = arith.constant 0 : i32
    %dma_wait3A_119 = arith.constant 0 : i32
    %dma_wait3A_120 = tpu.memref_slice %arg3[%dma_wait3A_118, %dma_wait3A_119] : memref<10000x128xf32, #tpu.memory_space<hbm>> -> memref<10000x128xf32, #tpu.memory_space<hbm>>
    tpu.wait_indirect_dma semaphore(%arg25 : memref<!tpu.dma_semaphore, #tpu.memory_space<semaphore_mem>>) src(%dma_wait3A_120 : memref<10000x128xf32, #tpu.memory_space<hbm>>) dst(%arg12 : memref<48x128xf32, #tpu.memory_space<vmem>>)
    %dma_wait3A_121 = arith.constant 0 : i32
    %dma_wait3A_122 = arith.constant 0 : i32
    %dma_wait3A_123 = tpu.memref_slice %arg4[%dma_wait3A_121, %dma_wait3A_122] : memref<10000x128xf32, #tpu.memory_space<hbm>> -> memref<10000x128xf32, #tpu.memory_space<hbm>>
    tpu.wait_indirect_dma semaphore(%arg25 : memref<!tpu.dma_semaphore, #tpu.memory_space<semaphore_mem>>) src(%dma_wait3A_123 : memref<10000x128xf32, #tpu.memory_space<hbm>>) dst(%arg13 : memref<48x128xf32, #tpu.memory_space<vmem>>)
    %dma_wait3A_124 = tpu.memref_slice %arg5[%mul3A_45] : memref<798720xi32, #tpu.memory_space<hbm>> -> memref<48xi32, #tpu.memory_space<hbm>>
    %dma_wait3A_125 = tpu.memref_slice %arg5[%mul3A_45] : memref<798720xi32, #tpu.memory_space<hbm>> -> memref<48xi32, #tpu.memory_space<hbm>>
    tpu.wait_dma2 semaphore(%arg24 : memref<!tpu.dma_semaphore, #tpu.memory_space<semaphore_mem>>) src(%dma_wait3A_125 : memref<48xi32, #tpu.memory_space<hbm>>) dst(%arg14 : memref<48xi32, #tpu.memory_space<vmem>>)
    %dma_wait3A_126 = tpu.memref_slice %arg5[%mul3A_45] : memref<798720xi32, #tpu.memory_space<hbm>> -> memref<48xi32, #tpu.memory_space<hbm>>
    %dma_wait3A_127 = tpu.memref_slice %arg5[%mul3A_45] : memref<798720xi32, #tpu.memory_space<hbm>> -> memref<48xi32, #tpu.memory_space<hbm>>
    tpu.wait_dma2 semaphore(%arg24 : memref<!tpu.dma_semaphore, #tpu.memory_space<semaphore_mem>>) src(%dma_wait3A_127 : memref<48xi32, #tpu.memory_space<hbm>>) dst(%arg15 : memref<48xi32, #tpu.memory_space<vmem>>)
    "tpu.region"() ({
      %run_scoped3A = tpu.sem_alloc : memref<!tpu.dma_semaphore, #tpu.memory_space<semaphore_mem>>
      %dma_start3A_128 = arith.constant 0 : i32
      %dma_start3A_129 = arith.constant 0 : i32
      %dma_start3A_130 = tpu.memref_slice %arg19[%dma_start3A_128, %dma_start3A_129] : memref<328x128xf32, #tpu.memory_space<vmem>> -> memref<320x128xf32, #tpu.memory_space<vmem>>
      %dma_start3A_131 = arith.constant 0 : i32
      %dma_start3A_132 = tpu.memref_slice %arg7[%mul3A_2, %dma_start3A_131] : memref<10240x128xf32, #tpu.memory_space<hbm>> -> memref<320x128xf32, #tpu.memory_space<hbm>>
      %dma_start3A_133 = arith.constant 0 : i32
      %dma_start3A_134 = tpu.memref_slice %arg7[%mul3A_2, %dma_start3A_133] : memref<10240x128xf32, #tpu.memory_space<hbm>> -> memref<320x128xf32, #tpu.memory_space<hbm>>
      %dma_start3A_135 = arith.constant 0 : i32
      %dma_start3A_136 = arith.constant 0 : i32
      %dma_start3A_137 = tpu.memref_slice %arg19[%dma_start3A_135, %dma_start3A_136] : memref<328x128xf32, #tpu.memory_space<vmem>> -> memref<320x128xf32, #tpu.memory_space<vmem>>
      tpu.enqueue_dma source(%dma_start3A_137 : memref<320x128xf32, #tpu.memory_space<vmem>>) target(%dma_start3A_134 : memref<320x128xf32, #tpu.memory_space<hbm>>) target_semaphore(%run_scoped3A : memref<!tpu.dma_semaphore, #tpu.memory_space<semaphore_mem>>)
      %dma_wait3A_138 = arith.constant 0 : i32
      %dma_wait3A_139 = arith.constant 0 : i32
      %dma_wait3A_140 = tpu.memref_slice %arg19[%dma_wait3A_138, %dma_wait3A_139] : memref<328x128xf32, #tpu.memory_space<vmem>> -> memref<320x128xf32, #tpu.memory_space<vmem>>
      %dma_wait3A_141 = arith.constant 0 : i32
      %dma_wait3A_142 = tpu.memref_slice %arg7[%mul3A_2, %dma_wait3A_141] : memref<10240x128xf32, #tpu.memory_space<hbm>> -> memref<320x128xf32, #tpu.memory_space<hbm>>
      %dma_wait3A_143 = arith.constant 0 : i32
      %dma_wait3A_144 = tpu.memref_slice %arg7[%mul3A_2, %dma_wait3A_143] : memref<10240x128xf32, #tpu.memory_space<hbm>> -> memref<320x128xf32, #tpu.memory_space<hbm>>
      %dma_wait3A_145 = arith.constant 0 : i32
      %dma_wait3A_146 = arith.constant 0 : i32
      %dma_wait3A_147 = tpu.memref_slice %arg19[%dma_wait3A_145, %dma_wait3A_146] : memref<328x128xf32, #tpu.memory_space<vmem>> -> memref<320x128xf32, #tpu.memory_space<vmem>>
      tpu.wait_dma2 semaphore(%run_scoped3A : memref<!tpu.dma_semaphore, #tpu.memory_space<semaphore_mem>>) src(%dma_wait3A_147 : memref<320x128xf32, #tpu.memory_space<vmem>>) dst(%dma_wait3A_144 : memref<320x128xf32, #tpu.memory_space<hbm>>)
      tpu.yield
    }) : () -> ()
    "tpu.region"() ({
      %run_scoped3A = tpu.sem_alloc : memref<!tpu.dma_semaphore, #tpu.memory_space<semaphore_mem>>
      %dma_start3A_128 = arith.constant 0 : i32
      %dma_start3A_129 = arith.constant 0 : i32
      %dma_start3A_130 = tpu.memref_slice %arg20[%dma_start3A_128, %dma_start3A_129] : memref<328x16xf32, #tpu.memory_space<vmem>> -> memref<320x16xf32, #tpu.memory_space<vmem>>
      %dma_start3A_131 = arith.constant 0 : i32
      %dma_start3A_132 = tpu.memref_slice %arg8[%mul3A_2, %dma_start3A_131] : memref<10240x16xf32, #tpu.memory_space<hbm>> -> memref<320x16xf32, #tpu.memory_space<hbm>>
      %dma_start3A_133 = arith.constant 0 : i32
      %dma_start3A_134 = tpu.memref_slice %arg8[%mul3A_2, %dma_start3A_133] : memref<10240x16xf32, #tpu.memory_space<hbm>> -> memref<320x16xf32, #tpu.memory_space<hbm>>
      %dma_start3A_135 = arith.constant 0 : i32
      %dma_start3A_136 = arith.constant 0 : i32
      %dma_start3A_137 = tpu.memref_slice %arg20[%dma_start3A_135, %dma_start3A_136] : memref<328x16xf32, #tpu.memory_space<vmem>> -> memref<320x16xf32, #tpu.memory_space<vmem>>
      tpu.enqueue_dma source(%dma_start3A_137 : memref<320x16xf32, #tpu.memory_space<vmem>>) target(%dma_start3A_134 : memref<320x16xf32, #tpu.memory_space<hbm>>) target_semaphore(%run_scoped3A : memref<!tpu.dma_semaphore, #tpu.memory_space<semaphore_mem>>)
      %dma_wait3A_138 = arith.constant 0 : i32
      %dma_wait3A_139 = arith.constant 0 : i32
      %dma_wait3A_140 = tpu.memref_slice %arg20[%dma_wait3A_138, %dma_wait3A_139] : memref<328x16xf32, #tpu.memory_space<vmem>> -> memref<320x16xf32, #tpu.memory_space<vmem>>
      %dma_wait3A_141 = arith.constant 0 : i32
      %dma_wait3A_142 = tpu.memref_slice %arg8[%mul3A_2, %dma_wait3A_141] : memref<10240x16xf32, #tpu.memory_space<hbm>> -> memref<320x16xf32, #tpu.memory_space<hbm>>
      %dma_wait3A_143 = arith.constant 0 : i32
      %dma_wait3A_144 = tpu.memref_slice %arg8[%mul3A_2, %dma_wait3A_143] : memref<10240x16xf32, #tpu.memory_space<hbm>> -> memref<320x16xf32, #tpu.memory_space<hbm>>
      %dma_wait3A_145 = arith.constant 0 : i32
      %dma_wait3A_146 = arith.constant 0 : i32
      %dma_wait3A_147 = tpu.memref_slice %arg20[%dma_wait3A_145, %dma_wait3A_146] : memref<328x16xf32, #tpu.memory_space<vmem>> -> memref<320x16xf32, #tpu.memory_space<vmem>>
      tpu.wait_dma2 semaphore(%run_scoped3A : memref<!tpu.dma_semaphore, #tpu.memory_space<semaphore_mem>>) src(%dma_wait3A_147 : memref<320x16xf32, #tpu.memory_space<vmem>>) dst(%dma_wait3A_144 : memref<320x16xf32, #tpu.memory_space<hbm>>)
      tpu.yield
    }) : () -> ()
    return
  }
}

#map = affine_map<(d0, d1) -> (0)>
module attributes {stable_mosaic.version = 14 : i64} {
  func.func @_compact_body(%arg0: i32, %arg1: i32, %arg2: memref<320000xi32, #tpu.memory_space<hbm>>, %arg3: memref<320000xi32, #tpu.memory_space<hbm>>, %arg4: memref<798720xi32, #tpu.memory_space<hbm>>, %arg5: memref<512xi32, #tpu.memory_space<hbm>>, %arg6: memref<4000xi32, #tpu.memory_space<vmem>>, %arg7: memref<4000xi32, #tpu.memory_space<vmem>>, %arg8: memref<4000xi32, #tpu.memory_space<vmem>>, %arg9: memref<4000xi32, #tpu.memory_space<vmem>>, %arg10: memref<12480xi32, #tpu.memory_space<vmem>>, %arg11: memref<12480xi32, #tpu.memory_space<vmem>>, %arg12: memref<16xi32, #tpu.memory_space<vmem>>, %arg13: memref<!tpu.dma_semaphore, #tpu.memory_space<semaphore_mem>>, %arg14: memref<!tpu.dma_semaphore, #tpu.memory_space<semaphore_mem>>) attributes {dimension_semantics = [#tpu.dimension_semantics<core_parallel>, #tpu.dimension_semantics<subcore_parallel>], iteration_bounds = array<i64: 2, 16>, scalar_prefetch = 0 : i64, scratch_operands = 9 : i64, tpu.core_type = #tpu.core_type<sc_vector_subcore>, window_params = [{transform_indices = #map}, {transform_indices = #map}, {transform_indices = #map}, {transform_indices = #map}]} {
    %mul3A = arith.constant 2 : i32
    %mul3A_0 = arith.muli %arg1, %mul3A : i32
    %add3A = arith.addi %mul3A_0, %arg0 : i32
    %mul3A_1 = arith.constant 320 : i32
    %mul3A_2 = arith.muli %add3A, %mul3A_1 : i32
    %iota3A = tpu.iota {dimensions = array<i32: 0>} : vector<16xi32>
    %min3A = arith.constant 0 : i32
    %min3A_3 = arith.constant 79 : i32
    %min3A_4 = arith.minsi %min3A, %min3A_3 : i32
    %mul3A_5 = arith.constant 4000 : i32
    %mul3A_6 = arith.muli %min3A_4, %mul3A_5 : i32
    %dma_start3A = tpu.memref_slice %arg2[%mul3A_6] : memref<320000xi32, #tpu.memory_space<hbm>> -> memref<4000xi32, #tpu.memory_space<hbm>>
    %dma_start3A_7 = tpu.memref_slice %arg2[%mul3A_6] : memref<320000xi32, #tpu.memory_space<hbm>> -> memref<4000xi32, #tpu.memory_space<hbm>>
    tpu.enqueue_dma source(%dma_start3A_7 : memref<4000xi32, #tpu.memory_space<hbm>>) target(%arg6 : memref<4000xi32, #tpu.memory_space<vmem>>) target_semaphore(%arg13 : memref<!tpu.dma_semaphore, #tpu.memory_space<semaphore_mem>>)
    %dma_start3A_8 = tpu.memref_slice %arg3[%mul3A_6] : memref<320000xi32, #tpu.memory_space<hbm>> -> memref<4000xi32, #tpu.memory_space<hbm>>
    %dma_start3A_9 = tpu.memref_slice %arg3[%mul3A_6] : memref<320000xi32, #tpu.memory_space<hbm>> -> memref<4000xi32, #tpu.memory_space<hbm>>
    tpu.enqueue_dma source(%dma_start3A_9 : memref<4000xi32, #tpu.memory_space<hbm>>) target(%arg7 : memref<4000xi32, #tpu.memory_space<vmem>>) target_semaphore(%arg13 : memref<!tpu.dma_semaphore, #tpu.memory_space<semaphore_mem>>)
    %scan3A = arith.constant 0 : i32
    %scan3A_10 = arith.constant 0 : i32
    %scan3A_11 = arith.constant 40 : i32
    %scan3A_12 = arith.addi %scan3A_10, %scan3A_11 : i32
    %scan3A_13 = arith.constant 1 : i32
    %scan3A_14 = scf.for %scan3A_142 = %scan3A_10 to %scan3A_12 step %scan3A_13 iter_args(%scan3A_143 = %scan3A) -> (i32)  : i32 {
      %dma_wait3A_144 = arith.constant 0 : i32
      %dma_wait3A_145 = tpu.memref_slice %arg2[%dma_wait3A_144] : memref<320000xi32, #tpu.memory_space<hbm>> -> memref<4000xi32, #tpu.memory_space<hbm>>
      %dma_wait3A_146 = arith.constant 0 : i32
      %dma_wait3A_147 = tpu.memref_slice %arg2[%dma_wait3A_146] : memref<320000xi32, #tpu.memory_space<hbm>> -> memref<4000xi32, #tpu.memory_space<hbm>>
      tpu.wait_dma2 semaphore(%arg13 : memref<!tpu.dma_semaphore, #tpu.memory_space<semaphore_mem>>) src(%dma_wait3A_147 : memref<4000xi32, #tpu.memory_space<hbm>>) dst(%arg6 : memref<4000xi32, #tpu.memory_space<vmem>>)
      %dma_wait3A_148 = arith.constant 0 : i32
      %dma_wait3A_149 = tpu.memref_slice %arg3[%dma_wait3A_148] : memref<320000xi32, #tpu.memory_space<hbm>> -> memref<4000xi32, #tpu.memory_space<hbm>>
      %dma_wait3A_150 = arith.constant 0 : i32
      %dma_wait3A_151 = tpu.memref_slice %arg3[%dma_wait3A_150] : memref<320000xi32, #tpu.memory_space<hbm>> -> memref<4000xi32, #tpu.memory_space<hbm>>
      tpu.wait_dma2 semaphore(%arg13 : memref<!tpu.dma_semaphore, #tpu.memory_space<semaphore_mem>>) src(%dma_wait3A_151 : memref<4000xi32, #tpu.memory_space<hbm>>) dst(%arg7 : memref<4000xi32, #tpu.memory_space<vmem>>)
      %mul3A_152 = arith.constant 2 : i32
      %mul3A_153 = arith.muli %mul3A_152, %scan3A_142 : i32
      %add3A_154 = arith.constant 1 : i32
      %add3A_155 = arith.addi %mul3A_153, %add3A_154 : i32
      %min3A_156 = arith.constant 79 : i32
      %min3A_157 = arith.minsi %add3A_155, %min3A_156 : i32
      %mul3A_158 = arith.constant 4000 : i32
      %mul3A_159 = arith.muli %min3A_157, %mul3A_158 : i32
      %dma_start3A_160 = tpu.memref_slice %arg2[%mul3A_159] : memref<320000xi32, #tpu.memory_space<hbm>> -> memref<4000xi32, #tpu.memory_space<hbm>>
      %dma_start3A_161 = tpu.memref_slice %arg2[%mul3A_159] : memref<320000xi32, #tpu.memory_space<hbm>> -> memref<4000xi32, #tpu.memory_space<hbm>>
      tpu.enqueue_dma source(%dma_start3A_161 : memref<4000xi32, #tpu.memory_space<hbm>>) target(%arg8 : memref<4000xi32, #tpu.memory_space<vmem>>) target_semaphore(%arg14 : memref<!tpu.dma_semaphore, #tpu.memory_space<semaphore_mem>>)
      %dma_start3A_162 = tpu.memref_slice %arg3[%mul3A_159] : memref<320000xi32, #tpu.memory_space<hbm>> -> memref<4000xi32, #tpu.memory_space<hbm>>
      %dma_start3A_163 = tpu.memref_slice %arg3[%mul3A_159] : memref<320000xi32, #tpu.memory_space<hbm>> -> memref<4000xi32, #tpu.memory_space<hbm>>
      tpu.enqueue_dma source(%dma_start3A_163 : memref<4000xi32, #tpu.memory_space<hbm>>) target(%arg9 : memref<4000xi32, #tpu.memory_space<vmem>>) target_semaphore(%arg14 : memref<!tpu.dma_semaphore, #tpu.memory_space<semaphore_mem>>)
      %scan3A_164 = arith.constant 0 : i32
      %scan3A_165 = arith.constant 250 : i32
      %scan3A_166 = arith.addi %scan3A_164, %scan3A_165 : i32
      %scan3A_167 = arith.constant 1 : i32
      %scan3A_168 = scf.for %scan3A_196 = %scan3A_164 to %scan3A_166 step %scan3A_167 iter_args(%scan3A_197 = %scan3A_143) -> (i32)  : i32 {
        %mul3A_198 = arith.constant 16 : i32
        %mul3A_199 = arith.muli %scan3A_196, %mul3A_198 : i32
        %get3A = arith.index_cast %mul3A_199 : i32 to index
        %get3A_200 = tpu.vector_load %arg6[%get3A] {strides = array<i32>} : memref<4000xi32, #tpu.memory_space<vmem>>, vector<16xi32>,
        %mul3A_201 = arith.constant 16 : i32
        %mul3A_202 = arith.muli %scan3A_196, %mul3A_201 : i32
        %get3A_203 = arith.index_cast %mul3A_202 : i32 to index
        %get3A_204 = tpu.vector_load %arg7[%get3A_203] {strides = array<i32>} : memref<4000xi32, #tpu.memory_space<vmem>>, vector<16xi32>,
        %ge3A = vector.broadcast %mul3A_2 : i32 to vector<16xi32>
        %ge3A_205 = arith.cmpi sge, %get3A_204, %ge3A : vector<16xi32>
        %add3A_206 = arith.constant 320 : i32
        %add3A_207 = arith.addi %mul3A_2, %add3A_206 : i32
        %lt3A = vector.broadcast %add3A_207 : i32 to vector<16xi32>
        %lt3A_208 = arith.cmpi slt, %get3A_204, %lt3A : vector<16xi32>
        %and3A_209 = arith.andi %ge3A_205, %lt3A_208 : vector<16xi1>
        %swap3A_210 = arith.index_cast %scan3A_197 : i32 to index
        %swap3A_211 = tpu.vector_load %arg10[%swap3A_210] masked %and3A_209 {strides = array<i32>} : memref<12480xi32, #tpu.memory_space<vmem>>, vector<16xi32>, vector<16xi1>
        tpu.vector_store %arg10[%swap3A_210], %get3A_200 masked %and3A_209 {strides = array<i32>} : memref<12480xi32, #tpu.memory_space<vmem>>, vector<16xi32>, vector<16xi1>
        %swap3A_212 = arith.index_cast %scan3A_197 : i32 to index
        %swap3A_213 = tpu.vector_load %arg11[%swap3A_212] masked %and3A_209 {strides = array<i32>} : memref<12480xi32, #tpu.memory_space<vmem>>, vector<16xi32>, vector<16xi1>
        tpu.vector_store %arg11[%swap3A_212], %get3A_204 masked %and3A_209 {strides = array<i32>} : memref<12480xi32, #tpu.memory_space<vmem>>, vector<16xi32>, vector<16xi1>
        %convert_element_type3A = arith.extui %and3A_209 : vector<16xi1> to vector<16xi32>
        %reduce_sum3A = arith.constant true
        %reduce_sum3A_214 = vector.broadcast %reduce_sum3A : i1 to vector<16xi1>
        %reduce_sum3A_215 = tpu.scan <sum>, %convert_element_type3A masked %reduce_sum3A_214 : vector<16xi32>, vector<16xi1> -> vector<16xi32>
        %reduce_sum3A_216 = vector.extract %reduce_sum3A_215[15] : i32 from vector<16xi32>
        %add3A_217 = arith.addi %scan3A_197, %reduce_sum3A_216 : i32
        scf.yield %add3A_217 : i32
      }
      %scan3A_169 = arith.constant 250 : i32
      %dma_wait3A_170 = arith.constant 0 : i32
      %dma_wait3A_171 = tpu.memref_slice %arg2[%dma_wait3A_170] : memref<320000xi32, #tpu.memory_space<hbm>> -> memref<4000xi32, #tpu.memory_space<hbm>>
      %dma_wait3A_172 = arith.constant 0 : i32
      %dma_wait3A_173 = tpu.memref_slice %arg2[%dma_wait3A_172] : memref<320000xi32, #tpu.memory_space<hbm>> -> memref<4000xi32, #tpu.memory_space<hbm>>
      tpu.wait_dma2 semaphore(%arg14 : memref<!tpu.dma_semaphore, #tpu.memory_space<semaphore_mem>>) src(%dma_wait3A_173 : memref<4000xi32, #tpu.memory_space<hbm>>) dst(%arg8 : memref<4000xi32, #tpu.memory_space<vmem>>)
      %dma_wait3A_174 = arith.constant 0 : i32
      %dma_wait3A_175 = tpu.memref_slice %arg3[%dma_wait3A_174] : memref<320000xi32, #tpu.memory_space<hbm>> -> memref<4000xi32, #tpu.memory_space<hbm>>
      %dma_wait3A_176 = arith.constant 0 : i32
      %dma_wait3A_177 = tpu.memref_slice %arg3[%dma_wait3A_176] : memref<320000xi32, #tpu.memory_space<hbm>> -> memref<4000xi32, #tpu.memory_space<hbm>>
      tpu.wait_dma2 semaphore(%arg14 : memref<!tpu.dma_semaphore, #tpu.memory_space<semaphore_mem>>) src(%dma_wait3A_177 : memref<4000xi32, #tpu.memory_space<hbm>>) dst(%arg9 : memref<4000xi32, #tpu.memory_space<vmem>>)
      %mul3A_178 = arith.constant 2 : i32
      %mul3A_179 = arith.muli %mul3A_178, %scan3A_142 : i32
      %add3A_180 = arith.constant 2 : i32
      %add3A_181 = arith.addi %mul3A_179, %add3A_180 : i32
      %min3A_182 = arith.constant 79 : i32
      %min3A_183 = arith.minsi %add3A_181, %min3A_182 : i32
      %mul3A_184 = arith.constant 4000 : i32
      %mul3A_185 = arith.muli %min3A_183, %mul3A_184 : i32
      %dma_start3A_186 = tpu.memref_slice %arg2[%mul3A_185] : memref<320000xi32, #tpu.memory_space<hbm>> -> memref<4000xi32, #tpu.memory_space<hbm>>
      %dma_start3A_187 = tpu.memref_slice %arg2[%mul3A_185] : memref<320000xi32, #tpu.memory_space<hbm>> -> memref<4000xi32, #tpu.memory_space<hbm>>
      tpu.enqueue_dma source(%dma_start3A_187 : memref<4000xi32, #tpu.memory_space<hbm>>) target(%arg6 : memref<4000xi32, #tpu.memory_space<vmem>>) target_semaphore(%arg13 : memref<!tpu.dma_semaphore, #tpu.memory_space<semaphore_mem>>)
      %dma_start3A_188 = tpu.memref_slice %arg3[%mul3A_185] : memref<320000xi32, #tpu.memory_space<hbm>> -> memref<4000xi32, #tpu.memory_space<hbm>>
      %dma_start3A_189 = tpu.memref_slice %arg3[%mul3A_185] : memref<320000xi32, #tpu.memory_space<hbm>> -> memref<4000xi32, #tpu.memory_space<hbm>>
      tpu.enqueue_dma source(%dma_start3A_189 : memref<4000xi32, #tpu.memory_space<hbm>>) target(%arg7 : memref<4000xi32, #tpu.memory_space<vmem>>) target_semaphore(%arg13 : memref<!tpu.dma_semaphore, #tpu.memory_space<semaphore_mem>>)
      %scan3A_190 = arith.constant 0 : i32
      %scan3A_191 = arith.constant 250 : i32
      %scan3A_192 = arith.addi %scan3A_190, %scan3A_191 : i32
      %scan3A_193 = arith.constant 1 : i32
      %scan3A_194 = scf.for %scan3A_196 = %scan3A_190 to %scan3A_192 step %scan3A_193 iter_args(%scan3A_197 = %scan3A_168) -> (i32)  : i32 {
        %mul3A_198 = arith.constant 16 : i32
        %mul3A_199 = arith.muli %scan3A_196, %mul3A_198 : i32
        %get3A = arith.index_cast %mul3A_199 : i32 to index
        %get3A_200 = tpu.vector_load %arg8[%get3A] {strides = array<i32>} : memref<4000xi32, #tpu.memory_space<vmem>>, vector<16xi32>,
        %mul3A_201 = arith.constant 16 : i32
        %mul3A_202 = arith.muli %scan3A_196, %mul3A_201 : i32
        %get3A_203 = arith.index_cast %mul3A_202 : i32 to index
        %get3A_204 = tpu.vector_load %arg9[%get3A_203] {strides = array<i32>} : memref<4000xi32, #tpu.memory_space<vmem>>, vector<16xi32>,
        %ge3A = vector.broadcast %mul3A_2 : i32 to vector<16xi32>
        %ge3A_205 = arith.cmpi sge, %get3A_204, %ge3A : vector<16xi32>
        %add3A_206 = arith.constant 320 : i32
        %add3A_207 = arith.addi %mul3A_2, %add3A_206 : i32
        %lt3A = vector.broadcast %add3A_207 : i32 to vector<16xi32>
        %lt3A_208 = arith.cmpi slt, %get3A_204, %lt3A : vector<16xi32>
        %and3A_209 = arith.andi %ge3A_205, %lt3A_208 : vector<16xi1>
        %swap3A_210 = arith.index_cast %scan3A_197 : i32 to index
        %swap3A_211 = tpu.vector_load %arg10[%swap3A_210] masked %and3A_209 {strides = array<i32>} : memref<12480xi32, #tpu.memory_space<vmem>>, vector<16xi32>, vector<16xi1>
        tpu.vector_store %arg10[%swap3A_210], %get3A_200 masked %and3A_209 {strides = array<i32>} : memref<12480xi32, #tpu.memory_space<vmem>>, vector<16xi32>, vector<16xi1>
        %swap3A_212 = arith.index_cast %scan3A_197 : i32 to index
        %swap3A_213 = tpu.vector_load %arg11[%swap3A_212] masked %and3A_209 {strides = array<i32>} : memref<12480xi32, #tpu.memory_space<vmem>>, vector<16xi32>, vector<16xi1>
        tpu.vector_store %arg11[%swap3A_212], %get3A_204 masked %and3A_209 {strides = array<i32>} : memref<12480xi32, #tpu.memory_space<vmem>>, vector<16xi32>, vector<16xi1>
        %convert_element_type3A = arith.extui %and3A_209 : vector<16xi1> to vector<16xi32>
        %reduce_sum3A = arith.constant true
        %reduce_sum3A_214 = vector.broadcast %reduce_sum3A : i1 to vector<16xi1>
        %reduce_sum3A_215 = tpu.scan <sum>, %convert_element_type3A masked %reduce_sum3A_214 : vector<16xi32>, vector<16xi1> -> vector<16xi32>
        %reduce_sum3A_216 = vector.extract %reduce_sum3A_215[15] : i32 from vector<16xi32>
        %add3A_217 = arith.addi %scan3A_197, %reduce_sum3A_216 : i32
        scf.yield %add3A_217 : i32
      }
      %scan3A_195 = arith.constant 250 : i32
      scf.yield %scan3A_194 : i32
    }
    %scan3A_15 = arith.constant 40 : i32
    %dma_wait3A = arith.constant 0 : i32
    %dma_wait3A_16 = tpu.memref_slice %arg2[%dma_wait3A] : memref<320000xi32, #tpu.memory_space<hbm>> -> memref<4000xi32, #tpu.memory_space<hbm>>
    %dma_wait3A_17 = arith.constant 0 : i32
    %dma_wait3A_18 = tpu.memref_slice %arg2[%dma_wait3A_17] : memref<320000xi32, #tpu.memory_space<hbm>> -> memref<4000xi32, #tpu.memory_space<hbm>>
    tpu.wait_dma2 semaphore(%arg13 : memref<!tpu.dma_semaphore, #tpu.memory_space<semaphore_mem>>) src(%dma_wait3A_18 : memref<4000xi32, #tpu.memory_space<hbm>>) dst(%arg6 : memref<4000xi32, #tpu.memory_space<vmem>>)
    %dma_wait3A_19 = arith.constant 0 : i32
    %dma_wait3A_20 = tpu.memref_slice %arg3[%dma_wait3A_19] : memref<320000xi32, #tpu.memory_space<hbm>> -> memref<4000xi32, #tpu.memory_space<hbm>>
    %dma_wait3A_21 = arith.constant 0 : i32
    %dma_wait3A_22 = tpu.memref_slice %arg3[%dma_wait3A_21] : memref<320000xi32, #tpu.memory_space<hbm>> -> memref<4000xi32, #tpu.memory_space<hbm>>
    tpu.wait_dma2 semaphore(%arg13 : memref<!tpu.dma_semaphore, #tpu.memory_space<semaphore_mem>>) src(%dma_wait3A_22 : memref<4000xi32, #tpu.memory_space<hbm>>) dst(%arg7 : memref<4000xi32, #tpu.memory_space<vmem>>)
    %add3A_23 = arith.constant 0 : i32
    %add3A_24 = arith.addi %scan3A_14, %add3A_23 : i32
    %add3A_25 = vector.broadcast %add3A_24 : i32 to vector<16xi32>
    %add3A_26 = arith.addi %add3A_25, %iota3A : vector<16xi32>
    %broadcast_in_dim3A = arith.constant 0 : i32
    %broadcast_in_dim3A_27 = vector.broadcast %broadcast_in_dim3A : i32 to vector<16xi32>
    tpu.vector_store_idx %arg10[%add3A_26], %broadcast_in_dim3A_27 : memref<12480xi32, #tpu.memory_space<vmem>>[vector<16xi32>], vector<16xi32>,
    %add3A_28 = arith.constant 0 : i32
    %add3A_29 = arith.addi %scan3A_14, %add3A_28 : i32
    %add3A_30 = vector.broadcast %add3A_29 : i32 to vector<16xi32>
    %add3A_31 = arith.addi %add3A_30, %iota3A : vector<16xi32>
    %broadcast_in_dim3A_32 = arith.constant 320 : i32
    %broadcast_in_dim3A_33 = vector.broadcast %broadcast_in_dim3A_32 : i32 to vector<16xi32>
    %add3A_34 = vector.broadcast %mul3A_2 : i32 to vector<16xi32>
    %add3A_35 = arith.addi %broadcast_in_dim3A_33, %add3A_34 : vector<16xi32>
    tpu.vector_store_idx %arg11[%add3A_31], %add3A_35 : memref<12480xi32, #tpu.memory_space<vmem>>[vector<16xi32>], vector<16xi32>,
    %add3A_36 = arith.constant 16 : i32
    %add3A_37 = arith.addi %scan3A_14, %add3A_36 : i32
    %add3A_38 = vector.broadcast %add3A_37 : i32 to vector<16xi32>
    %add3A_39 = arith.addi %add3A_38, %iota3A : vector<16xi32>
    %broadcast_in_dim3A_40 = arith.constant 0 : i32
    %broadcast_in_dim3A_41 = vector.broadcast %broadcast_in_dim3A_40 : i32 to vector<16xi32>
    tpu.vector_store_idx %arg10[%add3A_39], %broadcast_in_dim3A_41 : memref<12480xi32, #tpu.memory_space<vmem>>[vector<16xi32>], vector<16xi32>,
    %add3A_42 = arith.constant 16 : i32
    %add3A_43 = arith.addi %scan3A_14, %add3A_42 : i32
    %add3A_44 = vector.broadcast %add3A_43 : i32 to vector<16xi32>
    %add3A_45 = arith.addi %add3A_44, %iota3A : vector<16xi32>
    %broadcast_in_dim3A_46 = arith.constant 320 : i32
    %broadcast_in_dim3A_47 = vector.broadcast %broadcast_in_dim3A_46 : i32 to vector<16xi32>
    %add3A_48 = vector.broadcast %mul3A_2 : i32 to vector<16xi32>
    %add3A_49 = arith.addi %broadcast_in_dim3A_47, %add3A_48 : vector<16xi32>
    tpu.vector_store_idx %arg11[%add3A_45], %add3A_49 : memref<12480xi32, #tpu.memory_space<vmem>>[vector<16xi32>], vector<16xi32>,
    %add3A_50 = arith.constant 32 : i32
    %add3A_51 = arith.addi %scan3A_14, %add3A_50 : i32
    %add3A_52 = vector.broadcast %add3A_51 : i32 to vector<16xi32>
    %add3A_53 = arith.addi %add3A_52, %iota3A : vector<16xi32>
    %broadcast_in_dim3A_54 = arith.constant 0 : i32
    %broadcast_in_dim3A_55 = vector.broadcast %broadcast_in_dim3A_54 : i32 to vector<16xi32>
    tpu.vector_store_idx %arg10[%add3A_53], %broadcast_in_dim3A_55 : memref<12480xi32, #tpu.memory_space<vmem>>[vector<16xi32>], vector<16xi32>,
    %add3A_56 = arith.constant 32 : i32
    %add3A_57 = arith.addi %scan3A_14, %add3A_56 : i32
    %add3A_58 = vector.broadcast %add3A_57 : i32 to vector<16xi32>
    %add3A_59 = arith.addi %add3A_58, %iota3A : vector<16xi32>
    %broadcast_in_dim3A_60 = arith.constant 320 : i32
    %broadcast_in_dim3A_61 = vector.broadcast %broadcast_in_dim3A_60 : i32 to vector<16xi32>
    %add3A_62 = vector.broadcast %mul3A_2 : i32 to vector<16xi32>
    %add3A_63 = arith.addi %broadcast_in_dim3A_61, %add3A_62 : vector<16xi32>
    tpu.vector_store_idx %arg11[%add3A_59], %add3A_63 : memref<12480xi32, #tpu.memory_space<vmem>>[vector<16xi32>], vector<16xi32>,
    %add3A_64 = arith.constant 48 : i32
    %add3A_65 = arith.addi %scan3A_14, %add3A_64 : i32
    %add3A_66 = vector.broadcast %add3A_65 : i32 to vector<16xi32>
    %add3A_67 = arith.addi %add3A_66, %iota3A : vector<16xi32>
    %broadcast_in_dim3A_68 = arith.constant 0 : i32
    %broadcast_in_dim3A_69 = vector.broadcast %broadcast_in_dim3A_68 : i32 to vector<16xi32>
    tpu.vector_store_idx %arg10[%add3A_67], %broadcast_in_dim3A_69 : memref<12480xi32, #tpu.memory_space<vmem>>[vector<16xi32>], vector<16xi32>,
    %add3A_70 = arith.constant 48 : i32
    %add3A_71 = arith.addi %scan3A_14, %add3A_70 : i32
    %add3A_72 = vector.broadcast %add3A_71 : i32 to vector<16xi32>
    %add3A_73 = arith.addi %add3A_72, %iota3A : vector<16xi32>
    %broadcast_in_dim3A_74 = arith.constant 320 : i32
    %broadcast_in_dim3A_75 = vector.broadcast %broadcast_in_dim3A_74 : i32 to vector<16xi32>
    %add3A_76 = vector.broadcast %mul3A_2 : i32 to vector<16xi32>
    %add3A_77 = arith.addi %broadcast_in_dim3A_75, %add3A_76 : vector<16xi32>
    tpu.vector_store_idx %arg11[%add3A_73], %add3A_77 : memref<12480xi32, #tpu.memory_space<vmem>>[vector<16xi32>], vector<16xi32>,
    %add3A_78 = arith.constant 64 : i32
    %add3A_79 = arith.addi %scan3A_14, %add3A_78 : i32
    %add3A_80 = vector.broadcast %add3A_79 : i32 to vector<16xi32>
    %add3A_81 = arith.addi %add3A_80, %iota3A : vector<16xi32>
    %broadcast_in_dim3A_82 = arith.constant 0 : i32
    %broadcast_in_dim3A_83 = vector.broadcast %broadcast_in_dim3A_82 : i32 to vector<16xi32>
    tpu.vector_store_idx %arg10[%add3A_81], %broadcast_in_dim3A_83 : memref<12480xi32, #tpu.memory_space<vmem>>[vector<16xi32>], vector<16xi32>,
    %add3A_84 = arith.constant 64 : i32
    %add3A_85 = arith.addi %scan3A_14, %add3A_84 : i32
    %add3A_86 = vector.broadcast %add3A_85 : i32 to vector<16xi32>
    %add3A_87 = arith.addi %add3A_86, %iota3A : vector<16xi32>
    %broadcast_in_dim3A_88 = arith.constant 320 : i32
    %broadcast_in_dim3A_89 = vector.broadcast %broadcast_in_dim3A_88 : i32 to vector<16xi32>
    %add3A_90 = vector.broadcast %mul3A_2 : i32 to vector<16xi32>
    %add3A_91 = arith.addi %broadcast_in_dim3A_89, %add3A_90 : vector<16xi32>
    tpu.vector_store_idx %arg11[%add3A_87], %add3A_91 : memref<12480xi32, #tpu.memory_space<vmem>>[vector<16xi32>], vector<16xi32>,
    %add3A_92 = arith.constant 80 : i32
    %add3A_93 = arith.addi %scan3A_14, %add3A_92 : i32
    %add3A_94 = vector.broadcast %add3A_93 : i32 to vector<16xi32>
    %add3A_95 = arith.addi %add3A_94, %iota3A : vector<16xi32>
    %broadcast_in_dim3A_96 = arith.constant 0 : i32
    %broadcast_in_dim3A_97 = vector.broadcast %broadcast_in_dim3A_96 : i32 to vector<16xi32>
    tpu.vector_store_idx %arg10[%add3A_95], %broadcast_in_dim3A_97 : memref<12480xi32, #tpu.memory_space<vmem>>[vector<16xi32>], vector<16xi32>,
    %add3A_98 = arith.constant 80 : i32
    %add3A_99 = arith.addi %scan3A_14, %add3A_98 : i32
    %add3A_100 = vector.broadcast %add3A_99 : i32 to vector<16xi32>
    %add3A_101 = arith.addi %add3A_100, %iota3A : vector<16xi32>
    %broadcast_in_dim3A_102 = arith.constant 320 : i32
    %broadcast_in_dim3A_103 = vector.broadcast %broadcast_in_dim3A_102 : i32 to vector<16xi32>
    %add3A_104 = vector.broadcast %mul3A_2 : i32 to vector<16xi32>
    %add3A_105 = arith.addi %broadcast_in_dim3A_103, %add3A_104 : vector<16xi32>
    tpu.vector_store_idx %arg11[%add3A_101], %add3A_105 : memref<12480xi32, #tpu.memory_space<vmem>>[vector<16xi32>], vector<16xi32>,
    %add3A_106 = arith.constant 96 : i32
    %add3A_107 = arith.addi %scan3A_14, %add3A_106 : i32
    %sub3A = arith.constant 1 : i32
    %sub3A_108 = arith.subi %add3A_107, %sub3A : i32
    %jit3A = arith.constant 96 : i32
    %div3A = arith.divsi %sub3A_108, %jit3A : i32
    %sign3A = arith.constant 0 : i32
    %sign3A_109 = arith.cmpi sgt, %sub3A_108, %sign3A : i32
    %sign3A_110 = arith.extui %sign3A_109 : i1 to i32
    %sign3A_111 = arith.constant 0 : i32
    %sign3A_112 = arith.cmpi slt, %sub3A_108, %sign3A_111 : i32
    %sign3A_113 = arith.extui %sign3A_112 : i1 to i32
    %sign3A_114 = arith.subi %sign3A_110, %sign3A_113 : i32
    %sign3A_115 = arith.constant 0 : i32
    %sign3A_116 = arith.cmpi sgt, %jit3A, %sign3A_115 : i32
    %sign3A_117 = arith.extui %sign3A_116 : i1 to i32
    %sign3A_118 = arith.constant 0 : i32
    %sign3A_119 = arith.cmpi slt, %jit3A, %sign3A_118 : i32
    %sign3A_120 = arith.extui %sign3A_119 : i1 to i32
    %sign3A_121 = arith.subi %sign3A_117, %sign3A_120 : i32
    %ne3A = arith.cmpi ne, %sign3A_114, %sign3A_121 : i32
    %rem3A = arith.remsi %sub3A_108, %jit3A : i32
    %ne3A_122 = arith.constant 0 : i32
    %ne3A_123 = arith.cmpi ne, %rem3A, %ne3A_122 : i32
    %and3A = arith.andi %ne3A, %ne3A_123 : i1
    %sub3A_124 = arith.constant 1 : i32
    %sub3A_125 = arith.subi %div3A, %sub3A_124 : i32
    %select_n3A = arith.select %and3A, %sub3A_125, %div3A : i32
    %mul3A_126 = arith.constant 96 : i32
    %mul3A_127 = arith.muli %select_n3A, %mul3A_126 : i32
    %broadcast_in_dim3A_128 = vector.broadcast %mul3A_127 : i32 to vector<16xi32>
    %swap3A = arith.constant 0 : index
    %swap3A_129 = tpu.vector_load %arg12[%swap3A] {strides = array<i32>} : memref<16xi32, #tpu.memory_space<vmem>>, vector<16xi32>,
    tpu.vector_store %arg12[%swap3A], %broadcast_in_dim3A_128 {strides = array<i32>} : memref<16xi32, #tpu.memory_space<vmem>>, vector<16xi32>,
    %mul3A_130 = arith.constant 16 : i32
    %mul3A_131 = arith.muli %add3A, %mul3A_130 : i32
    "tpu.region"() ({
      %run_scoped3A = tpu.sem_alloc : memref<!tpu.dma_semaphore, #tpu.memory_space<semaphore_mem>>
      %dma_start3A_142 = tpu.memref_slice %arg5[%mul3A_131] : memref<512xi32, #tpu.memory_space<hbm>> -> memref<16xi32, #tpu.memory_space<hbm>>
      %dma_start3A_143 = tpu.memref_slice %arg5[%mul3A_131] : memref<512xi32, #tpu.memory_space<hbm>> -> memref<16xi32, #tpu.memory_space<hbm>>
      tpu.enqueue_dma source(%arg12 : memref<16xi32, #tpu.memory_space<vmem>>) target(%dma_start3A_143 : memref<16xi32, #tpu.memory_space<hbm>>) target_semaphore(%run_scoped3A : memref<!tpu.dma_semaphore, #tpu.memory_space<semaphore_mem>>)
      %dma_wait3A_144 = tpu.memref_slice %arg5[%mul3A_131] : memref<512xi32, #tpu.memory_space<hbm>> -> memref<16xi32, #tpu.memory_space<hbm>>
      %dma_wait3A_145 = tpu.memref_slice %arg5[%mul3A_131] : memref<512xi32, #tpu.memory_space<hbm>> -> memref<16xi32, #tpu.memory_space<hbm>>
      tpu.wait_dma2 semaphore(%run_scoped3A : memref<!tpu.dma_semaphore, #tpu.memory_space<semaphore_mem>>) src(%arg12 : memref<16xi32, #tpu.memory_space<vmem>>) dst(%dma_wait3A_145 : memref<16xi32, #tpu.memory_space<hbm>>)
      tpu.yield
    }) : () -> ()
    %mul3A_132 = arith.constant 2 : i32
    %mul3A_133 = arith.muli %add3A, %mul3A_132 : i32
    %mul3A_134 = arith.constant 12480 : i32
    %mul3A_135 = arith.muli %mul3A_133, %mul3A_134 : i32
    "tpu.region"() ({
      %run_scoped3A = tpu.sem_alloc : memref<!tpu.dma_semaphore, #tpu.memory_space<semaphore_mem>>
      %dma_start3A_142 = tpu.memref_slice %arg4[%mul3A_135] : memref<798720xi32, #tpu.memory_space<hbm>> -> memref<12480xi32, #tpu.memory_space<hbm>>
      %dma_start3A_143 = tpu.memref_slice %arg4[%mul3A_135] : memref<798720xi32, #tpu.memory_space<hbm>> -> memref<12480xi32, #tpu.memory_space<hbm>>
      tpu.enqueue_dma source(%arg10 : memref<12480xi32, #tpu.memory_space<vmem>>) target(%dma_start3A_143 : memref<12480xi32, #tpu.memory_space<hbm>>) target_semaphore(%run_scoped3A : memref<!tpu.dma_semaphore, #tpu.memory_space<semaphore_mem>>)
      %dma_wait3A_144 = tpu.memref_slice %arg4[%mul3A_135] : memref<798720xi32, #tpu.memory_space<hbm>> -> memref<12480xi32, #tpu.memory_space<hbm>>
      %dma_wait3A_145 = tpu.memref_slice %arg4[%mul3A_135] : memref<798720xi32, #tpu.memory_space<hbm>> -> memref<12480xi32, #tpu.memory_space<hbm>>
      tpu.wait_dma2 semaphore(%run_scoped3A : memref<!tpu.dma_semaphore, #tpu.memory_space<semaphore_mem>>) src(%arg10 : memref<12480xi32, #tpu.memory_space<vmem>>) dst(%dma_wait3A_145 : memref<12480xi32, #tpu.memory_space<hbm>>)
      tpu.yield
    }) : () -> ()
    %mul3A_136 = arith.constant 2 : i32
    %mul3A_137 = arith.muli %add3A, %mul3A_136 : i32
    %mul3A_138 = arith.constant 12480 : i32
    %mul3A_139 = arith.muli %mul3A_137, %mul3A_138 : i32
    %add3A_140 = arith.constant 12480 : i32
    %add3A_141 = arith.addi %mul3A_139, %add3A_140 : i32
    "tpu.region"() ({
      %run_scoped3A = tpu.sem_alloc : memref<!tpu.dma_semaphore, #tpu.memory_space<semaphore_mem>>
      %dma_start3A_142 = tpu.memref_slice %arg4[%add3A_141] : memref<798720xi32, #tpu.memory_space<hbm>> -> memref<12480xi32, #tpu.memory_space<hbm>>
      %dma_start3A_143 = tpu.memref_slice %arg4[%add3A_141] : memref<798720xi32, #tpu.memory_space<hbm>> -> memref<12480xi32, #tpu.memory_space<hbm>>
      tpu.enqueue_dma source(%arg11 : memref<12480xi32, #tpu.memory_space<vmem>>) target(%dma_start3A_143 : memref<12480xi32, #tpu.memory_space<hbm>>) target_semaphore(%run_scoped3A : memref<!tpu.dma_semaphore, #tpu.memory_space<semaphore_mem>>)
      %dma_wait3A_144 = tpu.memref_slice %arg4[%add3A_141] : memref<798720xi32, #tpu.memory_space<hbm>> -> memref<12480xi32, #tpu.memory_space<hbm>>
      %dma_wait3A_145 = tpu.memref_slice %arg4[%add3A_141] : memref<798720xi32, #tpu.memory_space<hbm>> -> memref<12480xi32, #tpu.memory_space<hbm>>
      tpu.wait_dma2 semaphore(%run_scoped3A : memref<!tpu.dma_semaphore, #tpu.memory_space<semaphore_mem>>) src(%arg11 : memref<12480xi32, #tpu.memory_space<vmem>>) dst(%dma_wait3A_145 : memref<12480xi32, #tpu.memory_space<hbm>>)
      tpu.yield
    }) : () -> ()
    return
  }
}

module attributes {stable_mosaic.version = 14 : i64} {
  func.func @_qkv_body(%arg0: i32, %arg1: memref<2000x128xf32, #tpu.memory_space<vmem>>, %arg2: memref<128x384xf32, #tpu.memory_space<vmem>>, %arg3: memref<1x384xf32, #tpu.memory_space<vmem>>, %arg4: memref<2000x128xf32, #tpu.memory_space<vmem>>, %arg5: memref<2000x128xf32, #tpu.memory_space<vmem>>, %arg6: memref<2000x128xf32, #tpu.memory_space<vmem>>) attributes {dimension_semantics = [#tpu.dimension_semantics<arbitrary>], iteration_bounds = array<i64: 5>, scalar_prefetch = 0 : i64, scratch_operands = 0 : i64, tpu.core_type = #tpu.core_type<tc>, window_params = [{transform_indices = @transform_0, window_bounds = array<i64: 2000, 128>}, {pipeline_mode = #tpu.pipeline_mode<synchronous>, transform_indices = @transform_1, window_bounds = array<i64: 128, 384>}, {pipeline_mode = #tpu.pipeline_mode<synchronous>, transform_indices = @transform_2, window_bounds = array<i64: 1, 384>}, {transform_indices = @transform_3, window_bounds = array<i64: 2000, 128>}, {transform_indices = @transform_4, window_bounds = array<i64: 2000, 128>}, {transform_indices = @transform_5, window_bounds = array<i64: 2000, 128>}]} {
    %get3A = arith.constant 0 : index
    %get3A_0 = arith.constant 0 : index
    %get3A_1 = vector.load %arg1[%get3A, %get3A_0] : memref<2000x128xf32, #tpu.memory_space<vmem>>, vector<2000x128xf32>
    %get3A_2 = arith.constant 0 : index
    %get3A_3 = arith.constant 0 : index
    %get3A_4 = vector.load %arg2[%get3A_2, %get3A_3] : memref<128x384xf32, #tpu.memory_space<vmem>>, vector<128x384xf32>
    %dot_general3A = arith.constant dense<0.000000e+00> : vector<2000x384xf32>
    %dot_general3A_5 = tpu.matmul %get3A_1, %get3A_4, %dot_general3A {dimension_numbers = #tpu.dot_dimension_numbers<[1], [0], [0], [1], [0, 0, 1, 1], [], []>, transpose_lhs_hint = false} : vector<2000x128xf32>, vector<128x384xf32>, vector<2000x384xf32> -> vector<2000x384xf32>
    %get3A_6 = arith.constant 0 : index
    %get3A_7 = arith.constant 0 : index
    %get3A_8 = vector.load %arg3[%get3A_6, %get3A_7] : memref<1x384xf32, #tpu.memory_space<vmem>>, vector<1x384xf32>
    %add3A = vector.broadcast %get3A_8 : vector<1x384xf32> to vector<2000x384xf32>
    %add3A_9 = arith.addf %dot_general3A_5, %add3A : vector<2000x384xf32>
    %slice3A = vector.extract_strided_slice %add3A_9 {offsets = [0, 0], sizes = [2000, 128], strides = [1, 1]} : vector<2000x384xf32> to vector<2000x128xf32>
    %swap3A = arith.constant 0 : index
    %swap3A_10 = arith.constant 0 : index
    %swap3A_11 = vector.load %arg4[%swap3A, %swap3A_10] : memref<2000x128xf32, #tpu.memory_space<vmem>>, vector<2000x128xf32>
    tpu.vector_store %arg4[%swap3A, %swap3A_10], %slice3A {strides = array<i32>} : memref<2000x128xf32, #tpu.memory_space<vmem>>, vector<2000x128xf32>,
    %slice3A_12 = vector.extract_strided_slice %add3A_9 {offsets = [0, 128], sizes = [2000, 128], strides = [1, 1]} : vector<2000x384xf32> to vector<2000x128xf32>
    %swap3A_13 = arith.constant 0 : index
    %swap3A_14 = arith.constant 0 : index
    %swap3A_15 = vector.load %arg5[%swap3A_13, %swap3A_14] : memref<2000x128xf32, #tpu.memory_space<vmem>>, vector<2000x128xf32>
    tpu.vector_store %arg5[%swap3A_13, %swap3A_14], %slice3A_12 {strides = array<i32>} : memref<2000x128xf32, #tpu.memory_space<vmem>>, vector<2000x128xf32>,
    %slice3A_16 = vector.extract_strided_slice %add3A_9 {offsets = [0, 256], sizes = [2000, 128], strides = [1, 1]} : vector<2000x384xf32> to vector<2000x128xf32>
    %swap3A_17 = arith.constant 0 : index
    %swap3A_18 = arith.constant 0 : index
    %swap3A_19 = vector.load %arg6[%swap3A_17, %swap3A_18] : memref<2000x128xf32, #tpu.memory_space<vmem>>, vector<2000x128xf32>
    tpu.vector_store %arg6[%swap3A_17, %swap3A_18], %slice3A_16 {strides = array<i32>} : memref<2000x128xf32, #tpu.memory_space<vmem>>, vector<2000x128xf32>,
    return
  }
  func.func @transform_0(%arg0: i32) -> (i32, i32) {
    %c0_i32 = arith.constant 0 : i32
    %c0_i32_0 = arith.constant 0 : i32
    return %arg0, %c0_i32 : i32, i32
  }
  func.func @transform_1(%arg0: i32) -> (i32, i32) {
    %c0_i32 = arith.constant 0 : i32
    %c0_i32_0 = arith.constant 0 : i32
    %c0_i32_1 = arith.constant 0 : i32
    return %c0_i32, %c0_i32_0 : i32, i32
  }
  func.func @transform_2(%arg0: i32) -> (i32, i32) {
    %c0_i32 = arith.constant 0 : i32
    %c0_i32_0 = arith.constant 0 : i32
    %c0_i32_1 = arith.constant 0 : i32
    return %c0_i32, %c0_i32_0 : i32, i32
  }
  func.func @transform_3(%arg0: i32) -> (i32, i32) {
    %c0_i32 = arith.constant 0 : i32
    %c0_i32_0 = arith.constant 0 : i32
    return %arg0, %c0_i32 : i32, i32
  }
  func.func @transform_4(%arg0: i32) -> (i32, i32) {
    %c0_i32 = arith.constant 0 : i32
    %c0_i32_0 = arith.constant 0 : i32
    return %arg0, %c0_i32 : i32, i32
  }
  func.func @transform_5(%arg0: i32) -> (i32, i32) {
    %c0_i32 = arith.constant 0 : i32
    %c0_i32_0 = arith.constant 0 : i32
    return %arg0, %c0_i32 : i32, i32
  }
}

module attributes {stable_mosaic.version = 14 : i64} {
  func.func @_combine_body(%arg0: i32, %arg1: memref<2000x128xf32, #tpu.memory_space<vmem>>, %arg2: memref<2000x16xf32, #tpu.memory_space<vmem>>, %arg3: memref<128x384xf32, #tpu.memory_space<vmem>>, %arg4: memref<1x384xf32, #tpu.memory_space<vmem>>, %arg5: memref<2000x128xf32, #tpu.memory_space<vmem>>, %arg6: memref<2000x128xf32, #tpu.memory_space<vmem>>, %arg7: memref<2000x128xf32, #tpu.memory_space<vmem>>) attributes {dimension_semantics = [#tpu.dimension_semantics<arbitrary>], iteration_bounds = array<i64: 5>, scalar_prefetch = 0 : i64, scratch_operands = 0 : i64, tpu.core_type = #tpu.core_type<tc>, window_params = [{transform_indices = @transform_0, window_bounds = array<i64: 2000, 128>}, {transform_indices = @transform_1, window_bounds = array<i64: 2000, 16>}, {pipeline_mode = #tpu.pipeline_mode<synchronous>, transform_indices = @transform_2, window_bounds = array<i64: 128, 384>}, {pipeline_mode = #tpu.pipeline_mode<synchronous>, transform_indices = @transform_3, window_bounds = array<i64: 1, 384>}, {transform_indices = @transform_4, window_bounds = array<i64: 2000, 128>}, {transform_indices = @transform_5, window_bounds = array<i64: 2000, 128>}, {transform_indices = @transform_6, window_bounds = array<i64: 2000, 128>}]} {
    %get3A = arith.constant 0 : index
    %get3A_0 = arith.constant 0 : index
    %get3A_1 = vector.load %arg1[%get3A, %get3A_0] : memref<2000x128xf32, #tpu.memory_space<vmem>>, vector<2000x128xf32>
    %get3A_2 = arith.constant 0 : index
    %get3A_3 = arith.constant 0 : index
    %get3A_4 = vector.load %arg2[%get3A_2, %get3A_3] : memref<2000x16xf32, #tpu.memory_space<vmem>>, vector<2000x16xf32>
    %slice3A = vector.extract_strided_slice %get3A_4 {offsets = [0, 0], sizes = [2000, 1], strides = [1, 1]} : vector<2000x16xf32> to vector<2000x1xf32>
    %add3A = arith.constant 9.99999971E-10 : f32
    %add3A_5 = vector.broadcast %add3A : f32 to vector<2000x1xf32>
    %add3A_6 = arith.addf %slice3A, %add3A_5 : vector<2000x1xf32>
    %div3A = vector.broadcast %add3A_6 : vector<2000x1xf32> to vector<2000x128xf32>
    %div3A_7 = arith.divf %get3A_1, %div3A : vector<2000x128xf32>
    %get3A_8 = arith.constant 0 : index
    %get3A_9 = arith.constant 0 : index
    %get3A_10 = vector.load %arg3[%get3A_8, %get3A_9] : memref<128x384xf32, #tpu.memory_space<vmem>>, vector<128x384xf32>
    %dot_general3A = arith.constant dense<0.000000e+00> : vector<2000x384xf32>
    %dot_general3A_11 = tpu.matmul %div3A_7, %get3A_10, %dot_general3A {dimension_numbers = #tpu.dot_dimension_numbers<[1], [0], [0], [1], [0, 0, 1, 1], [], []>, transpose_lhs_hint = false} : vector<2000x128xf32>, vector<128x384xf32>, vector<2000x384xf32> -> vector<2000x384xf32>
    %get3A_12 = arith.constant 0 : index
    %get3A_13 = arith.constant 0 : index
    %get3A_14 = vector.load %arg4[%get3A_12, %get3A_13] : memref<1x384xf32, #tpu.memory_space<vmem>>, vector<1x384xf32>
    %add3A_15 = vector.broadcast %get3A_14 : vector<1x384xf32> to vector<2000x384xf32>
    %add3A_16 = arith.addf %dot_general3A_11, %add3A_15 : vector<2000x384xf32>
    %slice3A_17 = vector.extract_strided_slice %add3A_16 {offsets = [0, 0], sizes = [2000, 128], strides = [1, 1]} : vector<2000x384xf32> to vector<2000x128xf32>
    %swap3A = arith.constant 0 : index
    %swap3A_18 = arith.constant 0 : index
    %swap3A_19 = vector.load %arg5[%swap3A, %swap3A_18] : memref<2000x128xf32, #tpu.memory_space<vmem>>, vector<2000x128xf32>
    tpu.vector_store %arg5[%swap3A, %swap3A_18], %slice3A_17 {strides = array<i32>} : memref<2000x128xf32, #tpu.memory_space<vmem>>, vector<2000x128xf32>,
    %slice3A_20 = vector.extract_strided_slice %add3A_16 {offsets = [0, 128], sizes = [2000, 128], strides = [1, 1]} : vector<2000x384xf32> to vector<2000x128xf32>
    %swap3A_21 = arith.constant 0 : index
    %swap3A_22 = arith.constant 0 : index
    %swap3A_23 = vector.load %arg6[%swap3A_21, %swap3A_22] : memref<2000x128xf32, #tpu.memory_space<vmem>>, vector<2000x128xf32>
    tpu.vector_store %arg6[%swap3A_21, %swap3A_22], %slice3A_20 {strides = array<i32>} : memref<2000x128xf32, #tpu.memory_space<vmem>>, vector<2000x128xf32>,
    %slice3A_24 = vector.extract_strided_slice %add3A_16 {offsets = [0, 256], sizes = [2000, 128], strides = [1, 1]} : vector<2000x384xf32> to vector<2000x128xf32>
    %swap3A_25 = arith.constant 0 : index
    %swap3A_26 = arith.constant 0 : index
    %swap3A_27 = vector.load %arg7[%swap3A_25, %swap3A_26] : memref<2000x128xf32, #tpu.memory_space<vmem>>, vector<2000x128xf32>
    tpu.vector_store %arg7[%swap3A_25, %swap3A_26], %slice3A_24 {strides = array<i32>} : memref<2000x128xf32, #tpu.memory_space<vmem>>, vector<2000x128xf32>,
    return
  }
  func.func @transform_0(%arg0: i32) -> (i32, i32) {
    %c0_i32 = arith.constant 0 : i32
    %c0_i32_0 = arith.constant 0 : i32
    return %arg0, %c0_i32 : i32, i32
  }
  func.func @transform_1(%arg0: i32) -> (i32, i32) {
    %c0_i32 = arith.constant 0 : i32
    %c0_i32_0 = arith.constant 0 : i32
    return %arg0, %c0_i32 : i32, i32
  }
  func.func @transform_2(%arg0: i32) -> (i32, i32) {
    %c0_i32 = arith.constant 0 : i32
    %c0_i32_0 = arith.constant 0 : i32
    %c0_i32_1 = arith.constant 0 : i32
    return %c0_i32, %c0_i32_0 : i32, i32
  }
  func.func @transform_3(%arg0: i32) -> (i32, i32) {
    %c0_i32 = arith.constant 0 : i32
    %c0_i32_0 = arith.constant 0 : i32
    %c0_i32_1 = arith.constant 0 : i32
    return %c0_i32, %c0_i32_0 : i32, i32
  }
  func.func @transform_4(%arg0: i32) -> (i32, i32) {
    %c0_i32 = arith.constant 0 : i32
    %c0_i32_0 = arith.constant 0 : i32
    return %arg0, %c0_i32 : i32, i32
  }
  func.func @transform_5(%arg0: i32) -> (i32, i32) {
    %c0_i32 = arith.constant 0 : i32
    %c0_i32_0 = arith.constant 0 : i32
    return %arg0, %c0_i32 : i32, i32
  }
  func.func @transform_6(%arg0: i32) -> (i32, i32) {
    %c0_i32 = arith.constant 0 : i32
    %c0_i32_0 = arith.constant 0 : i32
    return %arg0, %c0_i32 : i32, i32
  }
}

module attributes {stable_mosaic.version = 14 : i64} {
  func.func @_final_body(%arg0: i32, %arg1: memref<2000x128xf32, #tpu.memory_space<vmem>>, %arg2: memref<2000x16xf32, #tpu.memory_space<vmem>>, %arg3: memref<128x40xf32, #tpu.memory_space<vmem>>, %arg4: memref<1x40xf32, #tpu.memory_space<vmem>>, %arg5: memref<2000x40xf32, #tpu.memory_space<vmem>>) attributes {dimension_semantics = [#tpu.dimension_semantics<arbitrary>], iteration_bounds = array<i64: 5>, scalar_prefetch = 0 : i64, scratch_operands = 0 : i64, tpu.core_type = #tpu.core_type<tc>, window_params = [{transform_indices = @transform_0, window_bounds = array<i64: 2000, 128>}, {transform_indices = @transform_1, window_bounds = array<i64: 2000, 16>}, {pipeline_mode = #tpu.pipeline_mode<synchronous>, transform_indices = @transform_2, window_bounds = array<i64: 128, 40>}, {pipeline_mode = #tpu.pipeline_mode<synchronous>, transform_indices = @transform_3, window_bounds = array<i64: 1, 40>}, {transform_indices = @transform_4, window_bounds = array<i64: 2000, 40>}]} {
    %get3A = arith.constant 0 : index
    %get3A_0 = arith.constant 0 : index
    %get3A_1 = vector.load %arg1[%get3A, %get3A_0] : memref<2000x128xf32, #tpu.memory_space<vmem>>, vector<2000x128xf32>
    %get3A_2 = arith.constant 0 : index
    %get3A_3 = arith.constant 0 : index
    %get3A_4 = vector.load %arg2[%get3A_2, %get3A_3] : memref<2000x16xf32, #tpu.memory_space<vmem>>, vector<2000x16xf32>
    %slice3A = vector.extract_strided_slice %get3A_4 {offsets = [0, 0], sizes = [2000, 1], strides = [1, 1]} : vector<2000x16xf32> to vector<2000x1xf32>
    %add3A = arith.constant 9.99999971E-10 : f32
    %add3A_5 = vector.broadcast %add3A : f32 to vector<2000x1xf32>
    %add3A_6 = arith.addf %slice3A, %add3A_5 : vector<2000x1xf32>
    %div3A = vector.broadcast %add3A_6 : vector<2000x1xf32> to vector<2000x128xf32>
    %div3A_7 = arith.divf %get3A_1, %div3A : vector<2000x128xf32>
    %get3A_8 = arith.constant 0 : index
    %get3A_9 = arith.constant 0 : index
    %get3A_10 = vector.load %arg3[%get3A_8, %get3A_9] : memref<128x40xf32, #tpu.memory_space<vmem>>, vector<128x40xf32>
    %dot_general3A = arith.constant dense<0.000000e+00> : vector<2000x40xf32>
    %dot_general3A_11 = tpu.matmul %div3A_7, %get3A_10, %dot_general3A {dimension_numbers = #tpu.dot_dimension_numbers<[1], [0], [0], [1], [0, 0, 1, 1], [], []>, transpose_lhs_hint = false} : vector<2000x128xf32>, vector<128x40xf32>, vector<2000x40xf32> -> vector<2000x40xf32>
    %get3A_12 = arith.constant 0 : index
    %get3A_13 = arith.constant 0 : index
    %get3A_14 = vector.load %arg4[%get3A_12, %get3A_13] : memref<1x40xf32, #tpu.memory_space<vmem>>, vector<1x40xf32>
    %add3A_15 = vector.broadcast %get3A_14 : vector<1x40xf32> to vector<2000x40xf32>
    %add3A_16 = arith.addf %dot_general3A_11, %add3A_15 : vector<2000x40xf32>
    %reduce_max3A = arith.constant dense<0xFF800000> : vector<2000xf32>
    %reduce_max3A_17 = vector.multi_reduction <maximumf>, %add3A_16, %reduce_max3A [1] : vector<2000x40xf32> to vector<2000xf32>
    %broadcast_in_dim3A = vector.shape_cast %reduce_max3A_17 : vector<2000xf32> to vector<2000x1xf32>
    %sub3A = vector.broadcast %broadcast_in_dim3A : vector<2000x1xf32> to vector<2000x40xf32>
    %sub3A_18 = arith.subf %add3A_16, %sub3A : vector<2000x40xf32>
    %exp3A = math.exp %sub3A_18 : vector<2000x40xf32>
    %reduce_sum3A = arith.constant dense<0.000000e+00> : vector<2000xf32>
    %reduce_sum3A_19 = vector.multi_reduction <add>, %exp3A, %reduce_sum3A [1] : vector<2000x40xf32> to vector<2000xf32>
    %broadcast_in_dim3A_20 = vector.shape_cast %reduce_sum3A_19 : vector<2000xf32> to vector<2000x1xf32>
    %log3A = math.log %broadcast_in_dim3A_20 : vector<2000x1xf32>
    %sub3A_21 = vector.broadcast %log3A : vector<2000x1xf32> to vector<2000x40xf32>
    %sub3A_22 = arith.subf %sub3A_18, %sub3A_21 : vector<2000x40xf32>
    %swap3A = arith.constant 0 : index
    %swap3A_23 = arith.constant 0 : index
    %swap3A_24 = vector.load %arg5[%swap3A, %swap3A_23] : memref<2000x40xf32, #tpu.memory_space<vmem>>, vector<2000x40xf32>
    tpu.vector_store %arg5[%swap3A, %swap3A_23], %sub3A_22 {strides = array<i32>} : memref<2000x40xf32, #tpu.memory_space<vmem>>, vector<2000x40xf32>,
    return
  }
  func.func @transform_0(%arg0: i32) -> (i32, i32) {
    %c0_i32 = arith.constant 0 : i32
    %c0_i32_0 = arith.constant 0 : i32
    return %arg0, %c0_i32 : i32, i32
  }
  func.func @transform_1(%arg0: i32) -> (i32, i32) {
    %c0_i32 = arith.constant 0 : i32
    %c0_i32_0 = arith.constant 0 : i32
    return %arg0, %c0_i32 : i32, i32
  }
  func.func @transform_2(%arg0: i32) -> (i32, i32) {
    %c0_i32 = arith.constant 0 : i32
    %c0_i32_0 = arith.constant 0 : i32
    %c0_i32_1 = arith.constant 0 : i32
    return %c0_i32, %c0_i32_0 : i32, i32
  }
  func.func @transform_3(%arg0: i32) -> (i32, i32) {
    %c0_i32 = arith.constant 0 : i32
    %c0_i32_0 = arith.constant 0 : i32
    %c0_i32_1 = arith.constant 0 : i32
    return %c0_i32, %c0_i32_0 : i32, i32
  }
  func.func @transform_4(%arg0: i32) -> (i32, i32) {
    %c0_i32 = arith.constant 0 : i32
    %c0_i32_0 = arith.constant 0 : i32
    return %arg0, %c0_i32 : i32, i32
  }
}

</mosaic_0001>

<sc_bundles>
// kernel: kernel.11.cloned.1.call-start
scs
__scs_entry_jumppad:
0x0: {  	(pc) =	sbr.rel $0x88, $3  }
0x1: {  	(tag) =	ssettag $0x0;
	lr =	simm.s32 $0x1  }
0x2: {  	[smem:$0x3F91] =	sst lr;
	_ =	strace $0xD0000000  }
0x3: {  	_ = 	snop  }
0x4: {  	_ = 	snop  }
0x5: {  	_ = 	snop  }
0x6: {  	_ = 	snop  }
0x7: {  	_ = 	snop  }
__scs_overlays_trampoline_lowered:
0x8: {  	[smem:$0x3FA0] =	sst s0  }
0x9: {  	[smem:$0x3FA1] =	sst s1  }
0xa: {  	[smem:$0x3FA2] =	sst s2  }
0xb: {  	[smem:$0x3FA3] =	sst s3  }
0xc: {  	[smem:$0x3FA4] =	sst s4  }
0xd: {  	[smem:$0x3FA5] =	sst s5  }
0xe: {  	[smem:$0x3FA6] =	sst s6  }
0xf: {  	[smem:$0x3FA7] =	sst s7  }
0x10: {  	[smem:$0x3FA8] =	sst s8  }
0x11: {  	[smem:$0x3FA9] =	sst s9;
	s0 =	simm.s32 @!p0 $0x0  }
0x12: {  	s1 =	sld [smem:$0x3F8F];
	s0 =	simm.s32 @p0 $0x1  }
0x13: {  	[smem:$0x3FAA] =	sst s0;
	s0 =	simm.s32 @!p1 $0x0  }
0x14: {  	s2 =	sld [smem:$0x3F8E];
	s0 =	simm.s32 @p1 $0x1  }
0x15: {  	[smem:$0x3FAB] =	sst s0;
	s0 =	simm.s32 @!p2 $0x0  }
0x16: {  	s3 =	sld [smem:$0x3FDB];
	s0 =	simm.s32 @p2 $0x1  }
0x17: {  	s4 =	simm.s32 $0x1BF5;
	[smem:$0x3FAD] =	sst s0  }
0x18: {  	s0 =	sld [smem:$0x3F90];
	_ =	swait.ge [sflag:s4], $0x0  }
0x19: {  	s7 =	sld [smem:$0x3F91]  }
0x1a: {  	s8 =	sadd.s32 $0xFFFFE003, lr  }
0x1b: {  	s9 =	sadd.s32 $0xFFFFFEF7, lr;
	s5 =	simm.s32 $0xFFFFFFFF;
	p2 =	slt.u32 s8, $0xFFFFF086  }
0x1c: {  	p1 =	slt.u32 s9, $0xF7A;
	s5 =	simm.s32 @!p2 $0x0  }
0x1d: {  	s5 =	simm.s32 @p1 $0x1;
	p0 =	seq.s32 s7, s2  }
0x1e: {  	s7 =	smul.u32 @!p0 $0xF7A, s2;
	p2 =	seq.s32 @!p0 s5, $0x0  }
0x1f: {  	s9 =	smul.u32 $0xF7A, s1;
	s8 =	simm.s32 @!p0 $0x1BF5;
	p2 =	por !p2, p0  }
0x20: {  	[sflag:s8] =	ssyncset.s32 @!p0 $0xFFFFF086;
	s6 =	sadd.s32 @!p0 s3, s7;
	s7 =	simm.s32 @!p0 $0x108  }
0x21: {  	s3 =	sadd.s32 s3, s9;
	s6 =	sadd.s32 @!p0 $0x88, s6;
	s7 =	simm.s32 @p2 $0x1082  }
0x22: {  	[simem:s7], [sflag:s8] =	dma.local @!p0 [hbm:s6], $0xF7A  }
0x23: {  	s9 =	sor.u32 $0xD0000000, s2;
	s6 =	simm.s32 $0x108;
	_ =	swait.ge @!p0 [sflag:s8], $0x0  }
0x24: {  	s3 =	sadd.s32 $0x88, s3;
	s6 =	simm.s32 @!p1 $0x1082;
	[sflag:s4] =	ssyncset.s32 $0xFFFFF086  }
0x25: {  	[simem:s6], [sflag:s4] =	dma.local [hbm:s3], $0xF7A  }
0x26: {  	[smem:$0x3F91] =	sst s1;
	(tag) =	ssettag s2;
	_ =	strace s9  }
0x27: {  	s1 =	sld [smem:$0x3FA1]  }
0x28: {  	s2 =	sld [smem:$0x3FA2]  }
0x29: {  	s4 =	sld [smem:$0x3FA4]  }
0x2a: {  	p0 =	seq.s32 s5, $0x0;
	s5 =	sld [smem:$0x3FA5]  }
0x2b: {  	s6 =	sld [smem:$0x3FA6]  }
0x2c: {  	s7 =	sld [smem:$0x3FA7]  }
0x2d: {  	s3 =	simm.s32 $0x108;
	s8 =	sld [smem:$0x3FA8]  }
0x2e: {  	s3 =	simm.s32 @!p0 $0x1082;
	s9 =	sld [smem:$0x3FA9]  }
0x2f: {  	lr =	sadd.s32 s0, s3;
	s0 =	sld [smem:$0x3FA0]  }
0x30: {  	s3 =	sld [smem:$0x3FA3]  }
0x31: {  	[smem:$0x3FAC] =	sst s10  }
0x32: {  	s10 =	sld [smem:$0x3FAA];
	_ =	sdelay $0x3  }
0x33: {  	p0 =	seq.s32 s10, $0x1;
	s10 =	sld [smem:$0x3FAC];
	_ =	sdelay $0x3  }
0x34: {  	[smem:$0x3FAC] =	sst s10  }
0x35: {  	s10 =	sld [smem:$0x3FAB];
	_ =	sdelay $0x3  }
0x36: {  	p1 =	seq.s32 s10, $0x1;
	s10 =	sld [smem:$0x3FAC];
	_ =	sdelay $0x3  }
0x37: {  	[smem:$0x3FAC] =	sst s10  }
0x38: {  	s10 =	sld [smem:$0x3FAD]  }
0x39: {  	_ = 	snop;
	(pc) =	sbr.ind lr, $3  }
0x3a: {  	_ = 	snop  }
0x3b: {  	_ = 	snop  }
0x3c: {  	p2 =	seq.s32 s10, $0x1;
	s10 =	sld [smem:$0x3FAC]  }
0x3d: {  	_ =	shalt  }
0x3e: {  	_ =	shalt  }
0x3f: {  	_ =	shalt  }
0x40: {  	_ =	shalt  }
0x41: {  	_ =	shalt  }
0x42: {  	_ =	shalt  }
0x43: {  	_ =	shalt  }
0x44: {  	_ =	shalt  }
0x45: {  	_ =	shalt  }
0x46: {  	_ =	shalt  }
0x47: {  	_ =	shalt  }
0x48: {  	_ =	shalt  }
0x49: {  	_ =	shalt  }
0x4a: {  	_ =	shalt  }
0x4b: {  	_ =	shalt  }
0x4c: {  	_ =	shalt  }
0x4d: {  	_ =	shalt  }
0x4e: {  	_ =	shalt  }
0x4f: {  	_ =	shalt  }
0x50: {  	_ =	shalt  }
0x51: {  	_ =	shalt  }
0x52: {  	_ =	shalt  }
0x53: {  	_ =	shalt  }
0x54: {  	_ =	shalt  }
0x55: {  	_ =	shalt  }
0x56: {  	_ =	shalt  }
0x57: {  	_ =	shalt  }
0x58: {  	_ =	shalt  }
0x59: {  	_ =	shalt  }
0x5a: {  	_ =	shalt  }
0x5b: {  	_ =	shalt  }
0x5c: {  	_ =	shalt  }
0x5d: {  	_ =	shalt  }
0x5e: {  	_ =	shalt  }
0x5f: {  	_ =	shalt  }
0x60: {  	_ =	shalt  }
0x61: {  	_ =	shalt  }
0x62: {  	_ =	shalt  }
0x63: {  	_ =	shalt  }
0x64: {  	_ =	shalt  }
0x65: {  	_ =	shalt  }
0x66: {  	_ =	shalt  }
0x67: {  	_ =	shalt  }
0x68: {  	_ =	shalt  }
0x69: {  	_ =	shalt  }
0x6a: {  	_ =	shalt  }
0x6b: {  	_ =	shalt  }
0x6c: {  	_ =	shalt  }
0x6d: {  	_ =	shalt  }
0x6e: {  	_ =	shalt  }
0x6f: {  	_ =	shalt  }
0x70: {  	_ =	shalt  }
0x71: {  	_ =	shalt  }
0x72: {  	_ =	shalt  }
0x73: {  	_ =	shalt  }
0x74: {  	_ =	shalt  }
0x75: {  	_ =	shalt  }
0x76: {  	_ =	shalt  }
0x77: {  	_ =	shalt  }
0x78: {  	_ =	shalt  }
0x79: {  	_ =	shalt  }
0x7a: {  	_ =	shalt  }
0x7b: {  	_ =	shalt  }
0x7c: {  	_ =	shalt  }
0x7d: {  	_ =	shalt  }
0x7e: {  	_ =	shalt  }
0x7f: {  	_ =	shalt  }
0x80: {  	_ =	shalt  }
0x81: {  	_ =	shalt  }
0x82: {  	_ =	shalt  }
0x83: {  	_ =	shalt  }
0x84: {  	_ =	shalt  }
0x85: {  	_ =	shalt  }
0x86: {  	_ =	shalt  }
0x87: {  	_ =	shalt  }
.Lfunc_end0:
.L_simem_size_0:
called_computation.1_lowered:
.L_overlay_start_0:
0x88: {  	s2 =	sld [smem:$0x3FD9]  }
0x89: {  	s3 =	sld [smem:$0x3FFE];
	_ =	sdelay $0x1  }
0x8a: {  	s1 =	srdreg.scid  }
0x8b: {  	s0 =	sand.u32 $0x1, s1  }
0x8c: {  	s16 =	sshll.u32 s0, $0xA;
	s2 =	sadd.s32 s3, s2  }
0x8d: {  	s2 =	sadd.s32 s2, s16  }
0x8e: {  	[smem:$0x3FB8] =	sst s2  }
0x8f: {  	_ = 	snop  }
0x90: {  	(tm) =	ssettm $0x1  }
0x91: {  	s17 =	sld [smem:$0x3FFB];
	_ =	sdelay $0x3  }
0x92: {  	_ =	strace s17  }
0x93: {  	s2 =	sld [smem:$0x3FFC];
	_ =	sdelay $0x3  }
0x94: {  	_ =	strace s2  }
0x95: {  	s2 =	sld [smem:$0x3FFD];
	_ =	sdelay $0x3  }
0x96: {  	_ =	strace s2  }
0x97: {  	_ =	strace $0x8FFFFFFF  }
0x98: {  	s18 =	sld [smem:$0x3FDB];
	_ =	sdelay $0x1  }
0x99: {  	s19 =	simm.s32 $_scs_section_size  }
0x9a: {  	s4 =	simm.s32 $_size__tile_overlayer_lowered;
	s5 =	simm.s32 $_tile_overlayer_lowered  }
0x9b: {  	s22 =	simm.s32 $0x1BFF;
	s21 =	sshll.u32 s5, $0x1;
	s2 =	sadd.s32 s19, s18  }
0x9c: {  	s6 =	simm.s32 $0x0;
	s20 =	sshll.u32 s4, $0x1;
	s4 =	sadd.s32 s21, s2  }
0x9d: {  	[timem:s6], [sflag:s22] =	dma.local [hbm:s4], s20  }
0x9e: {  	_ =	swait.ge [sflag:s22], s20  }
0x9f: {  	s3 =	ssub.s32 $0x0, s20;
	[sflag:s22] =	ssyncset.done $0x0  }
0xa0: {  	[sflag:s22] =	ssyncadd.s32 s3;
	_ =	sdelay $0x1  }
0xa1: {  	s23 =	simm.s32 $0x1B8B  }
0xa2: {  	_ =	swait.ge [sflag:s23], $0x1  }
0xa3: {  	[sflag:s23] =	ssyncset.done $0x0  }
0xa4: {  	s25 =	simm.s32 $0x1B8E;
	s24 =	sld [smem:$0x3FFE];
	[sflag:s23] =	ssyncadd.s32 $0xFFFFFFFF  }
0xa5: {  	s26 =	simm.s32 $execute0_lowered;
	[smem:$0x3FD2] =	sst s25  }
0xa6: {  	s4 =	sshll.u32 s26, $0x1;
	_ =	strace $0x80000049;
	[dreg:$0x1] =	wrdreg $0xFFFFFFFF  }
0xa7: {  	s28 =	simm.s32 $_size_execute0_lowered;
	s2 =	sadd.s32 s2, s4;
	[dreg:$0x0] =	wrdreg $0x0  }
0xa8: {  	s4 =	sshll.u32 s28, $0x1;
	[dreg:$0x2] =	wrdreg s2  }
0xa9: {  	[dreg:$0x3] =	wrdreg s4  }
0xaa: {  	[dreg:$0x4] =	wrdreg $0xC0  }
0xab: {  	_ =	task [dreg:s6], $0x5FFFF  }
0xac: {  	[dreg:$0x1] =	wrdreg $0xFFFFFFFF  }
0xad: {  	[dreg:$0x0] =	wrdreg $0x60  }
0xae: {  	[dreg:$0x2] =	wrdreg s24  }
0xaf: {  	[dreg:$0x3] =	wrdreg $0x9  }
0xb0: {  	_ =	task.clear_ibuf [dreg:s6], $0x4FFFF;
	_ =	strace $0x90000049  }
0xb1: {  	s29 =	simm.s32 $0x9;
	_ =	strace $0x8000004B  }
0xb2: {  	_ =	swait.ge [sflag:s29], $0x1  }
0xb3: {  	[sflag:s29] =	ssyncadd.s32 $0xFFFFFFFF  }
0xb4: {  	_ =	strace $0x9000004B  }
0xb5: {  	_ =	sfence  }
0xb6: {  	s30 =	sld [smem:$0x0];
	_ =	sdelay $0x2  }
0xb7: {  	s31 =	sshll.u32 s1, $0xD;
	s1 =	sshrl.u32 s1, $0x2  }
0xb8: {  	s3 =	sand.u32 $0x4000, s31;
	s1 =	sadd.s32 s1, s30  }
0xb9: {  	s0 =	sor.u32 s3, s0;
	s1 =	sshll.u32 s1, $0x11  }
0xba: {  	s0 =	sor.u32 s1, s0  }
0xbb: {  	s0 =	sadd.s32 $0x8F2B, s0  }
0xbc: {  	[sflag:s0] =	ssyncadd.remote.s32 $0x1  }
0xbd: {  	_ =	sfence.sel $0xFFFF  }
0xbe: {  	[dreg:$0x0] =	wrdreg $0xFFFFFFFF;
	(pc) =	sbr.abs _section_cstart, $3  }
0xbf: {  	[dreg:$0x1] =	wrdreg $0xFFFFFFFF  }
0xc0: {  	_ =	task.clear_ibuf [dreg:s6], $0x2FFFF;
	_ =	strace $0x9FFFFFFF  }
0xc1: {  	(tm) =	ssettm $0x7FFFFFFF  }
tec
execute0_lowered:
.L_overlay_start_1:
0x0: {  	(tag) =	ssettag $0x1  }
0x1: {  	s0 =	rddreg [dreg:$0x0];
	s3 =	simm.s32 $0x0;
	s1 =	srdreg.scid  }
0x2: {  	s2 =	stileid.u32;
	s12 =	simm.s32 $0x9200;
	s13 =	simm.s32 $0x13600  }
0x3: {  	s16 =	simm.s32 $0x1;
	s17 =	simm.s32 $0x80;
	s18 =	simm.s32 $0x30  }
0x4: {  	s19 =	simm.s32 $0x100;
	s20 =	simm.s32 $0x1900;
	s21 =	simm.s32 $0x3100  }
0x5: {  	s11 =	simm.s32 $0x4900;
	s28 =	simm.s32 $0x7A00;
	s29 =	simm.s32 $0x3  }
0x6: {  	s30 =	simm.s32 $0x1DA00;
	s31 =	simm.s32 $0x4;
	[smem:$0x7FF] =	sst s3  }
0x7: {  	s1 =	sand.u32 $0x1, s1;
	s4 =	sshll.u32 s2, $0x1;
	s3 =	sadd.s32 $0x74E00, s0  }
0x8: {  	s22 =	sadd.s32 $0x26A00, s0;
	s5 =	sadd.s32 $0x4DC00, s0;
	s6 =	sadd.s32 $0xE200, s0  }
0x9: {  	_ =	strace $0x8000004A;
	s7 =	sor.u32 s1, s4;
	[dreg:$0x2] =	wrdreg s22  }
0xa: {  	s1 =	ssub.s32 $0x2, s1;
	s4 =	simm.s32 $0x5;
	s8 =	smul.u32 $0x1400, s7  }
0xb: {  	s9 =	sshll.u32 s7, $0x1;
	s23 =	sshrl.u32 s1, $0x1;
	s10 =	smul.u32 $0x140, s7  }
0xc: {  	s9 =	sadd.s32 s9, s0;
	s1 =	ssub.s32 s1, s23;
	s23 =	simm.s32 $0x4980  }
.Ltmp0:
0xd: {  	v0 =	vlaneseq.u32;
	s0 =	sadd.s32 s8, s0;
	s24 =	sadd.s32 $0x26800, s9;
	(pc) =	sbr.rel .LBB2_1-.Ltmp0, $4  }
0xe: {  	v2 =	vimm.f32 $0.0e+00;
	vm0 =	vcmask $0x300;
	v3 =	vor.u32 $0x10, v0;
	s8 =	smul.u32 $0x6180, s7;
	s26 =	smax.u32 s1, $0x1;
	[dreg:$0x3] =	wrdreg s24  }
0xf: {  	v4 =	vor.u32 $0x20, v0;
	v5 =	vor.u32 $0x30, v0;
	v6 =	vor.u32 $0x40, v0;
	s1 =	simm.s32 $0x0;
	s25 =	sadd.s32 $0x9D000, s0;
	[dreg:$0x6] =	wrdreg s26  }
0x10: {  	v7 =	vor.u32 $0x50, v0;
	v8 =	vor.u32 $0x60, v0;
	v9 =	vor.u32 $0x70, v0;
	s0 =	sadd.s32 $0xC5000, s0;
	s24 =	simm.s32 $0x2;
	[dreg:$0x4] =	wrdreg s25  }
0x11: {  	v10 =	vmul.u32 $0x80, v0;
	v11 =	vsel vm0, $0x3F800000, v2;
	v1 =	vmov s10;
	s26 =	simm.s32 $0x6200;
	[dreg:$0x5] =	wrdreg s0;
	s25 =	simm.s32 $0x4A00  }
.LBB2_17:
0x12: {  	_ =	swait.ge [sflag:s29], $0x1800  }
0x13: {  	[sflag:s29] =	ssyncset.done $0x0  }
0x14: {  	[sflag:s29] =	ssyncadd.s32 $0xFFFFE800  }
0x15: {  	_ =	swait.ge [sflag:s29], $0x1800  }
0x16: {  	[sflag:s29] =	ssyncset.done $0x0  }
0x17: {  	[sflag:s29] =	ssyncadd.s32 $0xFFFFE800  }
0x18: {  	_ =	swait.ge [sflag:s29], $0x1800  }
0x19: {  	[sflag:s29] =	ssyncset.done $0x0  }
0x1a: {  	[sflag:s29] =	ssyncadd.s32 $0xFFFFE800  }
0x1b: {  	_ =	swait.ge [sflag:s24], $0x30  }
0x1c: {  	[sflag:s24] =	ssyncset.done $0x0  }
0x1d: {  	[sflag:s24] =	ssyncadd.s32 $0xFFFFFFD0  }
0x1e: {  	_ =	swait.ge [sflag:s24], $0x30  }
0x1f: {  	s0 =	simm.s32 $0x0;
	[sflag:s24] =	ssyncset.done $0x0  }
0x20: {  	s4 =	simm.s32 $0x5;
	s1 =	rddreg [dreg:$0x4];
	[sflag:s24] =	ssyncadd.s32 $0xFFFFFFD0  }
0x21: {  	[hbm4b:s1+s0] =	stream.linear.scatter [tilespmem:s12], [sflag:$0x5], $0xA000, $0x38;
	[tilespmem:$0x1DB00] =	vst v63  }
0x22: {  	_ =	swait.ge [sflag:s4], $0xA000  }
0x23: {  	[sflag:s4] =	ssyncset.done $0x0  }
0x24: {  	s14 =	rddreg [dreg:$0x5];
	[sflag:s4] =	ssyncadd.s32 $0xFFFF6000  }
0x25: {  	[hbm4b:s14+s0] =	stream.linear.scatter [tilespmem:s13], [sflag:$0x5], $0xA000, $0x38;
	[tilespmem:$0x1DB00] =	vst v63  }
0x26: {  	_ =	swait.ge [sflag:s4], $0xA000  }
0x27: {  	s15 =	rddreg [dreg:$0x7]  }
0x28: {  	s22 =	rddreg [dreg:$0x6];
	s1 =	sadd.s32 $0x1, s15  }
0x29: {  	p0 =	sne.s32 s1, s22  }
.Ltmp1:
0x2a: {  	_ = 	snop;
	(pc) =	sbr.rel @!p0 .LBB2_18-.Ltmp1, $3  }
0x2b: {  	_ =	sdelay $0x1  }
0x2c: {  	[sflag:s4] =	ssyncset.done $0x0  }
0x2d: {  	[sflag:s4] =	ssyncadd.s32 $0xFFFF6000  }
.LBB2_1:
0x2e: {  	s22 =	simm.s32 $0x0  }
0x2f: {  	v12 =	vor.u32 s22, v0  }
0x30: {  	v15 =	vor.u32 s22, v3;
	_ =	sdelay $0x1  }
0x31: {  	v17 =	vor.u32 s22, v4  }
0x32: {  	v13 =	vor.u32 s22, v5  }
0x33: {  	v14 =	vor.u32 s22, v6;
	[tilespmem:v12+s12+$0x0] =	vst.idx.msk $0xffff, v2  }
0x34: {  	[tilespmem:v15+s12+$0x0] =	vst.idx.msk $0xffff, v2;
	v15 =	vor.u32 s22, v7  }
0x35: {  	v16 =	vor.u32 s22, v8  }
0x36: {  	[dreg:$0x7] =	wrdreg s1;
	s0 =	simm.s32 $0x1;
	[tilespmem:v17+s12+$0x0] =	vst.idx.msk $0xffff, v2;
	v17 =	vor.u32 s22, v9  }
.LBB2_2:
0x37: {  	s1 =	sshll.u32 s0, $0x7;
	p0 =	sne.s32 s0, $0x147;
	s0 =	sadd.s32 $0x1, s0;
	[tilespmem:v13+s12+$0x0] =	vst.idx.msk $0xffff, v2  }
0x38: {  	v18 =	vor.u32 s1, v0;
	[tilespmem:v14+s12+$0x0] =	vst.idx.msk $0xffff, v2  }
0x39: {  	v19 =	vor.u32 s1, v3;
	[tilespmem:v15+s12+$0x0] =	vst.idx.msk $0xffff, v2  }
0x3a: {  	v20 =	vor.u32 s1, v4;
	[tilespmem:v16+s12+$0x0] =	vst.idx.msk $0xffff, v2  }
.Ltmp2:
0x3b: {  	v13 =	vor.u32 s1, v5;
	[tilespmem:v17+s12+$0x0] =	vst.idx.msk $0xffff, v2;
	(pc) =	sbr.rel @p0 .LBB2_2-.Ltmp2, $4  }
0x3c: {  	v14 =	vor.u32 s1, v6;
	[tilespmem:v12+s13+$0x0] =	vst.idx.msk $0xffff, v2;
	v12 =	vmov v18  }
0x3d: {  	v15 =	vor.u32 s1, v7;
	[tilespmem:v18+s12+$0x0] =	vst.idx.msk $0xffff, v2  }
0x3e: {  	v16 =	vor.u32 s1, v8;
	[tilespmem:v19+s12+$0x0] =	vst.idx.msk $0xffff, v2  }
0x3f: {  	v17 =	vor.u32 s1, v9;
	[tilespmem:v20+s12+$0x0] =	vst.idx.msk $0xffff, v2  }
0x40: {  	_ =	sdelay $0x3  }
0x41: {  	[tilespmem:v13+s12+$0x0] =	vst.idx.msk $0xffff, v2  }
0x42: {  	[tilespmem:v14+s12+$0x0] =	vst.idx.msk $0xffff, v2  }
0x43: {  	[tilespmem:v15+s12+$0x0] =	vst.idx.msk $0xffff, v2  }
0x44: {  	[tilespmem:v16+s12+$0x0] =	vst.idx.msk $0xffff, v2  }
0x45: {  	[tilespmem:v17+s12+$0x0] =	vst.idx.msk $0xffff, v2  }
0x46: {  	s1 =	simm.s32 $0x0;
	s0 =	rddreg [dreg:$0x3];
	s2 =	simm.s32 $0x1DA80;
	[tilespmem:v12+s13+$0x0] =	vst.idx.msk $0xffff, v2  }
0x47: {  	[tilespmem:s2], [sflag:$0x5] =	stream.linear.gather [hbm4b:s0+s1], $0x10, $0x38;
	[tilespmem:$0x1DB00] =	vst v63  }
0x48: {  	_ =	swait.ge [sflag:s4], $0x10  }
0x49: {  	[sflag:s4] =	ssyncset.done $0x0  }
0x4a: {  	[sflag:s4] =	ssyncadd.s32 $0xFFFFFFF0  }
0x4b: {  	v63 =	vld [tilespmem:$0x1DA80];
	_ =	sdelay $0x4  }
0x4c: {  	v12 =	vxor.u32 $0x80000000, v63  }
0x4d: {  	(xrf0) =	vmax.scan.msk.u32 $0xffff, v12;
	_ =	sdelay $0x5  }
0x4e: {  	v12, _, _ =	vpop (xrf0)  }
0x4f: {  	(v2sf) =	vpush v12, $0xF;
	_ =	sdelay $0xe  }
0x50: {  	s15 =	spop (v2sf)  }
0x51: {  	s7 =	sxor.u32 $0x80000000, s15  }
0x52: {  	s9 =	smulhi.u32 $0x2AAAAAAB, s7;
	s10 =	sshra.s32 s7, $0x1F  }
0x53: {  	s10 =	smul.u32 $0x2AAAAAAB, s10;
	_ =	sdelay $0x1  }
0x54: {  	s9 =	sadd.s32 s10, s9  }
0x55: {  	s10 =	sshrl.u32 s9, $0x1F;
	s9 =	sshra.s32 s9, $0x3  }
0x56: {  	s9 =	sadd.s32 s10, s9  }
0x57: {  	s10 =	smul.u32 $0xFFFFFFD0, s9  }
0x58: {  	p1 =	sgt.s32 s15, $0xFFFFFFFF;
	p0 =	slt.s32 s7, $0x1;
	s22 =	ssub.s32 $0x0, s7  }
0x59: {  	p0 =	por p1, p0;
	p4 =	sne.s32 s10, s22  }
0x5a: {  	p0 =	por !p0, !p4  }
0x5b: {  	s0 =	simm.s32 $0x1;
	p0 =	por !p0, !p0  }
0x5c: {  	s0 =	simm.s32 @!p0 $0x0  }
0x5d: {  	s0 =	ssub.s32 s9, s0  }
0x5e: {  	s14 =	sadd.s32 $0xFFFFFFFF, s0  }
0x5f: {  	s2 =	sshra.s32 s14, $0x1F  }
0x60: {  	s7 =	sand.u32 s2, s14  }
0x61: {  	s7 =	smul.u32 $0x30, s7;
	_ =	sdelay $0x1  }
0x62: {  	s7 =	sadd.s32 s8, s7  }
0x63: {  	s4 =	sshrl.u32 s7, $0x3;
	s7 =	sadd.s32 $0x30C0, s7  }
0x64: {  	s9 =	sadd.s32 s6, s4;
	s7 =	sshrl.u32 s7, $0x3  }
0x65: {  	[tilespmem:s1], [sflag:$0x1] =	stream.linear.gather [hbm4b:s9+s1], $0x30, $0x38;
	[tilespmem:$0x1DB00] =	vst v63  }
0x66: {  	s7 =	sadd.s32 s6, s7  }
0x67: {  	[tilespmem:s17], [sflag:$0x1] =	stream.linear.gather [hbm4b:s7+s1], $0x30, $0x38;
	[tilespmem:$0x1DB00] =	vst v63  }
0x68: {  	_ =	swait.ge [sflag:s16], $0x30  }
0x69: {  	[sflag:s16] =	ssyncset.done $0x0  }
0x6a: {  	[sflag:s16] =	ssyncadd.s32 $0xFFFFFFD0  }
0x6b: {  	p0 =	slt.s32 s14, $0x1;
	s7 =	smov.u32 s14;
	_ =	swait.ge [sflag:s16], $0x30  }
0x6c: {  	s7 =	simm.s32 @!p0 $0x1;
	[sflag:s16] =	ssyncset.done $0x0  }
0x6d: {  	s7 =	smul.u32 $0x30, s7;
	[sflag:s16] =	ssyncadd.s32 $0xFFFFFFD0  }
0x6e: {  	[tilespmem:s19], [sflag:$0x3] =	stream.indirect.gather [hbm4b:s3+s18], $0x80, s17, s18, $0xb8;
	[tilespmem:$0x1DB00] =	vst v63  }
0x6f: {  	s15 =	sand.u32 $0x1, s0;
	s7 =	sadd.s32 s8, s7;
	s9 =	rddreg [dreg:$0x2]  }
0x70: {  	[tilespmem:s20], [sflag:$0x3] =	stream.indirect.gather [hbm4b:s9+s18], $0x80, s1, s18, $0xb8;
	[tilespmem:$0x1DB00] =	vst v63  }
0x71: {  	p5 =	slt.s32 s0, $0x1;
	s10 =	sshrl.u32 s7, $0x3;
	s7 =	sadd.s32 $0x30C0, s7  }
0x72: {  	[tilespmem:s21], [sflag:$0x3] =	stream.indirect.gather [hbm4b:s5+s18], $0x80, s1, s18, $0xb8;
	[tilespmem:$0x1DB00] =	vst v63  }
0x73: {  	p6 =	seq.s32 s15, $0x1;
	s7 =	sshrl.u32 s7, $0x3;
	s9 =	sadd.s32 s6, s10  }
0x74: {  	[tilespmem:s11], [sflag:$0x2] =	stream.linear.gather [hbm4b:s9+s1], $0x30, $0x38;
	[tilespmem:$0x1DB00] =	vst v63  }
0x75: {  	s22 =	sshrl.u32 s0, $0x1F;
	p0 =	por !p5, !p6;
	s7 =	sadd.s32 s6, s7  }
0x76: {  	[tilespmem:s23], [sflag:$0x2] =	stream.linear.gather [hbm4b:s7+s1], $0x30, $0x38;
	[tilespmem:$0x1DB00] =	vst v63  }
0x77: {  	s0 =	sadd.s32 s22, s0;
	p0 =	por !p0, !p0;
	s7 =	simm.s32 $0x1  }
0x78: {  	s0 =	sshra.s32 s0, $0x1;
	s7 =	simm.s32 @!p0 $0x0  }
0x79: {  	s0 =	ssub.s32 s0, s7  }
0x7a: {  	p0 =	slt.s32 s0, $0x1  }
.Ltmp3:
0x7b: {  	_ = 	snop;
	(pc) =	sbr.rel @p0 .LBB2_17-.Ltmp3, $2  }
0x7c: {  	_ =	sdelay $0x2  }
0x7d: {  	[dreg:$0x8] =	wrdreg s0  }
.LBB2_4:
0x7e: {  	_ =	swait.ge [sflag:s24], $0x30  }
0x7f: {  	[sflag:s24] =	ssyncset.done $0x0  }
0x80: {  	[sflag:s24] =	ssyncadd.s32 $0xFFFFFFD0  }
0x81: {  	_ =	swait.ge [sflag:s24], $0x30  }
0x82: {  	[sflag:s24] =	ssyncset.done $0x0  }
0x83: {  	[sflag:s24] =	ssyncadd.s32 $0xFFFFFFD0  }
0x84: {  	[tilespmem:s25], [sflag:$0x4] =	stream.indirect.gather [hbm4b:s3+s18], $0x80, s23, s18, $0xb8;
	[tilespmem:$0x1DB00] =	vst v63  }
0x85: {  	s0 =	rddreg [dreg:$0x2]  }
0x86: {  	[tilespmem:s26], [sflag:$0x4] =	stream.indirect.gather [hbm4b:s0+s18], $0x80, s11, s18, $0xb8;
	[tilespmem:$0x1DB00] =	vst v63  }
0x87: {  	_ = 	snop  }
0x88: {  	[tilespmem:s28], [sflag:$0x4] =	stream.indirect.gather [hbm4b:s5+s18], $0x80, s11, s18, $0xb8;
	[tilespmem:$0x1DB00] =	vst v63  }
0x89: {  	_ =	swait.ge [sflag:s29], $0x1800  }
0x8a: {  	[sflag:s29] =	ssyncset.done $0x0  }
0x8b: {  	[sflag:s29] =	ssyncadd.s32 $0xFFFFE800  }
0x8c: {  	_ =	swait.ge [sflag:s29], $0x1800  }
0x8d: {  	[sflag:s29] =	ssyncset.done $0x0  }
0x8e: {  	[sflag:s29] =	ssyncadd.s32 $0xFFFFE800  }
0x8f: {  	_ =	swait.ge [sflag:s29], $0x1800  }
0x90: {  	[sflag:s29] =	ssyncset.done $0x0  }
0x91: {  	s9 =	simm.s32 $0x0;
	s10 =	simm.s32 $0x0;
	[sflag:s29] =	ssyncadd.s32 $0xFFFFE800  }
.LBB2_5:
0x92: {  	s0 =	simm.s32 $0x3  }
0x93: {  	s11 =	sshll.u32 s10, $0x4;
	s15 =	simm.s32 $0x1;
	v12 =	vmov s0  }
0x94: {  	v13 =	vmov s11;
	v14 =	vmov s15;
	v12 =	vand.u32 $0x7B, v12  }
0x95: {  	v13 =	vshll.u32 v13, $0x7;
	v14 =	vand.u32 $0x79, v14;
	v15 =	vbroadcast v12, $0x0  }
0x96: {  	s22 =	simm.s32 $0x2;
	v12 =	vor.u32 v10, v13;
	v14 =	vbroadcast v14, $0x0  }
0x97: {  	v17 =	vmov s22;
	v15 =	vor.u32 v12, v15  }
0x98: {  	s7 =	simm.s32 $0x5;
	v17 =	vand.u32 $0x7A, v17;
	v14 =	vor.u32 v12, v14  }
0x99: {  	v22 =	vmov s7;
	v17 =	vbroadcast v17, $0x0  }
0x9a: {  	s11 =	simm.s32 $0x0;
	v22 =	vand.u32 $0x7D, v22  }
0x9b: {  	v13 =	vmov s11;
	v22 =	vbroadcast v22, $0x0;
	v17 =	vor.u32 v12, v17  }
0x9c: {  	s15 =	simm.s32 $0x6;
	v13 =	vand.u32 $0x78, v13;
	v19 =	vld.idx.msk [tilespmem:v15+s20+$0x0], $0xffff  }
0x9d: {  	v16 =	vmov s15;
	v13 =	vbroadcast v13, $0x0;
	v22 =	vor.u32 v12, v22;
	v21 =	vld.idx.msk [tilespmem:v14+s19+$0x0], $0xffff  }
0x9e: {  	s2 =	simm.s32 $0x7;
	v16 =	vand.u32 $0x7E, v16;
	v14 =	vld.idx.msk [tilespmem:v14+s20+$0x0], $0xffff  }
0x9f: {  	s4 =	simm.s32 $0x4;
	v18 =	vmov s2;
	s2 =	simm.s32 $0x9;
	v16 =	vbroadcast v16, $0x0;
	v13 =	vor.u32 v12, v13;
	v15 =	vld.idx.msk [tilespmem:v15+s19+$0x0], $0xffff  }
0xa0: {  	v20 =	vmov s4;
	v18 =	vand.u32 $0x7F, v18;
	v27 =	vmov s2;
	v28 =	vld.idx.msk [tilespmem:v17+s20+$0x0], $0xffff  }
0xa1: {  	v18 =	vbroadcast v18, $0x0;
	v27 =	vand.u32 $0x79, v27;
	v16 =	vor.u32 v12, v16;
	v17 =	vld.idx.msk [tilespmem:v17+s19+$0x0], $0xffff  }
0xa2: {  	v30 =	vimm.f32 $0.0e+00;
	s4 =	simm.s32 $0xB;
	v20 =	vand.u32 $0x7C, v20;
	v27 =	vbroadcast v27, $0x0;
	v35 =	vld.idx.msk [tilespmem:v22+s19+$0x0], $0xffff  }
0xa3: {  	s7 =	simm.s32 $0xA;
	s15 =	simm.s32 $0xF;
	v26 =	vmov s4;
	v20 =	vbroadcast v20, $0x0;
	v23 =	vor.u32 v12, v18;
	v38 =	vld.idx.msk [tilespmem:v22+s20+$0x0], $0xffff  }
0xa4: {  	s22 =	simm.s32 $0x8;
	v31 =	vmov s7;
	v25 =	vmov s15;
	v36 =	vor.u32 v12, v27;
	v18 =	vld.idx.msk [tilespmem:v13+s20+$0x0], $0xffff  }
0xa5: {  	v26 =	vand.u32 $0x7B, v26;
	s11 =	simm.s32 $0xC;
	v20 =	vor.u32 v12, v20;
	v24 =	vld.idx.msk [tilespmem:v13+s19+$0x0], $0xffff;
	v13 =	vmov s22  }
0xa6: {  	v26 =	vbroadcast v26, $0x0;
	v32 =	vmov s11;
	v33 =	vld.idx.msk [tilespmem:v16+s19+$0x0], $0xffff;
	v29 =	vand.u32 $0x78, v13  }
0xa7: {  	s15 =	simm.s32 $0xE;
	v25 =	vand.u32 $0x7F, v25;
	v34 =	vld.idx.msk [tilespmem:v16+s20+$0x0], $0xffff;
	v16 =	vbroadcast v29, $0x0;
	v29 =	vand.u32 $0x7A, v31  }
0xa8: {  	v13 =	vld.idx.msk [tilespmem:v23+s20+$0x0], $0xffff;
	v31 =	vor.u32 v12, v26;
	v26 =	vmov s15;
	v19 =	vmul.f32 v19, v15  }
0xa9: {  	v27 =	vand.u32 $0x7E, v26;
	v21 =	vmul.f32 v14, v21;
	v39 =	vmul.f32 v28, v17;
	v17 =	vld.idx.msk [tilespmem:v36+s20+$0x0], $0xffff  }
0xaa: {  	s22 =	simm.s32 $0xD;
	v14 =	vand.u32 $0x7C, v32;
	v26 =	vor.u32 v12, v16;
	v37 =	vmul.f32 v18, v24;
	v18 =	vld.idx.msk [tilespmem:v20+s20+$0x0], $0xffff  }
0xab: {  	v16 =	vbroadcast v25, $0x0;
	v32 =	vbroadcast v14, $0x0;
	v24 =	vmov s22;
	v20 =	vld.idx.msk [tilespmem:v20+s19+$0x0], $0xffff  }
0xac: {  	v33 =	vmul.f32 v34, v33;
	v22 =	vand.u32 $0x7D, v24;
	v24 =	vbroadcast v27, $0x0;
	v27 =	vld.idx.msk [tilespmem:v23+s19+$0x0], $0xffff  }
0xad: {  	v28 =	vadd.f32 v21, v30;
	v23 =	vbroadcast v29, $0x0;
	v14 =	vor.u32 v12, v16;
	v16 =	vld.idx.msk [tilespmem:v36+s19+$0x0], $0xffff  }
0xae: {  	v25 =	vadd.f32 v19, v30;
	v15 =	vld.idx.msk [tilespmem:v31+s20+$0x0], $0xffff;
	v22 =	vbroadcast v22, $0x0;
	v24 =	vor.u32 v12, v24  }
0xaf: {  	v29 =	vor.u32 v12, v23;
	v23 =	vor.u32 v12, v32;
	v32 =	vadd.f32 v39, v30;
	v19 =	vld.idx.msk [tilespmem:v26+s20+$0x0], $0xffff  }
0xb0: {  	s11 =	simm.s32 $0x17;
	v30 =	vadd.f32 v37, v30;
	v21 =	vor.u32 v12, v22;
	v22 =	vld.idx.msk [tilespmem:v31+s19+$0x0], $0xffff;
	v31 =	vmul.f32 v38, v35  }
.LBB2_6:
0xb1: {  	s0 =	sadd.s32 $0xFFFFFFF9, s11  }
0xb2: {  	s2 =	sadd.s32 $0xFFFFFFFA, s11;
	s15 =	sadd.s32 $0xFFFFFFFB, s11;
	v34 =	vmov s11;
	v26 =	vld.idx.msk [tilespmem:v26+s19+$0x0], $0xffff;
	v18 =	vmul.f32 v18, v20;
	v20 =	vmul.f32 v13, v27;
	s7 =	smov.u32 s11  }
0xb3: {  	v13 =	vmov s0;
	v27 =	vmov s2;
	s2 =	sadd.s32 $0xFFFFFFFC, s7;
	s22 =	sadd.s32 $0xFFFFFFFD, s7;
	s0 =	sadd.s32 $0x8, s11;
	v35 =	vld.idx.msk [tilespmem:v24+s19+$0x0], $0xffff;
	v32 =	vadd.f32 v33, v32  }
0xb4: {  	p0 =	sne.s32 s11, $0x7F;
	v33 =	vand.u32 $0x78, v13;
	v13 =	vmov s2;
	v36 =	vld.idx.msk [tilespmem:v29+s20+$0x0], $0xffff;
	v30 =	vadd.f32 v18, v30  }
0xb5: {  	v28 =	vadd.f32 v31, v28;
	v18 =	vmov s15;
	v37 =	vand.u32 $0x7B, v13;
	v13 =	vld.idx.msk [tilespmem:v14+s20+$0x0], $0xffff  }
0xb6: {  	v27 =	vand.u32 $0x79, v27;
	s2 =	sadd.s32 $0xFFFFFFFF, s7;
	v25 =	vadd.f32 v20, v25;
	v31 =	vbroadcast v37, $0x0;
	v29 =	vld.idx.msk [tilespmem:v29+s19+$0x0], $0xffff  }
0xb7: {  	v34 =	vand.u32 $0x7F, v34;
	v20 =	vbroadcast v27, $0x0;
	v27 =	vmov s22;
	v37 =	vld.idx.msk [tilespmem:v24+s20+$0x0], $0xffff  }
0xb8: {  	v24 =	vbroadcast v33, $0x0;
	v33 =	vand.u32 $0x7A, v18;
	v31 =	vor.u32 v12, v31;
	v38 =	vld.idx.msk [tilespmem:v21+s19+$0x0], $0xffff  }
0xb9: {  	s7 =	sadd.s32 $0xFFFFFFFE, s7;
	v39 =	vor.u32 v12, v20;
	v20 =	vmov s2;
	v40 =	vmul.f32 v19, v26;
	v18 =	vld.idx.msk [tilespmem:v23+s20+$0x0], $0xffff  }
0xba: {  	v22 =	vmul.f32 v15, v22;
	v19 =	vmov s7;
	v41 =	vand.u32 $0x7E, v20;
	v20 =	vld.idx.msk [tilespmem:v23+s19+$0x0], $0xffff  }
0xbb: {  	v26 =	vor.u32 v12, v24;
	v23 =	vbroadcast v34, $0x0;
	v34 =	vmul.f32 v17, v16;
	v42 =	vld.idx.msk [tilespmem:v21+s20+$0x0], $0xffff  }
0xbc: {  	v16 =	vand.u32 $0x7C, v27;
	v17 =	vand.u32 $0x7D, v19;
	v19 =	vbroadcast v41, $0x0;
	v27 =	vld.idx.msk [tilespmem:v14+s19+$0x0], $0xffff  }
.Ltmp4:
0xbd: {  	v21 =	vbroadcast v33, $0x0;
	v33 =	vbroadcast v16, $0x0;
	v14 =	vor.u32 v12, v23;
	v15 =	vld.idx.msk [tilespmem:v31+s20+$0x0], $0xffff;
	(pc) =	sbr.rel @p0 .LBB2_6-.Ltmp4, $4  }
0xbe: {  	v41 =	vbroadcast v17, $0x0;
	v36 =	vmul.f32 v36, v29;
	v24 =	vor.u32 v12, v19;
	v16 =	vld.idx.msk [tilespmem:v39+s19+$0x0], $0xffff  }
0xbf: {  	v25 =	vadd.f32 v22, v25;
	v28 =	vadd.f32 v34, v28;
	v29 =	vor.u32 v12, v21;
	v17 =	vld.idx.msk [tilespmem:v39+s20+$0x0], $0xffff  }
0xc0: {  	v23 =	vor.u32 v12, v33;
	v21 =	vor.u32 v12, v41;
	v32 =	vadd.f32 v36, v32;
	v19 =	vld.idx.msk [tilespmem:v26+s20+$0x0], $0xffff  }
0xc1: {  	s11 =	smov.u32 s0;
	v30 =	vadd.f32 v40, v30;
	v33 =	vmul.f32 v37, v35;
	v22 =	vld.idx.msk [tilespmem:v31+s19+$0x0], $0xffff;
	v31 =	vmul.f32 v42, v38  }
0xc2: {  	_ =	sdelay $0x3  }
0xc3: {  	v12 =	vld.idx.msk [tilespmem:v26+s19+$0x0], $0xffff  }
0xc4: {  	v57 =	vld.idx.msk [tilespmem:v24+s19+$0x0], $0xffff  }
0xc5: {  	v34 =	vld.idx.msk [tilespmem:v29+s20+$0x0], $0xffff  }
0xc6: {  	v35 =	vld.idx.msk [tilespmem:v14+s20+$0x0], $0xffff  }
0xc7: {  	v58 =	vld.idx.msk [tilespmem:v29+s19+$0x0], $0xffff  }
0xc8: {  	v36 =	vld.idx.msk [tilespmem:v21+s19+$0x0], $0xffff  }
0xc9: {  	v37 =	vld.idx.msk [tilespmem:v23+s20+$0x0], $0xffff  }
0xca: {  	v60 =	vld.idx.msk [tilespmem:v23+s19+$0x0], $0xffff  }
0xcb: {  	v61 =	vld.idx.msk [tilespmem:v21+s20+$0x0], $0xffff  }
0xcc: {  	v18 =	vmul.f32 v18, v20;
	v14 =	vld.idx.msk [tilespmem:v14+s19+$0x0], $0xffff  }
0xcd: {  	v59 =	vld.idx.msk [tilespmem:v24+s20+$0x0], $0xffff;
	v13 =	vmul.f32 v13, v27;
	v62 =	vadd.f32 v33, v32  }
0xce: {  	v63 =	vadd.f32 v31, v28;
	v16 =	vmul.f32 v17, v16;
	v18 =	vadd.f32 v18, v30  }
0xcf: {  	v13 =	vadd.f32 v13, v25;
	v15 =	vmul.f32 v15, v22;
	v17 =	vmul.f32 v34, v58  }
0xd0: {  	v16 =	vadd.f32 v16, v63;
	v12 =	vmul.f32 v19, v12;
	v19 =	vmul.f32 v37, v60  }
0xd1: {  	v14 =	vmul.f32 v35, v14;
	v13 =	vadd.f32 v15, v13;
	v15 =	vmul.f32 v61, v36  }
0xd2: {  	v17 =	vadd.f32 v17, v62;
	v12 =	vadd.f32 v12, v18;
	v18 =	vmul.f32 v59, v57  }
0xd3: {  	v15 =	vadd.f32 v15, v16;
	v13 =	vadd.f32 v14, v13  }
0xd4: {  	v17 =	vadd.f32 v18, v17;
	v12 =	vadd.f32 v19, v12;
	_ =	sdelay $0x1  }
0xd5: {  	v12 =	vadd.f32 v15, v12;
	v13 =	vadd.f32 v13, v17;
	_ =	sdelay $0x1  }
0xd6: {  	v12 =	vadd.f32 v13, v12;
	_ =	sdelay $0x1  }
0xd7: {  	v12 =	vmul.f32 $8.838834610e-02, v12;
	_ =	sdelay $0x1  }
0xd8: {  	v12 =	vmul.f32 $1.442695020e+00, v12;
	_ =	sdelay $0x1  }
0xd9: {  	(erf) = vpow2.f32 v12;
	_ =	sdelay $0x4  }
0xda: {  	s0 =	sadd.s32 $0x0, s9  }
0xdb: {  	v12 =	vmov s0;
	_ =	sdelay $0x2  }
0xdc: {  	s11 =	simm.s32 $0x0;
	v13 =	vpop (erf)  }
0xdd: {  	v14 =	vshll.u32 v12, $0x7;
	[tilespmem:$0x1DA00] =	vst v13;
	v13 =	vmov s11  }
0xde: {  	v15 =	vor.u32 v0, v14;
	v12 =	vld.idx.msk [tilespmem:v12+s17+$0x0], $0xffff;
	_ =	sdelay $0x3  }
0xdf: {  	v17 =	vld.idx.msk [tilespmem:v13+s30+$0x0], $0xffff  }
0xe0: {  	v13 =	vld.idx.msk [tilespmem:v15+s21+$0x0], $0xffff;
	v12 =	vsub.s32 v12, v1  }
0xe1: {  	v15 =	vshll.u32 v12, $0x7  }
0xe2: {  	v12 =	vor.u32 v0, v15  }
0xe3: {  	v16 =	vor.u32 v3, v14;
	_ =	sdelay $0x1  }
0xe4: {  	v13 =	vmul.f32 v13, v17;
	_ =	sdelay $0x1  }
0xe5: {  	[tilespmem:v12+s12+$0x0] =	vst.idx.add.f32.msk $0xffff, v13  }
0xe6: {  	v13 =	vld.idx.msk [tilespmem:v16+s21+$0x0], $0xffff;
	_ =	sdelay $0x1  }
0xe7: {  	v16 =	vor.u32 v3, v15  }
0xe8: {  	v18 =	vor.u32 v4, v14;
	_ =	sdelay $0x1  }
0xe9: {  	v13 =	vmul.f32 v13, v17;
	_ =	sdelay $0x1  }
0xea: {  	[tilespmem:v16+s12+$0x0] =	vst.idx.add.f32.msk $0xffff, v13  }
0xeb: {  	v13 =	vld.idx.msk [tilespmem:v18+s21+$0x0], $0xffff;
	_ =	sdelay $0x1  }
0xec: {  	v16 =	vor.u32 v4, v15  }
0xed: {  	v18 =	vor.u32 v5, v14;
	_ =	sdelay $0x1  }
0xee: {  	v13 =	vmul.f32 v13, v17;
	_ =	sdelay $0x1  }
0xef: {  	[tilespmem:v16+s12+$0x0] =	vst.idx.add.f32.msk $0xffff, v13  }
0xf0: {  	v13 =	vld.idx.msk [tilespmem:v18+s21+$0x0], $0xffff;
	_ =	sdelay $0x1  }
0xf1: {  	v16 =	vor.u32 v5, v15  }
0xf2: {  	v18 =	vor.u32 v6, v14;
	_ =	sdelay $0x1  }
0xf3: {  	v13 =	vmul.f32 v13, v17;
	_ =	sdelay $0x1  }
0xf4: {  	[tilespmem:v16+s12+$0x0] =	vst.idx.add.f32.msk $0xffff, v13  }
0xf5: {  	v13 =	vld.idx.msk [tilespmem:v18+s21+$0x0], $0xffff;
	_ =	sdelay $0x1  }
0xf6: {  	v16 =	vor.u32 v6, v15  }
0xf7: {  	v18 =	vor.u32 v7, v14;
	_ =	sdelay $0x1  }
0xf8: {  	v13 =	vmul.f32 v13, v17;
	_ =	sdelay $0x1  }
0xf9: {  	[tilespmem:v16+s12+$0x0] =	vst.idx.add.f32.msk $0xffff, v13  }
0xfa: {  	v13 =	vld.idx.msk [tilespmem:v18+s21+$0x0], $0xffff;
	_ =	sdelay $0x1  }
0xfb: {  	v16 =	vor.u32 v7, v15  }
0xfc: {  	v18 =	vor.u32 v8, v14;
	_ =	sdelay $0x1  }
0xfd: {  	v13 =	vmul.f32 v13, v17;
	_ =	sdelay $0x1  }
0xfe: {  	[tilespmem:v16+s12+$0x0] =	vst.idx.add.f32.msk $0xffff, v13  }
0xff: {  	v13 =	vld.idx.msk [tilespmem:v18+s21+$0x0], $0xffff;
	_ =	sdelay $0x1  }
0x100: {  	v16 =	vor.u32 v8, v15  }
0x101: {  	v14 =	vor.u32 v9, v14;
	_ =	sdelay $0x1  }
0x102: {  	v13 =	vmul.f32 v13, v17;
	_ =	sdelay $0x1  }
0x103: {  	[tilespmem:v16+s12+$0x0] =	vst.idx.add.f32.msk $0xffff, v13  }
0x104: {  	v13 =	vld.idx.msk [tilespmem:v14+s21+$0x0], $0xffff;
	_ =	sdelay $0x1  }
0x105: {  	v18 =	vor.u32 v9, v15  }
0x106: {  	s15 =	sadd.s32 $0x1, s9  }
0x107: {  	v15 =	vmov s15  }
0x108: {  	v19 =	vmul.f32 v13, v17  }
0x109: {  	s22 =	simm.s32 $0x1;
	v13 =	vshll.u32 v15, $0x7;
	v17 =	vmul.f32 v11, v17  }
0x10a: {  	s11 =	simm.s32 $0x2;
	v14 =	vmov s22;
	v16 =	vor.u32 v0, v13;
	[tilespmem:v18+s12+$0x0] =	vst.idx.add.f32.msk $0xffff, v19  }
.LBB2_8:
0x10b: {  	v18 =	vmov s11;
	p0 =	sne.s32 s11, $0xF;
	[tilespmem:v12+s13+$0x0] =	vst.idx.add.f32.msk $0xffff, v17;
	s15 =	smov.u32 s11;
	s11 =	sadd.s32 $0x1, s11  }
0x10c: {  	v12 =	vld.idx.msk [tilespmem:v15+s17+$0x0], $0xffff;
	_ =	sdelay $0x3  }
0x10d: {  	v17 =	vld.idx.msk [tilespmem:v14+s30+$0x0], $0xffff;
	v14 =	vmov v18  }
0x10e: {  	v15 =	vld.idx.msk [tilespmem:v16+s21+$0x0], $0xffff  }
0x10f: {  	v12 =	vsub.s32 v12, v1  }
0x110: {  	v16 =	vshll.u32 v12, $0x7  }
0x111: {  	v12 =	vor.u32 v0, v16  }
0x112: {  	v18 =	vor.u32 v3, v13;
	_ =	sdelay $0x1  }
0x113: {  	v15 =	vmul.f32 v15, v17;
	_ =	sdelay $0x1  }
0x114: {  	[tilespmem:v12+s12+$0x0] =	vst.idx.add.f32.msk $0xffff, v15  }
0x115: {  	v15 =	vld.idx.msk [tilespmem:v18+s21+$0x0], $0xffff;
	_ =	sdelay $0x2  }
0x116: {  	v18 =	vor.u32 v3, v16  }
0x117: {  	v19 =	vor.u32 v4, v13;
	_ =	sdelay $0x1  }
0x118: {  	v15 =	vmul.f32 v15, v17;
	_ =	sdelay $0x1  }
0x119: {  	[tilespmem:v18+s12+$0x0] =	vst.idx.add.f32.msk $0xffff, v15  }
0x11a: {  	v15 =	vld.idx.msk [tilespmem:v19+s21+$0x0], $0xffff;
	_ =	sdelay $0x2  }
0x11b: {  	v18 =	vor.u32 v4, v16  }
0x11c: {  	v19 =	vor.u32 v5, v13;
	_ =	sdelay $0x1  }
0x11d: {  	v15 =	vmul.f32 v15, v17;
	_ =	sdelay $0x1  }
0x11e: {  	[tilespmem:v18+s12+$0x0] =	vst.idx.add.f32.msk $0xffff, v15  }
0x11f: {  	v15 =	vld.idx.msk [tilespmem:v19+s21+$0x0], $0xffff;
	_ =	sdelay $0x2  }
0x120: {  	v18 =	vor.u32 v5, v16  }
0x121: {  	v19 =	vor.u32 v6, v13;
	_ =	sdelay $0x1  }
0x122: {  	v15 =	vmul.f32 v15, v17;
	_ =	sdelay $0x1  }
0x123: {  	[tilespmem:v18+s12+$0x0] =	vst.idx.add.f32.msk $0xffff, v15  }
0x124: {  	v15 =	vld.idx.msk [tilespmem:v19+s21+$0x0], $0xffff;
	_ =	sdelay $0x2  }
0x125: {  	v18 =	vor.u32 v6, v16  }
0x126: {  	v19 =	vor.u32 v7, v13;
	_ =	sdelay $0x1  }
0x127: {  	v15 =	vmul.f32 v15, v17;
	_ =	sdelay $0x1  }
0x128: {  	[tilespmem:v18+s12+$0x0] =	vst.idx.add.f32.msk $0xffff, v15  }
0x129: {  	v15 =	vld.idx.msk [tilespmem:v19+s21+$0x0], $0xffff;
	_ =	sdelay $0x2  }
0x12a: {  	v18 =	vor.u32 v7, v16  }
0x12b: {  	v19 =	vor.u32 v8, v13;
	_ =	sdelay $0x1  }
0x12c: {  	v15 =	vmul.f32 v15, v17;
	_ =	sdelay $0x1  }
0x12d: {  	[tilespmem:v18+s12+$0x0] =	vst.idx.add.f32.msk $0xffff, v15  }
0x12e: {  	v15 =	vld.idx.msk [tilespmem:v19+s21+$0x0], $0xffff;
	_ =	sdelay $0x2  }
0x12f: {  	v18 =	vor.u32 v8, v16  }
0x130: {  	v13 =	vor.u32 v9, v13;
	_ =	sdelay $0x1  }
0x131: {  	v15 =	vmul.f32 v15, v17;
	_ =	sdelay $0x1  }
0x132: {  	[tilespmem:v18+s12+$0x0] =	vst.idx.add.f32.msk $0xffff, v15  }
0x133: {  	v18 =	vld.idx.msk [tilespmem:v13+s21+$0x0], $0xffff;
	_ =	sdelay $0x2  }
0x134: {  	v19 =	vor.u32 v9, v16  }
.Ltmp5:
0x135: {  	s0 =	sadd.s32 s15, s9;
	(pc) =	sbr.rel @p0 .LBB2_8-.Ltmp5, $4  }
0x136: {  	v15 =	vmov s0  }
0x137: {  	v13 =	vshll.u32 v15, $0x7;
	v18 =	vmul.f32 v18, v17  }
0x138: {  	v16 =	vor.u32 v0, v13;
	v17 =	vmul.f32 v11, v17  }
0x139: {  	[tilespmem:v19+s12+$0x0] =	vst.idx.add.f32.msk $0xffff, v18  }
0x13a: {  	_ =	sdelay $0x3  }
0x13b: {  	[tilespmem:v12+s13+$0x0] =	vst.idx.add.f32.msk $0xffff, v17  }
0x13c: {  	v12 =	vld.idx.msk [tilespmem:v15+s17+$0x0], $0xffff;
	_ =	sdelay $0x3  }
0x13d: {  	v14 =	vld.idx.msk [tilespmem:v14+s30+$0x0], $0xffff  }
0x13e: {  	v50 =	vld.idx.msk [tilespmem:v16+s21+$0x0], $0xffff;
	v12 =	vsub.s32 v12, v1  }
0x13f: {  	v12 =	vshll.u32 v12, $0x7  }
0x140: {  	v51 =	vor.u32 v0, v12  }
0x141: {  	v52 =	vor.u32 v3, v13;
	_ =	sdelay $0x1  }
0x142: {  	v15 =	vmul.f32 v50, v14;
	_ =	sdelay $0x1  }
0x143: {  	[tilespmem:v51+s12+$0x0] =	vst.idx.add.f32.msk $0xffff, v15  }
0x144: {  	v15 =	vld.idx.msk [tilespmem:v52+s21+$0x0], $0xffff;
	_ =	sdelay $0x1  }
0x145: {  	v53 =	vor.u32 v3, v12  }
0x146: {  	v18 =	vor.u32 v4, v13;
	_ =	sdelay $0x1  }
0x147: {  	v15 =	vmul.f32 v15, v14;
	_ =	sdelay $0x1  }
0x148: {  	[tilespmem:v53+s12+$0x0] =	vst.idx.add.f32.msk $0xffff, v15  }
0x149: {  	v15 =	vld.idx.msk [tilespmem:v18+s21+$0x0], $0xffff;
	_ =	sdelay $0x1  }
0x14a: {  	v54 =	vor.u32 v4, v12  }
0x14b: {  	v55 =	vor.u32 v5, v13;
	_ =	sdelay $0x1  }
0x14c: {  	v15 =	vmul.f32 v15, v14;
	_ =	sdelay $0x1  }
0x14d: {  	[tilespmem:v54+s12+$0x0] =	vst.idx.add.f32.msk $0xffff, v15  }
0x14e: {  	v15 =	vld.idx.msk [tilespmem:v55+s21+$0x0], $0xffff;
	_ =	sdelay $0x1  }
0x14f: {  	v56 =	vor.u32 v5, v12  }
0x150: {  	v57 =	vor.u32 v6, v13;
	_ =	sdelay $0x1  }
0x151: {  	v15 =	vmul.f32 v15, v14;
	_ =	sdelay $0x1  }
0x152: {  	[tilespmem:v56+s12+$0x0] =	vst.idx.add.f32.msk $0xffff, v15  }
0x153: {  	v15 =	vld.idx.msk [tilespmem:v57+s21+$0x0], $0xffff;
	_ =	sdelay $0x1  }
0x154: {  	v58 =	vor.u32 v6, v12  }
0x155: {  	v59 =	vor.u32 v7, v13;
	_ =	sdelay $0x1  }
0x156: {  	v15 =	vmul.f32 v15, v14;
	_ =	sdelay $0x1  }
0x157: {  	[tilespmem:v58+s12+$0x0] =	vst.idx.add.f32.msk $0xffff, v15  }
0x158: {  	v15 =	vld.idx.msk [tilespmem:v59+s21+$0x0], $0xffff;
	_ =	sdelay $0x1  }
0x159: {  	v60 =	vor.u32 v7, v12  }
0x15a: {  	v61 =	vor.u32 v8, v13;
	_ =	sdelay $0x1  }
0x15b: {  	v15 =	vmul.f32 v15, v14;
	_ =	sdelay $0x1  }
0x15c: {  	[tilespmem:v60+s12+$0x0] =	vst.idx.add.f32.msk $0xffff, v15  }
0x15d: {  	v15 =	vld.idx.msk [tilespmem:v61+s21+$0x0], $0xffff;
	_ =	sdelay $0x1  }
0x15e: {  	v62 =	vor.u32 v8, v12  }
0x15f: {  	v63 =	vor.u32 v9, v13;
	_ =	sdelay $0x1  }
0x160: {  	v15 =	vmul.f32 v15, v14;
	_ =	sdelay $0x1  }
0x161: {  	[tilespmem:v62+s12+$0x0] =	vst.idx.add.f32.msk $0xffff, v15  }
0x162: {  	v13 =	vld.idx.msk [tilespmem:v63+s21+$0x0], $0xffff;
	_ =	sdelay $0x1  }
0x163: {  	s10 =	sadd.s32 $0x1, s10;
	v12 =	vor.u32 v9, v12  }
0x164: {  	p0 =	sne.s32 s10, $0x3  }
.Ltmp6:
0x165: {  	_ = 	snop;
	(pc) =	sbr.rel @p0 .LBB2_5-.Ltmp6, $4  }
0x166: {  	v13 =	vmul.f32 v13, v14  }
0x167: {  	v14 =	vmul.f32 v11, v14  }
0x168: {  	[tilespmem:v12+s12+$0x0] =	vst.idx.add.f32.msk $0xffff, v13  }
0x169: {  	s9 =	sadd.s32 $0x10, s9;
	[tilespmem:v51+s13+$0x0] =	vst.idx.add.f32.msk $0xffff, v14  }
0x16a: {  	s9 =	sshll.u32 s1, $0x1  }
0x16b: {  	s0 =	sadd.s32 $0x2, s9  }
0x16c: {  	s2 =	smov.u32 s14;
	p0 =	slt.s32 s0, s14  }
0x16d: {  	s2 =	smov.u32 @p0 s0  }
0x16e: {  	s0 =	smul.u32 $0x30, s2;
	_ =	sdelay $0x1  }
0x16f: {  	s0 =	sadd.s32 s8, s0  }
0x170: {  	s15 =	sshrl.u32 s0, $0x3;
	s0 =	sadd.s32 $0x30C0, s0  }
0x171: {  	s10 =	simm.s32 $0x0;
	s2 =	sadd.s32 s6, s15;
	s0 =	sshrl.u32 s0, $0x3  }
0x172: {  	[tilespmem:s10], [sflag:$0x1] =	stream.linear.gather [hbm4b:s2+s10], $0x30, $0x38;
	[tilespmem:$0x1DB00] =	vst v63  }
0x173: {  	s0 =	sadd.s32 s6, s0  }
0x174: {  	[tilespmem:s17], [sflag:$0x1] =	stream.linear.gather [hbm4b:s0+s10], $0x30, $0x38;
	[tilespmem:$0x1DB00] =	vst v63  }
0x175: {  	_ =	swait.ge [sflag:s16], $0x30  }
0x176: {  	[sflag:s16] =	ssyncset.done $0x0  }
0x177: {  	[sflag:s16] =	ssyncadd.s32 $0xFFFFFFD0  }
0x178: {  	_ =	swait.ge [sflag:s16], $0x30  }
0x179: {  	[sflag:s16] =	ssyncset.done $0x0  }
0x17a: {  	[sflag:s16] =	ssyncadd.s32 $0xFFFFFFD0  }
0x17b: {  	[tilespmem:s19], [sflag:$0x3] =	stream.indirect.gather [hbm4b:s3+s18], $0x80, s17, s18, $0xb8;
	[tilespmem:$0x1DB00] =	vst v63  }
0x17c: {  	s22 =	rddreg [dreg:$0x2]  }
0x17d: {  	[tilespmem:s20], [sflag:$0x3] =	stream.indirect.gather [hbm4b:s22+s18], $0x80, s10, s18, $0xb8;
	[tilespmem:$0x1DB00] =	vst v63  }
0x17e: {  	_ = 	snop  }
0x17f: {  	[tilespmem:s21], [sflag:$0x3] =	stream.indirect.gather [hbm4b:s5+s18], $0x80, s10, s18, $0xb8;
	[tilespmem:$0x1DB00] =	vst v63  }
0x180: {  	_ =	swait.ge [sflag:s31], $0x1800  }
0x181: {  	[sflag:s31] =	ssyncset.done $0x0  }
0x182: {  	[sflag:s31] =	ssyncadd.s32 $0xFFFFE800  }
0x183: {  	_ =	swait.ge [sflag:s31], $0x1800  }
0x184: {  	[sflag:s31] =	ssyncset.done $0x0  }
0x185: {  	[sflag:s31] =	ssyncadd.s32 $0xFFFFE800  }
0x186: {  	_ =	swait.ge [sflag:s31], $0x1800  }
0x187: {  	[sflag:s31] =	ssyncset.done $0x0  }
0x188: {  	s4 =	smov.u32 s3;
	s11 =	simm.s32 $0x0;
	[sflag:s31] =	ssyncadd.s32 $0xFFFFE800  }
.LBB2_11:
0x189: {  	s0 =	simm.s32 $0x3  }
0x18a: {  	s2 =	sshll.u32 s11, $0x4;
	s7 =	simm.s32 $0x1;
	v12 =	vmov s0  }
0x18b: {  	v13 =	vmov s2;
	v14 =	vmov s7;
	v12 =	vand.u32 $0x7B, v12  }
0x18c: {  	v13 =	vshll.u32 v13, $0x7;
	v14 =	vand.u32 $0x79, v14;
	v15 =	vbroadcast v12, $0x0  }
0x18d: {  	s3 =	simm.s32 $0x2;
	v12 =	vor.u32 v10, v13;
	v14 =	vbroadcast v14, $0x0  }
0x18e: {  	v17 =	vmov s3;
	v15 =	vor.u32 v12, v15  }
0x18f: {  	s2 =	simm.s32 $0x6;
	v17 =	vand.u32 $0x7A, v17;
	v14 =	vor.u32 v12, v14  }
0x190: {  	v16 =	vmov s2;
	v17 =	vbroadcast v17, $0x0  }
0x191: {  	s22 =	simm.s32 $0x0;
	v16 =	vand.u32 $0x7E, v16  }
0x192: {  	v13 =	vmov s22;
	v16 =	vbroadcast v16, $0x0;
	v17 =	vor.u32 v12, v17  }
0x193: {  	s7 =	simm.s32 $0x7;
	v13 =	vand.u32 $0x78, v13;
	v19 =	vld.idx.msk [tilespmem:v15+s26+$0x0], $0xffff  }
0x194: {  	s15 =	simm.s32 $0x4;
	v18 =	vmov s7;
	s22 =	simm.s32 $0x5;
	v13 =	vbroadcast v13, $0x0;
	v16 =	vor.u32 v12, v16;
	v21 =	vld.idx.msk [tilespmem:v14+s25+$0x0], $0xffff  }
0x195: {  	v20 =	vmov s15;
	v18 =	vand.u32 $0x7F, v18;
	v22 =	vmov s22;
	v14 =	vld.idx.msk [tilespmem:v14+s26+$0x0], $0xffff  }
0x196: {  	s15 =	simm.s32 $0x9;
	v18 =	vbroadcast v18, $0x0;
	v22 =	vand.u32 $0x7D, v22;
	v13 =	vor.u32 v12, v13;
	v15 =	vld.idx.msk [tilespmem:v15+s25+$0x0], $0xffff  }
0x197: {  	v27 =	vmov s15;
	v22 =	vbroadcast v22, $0x0;
	v28 =	vld.idx.msk [tilespmem:v17+s26+$0x0], $0xffff  }
0x198: {  	v27 =	vand.u32 $0x79, v27;
	v23 =	vor.u32 v12, v18;
	v17 =	vld.idx.msk [tilespmem:v17+s25+$0x0], $0xffff  }
0x199: {  	s3 =	simm.s32 $0xF;
	v20 =	vand.u32 $0x7C, v20;
	v27 =	vbroadcast v27, $0x0;
	v22 =	vor.u32 v12, v22;
	v33 =	vld.idx.msk [tilespmem:v16+s25+$0x0], $0xffff  }
0x19a: {  	v30 =	vimm.f32 $0.0e+00;
	v25 =	vmov s3;
	s3 =	simm.s32 $0xA;
	v20 =	vbroadcast v20, $0x0;
	s22 =	simm.s32 $0xB;
	v34 =	vld.idx.msk [tilespmem:v16+s26+$0x0], $0xffff  }
0x19b: {  	s7 =	simm.s32 $0x8;
	v31 =	vmov s3;
	v26 =	vmov s22;
	v36 =	vor.u32 v12, v27;
	v18 =	vld.idx.msk [tilespmem:v13+s26+$0x0], $0xffff  }
0x19c: {  	v20 =	vor.u32 v12, v20;
	v26 =	vand.u32 $0x7B, v26;
	v24 =	vld.idx.msk [tilespmem:v13+s25+$0x0], $0xffff;
	v13 =	vmov s7  }
0x19d: {  	v25 =	vand.u32 $0x7F, v25;
	v26 =	vbroadcast v26, $0x0;
	s7 =	simm.s32 $0xC;
	v29 =	vand.u32 $0x78, v13;
	v13 =	vld.idx.msk [tilespmem:v23+s26+$0x0], $0xffff  }
0x19e: {  	s15 =	simm.s32 $0xE;
	v32 =	vmov s7;
	v35 =	vld.idx.msk [tilespmem:v22+s25+$0x0], $0xffff;
	v16 =	vbroadcast v29, $0x0;
	v29 =	vand.u32 $0x7A, v31  }
0x19f: {  	v38 =	vld.idx.msk [tilespmem:v22+s26+$0x0], $0xffff;
	v31 =	vor.u32 v12, v26;
	v26 =	vmov s15;
	v19 =	vmul.f32 v19, v15  }
0x1a0: {  	v27 =	vand.u32 $0x7E, v26;
	v21 =	vmul.f32 v14, v21;
	v39 =	vmul.f32 v28, v17;
	v17 =	vld.idx.msk [tilespmem:v36+s26+$0x0], $0xffff  }
0x1a1: {  	s22 =	simm.s32 $0xD;
	v14 =	vand.u32 $0x7C, v32;
	v26 =	vor.u32 v12, v16;
	v37 =	vmul.f32 v18, v24;
	v18 =	vld.idx.msk [tilespmem:v20+s26+$0x0], $0xffff  }
0x1a2: {  	v16 =	vbroadcast v25, $0x0;
	v32 =	vbroadcast v14, $0x0;
	v24 =	vmov s22;
	v20 =	vld.idx.msk [tilespmem:v20+s25+$0x0], $0xffff  }
0x1a3: {  	v33 =	vmul.f32 v34, v33;
	v22 =	vand.u32 $0x7D, v24;
	v24 =	vbroadcast v27, $0x0;
	v27 =	vld.idx.msk [tilespmem:v23+s25+$0x0], $0xffff  }
0x1a4: {  	v28 =	vadd.f32 v21, v30;
	v23 =	vbroadcast v29, $0x0;
	v14 =	vor.u32 v12, v16;
	v16 =	vld.idx.msk [tilespmem:v36+s25+$0x0], $0xffff  }
0x1a5: {  	v25 =	vadd.f32 v19, v30;
	v15 =	vld.idx.msk [tilespmem:v31+s26+$0x0], $0xffff;
	v22 =	vbroadcast v22, $0x0;
	v24 =	vor.u32 v12, v24  }
0x1a6: {  	v29 =	vor.u32 v12, v23;
	v23 =	vor.u32 v12, v32;
	v32 =	vadd.f32 v39, v30;
	v19 =	vld.idx.msk [tilespmem:v26+s26+$0x0], $0xffff  }
0x1a7: {  	s15 =	simm.s32 $0x17;
	v30 =	vadd.f32 v37, v30;
	v21 =	vor.u32 v12, v22;
	v22 =	vld.idx.msk [tilespmem:v31+s25+$0x0], $0xffff;
	v31 =	vmul.f32 v38, v35  }
.LBB2_12:
0x1a8: {  	s0 =	sadd.s32 $0xFFFFFFF9, s15  }
0x1a9: {  	s2 =	sadd.s32 $0xFFFFFFFA, s15;
	s7 =	sadd.s32 $0xFFFFFFFB, s15;
	v34 =	vmov s15;
	v26 =	vld.idx.msk [tilespmem:v26+s25+$0x0], $0xffff;
	v18 =	vmul.f32 v18, v20;
	v20 =	vmul.f32 v13, v27;
	s22 =	smov.u32 s15  }
0x1aa: {  	v13 =	vmov s0;
	v27 =	vmov s2;
	s2 =	sadd.s32 $0xFFFFFFFC, s22;
	s3 =	sadd.s32 $0xFFFFFFFD, s22;
	s0 =	sadd.s32 $0x8, s15;
	v35 =	vld.idx.msk [tilespmem:v24+s25+$0x0], $0xffff;
	v32 =	vadd.f32 v33, v32  }
0x1ab: {  	p0 =	sne.s32 s15, $0x7F;
	v33 =	vand.u32 $0x78, v13;
	v13 =	vmov s2;
	v36 =	vld.idx.msk [tilespmem:v29+s26+$0x0], $0xffff;
	v30 =	vadd.f32 v18, v30  }
0x1ac: {  	v28 =	vadd.f32 v31, v28;
	v18 =	vmov s7;
	v37 =	vand.u32 $0x7B, v13;
	v13 =	vld.idx.msk [tilespmem:v14+s26+$0x0], $0xffff  }
0x1ad: {  	v27 =	vand.u32 $0x79, v27;
	s2 =	sadd.s32 $0xFFFFFFFF, s22;
	v25 =	vadd.f32 v20, v25;
	v31 =	vbroadcast v37, $0x0;
	v29 =	vld.idx.msk [tilespmem:v29+s25+$0x0], $0xffff  }
0x1ae: {  	v34 =	vand.u32 $0x7F, v34;
	v20 =	vbroadcast v27, $0x0;
	v27 =	vmov s3;
	v37 =	vld.idx.msk [tilespmem:v24+s26+$0x0], $0xffff  }
0x1af: {  	v24 =	vbroadcast v33, $0x0;
	v33 =	vand.u32 $0x7A, v18;
	v31 =	vor.u32 v12, v31;
	v38 =	vld.idx.msk [tilespmem:v21+s25+$0x0], $0xffff  }
0x1b0: {  	s3 =	sadd.s32 $0xFFFFFFFE, s22;
	v39 =	vor.u32 v12, v20;
	v20 =	vmov s2;
	v40 =	vmul.f32 v19, v26;
	v18 =	vld.idx.msk [tilespmem:v23+s26+$0x0], $0xffff  }
0x1b1: {  	v22 =	vmul.f32 v15, v22;
	v19 =	vmov s3;
	v41 =	vand.u32 $0x7E, v20;
	v20 =	vld.idx.msk [tilespmem:v23+s25+$0x0], $0xffff  }
0x1b2: {  	v26 =	vor.u32 v12, v24;
	v23 =	vbroadcast v34, $0x0;
	v34 =	vmul.f32 v17, v16;
	v42 =	vld.idx.msk [tilespmem:v21+s26+$0x0], $0xffff  }
0x1b3: {  	v16 =	vand.u32 $0x7C, v27;
	v17 =	vand.u32 $0x7D, v19;
	v19 =	vbroadcast v41, $0x0;
	v27 =	vld.idx.msk [tilespmem:v14+s25+$0x0], $0xffff  }
.Ltmp7:
0x1b4: {  	v21 =	vbroadcast v33, $0x0;
	v33 =	vbroadcast v16, $0x0;
	v14 =	vor.u32 v12, v23;
	v15 =	vld.idx.msk [tilespmem:v31+s26+$0x0], $0xffff;
	(pc) =	sbr.rel @p0 .LBB2_12-.Ltmp7, $4  }
0x1b5: {  	v41 =	vbroadcast v17, $0x0;
	v36 =	vmul.f32 v36, v29;
	v24 =	vor.u32 v12, v19;
	v16 =	vld.idx.msk [tilespmem:v39+s25+$0x0], $0xffff  }
0x1b6: {  	v25 =	vadd.f32 v22, v25;
	v28 =	vadd.f32 v34, v28;
	v29 =	vor.u32 v12, v21;
	v17 =	vld.idx.msk [tilespmem:v39+s26+$0x0], $0xffff  }
0x1b7: {  	v23 =	vor.u32 v12, v33;
	v21 =	vor.u32 v12, v41;
	v32 =	vadd.f32 v36, v32;
	v19 =	vld.idx.msk [tilespmem:v26+s26+$0x0], $0xffff  }
0x1b8: {  	s15 =	smov.u32 s0;
	v30 =	vadd.f32 v40, v30;
	v33 =	vmul.f32 v37, v35;
	v22 =	vld.idx.msk [tilespmem:v31+s25+$0x0], $0xffff;
	v31 =	vmul.f32 v42, v38  }
0x1b9: {  	_ =	sdelay $0x3  }
0x1ba: {  	v12 =	vld.idx.msk [tilespmem:v26+s25+$0x0], $0xffff  }
0x1bb: {  	v57 =	vld.idx.msk [tilespmem:v24+s25+$0x0], $0xffff  }
0x1bc: {  	v34 =	vld.idx.msk [tilespmem:v29+s26+$0x0], $0xffff  }
0x1bd: {  	v35 =	vld.idx.msk [tilespmem:v14+s26+$0x0], $0xffff  }
0x1be: {  	v58 =	vld.idx.msk [tilespmem:v29+s25+$0x0], $0xffff  }
0x1bf: {  	v36 =	vld.idx.msk [tilespmem:v21+s25+$0x0], $0xffff  }
0x1c0: {  	v37 =	vld.idx.msk [tilespmem:v23+s26+$0x0], $0xffff  }
0x1c1: {  	v60 =	vld.idx.msk [tilespmem:v23+s25+$0x0], $0xffff  }
0x1c2: {  	v61 =	vld.idx.msk [tilespmem:v21+s26+$0x0], $0xffff  }
0x1c3: {  	v18 =	vmul.f32 v18, v20;
	v14 =	vld.idx.msk [tilespmem:v14+s25+$0x0], $0xffff  }
0x1c4: {  	v59 =	vld.idx.msk [tilespmem:v24+s26+$0x0], $0xffff;
	v13 =	vmul.f32 v13, v27;
	v62 =	vadd.f32 v33, v32  }
0x1c5: {  	v63 =	vadd.f32 v31, v28;
	v16 =	vmul.f32 v17, v16;
	v18 =	vadd.f32 v18, v30  }
0x1c6: {  	v13 =	vadd.f32 v13, v25;
	v15 =	vmul.f32 v15, v22;
	v17 =	vmul.f32 v34, v58  }
0x1c7: {  	v16 =	vadd.f32 v16, v63;
	v12 =	vmul.f32 v19, v12;
	v19 =	vmul.f32 v37, v60  }
0x1c8: {  	v14 =	vmul.f32 v35, v14;
	v13 =	vadd.f32 v15, v13;
	v15 =	vmul.f32 v61, v36  }
0x1c9: {  	v17 =	vadd.f32 v17, v62;
	v12 =	vadd.f32 v12, v18;
	v18 =	vmul.f32 v59, v57  }
0x1ca: {  	v15 =	vadd.f32 v15, v16;
	v13 =	vadd.f32 v14, v13  }
0x1cb: {  	v17 =	vadd.f32 v18, v17;
	v12 =	vadd.f32 v19, v12;
	_ =	sdelay $0x1  }
0x1cc: {  	v12 =	vadd.f32 v15, v12;
	v13 =	vadd.f32 v13, v17;
	_ =	sdelay $0x1  }
0x1cd: {  	v12 =	vadd.f32 v13, v12;
	_ =	sdelay $0x1  }
0x1ce: {  	v12 =	vmul.f32 $8.838834610e-02, v12;
	_ =	sdelay $0x1  }
0x1cf: {  	v12 =	vmul.f32 $1.442695020e+00, v12;
	_ =	sdelay $0x1  }
0x1d0: {  	(erf) = vpow2.f32 v12;
	_ =	sdelay $0x4  }
0x1d1: {  	s0 =	sadd.s32 $0x0, s10  }
0x1d2: {  	v12 =	vmov s0;
	_ =	sdelay $0x2  }
0x1d3: {  	s7 =	simm.s32 $0x0;
	v13 =	vpop (erf)  }
0x1d4: {  	v14 =	vshll.u32 v12, $0x7;
	[tilespmem:$0x1DA00] =	vst v13;
	v13 =	vmov s7  }
0x1d5: {  	v15 =	vor.u32 v0, v14;
	v12 =	vld.idx.msk [tilespmem:v12+s23+$0x0], $0xffff;
	_ =	sdelay $0x3  }
0x1d6: {  	v17 =	vld.idx.msk [tilespmem:v13+s30+$0x0], $0xffff  }
0x1d7: {  	v13 =	vld.idx.msk [tilespmem:v15+s28+$0x0], $0xffff;
	v12 =	vsub.s32 v12, v1  }
0x1d8: {  	v15 =	vshll.u32 v12, $0x7  }
0x1d9: {  	v12 =	vor.u32 v0, v15  }
0x1da: {  	v16 =	vor.u32 v3, v14;
	_ =	sdelay $0x1  }
0x1db: {  	v13 =	vmul.f32 v13, v17;
	_ =	sdelay $0x1  }
0x1dc: {  	[tilespmem:v12+s12+$0x0] =	vst.idx.add.f32.msk $0xffff, v13  }
0x1dd: {  	v13 =	vld.idx.msk [tilespmem:v16+s28+$0x0], $0xffff;
	_ =	sdelay $0x1  }
0x1de: {  	v16 =	vor.u32 v3, v15  }
0x1df: {  	v18 =	vor.u32 v4, v14;
	_ =	sdelay $0x1  }
0x1e0: {  	v13 =	vmul.f32 v13, v17;
	_ =	sdelay $0x1  }
0x1e1: {  	[tilespmem:v16+s12+$0x0] =	vst.idx.add.f32.msk $0xffff, v13  }
0x1e2: {  	v13 =	vld.idx.msk [tilespmem:v18+s28+$0x0], $0xffff;
	_ =	sdelay $0x1  }
0x1e3: {  	v16 =	vor.u32 v4, v15  }
0x1e4: {  	v18 =	vor.u32 v5, v14;
	_ =	sdelay $0x1  }
0x1e5: {  	v13 =	vmul.f32 v13, v17;
	_ =	sdelay $0x1  }
0x1e6: {  	[tilespmem:v16+s12+$0x0] =	vst.idx.add.f32.msk $0xffff, v13  }
0x1e7: {  	v13 =	vld.idx.msk [tilespmem:v18+s28+$0x0], $0xffff;
	_ =	sdelay $0x1  }
0x1e8: {  	v16 =	vor.u32 v5, v15  }
0x1e9: {  	v18 =	vor.u32 v6, v14;
	_ =	sdelay $0x1  }
0x1ea: {  	v13 =	vmul.f32 v13, v17;
	_ =	sdelay $0x1  }
0x1eb: {  	[tilespmem:v16+s12+$0x0] =	vst.idx.add.f32.msk $0xffff, v13  }
0x1ec: {  	v13 =	vld.idx.msk [tilespmem:v18+s28+$0x0], $0xffff;
	_ =	sdelay $0x1  }
0x1ed: {  	v16 =	vor.u32 v6, v15  }
0x1ee: {  	v18 =	vor.u32 v7, v14;
	_ =	sdelay $0x1  }
0x1ef: {  	v13 =	vmul.f32 v13, v17;
	_ =	sdelay $0x1  }
0x1f0: {  	[tilespmem:v16+s12+$0x0] =	vst.idx.add.f32.msk $0xffff, v13  }
0x1f1: {  	v13 =	vld.idx.msk [tilespmem:v18+s28+$0x0], $0xffff;
	_ =	sdelay $0x1  }
0x1f2: {  	v16 =	vor.u32 v7, v15  }
0x1f3: {  	v18 =	vor.u32 v8, v14;
	_ =	sdelay $0x1  }
0x1f4: {  	v13 =	vmul.f32 v13, v17;
	_ =	sdelay $0x1  }
0x1f5: {  	[tilespmem:v16+s12+$0x0] =	vst.idx.add.f32.msk $0xffff, v13  }
0x1f6: {  	v13 =	vld.idx.msk [tilespmem:v18+s28+$0x0], $0xffff;
	_ =	sdelay $0x1  }
0x1f7: {  	v16 =	vor.u32 v8, v15  }
0x1f8: {  	v14 =	vor.u32 v9, v14;
	_ =	sdelay $0x1  }
0x1f9: {  	v13 =	vmul.f32 v13, v17;
	_ =	sdelay $0x1  }
0x1fa: {  	[tilespmem:v16+s12+$0x0] =	vst.idx.add.f32.msk $0xffff, v13  }
0x1fb: {  	v13 =	vld.idx.msk [tilespmem:v14+s28+$0x0], $0xffff;
	_ =	sdelay $0x1  }
0x1fc: {  	v18 =	vor.u32 v9, v15  }
0x1fd: {  	s15 =	sadd.s32 $0x1, s10  }
0x1fe: {  	v15 =	vmov s15  }
0x1ff: {  	v19 =	vmul.f32 v13, v17  }
0x200: {  	s22 =	simm.s32 $0x1;
	v13 =	vshll.u32 v15, $0x7;
	v17 =	vmul.f32 v11, v17  }
0x201: {  	s15 =	simm.s32 $0x2;
	v14 =	vmov s22;
	v16 =	vor.u32 v0, v13;
	[tilespmem:v18+s12+$0x0] =	vst.idx.add.f32.msk $0xffff, v19  }
.LBB2_14:
0x202: {  	v18 =	vmov s15;
	p0 =	sne.s32 s15, $0xF;
	[tilespmem:v12+s13+$0x0] =	vst.idx.add.f32.msk $0xffff, v17;
	s0 =	smov.u32 s15;
	s15 =	sadd.s32 $0x1, s15  }
0x203: {  	v12 =	vld.idx.msk [tilespmem:v15+s23+$0x0], $0xffff;
	_ =	sdelay $0x3  }
0x204: {  	v17 =	vld.idx.msk [tilespmem:v14+s30+$0x0], $0xffff;
	v14 =	vmov v18  }
0x205: {  	v15 =	vld.idx.msk [tilespmem:v16+s28+$0x0], $0xffff  }
0x206: {  	v12 =	vsub.s32 v12, v1  }
0x207: {  	v16 =	vshll.u32 v12, $0x7  }
0x208: {  	v12 =	vor.u32 v0, v16  }
0x209: {  	v18 =	vor.u32 v3, v13;
	_ =	sdelay $0x1  }
0x20a: {  	v15 =	vmul.f32 v15, v17;
	_ =	sdelay $0x1  }
0x20b: {  	[tilespmem:v12+s12+$0x0] =	vst.idx.add.f32.msk $0xffff, v15  }
0x20c: {  	v15 =	vld.idx.msk [tilespmem:v18+s28+$0x0], $0xffff;
	_ =	sdelay $0x2  }
0x20d: {  	v18 =	vor.u32 v3, v16  }
0x20e: {  	v19 =	vor.u32 v4, v13;
	_ =	sdelay $0x1  }
0x20f: {  	v15 =	vmul.f32 v15, v17;
	_ =	sdelay $0x1  }
0x210: {  	[tilespmem:v18+s12+$0x0] =	vst.idx.add.f32.msk $0xffff, v15  }
0x211: {  	v15 =	vld.idx.msk [tilespmem:v19+s28+$0x0], $0xffff;
	_ =	sdelay $0x2  }
0x212: {  	v18 =	vor.u32 v4, v16  }
0x213: {  	v19 =	vor.u32 v5, v13;
	_ =	sdelay $0x1  }
0x214: {  	v15 =	vmul.f32 v15, v17;
	_ =	sdelay $0x1  }
0x215: {  	[tilespmem:v18+s12+$0x0] =	vst.idx.add.f32.msk $0xffff, v15  }
0x216: {  	v15 =	vld.idx.msk [tilespmem:v19+s28+$0x0], $0xffff;
	_ =	sdelay $0x2  }
0x217: {  	v18 =	vor.u32 v5, v16  }
0x218: {  	v19 =	vor.u32 v6, v13;
	_ =	sdelay $0x1  }
0x219: {  	v15 =	vmul.f32 v15, v17;
	_ =	sdelay $0x1  }
0x21a: {  	[tilespmem:v18+s12+$0x0] =	vst.idx.add.f32.msk $0xffff, v15  }
0x21b: {  	v15 =	vld.idx.msk [tilespmem:v19+s28+$0x0], $0xffff;
	_ =	sdelay $0x2  }
0x21c: {  	v18 =	vor.u32 v6, v16  }
0x21d: {  	v19 =	vor.u32 v7, v13;
	_ =	sdelay $0x1  }
0x21e: {  	v15 =	vmul.f32 v15, v17;
	_ =	sdelay $0x1  }
0x21f: {  	[tilespmem:v18+s12+$0x0] =	vst.idx.add.f32.msk $0xffff, v15  }
0x220: {  	v15 =	vld.idx.msk [tilespmem:v19+s28+$0x0], $0xffff;
	_ =	sdelay $0x2  }
0x221: {  	v18 =	vor.u32 v7, v16  }
0x222: {  	v19 =	vor.u32 v8, v13;
	_ =	sdelay $0x1  }
0x223: {  	v15 =	vmul.f32 v15, v17;
	_ =	sdelay $0x1  }
0x224: {  	[tilespmem:v18+s12+$0x0] =	vst.idx.add.f32.msk $0xffff, v15  }
0x225: {  	v15 =	vld.idx.msk [tilespmem:v19+s28+$0x0], $0xffff;
	_ =	sdelay $0x2  }
0x226: {  	v18 =	vor.u32 v8, v16  }
0x227: {  	v13 =	vor.u32 v9, v13;
	_ =	sdelay $0x1  }
0x228: {  	v15 =	vmul.f32 v15, v17;
	_ =	sdelay $0x1  }
0x229: {  	[tilespmem:v18+s12+$0x0] =	vst.idx.add.f32.msk $0xffff, v15  }
0x22a: {  	v18 =	vld.idx.msk [tilespmem:v13+s28+$0x0], $0xffff;
	_ =	sdelay $0x2  }
0x22b: {  	v19 =	vor.u32 v9, v16  }
.Ltmp8:
0x22c: {  	s0 =	sadd.s32 s0, s10;
	(pc) =	sbr.rel @p0 .LBB2_14-.Ltmp8, $4  }
0x22d: {  	v15 =	vmov s0  }
0x22e: {  	v13 =	vshll.u32 v15, $0x7;
	v18 =	vmul.f32 v18, v17  }
0x22f: {  	v16 =	vor.u32 v0, v13;
	v17 =	vmul.f32 v11, v17  }
0x230: {  	[tilespmem:v19+s12+$0x0] =	vst.idx.add.f32.msk $0xffff, v18  }
0x231: {  	_ =	sdelay $0x3  }
0x232: {  	[tilespmem:v12+s13+$0x0] =	vst.idx.add.f32.msk $0xffff, v17  }
0x233: {  	v12 =	vld.idx.msk [tilespmem:v15+s23+$0x0], $0xffff;
	_ =	sdelay $0x3  }
0x234: {  	v14 =	vld.idx.msk [tilespmem:v14+s30+$0x0], $0xffff  }
0x235: {  	v50 =	vld.idx.msk [tilespmem:v16+s28+$0x0], $0xffff;
	v12 =	vsub.s32 v12, v1  }
0x236: {  	v12 =	vshll.u32 v12, $0x7  }
0x237: {  	v51 =	vor.u32 v0, v12  }
0x238: {  	v52 =	vor.u32 v3, v13;
	_ =	sdelay $0x1  }
0x239: {  	v15 =	vmul.f32 v50, v14;
	_ =	sdelay $0x1  }
0x23a: {  	[tilespmem:v51+s12+$0x0] =	vst.idx.add.f32.msk $0xffff, v15  }
0x23b: {  	v15 =	vld.idx.msk [tilespmem:v52+s28+$0x0], $0xffff;
	_ =	sdelay $0x1  }
0x23c: {  	v53 =	vor.u32 v3, v12  }
0x23d: {  	v18 =	vor.u32 v4, v13;
	_ =	sdelay $0x1  }
0x23e: {  	v15 =	vmul.f32 v15, v14;
	_ =	sdelay $0x1  }
0x23f: {  	[tilespmem:v53+s12+$0x0] =	vst.idx.add.f32.msk $0xffff, v15  }
0x240: {  	v15 =	vld.idx.msk [tilespmem:v18+s28+$0x0], $0xffff;
	_ =	sdelay $0x1  }
0x241: {  	v54 =	vor.u32 v4, v12  }
0x242: {  	v55 =	vor.u32 v5, v13;
	_ =	sdelay $0x1  }
0x243: {  	v15 =	vmul.f32 v15, v14;
	_ =	sdelay $0x1  }
0x244: {  	[tilespmem:v54+s12+$0x0] =	vst.idx.add.f32.msk $0xffff, v15  }
0x245: {  	v15 =	vld.idx.msk [tilespmem:v55+s28+$0x0], $0xffff;
	_ =	sdelay $0x1  }
0x246: {  	v56 =	vor.u32 v5, v12  }
0x247: {  	v57 =	vor.u32 v6, v13;
	_ =	sdelay $0x1  }
0x248: {  	v15 =	vmul.f32 v15, v14;
	_ =	sdelay $0x1  }
0x249: {  	[tilespmem:v56+s12+$0x0] =	vst.idx.add.f32.msk $0xffff, v15  }
0x24a: {  	v15 =	vld.idx.msk [tilespmem:v57+s28+$0x0], $0xffff;
	_ =	sdelay $0x1  }
0x24b: {  	v58 =	vor.u32 v6, v12  }
0x24c: {  	v59 =	vor.u32 v7, v13;
	_ =	sdelay $0x1  }
0x24d: {  	v15 =	vmul.f32 v15, v14;
	_ =	sdelay $0x1  }
0x24e: {  	[tilespmem:v58+s12+$0x0] =	vst.idx.add.f32.msk $0xffff, v15  }
0x24f: {  	v15 =	vld.idx.msk [tilespmem:v59+s28+$0x0], $0xffff;
	_ =	sdelay $0x1  }
0x250: {  	v60 =	vor.u32 v7, v12  }
0x251: {  	v61 =	vor.u32 v8, v13;
	_ =	sdelay $0x1  }
0x252: {  	v15 =	vmul.f32 v15, v14;
	_ =	sdelay $0x1  }
0x253: {  	[tilespmem:v60+s12+$0x0] =	vst.idx.add.f32.msk $0xffff, v15  }
0x254: {  	v15 =	vld.idx.msk [tilespmem:v61+s28+$0x0], $0xffff;
	_ =	sdelay $0x1  }
0x255: {  	v62 =	vor.u32 v8, v12  }
0x256: {  	v63 =	vor.u32 v9, v13;
	_ =	sdelay $0x1  }
0x257: {  	v15 =	vmul.f32 v15, v14;
	_ =	sdelay $0x1  }
0x258: {  	[tilespmem:v62+s12+$0x0] =	vst.idx.add.f32.msk $0xffff, v15  }
0x259: {  	v13 =	vld.idx.msk [tilespmem:v63+s28+$0x0], $0xffff;
	_ =	sdelay $0x1  }
0x25a: {  	s11 =	sadd.s32 $0x1, s11;
	v12 =	vor.u32 v9, v12  }
0x25b: {  	p0 =	sne.s32 s11, $0x3  }
.Ltmp9:
0x25c: {  	_ = 	snop;
	(pc) =	sbr.rel @p0 .LBB2_11-.Ltmp9, $4  }
0x25d: {  	v13 =	vmul.f32 v13, v14  }
0x25e: {  	v14 =	vmul.f32 v11, v14  }
0x25f: {  	[tilespmem:v12+s12+$0x0] =	vst.idx.add.f32.msk $0xffff, v13  }
0x260: {  	s10 =	sadd.s32 $0x10, s10;
	[tilespmem:v51+s13+$0x0] =	vst.idx.add.f32.msk $0xffff, v14  }
0x261: {  	s0 =	sadd.s32 $0x3, s9  }
0x262: {  	s2 =	smov.u32 s14;
	p0 =	slt.s32 s0, s14  }
0x263: {  	s2 =	smov.u32 @p0 s0  }
0x264: {  	s0 =	smul.u32 $0x30, s2;
	_ =	sdelay $0x1  }
0x265: {  	s3 =	simm.s32 $0x0;
	s0 =	sadd.s32 s8, s0  }
0x266: {  	s1 =	sadd.s32 $0x1, s1;
	s22 =	rddreg [dreg:$0x8];
	s15 =	sshrl.u32 s0, $0x3  }
0x267: {  	s11 =	simm.s32 $0x4900;
	p0 =	sne.s32 s1, s22;
	s2 =	sadd.s32 s6, s15  }
0x268: {  	[tilespmem:s11], [sflag:$0x2] =	stream.linear.gather [hbm4b:s2+s3], $0x30, $0x38;
	[tilespmem:$0x1DB00] =	vst v63  }
.Ltmp10:
0x269: {  	s0 =	sadd.s32 $0x30C0, s0;
	(pc) =	sbr.rel @p0 .LBB2_4-.Ltmp10, $4  }
.Ltmp11:
0x26a: {  	s0 =	sshrl.u32 s0, $0x3;
	(pc) =	sbr.rel @!p0 .LBB2_17-.Ltmp11, $4  }
0x26b: {  	s0 =	sadd.s32 s6, s0  }
0x26c: {  	[tilespmem:s23], [sflag:$0x2] =	stream.linear.gather [hbm4b:s0+s3], $0x30, $0x38;
	[tilespmem:$0x1DB00] =	vst v63  }
0x26d: {  	s3 =	smov.u32 s4  }
0x26e: {  	_ = 	snop  }
.LBB2_18:
0x26f: {  	_ =	sfence.sel $0x180000  }
0x270: {  	[bflag:$0x0] =	sbarrier.arrive $0xFFFF  }
0x271: {  	_ =	strace $0x9000004A  }
0x272: {  	s0 =	stileid.u32;
	[bflag:$0x2] =	sbarrier.arrive $0xFFFF  }
0x273: {  	p0 =	sne.s32 s0, $0x0;
	s0 =	rddreg [dreg:$0x1]  }
0x274: {  	s0 =	sadd.s32 @!p0 $0x100000, s0  }
0x275: {  	[sflag:s0] =	ssyncadd.tile.s32 @!p0 $0x1;
	_ =	shalt  }
.Lfunc_end2:
_tile_overlayer_lowered:
.L_overlay_start_2:
0x276: {  	(tag) =	ssettag $0x2  }
0x277: {  	s0 =	rddreg [dreg:$0x0];
	s2 =	stileid.u32  }
0x278: {  	s1 =	rddreg [dreg:$0x1];
	p0 =	sne.s32 s2, $0x0  }
0x279: {  	s3 =	rddreg [dreg:$0x2];
	[bflag:$0x3] =	sbarrier.arrive $0xFFFF;
	s2 =	simm.s32 @!p0 $0x1C05  }
0x27a: {  	[timem:s3], [sflag:s2] =	dma.local @!p0 [hbm:s0], s1  }
0x27b: {  	s0 =	simm.s32 @!p0 $0x5  }
0x27c: {  	_ =	swait.ge @!p0 [sflag:s0], s1  }
0x27d: {  	s1 =	ssub.s32 @!p0 $0x0, s1;
	[sflag:s0] =	ssyncset.done @!p0 $0x0  }
0x27e: {  	[sflag:s0] =	ssyncadd.s32 @!p0 s1  }
0x27f: {  	[bflag:$0x3] =	sbarrier.arrive $0xFFFF  }
0x280: {  	_ =	shalt  }

// kernel: kernel.14.cloned.1.call-start
scs
__scs_entry_jumppad:
0x0: {  	(pc) =	sbr.rel $0x88, $3  }
0x1: {  	(tag) =	ssettag $0x0;
	lr =	simm.s32 $0x1  }
0x2: {  	[smem:$0x3F91] =	sst lr;
	_ =	strace $0xD0000000  }
0x3: {  	_ = 	snop  }
0x4: {  	_ = 	snop  }
0x5: {  	_ = 	snop  }
0x6: {  	_ = 	snop  }
0x7: {  	_ = 	snop  }
__scs_overlays_trampoline_lowered:
0x8: {  	[smem:$0x3FA0] =	sst s0  }
0x9: {  	[smem:$0x3FA1] =	sst s1  }
0xa: {  	[smem:$0x3FA2] =	sst s2  }
0xb: {  	[smem:$0x3FA3] =	sst s3  }
0xc: {  	[smem:$0x3FA4] =	sst s4  }
0xd: {  	[smem:$0x3FA5] =	sst s5  }
0xe: {  	[smem:$0x3FA6] =	sst s6  }
0xf: {  	[smem:$0x3FA7] =	sst s7  }
0x10: {  	[smem:$0x3FA8] =	sst s8  }
0x11: {  	[smem:$0x3FA9] =	sst s9;
	s0 =	simm.s32 @!p0 $0x0  }
0x12: {  	s1 =	sld [smem:$0x3F8F];
	s0 =	simm.s32 @p0 $0x1  }
0x13: {  	[smem:$0x3FAA] =	sst s0;
	s0 =	simm.s32 @!p1 $0x0  }
0x14: {  	s2 =	sld [smem:$0x3F8E];
	s0 =	simm.s32 @p1 $0x1  }
0x15: {  	[smem:$0x3FAB] =	sst s0;
	s0 =	simm.s32 @!p2 $0x0  }
0x16: {  	s3 =	sld [smem:$0x3FDB];
	s0 =	simm.s32 @p2 $0x1  }
0x17: {  	s4 =	simm.s32 $0x1BF5;
	[smem:$0x3FAD] =	sst s0  }
0x18: {  	s0 =	sld [smem:$0x3F90];
	_ =	swait.ge [sflag:s4], $0x0  }
0x19: {  	s7 =	sld [smem:$0x3F91]  }
0x1a: {  	s8 =	sadd.s32 $0xFFFFE003, lr  }
0x1b: {  	s9 =	sadd.s32 $0xFFFFFEF7, lr;
	s5 =	simm.s32 $0xFFFFFFFF;
	p2 =	slt.u32 s8, $0xFFFFF086  }
0x1c: {  	p1 =	slt.u32 s9, $0xF7A;
	s5 =	simm.s32 @!p2 $0x0  }
0x1d: {  	s5 =	simm.s32 @p1 $0x1;
	p0 =	seq.s32 s7, s2  }
0x1e: {  	s7 =	smul.u32 @!p0 $0xF7A, s2;
	p2 =	seq.s32 @!p0 s5, $0x0  }
0x1f: {  	s9 =	smul.u32 $0xF7A, s1;
	s8 =	simm.s32 @!p0 $0x1BF5;
	p2 =	por !p2, p0  }
0x20: {  	[sflag:s8] =	ssyncset.s32 @!p0 $0xFFFFF086;
	s6 =	sadd.s32 @!p0 s3, s7;
	s7 =	simm.s32 @!p0 $0x108  }
0x21: {  	s3 =	sadd.s32 s3, s9;
	s6 =	sadd.s32 @!p0 $0x88, s6;
	s7 =	simm.s32 @p2 $0x1082  }
0x22: {  	[simem:s7], [sflag:s8] =	dma.local @!p0 [hbm:s6], $0xF7A  }
0x23: {  	s9 =	sor.u32 $0xD0000000, s2;
	s6 =	simm.s32 $0x108;
	_ =	swait.ge @!p0 [sflag:s8], $0x0  }
0x24: {  	s3 =	sadd.s32 $0x88, s3;
	s6 =	simm.s32 @!p1 $0x1082;
	[sflag:s4] =	ssyncset.s32 $0xFFFFF086  }
0x25: {  	[simem:s6], [sflag:s4] =	dma.local [hbm:s3], $0xF7A  }
0x26: {  	[smem:$0x3F91] =	sst s1;
	(tag) =	ssettag s2;
	_ =	strace s9  }
0x27: {  	s1 =	sld [smem:$0x3FA1]  }
0x28: {  	s2 =	sld [smem:$0x3FA2]  }
0x29: {  	s4 =	sld [smem:$0x3FA4]  }
0x2a: {  	p0 =	seq.s32 s5, $0x0;
	s5 =	sld [smem:$0x3FA5]  }
0x2b: {  	s6 =	sld [smem:$0x3FA6]  }
0x2c: {  	s7 =	sld [smem:$0x3FA7]  }
0x2d: {  	s3 =	simm.s32 $0x108;
	s8 =	sld [smem:$0x3FA8]  }
0x2e: {  	s3 =	simm.s32 @!p0 $0x1082;
	s9 =	sld [smem:$0x3FA9]  }
0x2f: {  	lr =	sadd.s32 s0, s3;
	s0 =	sld [smem:$0x3FA0]  }
0x30: {  	s3 =	sld [smem:$0x3FA3]  }
0x31: {  	[smem:$0x3FAC] =	sst s10  }
0x32: {  	s10 =	sld [smem:$0x3FAA];
	_ =	sdelay $0x3  }
0x33: {  	p0 =	seq.s32 s10, $0x1;
	s10 =	sld [smem:$0x3FAC];
	_ =	sdelay $0x3  }
0x34: {  	[smem:$0x3FAC] =	sst s10  }
0x35: {  	s10 =	sld [smem:$0x3FAB];
	_ =	sdelay $0x3  }
0x36: {  	p1 =	seq.s32 s10, $0x1;
	s10 =	sld [smem:$0x3FAC];
	_ =	sdelay $0x3  }
0x37: {  	[smem:$0x3FAC] =	sst s10  }
0x38: {  	s10 =	sld [smem:$0x3FAD]  }
0x39: {  	_ = 	snop;
	(pc) =	sbr.ind lr, $3  }
0x3a: {  	_ = 	snop  }
0x3b: {  	_ = 	snop  }
0x3c: {  	p2 =	seq.s32 s10, $0x1;
	s10 =	sld [smem:$0x3FAC]  }
0x3d: {  	_ =	shalt  }
0x3e: {  	_ =	shalt  }
0x3f: {  	_ =	shalt  }
0x40: {  	_ =	shalt  }
0x41: {  	_ =	shalt  }
0x42: {  	_ =	shalt  }
0x43: {  	_ =	shalt  }
0x44: {  	_ =	shalt  }
0x45: {  	_ =	shalt  }
0x46: {  	_ =	shalt  }
0x47: {  	_ =	shalt  }
0x48: {  	_ =	shalt  }
0x49: {  	_ =	shalt  }
0x4a: {  	_ =	shalt  }
0x4b: {  	_ =	shalt  }
0x4c: {  	_ =	shalt  }
0x4d: {  	_ =	shalt  }
0x4e: {  	_ =	shalt  }
0x4f: {  	_ =	shalt  }
0x50: {  	_ =	shalt  }
0x51: {  	_ =	shalt  }
0x52: {  	_ =	shalt  }
0x53: {  	_ =	shalt  }
0x54: {  	_ =	shalt  }
0x55: {  	_ =	shalt  }
0x56: {  	_ =	shalt  }
0x57: {  	_ =	shalt  }
0x58: {  	_ =	shalt  }
0x59: {  	_ =	shalt  }
0x5a: {  	_ =	shalt  }
0x5b: {  	_ =	shalt  }
0x5c: {  	_ =	shalt  }
0x5d: {  	_ =	shalt  }
0x5e: {  	_ =	shalt  }
0x5f: {  	_ =	shalt  }
0x60: {  	_ =	shalt  }
0x61: {  	_ =	shalt  }
0x62: {  	_ =	shalt  }
0x63: {  	_ =	shalt  }
0x64: {  	_ =	shalt  }
0x65: {  	_ =	shalt  }
0x66: {  	_ =	shalt  }
0x67: {  	_ =	shalt  }
0x68: {  	_ =	shalt  }
0x69: {  	_ =	shalt  }
0x6a: {  	_ =	shalt  }
0x6b: {  	_ =	shalt  }
0x6c: {  	_ =	shalt  }
0x6d: {  	_ =	shalt  }
0x6e: {  	_ =	shalt  }
0x6f: {  	_ =	shalt  }
0x70: {  	_ =	shalt  }
0x71: {  	_ =	shalt  }
0x72: {  	_ =	shalt  }
0x73: {  	_ =	shalt  }
0x74: {  	_ =	shalt  }
0x75: {  	_ =	shalt  }
0x76: {  	_ =	shalt  }
0x77: {  	_ =	shalt  }
0x78: {  	_ =	shalt  }
0x79: {  	_ =	shalt  }
0x7a: {  	_ =	shalt  }
0x7b: {  	_ =	shalt  }
0x7c: {  	_ =	shalt  }
0x7d: {  	_ =	shalt  }
0x7e: {  	_ =	shalt  }
0x7f: {  	_ =	shalt  }
0x80: {  	_ =	shalt  }
0x81: {  	_ =	shalt  }
0x82: {  	_ =	shalt  }
0x83: {  	_ =	shalt  }
0x84: {  	_ =	shalt  }
0x85: {  	_ =	shalt  }
0x86: {  	_ =	shalt  }
0x87: {  	_ =	shalt  }
.Lfunc_end0:
.L_simem_size_0:
called_computation.2_lowered:
.L_overlay_start_0:
0x88: {  	s2 =	sld [smem:$0x3FD9]  }
0x89: {  	s3 =	sld [smem:$0x3FFE];
	_ =	sdelay $0x1  }
0x8a: {  	s1 =	srdreg.scid  }
0x8b: {  	s0 =	sand.u32 $0x1, s1  }
0x8c: {  	s16 =	sshll.u32 s0, $0xA;
	s2 =	sadd.s32 s3, s2  }
0x8d: {  	s2 =	sadd.s32 s2, s16  }
0x8e: {  	[smem:$0x3FB8] =	sst s2  }
0x8f: {  	_ = 	snop  }
0x90: {  	(tm) =	ssettm $0x1  }
0x91: {  	s17 =	sld [smem:$0x3FFB];
	_ =	sdelay $0x3  }
0x92: {  	_ =	strace s17  }
0x93: {  	s2 =	sld [smem:$0x3FFC];
	_ =	sdelay $0x3  }
0x94: {  	_ =	strace s2  }
0x95: {  	s2 =	sld [smem:$0x3FFD];
	_ =	sdelay $0x3  }
0x96: {  	_ =	strace s2  }
0x97: {  	_ =	strace $0x8FFFFFFF  }
0x98: {  	s18 =	sld [smem:$0x3FDB];
	_ =	sdelay $0x1  }
0x99: {  	s19 =	simm.s32 $_scs_section_size  }
0x9a: {  	s4 =	simm.s32 $_size__tile_overlayer_lowered;
	s5 =	simm.s32 $_tile_overlayer_lowered  }
0x9b: {  	s22 =	simm.s32 $0x1BFF;
	s21 =	sshll.u32 s5, $0x1;
	s2 =	sadd.s32 s19, s18  }
0x9c: {  	s6 =	simm.s32 $0x0;
	s20 =	sshll.u32 s4, $0x1;
	s4 =	sadd.s32 s21, s2  }
0x9d: {  	[timem:s6], [sflag:s22] =	dma.local [hbm:s4], s20  }
0x9e: {  	_ =	swait.ge [sflag:s22], s20  }
0x9f: {  	s3 =	ssub.s32 $0x0, s20;
	[sflag:s22] =	ssyncset.done $0x0  }
0xa0: {  	[sflag:s22] =	ssyncadd.s32 s3;
	_ =	sdelay $0x1  }
0xa1: {  	s23 =	simm.s32 $0x1B8B  }
0xa2: {  	_ =	swait.ge [sflag:s23], $0x1  }
0xa3: {  	[sflag:s23] =	ssyncset.done $0x0  }
0xa4: {  	s25 =	simm.s32 $0x1B8E;
	s24 =	sld [smem:$0x3FFE];
	[sflag:s23] =	ssyncadd.s32 $0xFFFFFFFF  }
0xa5: {  	s26 =	simm.s32 $execute0_lowered;
	[smem:$0x3FD2] =	sst s25  }
0xa6: {  	s4 =	sshll.u32 s26, $0x1;
	_ =	strace $0x8000004C;
	[dreg:$0x1] =	wrdreg $0xFFFFFFFF  }
0xa7: {  	s28 =	simm.s32 $_size_execute0_lowered;
	s2 =	sadd.s32 s2, s4;
	[dreg:$0x0] =	wrdreg $0x0  }
0xa8: {  	s4 =	sshll.u32 s28, $0x1;
	[dreg:$0x2] =	wrdreg s2  }
0xa9: {  	[dreg:$0x3] =	wrdreg s4  }
0xaa: {  	[dreg:$0x4] =	wrdreg $0xC0  }
0xab: {  	_ =	task [dreg:s6], $0x5FFFF  }
0xac: {  	[dreg:$0x1] =	wrdreg $0xFFFFFFFF  }
0xad: {  	[dreg:$0x0] =	wrdreg $0x60  }
0xae: {  	[dreg:$0x2] =	wrdreg s24  }
0xaf: {  	[dreg:$0x3] =	wrdreg $0x9  }
0xb0: {  	_ =	task.clear_ibuf [dreg:s6], $0x4FFFF;
	_ =	strace $0x9000004C  }
0xb1: {  	s29 =	simm.s32 $0x9;
	_ =	strace $0x8000004E  }
0xb2: {  	_ =	swait.ge [sflag:s29], $0x1  }
0xb3: {  	[sflag:s29] =	ssyncadd.s32 $0xFFFFFFFF  }
0xb4: {  	_ =	strace $0x9000004E  }
0xb5: {  	_ =	sfence  }
0xb6: {  	s30 =	sld [smem:$0x0];
	_ =	sdelay $0x2  }
0xb7: {  	s31 =	sshll.u32 s1, $0xD;
	s1 =	sshrl.u32 s1, $0x2  }
0xb8: {  	s3 =	sand.u32 $0x4000, s31;
	s1 =	sadd.s32 s1, s30  }
0xb9: {  	s0 =	sor.u32 s3, s0;
	s1 =	sshll.u32 s1, $0x11  }
0xba: {  	s0 =	sor.u32 s1, s0  }
0xbb: {  	s0 =	sadd.s32 $0x8F2B, s0  }
0xbc: {  	[sflag:s0] =	ssyncadd.remote.s32 $0x1  }
0xbd: {  	_ =	sfence.sel $0xFFFF  }
0xbe: {  	[dreg:$0x0] =	wrdreg $0xFFFFFFFF;
	(pc) =	sbr.abs _section_cstart, $3  }
0xbf: {  	[dreg:$0x1] =	wrdreg $0xFFFFFFFF  }
0xc0: {  	_ =	task.clear_ibuf [dreg:s6], $0x2FFFF;
	_ =	strace $0x9FFFFFFF  }
0xc1: {  	(tm) =	ssettm $0x7FFFFFFF  }
tec
execute0_lowered:
.L_overlay_start_1:
0x0: {  	(tag) =	ssettag $0x1  }
0x1: {  	s0 =	rddreg [dreg:$0x0];
	s3 =	simm.s32 $0x0;
	s1 =	srdreg.scid  }
0x2: {  	s2 =	stileid.u32;
	s12 =	simm.s32 $0x9200;
	s13 =	simm.s32 $0x13600  }
0x3: {  	s16 =	simm.s32 $0x1;
	s17 =	simm.s32 $0x80;
	s18 =	simm.s32 $0x30  }
0x4: {  	s19 =	simm.s32 $0x100;
	s20 =	simm.s32 $0x1900;
	s21 =	simm.s32 $0x3100  }
0x5: {  	s11 =	simm.s32 $0x4900;
	s28 =	simm.s32 $0x7A00;
	s29 =	simm.s32 $0x3  }
0x6: {  	s30 =	simm.s32 $0x1DA00;
	s31 =	simm.s32 $0x4;
	[smem:$0x7FF] =	sst s3  }
0x7: {  	s1 =	sand.u32 $0x1, s1;
	s4 =	sshll.u32 s2, $0x1;
	s3 =	sadd.s32 $0x74E00, s0  }
0x8: {  	s22 =	sadd.s32 $0x26A00, s0;
	s5 =	sadd.s32 $0x4DC00, s0;
	s6 =	sadd.s32 $0xE200, s0  }
0x9: {  	_ =	strace $0x8000004D;
	s7 =	sor.u32 s1, s4;
	[dreg:$0x2] =	wrdreg s22  }
0xa: {  	s1 =	ssub.s32 $0x2, s1;
	s4 =	simm.s32 $0x5;
	s8 =	smul.u32 $0x1400, s7  }
0xb: {  	s9 =	sshll.u32 s7, $0x1;
	s23 =	sshrl.u32 s1, $0x1;
	s10 =	smul.u32 $0x140, s7  }
0xc: {  	s9 =	sadd.s32 s9, s0;
	s1 =	ssub.s32 s1, s23;
	s23 =	simm.s32 $0x4980  }
.Ltmp0:
0xd: {  	v0 =	vlaneseq.u32;
	s0 =	sadd.s32 s8, s0;
	s24 =	sadd.s32 $0x26800, s9;
	(pc) =	sbr.rel .LBB2_1-.Ltmp0, $4  }
0xe: {  	v2 =	vimm.f32 $0.0e+00;
	vm0 =	vcmask $0x300;
	v3 =	vor.u32 $0x10, v0;
	s8 =	smul.u32 $0x6180, s7;
	s26 =	smax.u32 s1, $0x1;
	[dreg:$0x3] =	wrdreg s24  }
0xf: {  	v4 =	vor.u32 $0x20, v0;
	v5 =	vor.u32 $0x30, v0;
	v6 =	vor.u32 $0x40, v0;
	s1 =	simm.s32 $0x0;
	s25 =	sadd.s32 $0x9D000, s0;
	[dreg:$0x6] =	wrdreg s26  }
0x10: {  	v7 =	vor.u32 $0x50, v0;
	v8 =	vor.u32 $0x60, v0;
	v9 =	vor.u32 $0x70, v0;
	s0 =	sadd.s32 $0xC5000, s0;
	s24 =	simm.s32 $0x2;
	[dreg:$0x4] =	wrdreg s25  }
0x11: {  	v10 =	vmul.u32 $0x80, v0;
	v11 =	vsel vm0, $0x3F800000, v2;
	v1 =	vmov s10;
	s26 =	simm.s32 $0x6200;
	[dreg:$0x5] =	wrdreg s0;
	s25 =	simm.s32 $0x4A00  }
.LBB2_17:
0x12: {  	_ =	swait.ge [sflag:s29], $0x1800  }
0x13: {  	[sflag:s29] =	ssyncset.done $0x0  }
0x14: {  	[sflag:s29] =	ssyncadd.s32 $0xFFFFE800  }
0x15: {  	_ =	swait.ge [sflag:s29], $0x1800  }
0x16: {  	[sflag:s29] =	ssyncset.done $0x0  }
0x17: {  	[sflag:s29] =	ssyncadd.s32 $0xFFFFE800  }
0x18: {  	_ =	swait.ge [sflag:s29], $0x1800  }
0x19: {  	[sflag:s29] =	ssyncset.done $0x0  }
0x1a: {  	[sflag:s29] =	ssyncadd.s32 $0xFFFFE800  }
0x1b: {  	_ =	swait.ge [sflag:s24], $0x30  }
0x1c: {  	[sflag:s24] =	ssyncset.done $0x0  }
0x1d: {  	[sflag:s24] =	ssyncadd.s32 $0xFFFFFFD0  }
0x1e: {  	_ =	swait.ge [sflag:s24], $0x30  }
0x1f: {  	s0 =	simm.s32 $0x0;
	[sflag:s24] =	ssyncset.done $0x0  }
0x20: {  	s4 =	simm.s32 $0x5;
	s1 =	rddreg [dreg:$0x4];
	[sflag:s24] =	ssyncadd.s32 $0xFFFFFFD0  }
0x21: {  	[hbm4b:s1+s0] =	stream.linear.scatter [tilespmem:s12], [sflag:$0x5], $0xA000, $0x38;
	[tilespmem:$0x1DB00] =	vst v63  }
0x22: {  	_ =	swait.ge [sflag:s4], $0xA000  }
0x23: {  	[sflag:s4] =	ssyncset.done $0x0  }
0x24: {  	s14 =	rddreg [dreg:$0x5];
	[sflag:s4] =	ssyncadd.s32 $0xFFFF6000  }
0x25: {  	[hbm4b:s14+s0] =	stream.linear.scatter [tilespmem:s13], [sflag:$0x5], $0xA000, $0x38;
	[tilespmem:$0x1DB00] =	vst v63  }
0x26: {  	_ =	swait.ge [sflag:s4], $0xA000  }
0x27: {  	s15 =	rddreg [dreg:$0x7]  }
0x28: {  	s22 =	rddreg [dreg:$0x6];
	s1 =	sadd.s32 $0x1, s15  }
0x29: {  	p0 =	sne.s32 s1, s22  }
.Ltmp1:
0x2a: {  	_ = 	snop;
	(pc) =	sbr.rel @!p0 .LBB2_18-.Ltmp1, $3  }
0x2b: {  	_ =	sdelay $0x1  }
0x2c: {  	[sflag:s4] =	ssyncset.done $0x0  }
0x2d: {  	[sflag:s4] =	ssyncadd.s32 $0xFFFF6000  }
.LBB2_1:
0x2e: {  	s22 =	simm.s32 $0x0  }
0x2f: {  	v12 =	vor.u32 s22, v0  }
0x30: {  	v15 =	vor.u32 s22, v3;
	_ =	sdelay $0x1  }
0x31: {  	v17 =	vor.u32 s22, v4  }
0x32: {  	v13 =	vor.u32 s22, v5  }
0x33: {  	v14 =	vor.u32 s22, v6;
	[tilespmem:v12+s12+$0x0] =	vst.idx.msk $0xffff, v2  }
0x34: {  	[tilespmem:v15+s12+$0x0] =	vst.idx.msk $0xffff, v2;
	v15 =	vor.u32 s22, v7  }
0x35: {  	v16 =	vor.u32 s22, v8  }
0x36: {  	[dreg:$0x7] =	wrdreg s1;
	s0 =	simm.s32 $0x1;
	[tilespmem:v17+s12+$0x0] =	vst.idx.msk $0xffff, v2;
	v17 =	vor.u32 s22, v9  }
.LBB2_2:
0x37: {  	s1 =	sshll.u32 s0, $0x7;
	p0 =	sne.s32 s0, $0x147;
	s0 =	sadd.s32 $0x1, s0;
	[tilespmem:v13+s12+$0x0] =	vst.idx.msk $0xffff, v2  }
0x38: {  	v18 =	vor.u32 s1, v0;
	[tilespmem:v14+s12+$0x0] =	vst.idx.msk $0xffff, v2  }
0x39: {  	v19 =	vor.u32 s1, v3;
	[tilespmem:v15+s12+$0x0] =	vst.idx.msk $0xffff, v2  }
0x3a: {  	v20 =	vor.u32 s1, v4;
	[tilespmem:v16+s12+$0x0] =	vst.idx.msk $0xffff, v2  }
.Ltmp2:
0x3b: {  	v13 =	vor.u32 s1, v5;
	[tilespmem:v17+s12+$0x0] =	vst.idx.msk $0xffff, v2;
	(pc) =	sbr.rel @p0 .LBB2_2-.Ltmp2, $4  }
0x3c: {  	v14 =	vor.u32 s1, v6;
	[tilespmem:v12+s13+$0x0] =	vst.idx.msk $0xffff, v2;
	v12 =	vmov v18  }
0x3d: {  	v15 =	vor.u32 s1, v7;
	[tilespmem:v18+s12+$0x0] =	vst.idx.msk $0xffff, v2  }
0x3e: {  	v16 =	vor.u32 s1, v8;
	[tilespmem:v19+s12+$0x0] =	vst.idx.msk $0xffff, v2  }
0x3f: {  	v17 =	vor.u32 s1, v9;
	[tilespmem:v20+s12+$0x0] =	vst.idx.msk $0xffff, v2  }
0x40: {  	_ =	sdelay $0x3  }
0x41: {  	[tilespmem:v13+s12+$0x0] =	vst.idx.msk $0xffff, v2  }
0x42: {  	[tilespmem:v14+s12+$0x0] =	vst.idx.msk $0xffff, v2  }
0x43: {  	[tilespmem:v15+s12+$0x0] =	vst.idx.msk $0xffff, v2  }
0x44: {  	[tilespmem:v16+s12+$0x0] =	vst.idx.msk $0xffff, v2  }
0x45: {  	[tilespmem:v17+s12+$0x0] =	vst.idx.msk $0xffff, v2  }
0x46: {  	s1 =	simm.s32 $0x0;
	s0 =	rddreg [dreg:$0x3];
	s2 =	simm.s32 $0x1DA80;
	[tilespmem:v12+s13+$0x0] =	vst.idx.msk $0xffff, v2  }
0x47: {  	[tilespmem:s2], [sflag:$0x5] =	stream.linear.gather [hbm4b:s0+s1], $0x10, $0x38;
	[tilespmem:$0x1DB00] =	vst v63  }
0x48: {  	_ =	swait.ge [sflag:s4], $0x10  }
0x49: {  	[sflag:s4] =	ssyncset.done $0x0  }
0x4a: {  	[sflag:s4] =	ssyncadd.s32 $0xFFFFFFF0  }
0x4b: {  	v63 =	vld [tilespmem:$0x1DA80];
	_ =	sdelay $0x4  }
0x4c: {  	v12 =	vxor.u32 $0x80000000, v63  }
0x4d: {  	(xrf0) =	vmax.scan.msk.u32 $0xffff, v12;
	_ =	sdelay $0x5  }
0x4e: {  	v12, _, _ =	vpop (xrf0)  }
0x4f: {  	(v2sf) =	vpush v12, $0xF;
	_ =	sdelay $0xe  }
0x50: {  	s15 =	spop (v2sf)  }
0x51: {  	s7 =	sxor.u32 $0x80000000, s15  }
0x52: {  	s9 =	smulhi.u32 $0x2AAAAAAB, s7;
	s10 =	sshra.s32 s7, $0x1F  }
0x53: {  	s10 =	smul.u32 $0x2AAAAAAB, s10;
	_ =	sdelay $0x1  }
0x54: {  	s9 =	sadd.s32 s10, s9  }
0x55: {  	s10 =	sshrl.u32 s9, $0x1F;
	s9 =	sshra.s32 s9, $0x3  }
0x56: {  	s9 =	sadd.s32 s10, s9  }
0x57: {  	s10 =	smul.u32 $0xFFFFFFD0, s9  }
0x58: {  	p1 =	sgt.s32 s15, $0xFFFFFFFF;
	p0 =	slt.s32 s7, $0x1;
	s22 =	ssub.s32 $0x0, s7  }
0x59: {  	p0 =	por p1, p0;
	p4 =	sne.s32 s10, s22  }
0x5a: {  	p0 =	por !p0, !p4  }
0x5b: {  	s0 =	simm.s32 $0x1;
	p0 =	por !p0, !p0  }
0x5c: {  	s0 =	simm.s32 @!p0 $0x0  }
0x5d: {  	s0 =	ssub.s32 s9, s0  }
0x5e: {  	s14 =	sadd.s32 $0xFFFFFFFF, s0  }
0x5f: {  	s2 =	sshra.s32 s14, $0x1F  }
0x60: {  	s7 =	sand.u32 s2, s14  }
0x61: {  	s7 =	smul.u32 $0x30, s7;
	_ =	sdelay $0x1  }
0x62: {  	s7 =	sadd.s32 s8, s7  }
0x63: {  	s4 =	sshrl.u32 s7, $0x3;
	s7 =	sadd.s32 $0x30C0, s7  }
0x64: {  	s9 =	sadd.s32 s6, s4;
	s7 =	sshrl.u32 s7, $0x3  }
0x65: {  	[tilespmem:s1], [sflag:$0x1] =	stream.linear.gather [hbm4b:s9+s1], $0x30, $0x38;
	[tilespmem:$0x1DB00] =	vst v63  }
0x66: {  	s7 =	sadd.s32 s6, s7  }
0x67: {  	[tilespmem:s17], [sflag:$0x1] =	stream.linear.gather [hbm4b:s7+s1], $0x30, $0x38;
	[tilespmem:$0x1DB00] =	vst v63  }
0x68: {  	_ =	swait.ge [sflag:s16], $0x30  }
0x69: {  	[sflag:s16] =	ssyncset.done $0x0  }
0x6a: {  	[sflag:s16] =	ssyncadd.s32 $0xFFFFFFD0  }
0x6b: {  	p0 =	slt.s32 s14, $0x1;
	s7 =	smov.u32 s14;
	_ =	swait.ge [sflag:s16], $0x30  }
0x6c: {  	s7 =	simm.s32 @!p0 $0x1;
	[sflag:s16] =	ssyncset.done $0x0  }
0x6d: {  	s7 =	smul.u32 $0x30, s7;
	[sflag:s16] =	ssyncadd.s32 $0xFFFFFFD0  }
0x6e: {  	[tilespmem:s19], [sflag:$0x3] =	stream.indirect.gather [hbm4b:s3+s18], $0x80, s17, s18, $0xb8;
	[tilespmem:$0x1DB00] =	vst v63  }
0x6f: {  	s15 =	sand.u32 $0x1, s0;
	s7 =	sadd.s32 s8, s7;
	s9 =	rddreg [dreg:$0x2]  }
0x70: {  	[tilespmem:s20], [sflag:$0x3] =	stream.indirect.gather [hbm4b:s9+s18], $0x80, s1, s18, $0xb8;
	[tilespmem:$0x1DB00] =	vst v63  }
0x71: {  	p5 =	slt.s32 s0, $0x1;
	s10 =	sshrl.u32 s7, $0x3;
	s7 =	sadd.s32 $0x30C0, s7  }
0x72: {  	[tilespmem:s21], [sflag:$0x3] =	stream.indirect.gather [hbm4b:s5+s18], $0x80, s1, s18, $0xb8;
	[tilespmem:$0x1DB00] =	vst v63  }
0x73: {  	p6 =	seq.s32 s15, $0x1;
	s7 =	sshrl.u32 s7, $0x3;
	s9 =	sadd.s32 s6, s10  }
0x74: {  	[tilespmem:s11], [sflag:$0x2] =	stream.linear.gather [hbm4b:s9+s1], $0x30, $0x38;
	[tilespmem:$0x1DB00] =	vst v63  }
0x75: {  	s22 =	sshrl.u32 s0, $0x1F;
	p0 =	por !p5, !p6;
	s7 =	sadd.s32 s6, s7  }
0x76: {  	[tilespmem:s23], [sflag:$0x2] =	stream.linear.gather [hbm4b:s7+s1], $0x30, $0x38;
	[tilespmem:$0x1DB00] =	vst v63  }
0x77: {  	s0 =	sadd.s32 s22, s0;
	p0 =	por !p0, !p0;
	s7 =	simm.s32 $0x1  }
0x78: {  	s0 =	sshra.s32 s0, $0x1;
	s7 =	simm.s32 @!p0 $0x0  }
0x79: {  	s0 =	ssub.s32 s0, s7  }
0x7a: {  	p0 =	slt.s32 s0, $0x1  }
.Ltmp3:
0x7b: {  	_ = 	snop;
	(pc) =	sbr.rel @p0 .LBB2_17-.Ltmp3, $2  }
0x7c: {  	_ =	sdelay $0x2  }
0x7d: {  	[dreg:$0x8] =	wrdreg s0  }
.LBB2_4:
0x7e: {  	_ =	swait.ge [sflag:s24], $0x30  }
0x7f: {  	[sflag:s24] =	ssyncset.done $0x0  }
0x80: {  	[sflag:s24] =	ssyncadd.s32 $0xFFFFFFD0  }
0x81: {  	_ =	swait.ge [sflag:s24], $0x30  }
0x82: {  	[sflag:s24] =	ssyncset.done $0x0  }
0x83: {  	[sflag:s24] =	ssyncadd.s32 $0xFFFFFFD0  }
0x84: {  	[tilespmem:s25], [sflag:$0x4] =	stream.indirect.gather [hbm4b:s3+s18], $0x80, s23, s18, $0xb8;
	[tilespmem:$0x1DB00] =	vst v63  }
0x85: {  	s0 =	rddreg [dreg:$0x2]  }
0x86: {  	[tilespmem:s26], [sflag:$0x4] =	stream.indirect.gather [hbm4b:s0+s18], $0x80, s11, s18, $0xb8;
	[tilespmem:$0x1DB00] =	vst v63  }
0x87: {  	_ = 	snop  }
0x88: {  	[tilespmem:s28], [sflag:$0x4] =	stream.indirect.gather [hbm4b:s5+s18], $0x80, s11, s18, $0xb8;
	[tilespmem:$0x1DB00] =	vst v63  }
0x89: {  	_ =	swait.ge [sflag:s29], $0x1800  }
0x8a: {  	[sflag:s29] =	ssyncset.done $0x0  }
0x8b: {  	[sflag:s29] =	ssyncadd.s32 $0xFFFFE800  }
0x8c: {  	_ =	swait.ge [sflag:s29], $0x1800  }
0x8d: {  	[sflag:s29] =	ssyncset.done $0x0  }
0x8e: {  	[sflag:s29] =	ssyncadd.s32 $0xFFFFE800  }
0x8f: {  	_ =	swait.ge [sflag:s29], $0x1800  }
0x90: {  	[sflag:s29] =	ssyncset.done $0x0  }
0x91: {  	s9 =	simm.s32 $0x0;
	s10 =	simm.s32 $0x0;
	[sflag:s29] =	ssyncadd.s32 $0xFFFFE800  }
.LBB2_5:
0x92: {  	s0 =	simm.s32 $0x3  }
0x93: {  	s11 =	sshll.u32 s10, $0x4;
	s15 =	simm.s32 $0x1;
	v12 =	vmov s0  }
0x94: {  	v13 =	vmov s11;
	v14 =	vmov s15;
	v12 =	vand.u32 $0x7B, v12  }
0x95: {  	v13 =	vshll.u32 v13, $0x7;
	v14 =	vand.u32 $0x79, v14;
	v15 =	vbroadcast v12, $0x0  }
0x96: {  	s22 =	simm.s32 $0x2;
	v12 =	vor.u32 v10, v13;
	v14 =	vbroadcast v14, $0x0  }
0x97: {  	v17 =	vmov s22;
	v15 =	vor.u32 v12, v15  }
0x98: {  	s7 =	simm.s32 $0x5;
	v17 =	vand.u32 $0x7A, v17;
	v14 =	vor.u32 v12, v14  }
0x99: {  	v22 =	vmov s7;
	v17 =	vbroadcast v17, $0x0  }
0x9a: {  	s11 =	simm.s32 $0x0;
	v22 =	vand.u32 $0x7D, v22  }
0x9b: {  	v13 =	vmov s11;
	v22 =	vbroadcast v22, $0x0;
	v17 =	vor.u32 v12, v17  }
0x9c: {  	s15 =	simm.s32 $0x6;
	v13 =	vand.u32 $0x78, v13;
	v19 =	vld.idx.msk [tilespmem:v15+s20+$0x0], $0xffff  }
0x9d: {  	v16 =	vmov s15;
	v13 =	vbroadcast v13, $0x0;
	v22 =	vor.u32 v12, v22;
	v21 =	vld.idx.msk [tilespmem:v14+s19+$0x0], $0xffff  }
0x9e: {  	s2 =	simm.s32 $0x7;
	v16 =	vand.u32 $0x7E, v16;
	v14 =	vld.idx.msk [tilespmem:v14+s20+$0x0], $0xffff  }
0x9f: {  	s4 =	simm.s32 $0x4;
	v18 =	vmov s2;
	s2 =	simm.s32 $0x9;
	v16 =	vbroadcast v16, $0x0;
	v13 =	vor.u32 v12, v13;
	v15 =	vld.idx.msk [tilespmem:v15+s19+$0x0], $0xffff  }
0xa0: {  	v20 =	vmov s4;
	v18 =	vand.u32 $0x7F, v18;
	v27 =	vmov s2;
	v28 =	vld.idx.msk [tilespmem:v17+s20+$0x0], $0xffff  }
0xa1: {  	v18 =	vbroadcast v18, $0x0;
	v27 =	vand.u32 $0x79, v27;
	v16 =	vor.u32 v12, v16;
	v17 =	vld.idx.msk [tilespmem:v17+s19+$0x0], $0xffff  }
0xa2: {  	v30 =	vimm.f32 $0.0e+00;
	s4 =	simm.s32 $0xB;
	v20 =	vand.u32 $0x7C, v20;
	v27 =	vbroadcast v27, $0x0;
	v35 =	vld.idx.msk [tilespmem:v22+s19+$0x0], $0xffff  }
0xa3: {  	s7 =	simm.s32 $0xA;
	s15 =	simm.s32 $0xF;
	v26 =	vmov s4;
	v20 =	vbroadcast v20, $0x0;
	v23 =	vor.u32 v12, v18;
	v38 =	vld.idx.msk [tilespmem:v22+s20+$0x0], $0xffff  }
0xa4: {  	s22 =	simm.s32 $0x8;
	v31 =	vmov s7;
	v25 =	vmov s15;
	v36 =	vor.u32 v12, v27;
	v18 =	vld.idx.msk [tilespmem:v13+s20+$0x0], $0xffff  }
0xa5: {  	v26 =	vand.u32 $0x7B, v26;
	s11 =	simm.s32 $0xC;
	v20 =	vor.u32 v12, v20;
	v24 =	vld.idx.msk [tilespmem:v13+s19+$0x0], $0xffff;
	v13 =	vmov s22  }
0xa6: {  	v26 =	vbroadcast v26, $0x0;
	v32 =	vmov s11;
	v33 =	vld.idx.msk [tilespmem:v16+s19+$0x0], $0xffff;
	v29 =	vand.u32 $0x78, v13  }
0xa7: {  	s15 =	simm.s32 $0xE;
	v25 =	vand.u32 $0x7F, v25;
	v34 =	vld.idx.msk [tilespmem:v16+s20+$0x0], $0xffff;
	v16 =	vbroadcast v29, $0x0;
	v29 =	vand.u32 $0x7A, v31  }
0xa8: {  	v13 =	vld.idx.msk [tilespmem:v23+s20+$0x0], $0xffff;
	v31 =	vor.u32 v12, v26;
	v26 =	vmov s15;
	v19 =	vmul.f32 v19, v15  }
0xa9: {  	v27 =	vand.u32 $0x7E, v26;
	v21 =	vmul.f32 v14, v21;
	v39 =	vmul.f32 v28, v17;
	v17 =	vld.idx.msk [tilespmem:v36+s20+$0x0], $0xffff  }
0xaa: {  	s22 =	simm.s32 $0xD;
	v14 =	vand.u32 $0x7C, v32;
	v26 =	vor.u32 v12, v16;
	v37 =	vmul.f32 v18, v24;
	v18 =	vld.idx.msk [tilespmem:v20+s20+$0x0], $0xffff  }
0xab: {  	v16 =	vbroadcast v25, $0x0;
	v32 =	vbroadcast v14, $0x0;
	v24 =	vmov s22;
	v20 =	vld.idx.msk [tilespmem:v20+s19+$0x0], $0xffff  }
0xac: {  	v33 =	vmul.f32 v34, v33;
	v22 =	vand.u32 $0x7D, v24;
	v24 =	vbroadcast v27, $0x0;
	v27 =	vld.idx.msk [tilespmem:v23+s19+$0x0], $0xffff  }
0xad: {  	v28 =	vadd.f32 v21, v30;
	v23 =	vbroadcast v29, $0x0;
	v14 =	vor.u32 v12, v16;
	v16 =	vld.idx.msk [tilespmem:v36+s19+$0x0], $0xffff  }
0xae: {  	v25 =	vadd.f32 v19, v30;
	v15 =	vld.idx.msk [tilespmem:v31+s20+$0x0], $0xffff;
	v22 =	vbroadcast v22, $0x0;
	v24 =	vor.u32 v12, v24  }
0xaf: {  	v29 =	vor.u32 v12, v23;
	v23 =	vor.u32 v12, v32;
	v32 =	vadd.f32 v39, v30;
	v19 =	vld.idx.msk [tilespmem:v26+s20+$0x0], $0xffff  }
0xb0: {  	s11 =	simm.s32 $0x17;
	v30 =	vadd.f32 v37, v30;
	v21 =	vor.u32 v12, v22;
	v22 =	vld.idx.msk [tilespmem:v31+s19+$0x0], $0xffff;
	v31 =	vmul.f32 v38, v35  }
.LBB2_6:
0xb1: {  	s0 =	sadd.s32 $0xFFFFFFF9, s11  }
0xb2: {  	s2 =	sadd.s32 $0xFFFFFFFA, s11;
	s15 =	sadd.s32 $0xFFFFFFFB, s11;
	v34 =	vmov s11;
	v26 =	vld.idx.msk [tilespmem:v26+s19+$0x0], $0xffff;
	v18 =	vmul.f32 v18, v20;
	v20 =	vmul.f32 v13, v27;
	s7 =	smov.u32 s11  }
0xb3: {  	v13 =	vmov s0;
	v27 =	vmov s2;
	s2 =	sadd.s32 $0xFFFFFFFC, s7;
	s22 =	sadd.s32 $0xFFFFFFFD, s7;
	s0 =	sadd.s32 $0x8, s11;
	v35 =	vld.idx.msk [tilespmem:v24+s19+$0x0], $0xffff;
	v32 =	vadd.f32 v33, v32  }
0xb4: {  	p0 =	sne.s32 s11, $0x7F;
	v33 =	vand.u32 $0x78, v13;
	v13 =	vmov s2;
	v36 =	vld.idx.msk [tilespmem:v29+s20+$0x0], $0xffff;
	v30 =	vadd.f32 v18, v30  }
0xb5: {  	v28 =	vadd.f32 v31, v28;
	v18 =	vmov s15;
	v37 =	vand.u32 $0x7B, v13;
	v13 =	vld.idx.msk [tilespmem:v14+s20+$0x0], $0xffff  }
0xb6: {  	v27 =	vand.u32 $0x79, v27;
	s2 =	sadd.s32 $0xFFFFFFFF, s7;
	v25 =	vadd.f32 v20, v25;
	v31 =	vbroadcast v37, $0x0;
	v29 =	vld.idx.msk [tilespmem:v29+s19+$0x0], $0xffff  }
0xb7: {  	v34 =	vand.u32 $0x7F, v34;
	v20 =	vbroadcast v27, $0x0;
	v27 =	vmov s22;
	v37 =	vld.idx.msk [tilespmem:v24+s20+$0x0], $0xffff  }
0xb8: {  	v24 =	vbroadcast v33, $0x0;
	v33 =	vand.u32 $0x7A, v18;
	v31 =	vor.u32 v12, v31;
	v38 =	vld.idx.msk [tilespmem:v21+s19+$0x0], $0xffff  }
0xb9: {  	s7 =	sadd.s32 $0xFFFFFFFE, s7;
	v39 =	vor.u32 v12, v20;
	v20 =	vmov s2;
	v40 =	vmul.f32 v19, v26;
	v18 =	vld.idx.msk [tilespmem:v23+s20+$0x0], $0xffff  }
0xba: {  	v22 =	vmul.f32 v15, v22;
	v19 =	vmov s7;
	v41 =	vand.u32 $0x7E, v20;
	v20 =	vld.idx.msk [tilespmem:v23+s19+$0x0], $0xffff  }
0xbb: {  	v26 =	vor.u32 v12, v24;
	v23 =	vbroadcast v34, $0x0;
	v34 =	vmul.f32 v17, v16;
	v42 =	vld.idx.msk [tilespmem:v21+s20+$0x0], $0xffff  }
0xbc: {  	v16 =	vand.u32 $0x7C, v27;
	v17 =	vand.u32 $0x7D, v19;
	v19 =	vbroadcast v41, $0x0;
	v27 =	vld.idx.msk [tilespmem:v14+s19+$0x0], $0xffff  }
.Ltmp4:
0xbd: {  	v21 =	vbroadcast v33, $0x0;
	v33 =	vbroadcast v16, $0x0;
	v14 =	vor.u32 v12, v23;
	v15 =	vld.idx.msk [tilespmem:v31+s20+$0x0], $0xffff;
	(pc) =	sbr.rel @p0 .LBB2_6-.Ltmp4, $4  }
0xbe: {  	v41 =	vbroadcast v17, $0x0;
	v36 =	vmul.f32 v36, v29;
	v24 =	vor.u32 v12, v19;
	v16 =	vld.idx.msk [tilespmem:v39+s19+$0x0], $0xffff  }
0xbf: {  	v25 =	vadd.f32 v22, v25;
	v28 =	vadd.f32 v34, v28;
	v29 =	vor.u32 v12, v21;
	v17 =	vld.idx.msk [tilespmem:v39+s20+$0x0], $0xffff  }
0xc0: {  	v23 =	vor.u32 v12, v33;
	v21 =	vor.u32 v12, v41;
	v32 =	vadd.f32 v36, v32;
	v19 =	vld.idx.msk [tilespmem:v26+s20+$0x0], $0xffff  }
0xc1: {  	s11 =	smov.u32 s0;
	v30 =	vadd.f32 v40, v30;
	v33 =	vmul.f32 v37, v35;
	v22 =	vld.idx.msk [tilespmem:v31+s19+$0x0], $0xffff;
	v31 =	vmul.f32 v42, v38  }
0xc2: {  	_ =	sdelay $0x3  }
0xc3: {  	v12 =	vld.idx.msk [tilespmem:v26+s19+$0x0], $0xffff  }
0xc4: {  	v57 =	vld.idx.msk [tilespmem:v24+s19+$0x0], $0xffff  }
0xc5: {  	v34 =	vld.idx.msk [tilespmem:v29+s20+$0x0], $0xffff  }
0xc6: {  	v35 =	vld.idx.msk [tilespmem:v14+s20+$0x0], $0xffff  }
0xc7: {  	v58 =	vld.idx.msk [tilespmem:v29+s19+$0x0], $0xffff  }
0xc8: {  	v36 =	vld.idx.msk [tilespmem:v21+s19+$0x0], $0xffff  }
0xc9: {  	v37 =	vld.idx.msk [tilespmem:v23+s20+$0x0], $0xffff  }
0xca: {  	v60 =	vld.idx.msk [tilespmem:v23+s19+$0x0], $0xffff  }
0xcb: {  	v61 =	vld.idx.msk [tilespmem:v21+s20+$0x0], $0xffff  }
0xcc: {  	v18 =	vmul.f32 v18, v20;
	v14 =	vld.idx.msk [tilespmem:v14+s19+$0x0], $0xffff  }
0xcd: {  	v59 =	vld.idx.msk [tilespmem:v24+s20+$0x0], $0xffff;
	v13 =	vmul.f32 v13, v27;
	v62 =	vadd.f32 v33, v32  }
0xce: {  	v63 =	vadd.f32 v31, v28;
	v16 =	vmul.f32 v17, v16;
	v18 =	vadd.f32 v18, v30  }
0xcf: {  	v13 =	vadd.f32 v13, v25;
	v15 =	vmul.f32 v15, v22;
	v17 =	vmul.f32 v34, v58  }
0xd0: {  	v16 =	vadd.f32 v16, v63;
	v12 =	vmul.f32 v19, v12;
	v19 =	vmul.f32 v37, v60  }
0xd1: {  	v14 =	vmul.f32 v35, v14;
	v13 =	vadd.f32 v15, v13;
	v15 =	vmul.f32 v61, v36  }
0xd2: {  	v17 =	vadd.f32 v17, v62;
	v12 =	vadd.f32 v12, v18;
	v18 =	vmul.f32 v59, v57  }
0xd3: {  	v15 =	vadd.f32 v15, v16;
	v13 =	vadd.f32 v14, v13  }
0xd4: {  	v17 =	vadd.f32 v18, v17;
	v12 =	vadd.f32 v19, v12;
	_ =	sdelay $0x1  }
0xd5: {  	v12 =	vadd.f32 v15, v12;
	v13 =	vadd.f32 v13, v17;
	_ =	sdelay $0x1  }
0xd6: {  	v12 =	vadd.f32 v13, v12;
	_ =	sdelay $0x1  }
0xd7: {  	v12 =	vmul.f32 $8.838834610e-02, v12;
	_ =	sdelay $0x1  }
0xd8: {  	v12 =	vmul.f32 $1.442695020e+00, v12;
	_ =	sdelay $0x1  }
0xd9: {  	(erf) = vpow2.f32 v12;
	_ =	sdelay $0x4  }
0xda: {  	s0 =	sadd.s32 $0x0, s9  }
0xdb: {  	v12 =	vmov s0;
	_ =	sdelay $0x2  }
0xdc: {  	s11 =	simm.s32 $0x0;
	v13 =	vpop (erf)  }
0xdd: {  	v14 =	vshll.u32 v12, $0x7;
	[tilespmem:$0x1DA00] =	vst v13;
	v13 =	vmov s11  }
0xde: {  	v15 =	vor.u32 v0, v14;
	v12 =	vld.idx.msk [tilespmem:v12+s17+$0x0], $0xffff;
	_ =	sdelay $0x3  }
0xdf: {  	v17 =	vld.idx.msk [tilespmem:v13+s30+$0x0], $0xffff  }
0xe0: {  	v13 =	vld.idx.msk [tilespmem:v15+s21+$0x0], $0xffff;
	v12 =	vsub.s32 v12, v1  }
0xe1: {  	v15 =	vshll.u32 v12, $0x7  }
0xe2: {  	v12 =	vor.u32 v0, v15  }
0xe3: {  	v16 =	vor.u32 v3, v14;
	_ =	sdelay $0x1  }
0xe4: {  	v13 =	vmul.f32 v13, v17;
	_ =	sdelay $0x1  }
0xe5: {  	[tilespmem:v12+s12+$0x0] =	vst.idx.add.f32.msk $0xffff, v13  }
0xe6: {  	v13 =	vld.idx.msk [tilespmem:v16+s21+$0x0], $0xffff;
	_ =	sdelay $0x1  }
0xe7: {  	v16 =	vor.u32 v3, v15  }
0xe8: {  	v18 =	vor.u32 v4, v14;
	_ =	sdelay $0x1  }
0xe9: {  	v13 =	vmul.f32 v13, v17;
	_ =	sdelay $0x1  }
0xea: {  	[tilespmem:v16+s12+$0x0] =	vst.idx.add.f32.msk $0xffff, v13  }
0xeb: {  	v13 =	vld.idx.msk [tilespmem:v18+s21+$0x0], $0xffff;
	_ =	sdelay $0x1  }
0xec: {  	v16 =	vor.u32 v4, v15  }
0xed: {  	v18 =	vor.u32 v5, v14;
	_ =	sdelay $0x1  }
0xee: {  	v13 =	vmul.f32 v13, v17;
	_ =	sdelay $0x1  }
0xef: {  	[tilespmem:v16+s12+$0x0] =	vst.idx.add.f32.msk $0xffff, v13  }
0xf0: {  	v13 =	vld.idx.msk [tilespmem:v18+s21+$0x0], $0xffff;
	_ =	sdelay $0x1  }
0xf1: {  	v16 =	vor.u32 v5, v15  }
0xf2: {  	v18 =	vor.u32 v6, v14;
	_ =	sdelay $0x1  }
0xf3: {  	v13 =	vmul.f32 v13, v17;
	_ =	sdelay $0x1  }
0xf4: {  	[tilespmem:v16+s12+$0x0] =	vst.idx.add.f32.msk $0xffff, v13  }
0xf5: {  	v13 =	vld.idx.msk [tilespmem:v18+s21+$0x0], $0xffff;
	_ =	sdelay $0x1  }
0xf6: {  	v16 =	vor.u32 v6, v15  }
0xf7: {  	v18 =	vor.u32 v7, v14;
	_ =	sdelay $0x1  }
0xf8: {  	v13 =	vmul.f32 v13, v17;
	_ =	sdelay $0x1  }
0xf9: {  	[tilespmem:v16+s12+$0x0] =	vst.idx.add.f32.msk $0xffff, v13  }
0xfa: {  	v13 =	vld.idx.msk [tilespmem:v18+s21+$0x0], $0xffff;
	_ =	sdelay $0x1  }
0xfb: {  	v16 =	vor.u32 v7, v15  }
0xfc: {  	v18 =	vor.u32 v8, v14;
	_ =	sdelay $0x1  }
0xfd: {  	v13 =	vmul.f32 v13, v17;
	_ =	sdelay $0x1  }
0xfe: {  	[tilespmem:v16+s12+$0x0] =	vst.idx.add.f32.msk $0xffff, v13  }
0xff: {  	v13 =	vld.idx.msk [tilespmem:v18+s21+$0x0], $0xffff;
	_ =	sdelay $0x1  }
0x100: {  	v16 =	vor.u32 v8, v15  }
0x101: {  	v14 =	vor.u32 v9, v14;
	_ =	sdelay $0x1  }
0x102: {  	v13 =	vmul.f32 v13, v17;
	_ =	sdelay $0x1  }
0x103: {  	[tilespmem:v16+s12+$0x0] =	vst.idx.add.f32.msk $0xffff, v13  }
0x104: {  	v13 =	vld.idx.msk [tilespmem:v14+s21+$0x0], $0xffff;
	_ =	sdelay $0x1  }
0x105: {  	v18 =	vor.u32 v9, v15  }
0x106: {  	s15 =	sadd.s32 $0x1, s9  }
0x107: {  	v15 =	vmov s15  }
0x108: {  	v19 =	vmul.f32 v13, v17  }
0x109: {  	s22 =	simm.s32 $0x1;
	v13 =	vshll.u32 v15, $0x7;
	v17 =	vmul.f32 v11, v17  }
0x10a: {  	s11 =	simm.s32 $0x2;
	v14 =	vmov s22;
	v16 =	vor.u32 v0, v13;
	[tilespmem:v18+s12+$0x0] =	vst.idx.add.f32.msk $0xffff, v19  }
.LBB2_8:
0x10b: {  	v18 =	vmov s11;
	p0 =	sne.s32 s11, $0xF;
	[tilespmem:v12+s13+$0x0] =	vst.idx.add.f32.msk $0xffff, v17;
	s15 =	smov.u32 s11;
	s11 =	sadd.s32 $0x1, s11  }
0x10c: {  	v12 =	vld.idx.msk [tilespmem:v15+s17+$0x0], $0xffff;
	_ =	sdelay $0x3  }
0x10d: {  	v17 =	vld.idx.msk [tilespmem:v14+s30+$0x0], $0xffff;
	v14 =	vmov v18  }
0x10e: {  	v15 =	vld.idx.msk [tilespmem:v16+s21+$0x0], $0xffff  }
0x10f: {  	v12 =	vsub.s32 v12, v1  }
0x110: {  	v16 =	vshll.u32 v12, $0x7  }
0x111: {  	v12 =	vor.u32 v0, v16  }
0x112: {  	v18 =	vor.u32 v3, v13;
	_ =	sdelay $0x1  }
0x113: {  	v15 =	vmul.f32 v15, v17;
	_ =	sdelay $0x1  }
0x114: {  	[tilespmem:v12+s12+$0x0] =	vst.idx.add.f32.msk $0xffff, v15  }
0x115: {  	v15 =	vld.idx.msk [tilespmem:v18+s21+$0x0], $0xffff;
	_ =	sdelay $0x2  }
0x116: {  	v18 =	vor.u32 v3, v16  }
0x117: {  	v19 =	vor.u32 v4, v13;
	_ =	sdelay $0x1  }
0x118: {  	v15 =	vmul.f32 v15, v17;
	_ =	sdelay $0x1  }
0x119: {  	[tilespmem:v18+s12+$0x0] =	vst.idx.add.f32.msk $0xffff, v15  }
0x11a: {  	v15 =	vld.idx.msk [tilespmem:v19+s21+$0x0], $0xffff;
	_ =	sdelay $0x2  }
0x11b: {  	v18 =	vor.u32 v4, v16  }
0x11c: {  	v19 =	vor.u32 v5, v13;
	_ =	sdelay $0x1  }
0x11d: {  	v15 =	vmul.f32 v15, v17;
	_ =	sdelay $0x1  }
0x11e: {  	[tilespmem:v18+s12+$0x0] =	vst.idx.add.f32.msk $0xffff, v15  }
0x11f: {  	v15 =	vld.idx.msk [tilespmem:v19+s21+$0x0], $0xffff;
	_ =	sdelay $0x2  }
0x120: {  	v18 =	vor.u32 v5, v16  }
0x121: {  	v19 =	vor.u32 v6, v13;
	_ =	sdelay $0x1  }
0x122: {  	v15 =	vmul.f32 v15, v17;
	_ =	sdelay $0x1  }
0x123: {  	[tilespmem:v18+s12+$0x0] =	vst.idx.add.f32.msk $0xffff, v15  }
0x124: {  	v15 =	vld.idx.msk [tilespmem:v19+s21+$0x0], $0xffff;
	_ =	sdelay $0x2  }
0x125: {  	v18 =	vor.u32 v6, v16  }
0x126: {  	v19 =	vor.u32 v7, v13;
	_ =	sdelay $0x1  }
0x127: {  	v15 =	vmul.f32 v15, v17;
	_ =	sdelay $0x1  }
0x128: {  	[tilespmem:v18+s12+$0x0] =	vst.idx.add.f32.msk $0xffff, v15  }
0x129: {  	v15 =	vld.idx.msk [tilespmem:v19+s21+$0x0], $0xffff;
	_ =	sdelay $0x2  }
0x12a: {  	v18 =	vor.u32 v7, v16  }
0x12b: {  	v19 =	vor.u32 v8, v13;
	_ =	sdelay $0x1  }
0x12c: {  	v15 =	vmul.f32 v15, v17;
	_ =	sdelay $0x1  }
0x12d: {  	[tilespmem:v18+s12+$0x0] =	vst.idx.add.f32.msk $0xffff, v15  }
0x12e: {  	v15 =	vld.idx.msk [tilespmem:v19+s21+$0x0], $0xffff;
	_ =	sdelay $0x2  }
0x12f: {  	v18 =	vor.u32 v8, v16  }
0x130: {  	v13 =	vor.u32 v9, v13;
	_ =	sdelay $0x1  }
0x131: {  	v15 =	vmul.f32 v15, v17;
	_ =	sdelay $0x1  }
0x132: {  	[tilespmem:v18+s12+$0x0] =	vst.idx.add.f32.msk $0xffff, v15  }
0x133: {  	v18 =	vld.idx.msk [tilespmem:v13+s21+$0x0], $0xffff;
	_ =	sdelay $0x2  }
0x134: {  	v19 =	vor.u32 v9, v16  }
.Ltmp5:
0x135: {  	s0 =	sadd.s32 s15, s9;
	(pc) =	sbr.rel @p0 .LBB2_8-.Ltmp5, $4  }
0x136: {  	v15 =	vmov s0  }
0x137: {  	v13 =	vshll.u32 v15, $0x7;
	v18 =	vmul.f32 v18, v17  }
0x138: {  	v16 =	vor.u32 v0, v13;
	v17 =	vmul.f32 v11, v17  }
0x139: {  	[tilespmem:v19+s12+$0x0] =	vst.idx.add.f32.msk $0xffff, v18  }
0x13a: {  	_ =	sdelay $0x3  }
0x13b: {  	[tilespmem:v12+s13+$0x0] =	vst.idx.add.f32.msk $0xffff, v17  }
0x13c: {  	v12 =	vld.idx.msk [tilespmem:v15+s17+$0x0], $0xffff;
	_ =	sdelay $0x3  }
0x13d: {  	v14 =	vld.idx.msk [tilespmem:v14+s30+$0x0], $0xffff  }
0x13e: {  	v50 =	vld.idx.msk [tilespmem:v16+s21+$0x0], $0xffff;
	v12 =	vsub.s32 v12, v1  }
0x13f: {  	v12 =	vshll.u32 v12, $0x7  }
0x140: {  	v51 =	vor.u32 v0, v12  }
0x141: {  	v52 =	vor.u32 v3, v13;
	_ =	sdelay $0x1  }
0x142: {  	v15 =	vmul.f32 v50, v14;
	_ =	sdelay $0x1  }
0x143: {  	[tilespmem:v51+s12+$0x0] =	vst.idx.add.f32.msk $0xffff, v15  }
0x144: {  	v15 =	vld.idx.msk [tilespmem:v52+s21+$0x0], $0xffff;
	_ =	sdelay $0x1  }
0x145: {  	v53 =	vor.u32 v3, v12  }
0x146: {  	v18 =	vor.u32 v4, v13;
	_ =	sdelay $0x1  }
0x147: {  	v15 =	vmul.f32 v15, v14;
	_ =	sdelay $0x1  }
0x148: {  	[tilespmem:v53+s12+$0x0] =	vst.idx.add.f32.msk $0xffff, v15  }
0x149: {  	v15 =	vld.idx.msk [tilespmem:v18+s21+$0x0], $0xffff;
	_ =	sdelay $0x1  }
0x14a: {  	v54 =	vor.u32 v4, v12  }
0x14b: {  	v55 =	vor.u32 v5, v13;
	_ =	sdelay $0x1  }
0x14c: {  	v15 =	vmul.f32 v15, v14;
	_ =	sdelay $0x1  }
0x14d: {  	[tilespmem:v54+s12+$0x0] =	vst.idx.add.f32.msk $0xffff, v15  }
0x14e: {  	v15 =	vld.idx.msk [tilespmem:v55+s21+$0x0], $0xffff;
	_ =	sdelay $0x1  }
0x14f: {  	v56 =	vor.u32 v5, v12  }
0x150: {  	v57 =	vor.u32 v6, v13;
	_ =	sdelay $0x1  }
0x151: {  	v15 =	vmul.f32 v15, v14;
	_ =	sdelay $0x1  }
0x152: {  	[tilespmem:v56+s12+$0x0] =	vst.idx.add.f32.msk $0xffff, v15  }
0x153: {  	v15 =	vld.idx.msk [tilespmem:v57+s21+$0x0], $0xffff;
	_ =	sdelay $0x1  }
0x154: {  	v58 =	vor.u32 v6, v12  }
0x155: {  	v59 =	vor.u32 v7, v13;
	_ =	sdelay $0x1  }
0x156: {  	v15 =	vmul.f32 v15, v14;
	_ =	sdelay $0x1  }
0x157: {  	[tilespmem:v58+s12+$0x0] =	vst.idx.add.f32.msk $0xffff, v15  }
0x158: {  	v15 =	vld.idx.msk [tilespmem:v59+s21+$0x0], $0xffff;
	_ =	sdelay $0x1  }
0x159: {  	v60 =	vor.u32 v7, v12  }
0x15a: {  	v61 =	vor.u32 v8, v13;
	_ =	sdelay $0x1  }
0x15b: {  	v15 =	vmul.f32 v15, v14;
	_ =	sdelay $0x1  }
0x15c: {  	[tilespmem:v60+s12+$0x0] =	vst.idx.add.f32.msk $0xffff, v15  }
0x15d: {  	v15 =	vld.idx.msk [tilespmem:v61+s21+$0x0], $0xffff;
	_ =	sdelay $0x1  }
0x15e: {  	v62 =	vor.u32 v8, v12  }
0x15f: {  	v63 =	vor.u32 v9, v13;
	_ =	sdelay $0x1  }
0x160: {  	v15 =	vmul.f32 v15, v14;
	_ =	sdelay $0x1  }
0x161: {  	[tilespmem:v62+s12+$0x0] =	vst.idx.add.f32.msk $0xffff, v15  }
0x162: {  	v13 =	vld.idx.msk [tilespmem:v63+s21+$0x0], $0xffff;
	_ =	sdelay $0x1  }
0x163: {  	s10 =	sadd.s32 $0x1, s10;
	v12 =	vor.u32 v9, v12  }
0x164: {  	p0 =	sne.s32 s10, $0x3  }
.Ltmp6:
0x165: {  	_ = 	snop;
	(pc) =	sbr.rel @p0 .LBB2_5-.Ltmp6, $4  }
0x166: {  	v13 =	vmul.f32 v13, v14  }
0x167: {  	v14 =	vmul.f32 v11, v14  }
0x168: {  	[tilespmem:v12+s12+$0x0] =	vst.idx.add.f32.msk $0xffff, v13  }
0x169: {  	s9 =	sadd.s32 $0x10, s9;
	[tilespmem:v51+s13+$0x0] =	vst.idx.add.f32.msk $0xffff, v14  }
0x16a: {  	s9 =	sshll.u32 s1, $0x1  }
0x16b: {  	s0 =	sadd.s32 $0x2, s9  }
0x16c: {  	s2 =	smov.u32 s14;
	p0 =	slt.s32 s0, s14  }
0x16d: {  	s2 =	smov.u32 @p0 s0  }
0x16e: {  	s0 =	smul.u32 $0x30, s2;
	_ =	sdelay $0x1  }
0x16f: {  	s0 =	sadd.s32 s8, s0  }
0x170: {  	s15 =	sshrl.u32 s0, $0x3;
	s0 =	sadd.s32 $0x30C0, s0  }
0x171: {  	s10 =	simm.s32 $0x0;
	s2 =	sadd.s32 s6, s15;
	s0 =	sshrl.u32 s0, $0x3  }
0x172: {  	[tilespmem:s10], [sflag:$0x1] =	stream.linear.gather [hbm4b:s2+s10], $0x30, $0x38;
	[tilespmem:$0x1DB00] =	vst v63  }
0x173: {  	s0 =	sadd.s32 s6, s0  }
0x174: {  	[tilespmem:s17], [sflag:$0x1] =	stream.linear.gather [hbm4b:s0+s10], $0x30, $0x38;
	[tilespmem:$0x1DB00] =	vst v63  }
0x175: {  	_ =	swait.ge [sflag:s16], $0x30  }
0x176: {  	[sflag:s16] =	ssyncset.done $0x0  }
0x177: {  	[sflag:s16] =	ssyncadd.s32 $0xFFFFFFD0  }
0x178: {  	_ =	swait.ge [sflag:s16], $0x30  }
0x179: {  	[sflag:s16] =	ssyncset.done $0x0  }
0x17a: {  	[sflag:s16] =	ssyncadd.s32 $0xFFFFFFD0  }
0x17b: {  	[tilespmem:s19], [sflag:$0x3] =	stream.indirect.gather [hbm4b:s3+s18], $0x80, s17, s18, $0xb8;
	[tilespmem:$0x1DB00] =	vst v63  }
0x17c: {  	s22 =	rddreg [dreg:$0x2]  }
0x17d: {  	[tilespmem:s20], [sflag:$0x3] =	stream.indirect.gather [hbm4b:s22+s18], $0x80, s10, s18, $0xb8;
	[tilespmem:$0x1DB00] =	vst v63  }
0x17e: {  	_ = 	snop  }
0x17f: {  	[tilespmem:s21], [sflag:$0x3] =	stream.indirect.gather [hbm4b:s5+s18], $0x80, s10, s18, $0xb8;
	[tilespmem:$0x1DB00] =	vst v63  }
0x180: {  	_ =	swait.ge [sflag:s31], $0x1800  }
0x181: {  	[sflag:s31] =	ssyncset.done $0x0  }
0x182: {  	[sflag:s31] =	ssyncadd.s32 $0xFFFFE800  }
0x183: {  	_ =	swait.ge [sflag:s31], $0x1800  }
0x184: {  	[sflag:s31] =	ssyncset.done $0x0  }
0x185: {  	[sflag:s31] =	ssyncadd.s32 $0xFFFFE800  }
0x186: {  	_ =	swait.ge [sflag:s31], $0x1800  }
0x187: {  	[sflag:s31] =	ssyncset.done $0x0  }
0x188: {  	s4 =	smov.u32 s3;
	s11 =	simm.s32 $0x0;
	[sflag:s31] =	ssyncadd.s32 $0xFFFFE800  }
.LBB2_11:
0x189: {  	s0 =	simm.s32 $0x3  }
0x18a: {  	s2 =	sshll.u32 s11, $0x4;
	s7 =	simm.s32 $0x1;
	v12 =	vmov s0  }
0x18b: {  	v13 =	vmov s2;
	v14 =	vmov s7;
	v12 =	vand.u32 $0x7B, v12  }
0x18c: {  	v13 =	vshll.u32 v13, $0x7;
	v14 =	vand.u32 $0x79, v14;
	v15 =	vbroadcast v12, $0x0  }
0x18d: {  	s3 =	simm.s32 $0x2;
	v12 =	vor.u32 v10, v13;
	v14 =	vbroadcast v14, $0x0  }
0x18e: {  	v17 =	vmov s3;
	v15 =	vor.u32 v12, v15  }
0x18f: {  	s2 =	simm.s32 $0x6;
	v17 =	vand.u32 $0x7A, v17;
	v14 =	vor.u32 v12, v14  }
0x190: {  	v16 =	vmov s2;
	v17 =	vbroadcast v17, $0x0  }
0x191: {  	s22 =	simm.s32 $0x0;
	v16 =	vand.u32 $0x7E, v16  }
0x192: {  	v13 =	vmov s22;
	v16 =	vbroadcast v16, $0x0;
	v17 =	vor.u32 v12, v17  }
0x193: {  	s7 =	simm.s32 $0x7;
	v13 =	vand.u32 $0x78, v13;
	v19 =	vld.idx.msk [tilespmem:v15+s26+$0x0], $0xffff  }
0x194: {  	s15 =	simm.s32 $0x4;
	v18 =	vmov s7;
	s22 =	simm.s32 $0x5;
	v13 =	vbroadcast v13, $0x0;
	v16 =	vor.u32 v12, v16;
	v21 =	vld.idx.msk [tilespmem:v14+s25+$0x0], $0xffff  }
0x195: {  	v20 =	vmov s15;
	v18 =	vand.u32 $0x7F, v18;
	v22 =	vmov s22;
	v14 =	vld.idx.msk [tilespmem:v14+s26+$0x0], $0xffff  }
0x196: {  	s15 =	simm.s32 $0x9;
	v18 =	vbroadcast v18, $0x0;
	v22 =	vand.u32 $0x7D, v22;
	v13 =	vor.u32 v12, v13;
	v15 =	vld.idx.msk [tilespmem:v15+s25+$0x0], $0xffff  }
0x197: {  	v27 =	vmov s15;
	v22 =	vbroadcast v22, $0x0;
	v28 =	vld.idx.msk [tilespmem:v17+s26+$0x0], $0xffff  }
0x198: {  	v27 =	vand.u32 $0x79, v27;
	v23 =	vor.u32 v12, v18;
	v17 =	vld.idx.msk [tilespmem:v17+s25+$0x0], $0xffff  }
0x199: {  	s3 =	simm.s32 $0xF;
	v20 =	vand.u32 $0x7C, v20;
	v27 =	vbroadcast v27, $0x0;
	v22 =	vor.u32 v12, v22;
	v33 =	vld.idx.msk [tilespmem:v16+s25+$0x0], $0xffff  }
0x19a: {  	v30 =	vimm.f32 $0.0e+00;
	v25 =	vmov s3;
	s3 =	simm.s32 $0xA;
	v20 =	vbroadcast v20, $0x0;
	s22 =	simm.s32 $0xB;
	v34 =	vld.idx.msk [tilespmem:v16+s26+$0x0], $0xffff  }
0x19b: {  	s7 =	simm.s32 $0x8;
	v31 =	vmov s3;
	v26 =	vmov s22;
	v36 =	vor.u32 v12, v27;
	v18 =	vld.idx.msk [tilespmem:v13+s26+$0x0], $0xffff  }
0x19c: {  	v20 =	vor.u32 v12, v20;
	v26 =	vand.u32 $0x7B, v26;
	v24 =	vld.idx.msk [tilespmem:v13+s25+$0x0], $0xffff;
	v13 =	vmov s7  }
0x19d: {  	v25 =	vand.u32 $0x7F, v25;
	v26 =	vbroadcast v26, $0x0;
	s7 =	simm.s32 $0xC;
	v29 =	vand.u32 $0x78, v13;
	v13 =	vld.idx.msk [tilespmem:v23+s26+$0x0], $0xffff  }
0x19e: {  	s15 =	simm.s32 $0xE;
	v32 =	vmov s7;
	v35 =	vld.idx.msk [tilespmem:v22+s25+$0x0], $0xffff;
	v16 =	vbroadcast v29, $0x0;
	v29 =	vand.u32 $0x7A, v31  }
0x19f: {  	v38 =	vld.idx.msk [tilespmem:v22+s26+$0x0], $0xffff;
	v31 =	vor.u32 v12, v26;
	v26 =	vmov s15;
	v19 =	vmul.f32 v19, v15  }
0x1a0: {  	v27 =	vand.u32 $0x7E, v26;
	v21 =	vmul.f32 v14, v21;
	v39 =	vmul.f32 v28, v17;
	v17 =	vld.idx.msk [tilespmem:v36+s26+$0x0], $0xffff  }
0x1a1: {  	s22 =	simm.s32 $0xD;
	v14 =	vand.u32 $0x7C, v32;
	v26 =	vor.u32 v12, v16;
	v37 =	vmul.f32 v18, v24;
	v18 =	vld.idx.msk [tilespmem:v20+s26+$0x0], $0xffff  }
0x1a2: {  	v16 =	vbroadcast v25, $0x0;
	v32 =	vbroadcast v14, $0x0;
	v24 =	vmov s22;
	v20 =	vld.idx.msk [tilespmem:v20+s25+$0x0], $0xffff  }
0x1a3: {  	v33 =	vmul.f32 v34, v33;
	v22 =	vand.u32 $0x7D, v24;
	v24 =	vbroadcast v27, $0x0;
	v27 =	vld.idx.msk [tilespmem:v23+s25+$0x0], $0xffff  }
0x1a4: {  	v28 =	vadd.f32 v21, v30;
	v23 =	vbroadcast v29, $0x0;
	v14 =	vor.u32 v12, v16;
	v16 =	vld.idx.msk [tilespmem:v36+s25+$0x0], $0xffff  }
0x1a5: {  	v25 =	vadd.f32 v19, v30;
	v15 =	vld.idx.msk [tilespmem:v31+s26+$0x0], $0xffff;
	v22 =	vbroadcast v22, $0x0;
	v24 =	vor.u32 v12, v24  }
0x1a6: {  	v29 =	vor.u32 v12, v23;
	v23 =	vor.u32 v12, v32;
	v32 =	vadd.f32 v39, v30;
	v19 =	vld.idx.msk [tilespmem:v26+s26+$0x0], $0xffff  }
0x1a7: {  	s15 =	simm.s32 $0x17;
	v30 =	vadd.f32 v37, v30;
	v21 =	vor.u32 v12, v22;
	v22 =	vld.idx.msk [tilespmem:v31+s25+$0x0], $0xffff;
	v31 =	vmul.f32 v38, v35  }
.LBB2_12:
0x1a8: {  	s0 =	sadd.s32 $0xFFFFFFF9, s15  }
0x1a9: {  	s2 =	sadd.s32 $0xFFFFFFFA, s15;
	s7 =	sadd.s32 $0xFFFFFFFB, s15;
	v34 =	vmov s15;
	v26 =	vld.idx.msk [tilespmem:v26+s25+$0x0], $0xffff;
	v18 =	vmul.f32 v18, v20;
	v20 =	vmul.f32 v13, v27;
	s22 =	smov.u32 s15  }
0x1aa: {  	v13 =	vmov s0;
	v27 =	vmov s2;
	s2 =	sadd.s32 $0xFFFFFFFC, s22;
	s3 =	sadd.s32 $0xFFFFFFFD, s22;
	s0 =	sadd.s32 $0x8, s15;
	v35 =	vld.idx.msk [tilespmem:v24+s25+$0x0], $0xffff;
	v32 =	vadd.f32 v33, v32  }
0x1ab: {  	p0 =	sne.s32 s15, $0x7F;
	v33 =	vand.u32 $0x78, v13;
	v13 =	vmov s2;
	v36 =	vld.idx.msk [tilespmem:v29+s26+$0x0], $0xffff;
	v30 =	vadd.f32 v18, v30  }
0x1ac: {  	v28 =	vadd.f32 v31, v28;
	v18 =	vmov s7;
	v37 =	vand.u32 $0x7B, v13;
	v13 =	vld.idx.msk [tilespmem:v14+s26+$0x0], $0xffff  }
0x1ad: {  	v27 =	vand.u32 $0x79, v27;
	s2 =	sadd.s32 $0xFFFFFFFF, s22;
	v25 =	vadd.f32 v20, v25;
	v31 =	vbroadcast v37, $0x0;
	v29 =	vld.idx.msk [tilespmem:v29+s25+$0x0], $0xffff  }
0x1ae: {  	v34 =	vand.u32 $0x7F, v34;
	v20 =	vbroadcast v27, $0x0;
	v27 =	vmov s3;
	v37 =	vld.idx.msk [tilespmem:v24+s26+$0x0], $0xffff  }
0x1af: {  	v24 =	vbroadcast v33, $0x0;
	v33 =	vand.u32 $0x7A, v18;
	v31 =	vor.u32 v12, v31;
	v38 =	vld.idx.msk [tilespmem:v21+s25+$0x0], $0xffff  }
0x1b0: {  	s3 =	sadd.s32 $0xFFFFFFFE, s22;
	v39 =	vor.u32 v12, v20;
	v20 =	vmov s2;
	v40 =	vmul.f32 v19, v26;
	v18 =	vld.idx.msk [tilespmem:v23+s26+$0x0], $0xffff  }
0x1b1: {  	v22 =	vmul.f32 v15, v22;
	v19 =	vmov s3;
	v41 =	vand.u32 $0x7E, v20;
	v20 =	vld.idx.msk [tilespmem:v23+s25+$0x0], $0xffff  }
0x1b2: {  	v26 =	vor.u32 v12, v24;
	v23 =	vbroadcast v34, $0x0;
	v34 =	vmul.f32 v17, v16;
	v42 =	vld.idx.msk [tilespmem:v21+s26+$0x0], $0xffff  }
0x1b3: {  	v16 =	vand.u32 $0x7C, v27;
	v17 =	vand.u32 $0x7D, v19;
	v19 =	vbroadcast v41, $0x0;
	v27 =	vld.idx.msk [tilespmem:v14+s25+$0x0], $0xffff  }
.Ltmp7:
0x1b4: {  	v21 =	vbroadcast v33, $0x0;
	v33 =	vbroadcast v16, $0x0;
	v14 =	vor.u32 v12, v23;
	v15 =	vld.idx.msk [tilespmem:v31+s26+$0x0], $0xffff;
	(pc) =	sbr.rel @p0 .LBB2_12-.Ltmp7, $4  }
0x1b5: {  	v41 =	vbroadcast v17, $0x0;
	v36 =	vmul.f32 v36, v29;
	v24 =	vor.u32 v12, v19;
	v16 =	vld.idx.msk [tilespmem:v39+s25+$0x0], $0xffff  }
0x1b6: {  	v25 =	vadd.f32 v22, v25;
	v28 =	vadd.f32 v34, v28;
	v29 =	vor.u32 v12, v21;
	v17 =	vld.idx.msk [tilespmem:v39+s26+$0x0], $0xffff  }
0x1b7: {  	v23 =	vor.u32 v12, v33;
	v21 =	vor.u32 v12, v41;
	v32 =	vadd.f32 v36, v32;
	v19 =	vld.idx.msk [tilespmem:v26+s26+$0x0], $0xffff  }
0x1b8: {  	s15 =	smov.u32 s0;
	v30 =	vadd.f32 v40, v30;
	v33 =	vmul.f32 v37, v35;
	v22 =	vld.idx.msk [tilespmem:v31+s25+$0x0], $0xffff;
	v31 =	vmul.f32 v42, v38  }
0x1b9: {  	_ =	sdelay $0x3  }
0x1ba: {  	v12 =	vld.idx.msk [tilespmem:v26+s25+$0x0], $0xffff  }
0x1bb: {  	v57 =	vld.idx.msk [tilespmem:v24+s25+$0x0], $0xffff  }
0x1bc: {  	v34 =	vld.idx.msk [tilespmem:v29+s26+$0x0], $0xffff  }
0x1bd: {  	v35 =	vld.idx.msk [tilespmem:v14+s26+$0x0], $0xffff  }
0x1be: {  	v58 =	vld.idx.msk [tilespmem:v29+s25+$0x0], $0xffff  }
0x1bf: {  	v36 =	vld.idx.msk [tilespmem:v21+s25+$0x0], $0xffff  }
0x1c0: {  	v37 =	vld.idx.msk [tilespmem:v23+s26+$0x0], $0xffff  }
0x1c1: {  	v60 =	vld.idx.msk [tilespmem:v23+s25+$0x0], $0xffff  }
0x1c2: {  	v61 =	vld.idx.msk [tilespmem:v21+s26+$0x0], $0xffff  }
0x1c3: {  	v18 =	vmul.f32 v18, v20;
	v14 =	vld.idx.msk [tilespmem:v14+s25+$0x0], $0xffff  }
0x1c4: {  	v59 =	vld.idx.msk [tilespmem:v24+s26+$0x0], $0xffff;
	v13 =	vmul.f32 v13, v27;
	v62 =	vadd.f32 v33, v32  }
0x1c5: {  	v63 =	vadd.f32 v31, v28;
	v16 =	vmul.f32 v17, v16;
	v18 =	vadd.f32 v18, v30  }
0x1c6: {  	v13 =	vadd.f32 v13, v25;
	v15 =	vmul.f32 v15, v22;
	v17 =	vmul.f32 v34, v58  }
0x1c7: {  	v16 =	vadd.f32 v16, v63;
	v12 =	vmul.f32 v19, v12;
	v19 =	vmul.f32 v37, v60  }
0x1c8: {  	v14 =	vmul.f32 v35, v14;
	v13 =	vadd.f32 v15, v13;
	v15 =	vmul.f32 v61, v36  }
0x1c9: {  	v17 =	vadd.f32 v17, v62;
	v12 =	vadd.f32 v12, v18;
	v18 =	vmul.f32 v59, v57  }
0x1ca: {  	v15 =	vadd.f32 v15, v16;
	v13 =	vadd.f32 v14, v13  }
0x1cb: {  	v17 =	vadd.f32 v18, v17;
	v12 =	vadd.f32 v19, v12;
	_ =	sdelay $0x1  }
0x1cc: {  	v12 =	vadd.f32 v15, v12;
	v13 =	vadd.f32 v13, v17;
	_ =	sdelay $0x1  }
0x1cd: {  	v12 =	vadd.f32 v13, v12;
	_ =	sdelay $0x1  }
0x1ce: {  	v12 =	vmul.f32 $8.838834610e-02, v12;
	_ =	sdelay $0x1  }
0x1cf: {  	v12 =	vmul.f32 $1.442695020e+00, v12;
	_ =	sdelay $0x1  }
0x1d0: {  	(erf) = vpow2.f32 v12;
	_ =	sdelay $0x4  }
0x1d1: {  	s0 =	sadd.s32 $0x0, s10  }
0x1d2: {  	v12 =	vmov s0;
	_ =	sdelay $0x2  }
0x1d3: {  	s7 =	simm.s32 $0x0;
	v13 =	vpop (erf)  }
0x1d4: {  	v14 =	vshll.u32 v12, $0x7;
	[tilespmem:$0x1DA00] =	vst v13;
	v13 =	vmov s7  }
0x1d5: {  	v15 =	vor.u32 v0, v14;
	v12 =	vld.idx.msk [tilespmem:v12+s23+$0x0], $0xffff;
	_ =	sdelay $0x3  }
0x1d6: {  	v17 =	vld.idx.msk [tilespmem:v13+s30+$0x0], $0xffff  }
0x1d7: {  	v13 =	vld.idx.msk [tilespmem:v15+s28+$0x0], $0xffff;
	v12 =	vsub.s32 v12, v1  }
0x1d8: {  	v15 =	vshll.u32 v12, $0x7  }
0x1d9: {  	v12 =	vor.u32 v0, v15  }
0x1da: {  	v16 =	vor.u32 v3, v14;
	_ =	sdelay $0x1  }
0x1db: {  	v13 =	vmul.f32 v13, v17;
	_ =	sdelay $0x1  }
0x1dc: {  	[tilespmem:v12+s12+$0x0] =	vst.idx.add.f32.msk $0xffff, v13  }
0x1dd: {  	v13 =	vld.idx.msk [tilespmem:v16+s28+$0x0], $0xffff;
	_ =	sdelay $0x1  }
0x1de: {  	v16 =	vor.u32 v3, v15  }
0x1df: {  	v18 =	vor.u32 v4, v14;
	_ =	sdelay $0x1  }
0x1e0: {  	v13 =	vmul.f32 v13, v17;
	_ =	sdelay $0x1  }
0x1e1: {  	[tilespmem:v16+s12+$0x0] =	vst.idx.add.f32.msk $0xffff, v13  }
0x1e2: {  	v13 =	vld.idx.msk [tilespmem:v18+s28+$0x0], $0xffff;
	_ =	sdelay $0x1  }
0x1e3: {  	v16 =	vor.u32 v4, v15  }
0x1e4: {  	v18 =	vor.u32 v5, v14;
	_ =	sdelay $0x1  }
0x1e5: {  	v13 =	vmul.f32 v13, v17;
	_ =	sdelay $0x1  }
0x1e6: {  	[tilespmem:v16+s12+$0x0] =	vst.idx.add.f32.msk $0xffff, v13  }
0x1e7: {  	v13 =	vld.idx.msk [tilespmem:v18+s28+$0x0], $0xffff;
	_ =	sdelay $0x1  }
0x1e8: {  	v16 =	vor.u32 v5, v15  }
0x1e9: {  	v18 =	vor.u32 v6, v14;
	_ =	sdelay $0x1  }
0x1ea: {  	v13 =	vmul.f32 v13, v17;
	_ =	sdelay $0x1  }
0x1eb: {  	[tilespmem:v16+s12+$0x0] =	vst.idx.add.f32.msk $0xffff, v13  }
0x1ec: {  	v13 =	vld.idx.msk [tilespmem:v18+s28+$0x0], $0xffff;
	_ =	sdelay $0x1  }
0x1ed: {  	v16 =	vor.u32 v6, v15  }
0x1ee: {  	v18 =	vor.u32 v7, v14;
	_ =	sdelay $0x1  }
0x1ef: {  	v13 =	vmul.f32 v13, v17;
	_ =	sdelay $0x1  }
0x1f0: {  	[tilespmem:v16+s12+$0x0] =	vst.idx.add.f32.msk $0xffff, v13  }
0x1f1: {  	v13 =	vld.idx.msk [tilespmem:v18+s28+$0x0], $0xffff;
	_ =	sdelay $0x1  }
0x1f2: {  	v16 =	vor.u32 v7, v15  }
0x1f3: {  	v18 =	vor.u32 v8, v14;
	_ =	sdelay $0x1  }
0x1f4: {  	v13 =	vmul.f32 v13, v17;
	_ =	sdelay $0x1  }
0x1f5: {  	[tilespmem:v16+s12+$0x0] =	vst.idx.add.f32.msk $0xffff, v13  }
0x1f6: {  	v13 =	vld.idx.msk [tilespmem:v18+s28+$0x0], $0xffff;
	_ =	sdelay $0x1  }
0x1f7: {  	v16 =	vor.u32 v8, v15  }
0x1f8: {  	v14 =	vor.u32 v9, v14;
	_ =	sdelay $0x1  }
0x1f9: {  	v13 =	vmul.f32 v13, v17;
	_ =	sdelay $0x1  }
0x1fa: {  	[tilespmem:v16+s12+$0x0] =	vst.idx.add.f32.msk $0xffff, v13  }
0x1fb: {  	v13 =	vld.idx.msk [tilespmem:v14+s28+$0x0], $0xffff;
	_ =	sdelay $0x1  }
0x1fc: {  	v18 =	vor.u32 v9, v15  }
0x1fd: {  	s15 =	sadd.s32 $0x1, s10  }
0x1fe: {  	v15 =	vmov s15  }
0x1ff: {  	v19 =	vmul.f32 v13, v17  }
0x200: {  	s22 =	simm.s32 $0x1;
	v13 =	vshll.u32 v15, $0x7;
	v17 =	vmul.f32 v11, v17  }
0x201: {  	s15 =	simm.s32 $0x2;
	v14 =	vmov s22;
	v16 =	vor.u32 v0, v13;
	[tilespmem:v18+s12+$0x0] =	vst.idx.add.f32.msk $0xffff, v19  }
.LBB2_14:
0x202: {  	v18 =	vmov s15;
	p0 =	sne.s32 s15, $0xF;
	[tilespmem:v12+s13+$0x0] =	vst.idx.add.f32.msk $0xffff, v17;
	s0 =	smov.u32 s15;
	s15 =	sadd.s32 $0x1, s15  }
0x203: {  	v12 =	vld.idx.msk [tilespmem:v15+s23+$0x0], $0xffff;
	_ =	sdelay $0x3  }
0x204: {  	v17 =	vld.idx.msk [tilespmem:v14+s30+$0x0], $0xffff;
	v14 =	vmov v18  }
0x205: {  	v15 =	vld.idx.msk [tilespmem:v16+s28+$0x0], $0xffff  }
0x206: {  	v12 =	vsub.s32 v12, v1  }
0x207: {  	v16 =	vshll.u32 v12, $0x7  }
0x208: {  	v12 =	vor.u32 v0, v16  }
0x209: {  	v18 =	vor.u32 v3, v13;
	_ =	sdelay $0x1  }
0x20a: {  	v15 =	vmul.f32 v15, v17;
	_ =	sdelay $0x1  }
0x20b: {  	[tilespmem:v12+s12+$0x0] =	vst.idx.add.f32.msk $0xffff, v15  }
0x20c: {  	v15 =	vld.idx.msk [tilespmem:v18+s28+$0x0], $0xffff;
	_ =	sdelay $0x2  }
0x20d: {  	v18 =	vor.u32 v3, v16  }
0x20e: {  	v19 =	vor.u32 v4, v13;
	_ =	sdelay $0x1  }
0x20f: {  	v15 =	vmul.f32 v15, v17;
	_ =	sdelay $0x1  }
0x210: {  	[tilespmem:v18+s12+$0x0] =	vst.idx.add.f32.msk $0xffff, v15  }
0x211: {  	v15 =	vld.idx.msk [tilespmem:v19+s28+$0x0], $0xffff;
	_ =	sdelay $0x2  }
0x212: {  	v18 =	vor.u32 v4, v16  }
0x213: {  	v19 =	vor.u32 v5, v13;
	_ =	sdelay $0x1  }
0x214: {  	v15 =	vmul.f32 v15, v17;
	_ =	sdelay $0x1  }
0x215: {  	[tilespmem:v18+s12+$0x0] =	vst.idx.add.f32.msk $0xffff, v15  }
0x216: {  	v15 =	vld.idx.msk [tilespmem:v19+s28+$0x0], $0xffff;
	_ =	sdelay $0x2  }
0x217: {  	v18 =	vor.u32 v5, v16  }
0x218: {  	v19 =	vor.u32 v6, v13;
	_ =	sdelay $0x1  }
0x219: {  	v15 =	vmul.f32 v15, v17;
	_ =	sdelay $0x1  }
0x21a: {  	[tilespmem:v18+s12+$0x0] =	vst.idx.add.f32.msk $0xffff, v15  }
0x21b: {  	v15 =	vld.idx.msk [tilespmem:v19+s28+$0x0], $0xffff;
	_ =	sdelay $0x2  }
0x21c: {  	v18 =	vor.u32 v6, v16  }
0x21d: {  	v19 =	vor.u32 v7, v13;
	_ =	sdelay $0x1  }
0x21e: {  	v15 =	vmul.f32 v15, v17;
	_ =	sdelay $0x1  }
0x21f: {  	[tilespmem:v18+s12+$0x0] =	vst.idx.add.f32.msk $0xffff, v15  }
0x220: {  	v15 =	vld.idx.msk [tilespmem:v19+s28+$0x0], $0xffff;
	_ =	sdelay $0x2  }
0x221: {  	v18 =	vor.u32 v7, v16  }
0x222: {  	v19 =	vor.u32 v8, v13;
	_ =	sdelay $0x1  }
0x223: {  	v15 =	vmul.f32 v15, v17;
	_ =	sdelay $0x1  }
0x224: {  	[tilespmem:v18+s12+$0x0] =	vst.idx.add.f32.msk $0xffff, v15  }
0x225: {  	v15 =	vld.idx.msk [tilespmem:v19+s28+$0x0], $0xffff;
	_ =	sdelay $0x2  }
0x226: {  	v18 =	vor.u32 v8, v16  }
0x227: {  	v13 =	vor.u32 v9, v13;
	_ =	sdelay $0x1  }
0x228: {  	v15 =	vmul.f32 v15, v17;
	_ =	sdelay $0x1  }
0x229: {  	[tilespmem:v18+s12+$0x0] =	vst.idx.add.f32.msk $0xffff, v15  }
0x22a: {  	v18 =	vld.idx.msk [tilespmem:v13+s28+$0x0], $0xffff;
	_ =	sdelay $0x2  }
0x22b: {  	v19 =	vor.u32 v9, v16  }
.Ltmp8:
0x22c: {  	s0 =	sadd.s32 s0, s10;
	(pc) =	sbr.rel @p0 .LBB2_14-.Ltmp8, $4  }
0x22d: {  	v15 =	vmov s0  }
0x22e: {  	v13 =	vshll.u32 v15, $0x7;
	v18 =	vmul.f32 v18, v17  }
0x22f: {  	v16 =	vor.u32 v0, v13;
	v17 =	vmul.f32 v11, v17  }
0x230: {  	[tilespmem:v19+s12+$0x0] =	vst.idx.add.f32.msk $0xffff, v18  }
0x231: {  	_ =	sdelay $0x3  }
0x232: {  	[tilespmem:v12+s13+$0x0] =	vst.idx.add.f32.msk $0xffff, v17  }
0x233: {  	v12 =	vld.idx.msk [tilespmem:v15+s23+$0x0], $0xffff;
	_ =	sdelay $0x3  }
0x234: {  	v14 =	vld.idx.msk [tilespmem:v14+s30+$0x0], $0xffff  }
0x235: {  	v50 =	vld.idx.msk [tilespmem:v16+s28+$0x0], $0xffff;
	v12 =	vsub.s32 v12, v1  }
0x236: {  	v12 =	vshll.u32 v12, $0x7  }
0x237: {  	v51 =	vor.u32 v0, v12  }
0x238: {  	v52 =	vor.u32 v3, v13;
	_ =	sdelay $0x1  }
0x239: {  	v15 =	vmul.f32 v50, v14;
	_ =	sdelay $0x1  }
0x23a: {  	[tilespmem:v51+s12+$0x0] =	vst.idx.add.f32.msk $0xffff, v15  }
0x23b: {  	v15 =	vld.idx.msk [tilespmem:v52+s28+$0x0], $0xffff;
	_ =	sdelay $0x1  }
0x23c: {  	v53 =	vor.u32 v3, v12  }
0x23d: {  	v18 =	vor.u32 v4, v13;
	_ =	sdelay $0x1  }
0x23e: {  	v15 =	vmul.f32 v15, v14;
	_ =	sdelay $0x1  }
0x23f: {  	[tilespmem:v53+s12+$0x0] =	vst.idx.add.f32.msk $0xffff, v15  }
0x240: {  	v15 =	vld.idx.msk [tilespmem:v18+s28+$0x0], $0xffff;
	_ =	sdelay $0x1  }
0x241: {  	v54 =	vor.u32 v4, v12  }
0x242: {  	v55 =	vor.u32 v5, v13;
	_ =	sdelay $0x1  }
0x243: {  	v15 =	vmul.f32 v15, v14;
	_ =	sdelay $0x1  }
0x244: {  	[tilespmem:v54+s12+$0x0] =	vst.idx.add.f32.msk $0xffff, v15  }
0x245: {  	v15 =	vld.idx.msk [tilespmem:v55+s28+$0x0], $0xffff;
	_ =	sdelay $0x1  }
0x246: {  	v56 =	vor.u32 v5, v12  }
0x247: {  	v57 =	vor.u32 v6, v13;
	_ =	sdelay $0x1  }
0x248: {  	v15 =	vmul.f32 v15, v14;
	_ =	sdelay $0x1  }
0x249: {  	[tilespmem:v56+s12+$0x0] =	vst.idx.add.f32.msk $0xffff, v15  }
0x24a: {  	v15 =	vld.idx.msk [tilespmem:v57+s28+$0x0], $0xffff;
	_ =	sdelay $0x1  }
0x24b: {  	v58 =	vor.u32 v6, v12  }
0x24c: {  	v59 =	vor.u32 v7, v13;
	_ =	sdelay $0x1  }
0x24d: {  	v15 =	vmul.f32 v15, v14;
	_ =	sdelay $0x1  }
0x24e: {  	[tilespmem:v58+s12+$0x0] =	vst.idx.add.f32.msk $0xffff, v15  }
0x24f: {  	v15 =	vld.idx.msk [tilespmem:v59+s28+$0x0], $0xffff;
	_ =	sdelay $0x1  }
0x250: {  	v60 =	vor.u32 v7, v12  }
0x251: {  	v61 =	vor.u32 v8, v13;
	_ =	sdelay $0x1  }
0x252: {  	v15 =	vmul.f32 v15, v14;
	_ =	sdelay $0x1  }
0x253: {  	[tilespmem:v60+s12+$0x0] =	vst.idx.add.f32.msk $0xffff, v15  }
0x254: {  	v15 =	vld.idx.msk [tilespmem:v61+s28+$0x0], $0xffff;
	_ =	sdelay $0x1  }
0x255: {  	v62 =	vor.u32 v8, v12  }
0x256: {  	v63 =	vor.u32 v9, v13;
	_ =	sdelay $0x1  }
0x257: {  	v15 =	vmul.f32 v15, v14;
	_ =	sdelay $0x1  }
0x258: {  	[tilespmem:v62+s12+$0x0] =	vst.idx.add.f32.msk $0xffff, v15  }
0x259: {  	v13 =	vld.idx.msk [tilespmem:v63+s28+$0x0], $0xffff;
	_ =	sdelay $0x1  }
0x25a: {  	s11 =	sadd.s32 $0x1, s11;
	v12 =	vor.u32 v9, v12  }
0x25b: {  	p0 =	sne.s32 s11, $0x3  }
.Ltmp9:
0x25c: {  	_ = 	snop;
	(pc) =	sbr.rel @p0 .LBB2_11-.Ltmp9, $4  }
0x25d: {  	v13 =	vmul.f32 v13, v14  }
0x25e: {  	v14 =	vmul.f32 v11, v14  }
0x25f: {  	[tilespmem:v12+s12+$0x0] =	vst.idx.add.f32.msk $0xffff, v13  }
0x260: {  	s10 =	sadd.s32 $0x10, s10;
	[tilespmem:v51+s13+$0x0] =	vst.idx.add.f32.msk $0xffff, v14  }
0x261: {  	s0 =	sadd.s32 $0x3, s9  }
0x262: {  	s2 =	smov.u32 s14;
	p0 =	slt.s32 s0, s14  }
0x263: {  	s2 =	smov.u32 @p0 s0  }
0x264: {  	s0 =	smul.u32 $0x30, s2;
	_ =	sdelay $0x1  }
0x265: {  	s3 =	simm.s32 $0x0;
	s0 =	sadd.s32 s8, s0  }
0x266: {  	s1 =	sadd.s32 $0x1, s1;
	s22 =	rddreg [dreg:$0x8];
	s15 =	sshrl.u32 s0, $0x3  }
0x267: {  	s11 =	simm.s32 $0x4900;
	p0 =	sne.s32 s1, s22;
	s2 =	sadd.s32 s6, s15  }
0x268: {  	[tilespmem:s11], [sflag:$0x2] =	stream.linear.gather [hbm4b:s2+s3], $0x30, $0x38;
	[tilespmem:$0x1DB00] =	vst v63  }
.Ltmp10:
0x269: {  	s0 =	sadd.s32 $0x30C0, s0;
	(pc) =	sbr.rel @p0 .LBB2_4-.Ltmp10, $4  }
.Ltmp11:
0x26a: {  	s0 =	sshrl.u32 s0, $0x3;
	(pc) =	sbr.rel @!p0 .LBB2_17-.Ltmp11, $4  }
0x26b: {  	s0 =	sadd.s32 s6, s0  }
0x26c: {  	[tilespmem:s23], [sflag:$0x2] =	stream.linear.gather [hbm4b:s0+s3], $0x30, $0x38;
	[tilespmem:$0x1DB00] =	vst v63  }
0x26d: {  	s3 =	smov.u32 s4  }
0x26e: {  	_ = 	snop  }
.LBB2_18:
0x26f: {  	_ =	sfence.sel $0x180000  }
0x270: {  	[bflag:$0x0] =	sbarrier.arrive $0xFFFF  }
0x271: {  	_ =	strace $0x9000004D  }
0x272: {  	s0 =	stileid.u32;
	[bflag:$0x2] =	sbarrier.arrive $0xFFFF  }
0x273: {  	p0 =	sne.s32 s0, $0x0;
	s0 =	rddreg [dreg:$0x1]  }
0x274: {  	s0 =	sadd.s32 @!p0 $0x100000, s0  }
0x275: {  	[sflag:s0] =	ssyncadd.tile.s32 @!p0 $0x1;
	_ =	shalt  }
.Lfunc_end2:
_tile_overlayer_lowered:
.L_overlay_start_2:
0x276: {  	(tag) =	ssettag $0x2  }
0x277: {  	s0 =	rddreg [dreg:$0x0];
	s2 =	stileid.u32  }
0x278: {  	s1 =	rddreg [dreg:$0x1];
	p0 =	sne.s32 s2, $0x0  }
0x279: {  	s3 =	rddreg [dreg:$0x2];
	[bflag:$0x3] =	sbarrier.arrive $0xFFFF;
	s2 =	simm.s32 @!p0 $0x1C05  }
0x27a: {  	[timem:s3], [sflag:s2] =	dma.local @!p0 [hbm:s0], s1  }
0x27b: {  	s0 =	simm.s32 @!p0 $0x5  }
0x27c: {  	_ =	swait.ge @!p0 [sflag:s0], s1  }
0x27d: {  	s1 =	ssub.s32 @!p0 $0x0, s1;
	[sflag:s0] =	ssyncset.done @!p0 $0x0  }
0x27e: {  	[sflag:s0] =	ssyncadd.s32 @!p0 s1  }
0x27f: {  	[bflag:$0x3] =	sbarrier.arrive $0xFFFF  }
0x280: {  	_ =	shalt  }

// kernel: kernel.8.cloned.1.call-start
scs
__scs_entry_jumppad:
0x0: {  	(pc) =	sbr.rel $0x88, $3  }
0x1: {  	(tag) =	ssettag $0x0;
	lr =	simm.s32 $0x1  }
0x2: {  	[smem:$0x3F91] =	sst lr;
	_ =	strace $0xD0000000  }
0x3: {  	_ = 	snop  }
0x4: {  	_ = 	snop  }
0x5: {  	_ = 	snop  }
0x6: {  	_ = 	snop  }
0x7: {  	_ = 	snop  }
__scs_overlays_trampoline_lowered:
0x8: {  	[smem:$0x3FA0] =	sst s0  }
0x9: {  	[smem:$0x3FA1] =	sst s1  }
0xa: {  	[smem:$0x3FA2] =	sst s2  }
0xb: {  	[smem:$0x3FA3] =	sst s3  }
0xc: {  	[smem:$0x3FA4] =	sst s4  }
0xd: {  	[smem:$0x3FA5] =	sst s5  }
0xe: {  	[smem:$0x3FA6] =	sst s6  }
0xf: {  	[smem:$0x3FA7] =	sst s7  }
0x10: {  	[smem:$0x3FA8] =	sst s8  }
0x11: {  	[smem:$0x3FA9] =	sst s9;
	s0 =	simm.s32 @!p0 $0x0  }
0x12: {  	s1 =	sld [smem:$0x3F8F];
	s0 =	simm.s32 @p0 $0x1  }
0x13: {  	[smem:$0x3FAA] =	sst s0;
	s0 =	simm.s32 @!p1 $0x0  }
0x14: {  	s2 =	sld [smem:$0x3F8E];
	s0 =	simm.s32 @p1 $0x1  }
0x15: {  	[smem:$0x3FAB] =	sst s0;
	s0 =	simm.s32 @!p2 $0x0  }
0x16: {  	s3 =	sld [smem:$0x3FDB];
	s0 =	simm.s32 @p2 $0x1  }
0x17: {  	s4 =	simm.s32 $0x1BF5;
	[smem:$0x3FAD] =	sst s0  }
0x18: {  	s0 =	sld [smem:$0x3F90];
	_ =	swait.ge [sflag:s4], $0x0  }
0x19: {  	s7 =	sld [smem:$0x3F91]  }
0x1a: {  	s8 =	sadd.s32 $0xFFFFE003, lr  }
0x1b: {  	s9 =	sadd.s32 $0xFFFFFEF7, lr;
	s5 =	simm.s32 $0xFFFFFFFF;
	p2 =	slt.u32 s8, $0xFFFFF086  }
0x1c: {  	p1 =	slt.u32 s9, $0xF7A;
	s5 =	simm.s32 @!p2 $0x0  }
0x1d: {  	s5 =	simm.s32 @p1 $0x1;
	p0 =	seq.s32 s7, s2  }
0x1e: {  	s7 =	smul.u32 @!p0 $0xF7A, s2;
	p2 =	seq.s32 @!p0 s5, $0x0  }
0x1f: {  	s9 =	smul.u32 $0xF7A, s1;
	s8 =	simm.s32 @!p0 $0x1BF5;
	p2 =	por !p2, p0  }
0x20: {  	[sflag:s8] =	ssyncset.s32 @!p0 $0xFFFFF086;
	s6 =	sadd.s32 @!p0 s3, s7;
	s7 =	simm.s32 @!p0 $0x108  }
0x21: {  	s3 =	sadd.s32 s3, s9;
	s6 =	sadd.s32 @!p0 $0x88, s6;
	s7 =	simm.s32 @p2 $0x1082  }
0x22: {  	[simem:s7], [sflag:s8] =	dma.local @!p0 [hbm:s6], $0xF7A  }
0x23: {  	s9 =	sor.u32 $0xD0000000, s2;
	s6 =	simm.s32 $0x108;
	_ =	swait.ge @!p0 [sflag:s8], $0x0  }
0x24: {  	s3 =	sadd.s32 $0x88, s3;
	s6 =	simm.s32 @!p1 $0x1082;
	[sflag:s4] =	ssyncset.s32 $0xFFFFF086  }
0x25: {  	[simem:s6], [sflag:s4] =	dma.local [hbm:s3], $0xF7A  }
0x26: {  	[smem:$0x3F91] =	sst s1;
	(tag) =	ssettag s2;
	_ =	strace s9  }
0x27: {  	s1 =	sld [smem:$0x3FA1]  }
0x28: {  	s2 =	sld [smem:$0x3FA2]  }
0x29: {  	s4 =	sld [smem:$0x3FA4]  }
0x2a: {  	p0 =	seq.s32 s5, $0x0;
	s5 =	sld [smem:$0x3FA5]  }
0x2b: {  	s6 =	sld [smem:$0x3FA6]  }
0x2c: {  	s7 =	sld [smem:$0x3FA7]  }
0x2d: {  	s3 =	simm.s32 $0x108;
	s8 =	sld [smem:$0x3FA8]  }
0x2e: {  	s3 =	simm.s32 @!p0 $0x1082;
	s9 =	sld [smem:$0x3FA9]  }
0x2f: {  	lr =	sadd.s32 s0, s3;
	s0 =	sld [smem:$0x3FA0]  }
0x30: {  	s3 =	sld [smem:$0x3FA3]  }
0x31: {  	[smem:$0x3FAC] =	sst s10  }
0x32: {  	s10 =	sld [smem:$0x3FAA];
	_ =	sdelay $0x3  }
0x33: {  	p0 =	seq.s32 s10, $0x1;
	s10 =	sld [smem:$0x3FAC];
	_ =	sdelay $0x3  }
0x34: {  	[smem:$0x3FAC] =	sst s10  }
0x35: {  	s10 =	sld [smem:$0x3FAB];
	_ =	sdelay $0x3  }
0x36: {  	p1 =	seq.s32 s10, $0x1;
	s10 =	sld [smem:$0x3FAC];
	_ =	sdelay $0x3  }
0x37: {  	[smem:$0x3FAC] =	sst s10  }
0x38: {  	s10 =	sld [smem:$0x3FAD]  }
0x39: {  	_ = 	snop;
	(pc) =	sbr.ind lr, $3  }
0x3a: {  	_ = 	snop  }
0x3b: {  	_ = 	snop  }
0x3c: {  	p2 =	seq.s32 s10, $0x1;
	s10 =	sld [smem:$0x3FAC]  }
0x3d: {  	_ =	shalt  }
0x3e: {  	_ =	shalt  }
0x3f: {  	_ =	shalt  }
0x40: {  	_ =	shalt  }
0x41: {  	_ =	shalt  }
0x42: {  	_ =	shalt  }
0x43: {  	_ =	shalt  }
0x44: {  	_ =	shalt  }
0x45: {  	_ =	shalt  }
0x46: {  	_ =	shalt  }
0x47: {  	_ =	shalt  }
0x48: {  	_ =	shalt  }
0x49: {  	_ =	shalt  }
0x4a: {  	_ =	shalt  }
0x4b: {  	_ =	shalt  }
0x4c: {  	_ =	shalt  }
0x4d: {  	_ =	shalt  }
0x4e: {  	_ =	shalt  }
0x4f: {  	_ =	shalt  }
0x50: {  	_ =	shalt  }
0x51: {  	_ =	shalt  }
0x52: {  	_ =	shalt  }
0x53: {  	_ =	shalt  }
0x54: {  	_ =	shalt  }
0x55: {  	_ =	shalt  }
0x56: {  	_ =	shalt  }
0x57: {  	_ =	shalt  }
0x58: {  	_ =	shalt  }
0x59: {  	_ =	shalt  }
0x5a: {  	_ =	shalt  }
0x5b: {  	_ =	shalt  }
0x5c: {  	_ =	shalt  }
0x5d: {  	_ =	shalt  }
0x5e: {  	_ =	shalt  }
0x5f: {  	_ =	shalt  }
0x60: {  	_ =	shalt  }
0x61: {  	_ =	shalt  }
0x62: {  	_ =	shalt  }
0x63: {  	_ =	shalt  }
0x64: {  	_ =	shalt  }
0x65: {  	_ =	shalt  }
0x66: {  	_ =	shalt  }
0x67: {  	_ =	shalt  }
0x68: {  	_ =	shalt  }
0x69: {  	_ =	shalt  }
0x6a: {  	_ =	shalt  }
0x6b: {  	_ =	shalt  }
0x6c: {  	_ =	shalt  }
0x6d: {  	_ =	shalt  }
0x6e: {  	_ =	shalt  }
0x6f: {  	_ =	shalt  }
0x70: {  	_ =	shalt  }
0x71: {  	_ =	shalt  }
0x72: {  	_ =	shalt  }
0x73: {  	_ =	shalt  }
0x74: {  	_ =	shalt  }
0x75: {  	_ =	shalt  }
0x76: {  	_ =	shalt  }
0x77: {  	_ =	shalt  }
0x78: {  	_ =	shalt  }
0x79: {  	_ =	shalt  }
0x7a: {  	_ =	shalt  }
0x7b: {  	_ =	shalt  }
0x7c: {  	_ =	shalt  }
0x7d: {  	_ =	shalt  }
0x7e: {  	_ =	shalt  }
0x7f: {  	_ =	shalt  }
0x80: {  	_ =	shalt  }
0x81: {  	_ =	shalt  }
0x82: {  	_ =	shalt  }
0x83: {  	_ =	shalt  }
0x84: {  	_ =	shalt  }
0x85: {  	_ =	shalt  }
0x86: {  	_ =	shalt  }
0x87: {  	_ =	shalt  }
.Lfunc_end0:
.L_simem_size_0:
called_computation_lowered:
.L_overlay_start_0:
0x88: {  	s2 =	sld [smem:$0x3FD9]  }
0x89: {  	s3 =	sld [smem:$0x3FFE];
	_ =	sdelay $0x1  }
0x8a: {  	s1 =	srdreg.scid  }
0x8b: {  	s0 =	sand.u32 $0x1, s1  }
0x8c: {  	s17 =	sshll.u32 s0, $0xA;
	s2 =	sadd.s32 s3, s2  }
0x8d: {  	s2 =	sadd.s32 s2, s17  }
0x8e: {  	[smem:$0x3FB8] =	sst s2  }
0x8f: {  	_ = 	snop  }
0x90: {  	s2 =	sld [smem:$0x3FD0];
	(tm) =	ssettm $0x1  }
0x91: {  	s18 =	sld [smem:$0x3FFB];
	_ =	sdelay $0x3  }
0x92: {  	_ =	strace s18  }
0x93: {  	s3 =	sld [smem:$0x3FFC];
	_ =	sdelay $0x3  }
0x94: {  	_ =	strace s3  }
0x95: {  	s3 =	sld [smem:$0x3FFD];
	_ =	sdelay $0x3  }
0x96: {  	_ =	strace s3  }
0x97: {  	_ =	strace $0x8FFFFFFF  }
0x98: {  	s19 =	sld [smem:$0x3FDB];
	_ =	sdelay $0x1  }
0x99: {  	s4 =	simm.s32 $_scs_section_size  }
0x9a: {  	s5 =	simm.s32 $_size__tile_overlayer_lowered;
	s6 =	simm.s32 $_tile_overlayer_lowered  }
0x9b: {  	s22 =	simm.s32 $0x1BFF;
	s21 =	sshll.u32 s6, $0x1;
	s3 =	sadd.s32 s4, s19  }
0x9c: {  	s7 =	simm.s32 $0x0;
	s20 =	sshll.u32 s5, $0x1;
	s5 =	sadd.s32 s21, s3  }
0x9d: {  	[timem:s7], [sflag:s22] =	dma.local [hbm:s5], s20  }
0x9e: {  	_ =	swait.ge [sflag:s22], s20  }
0x9f: {  	s4 =	ssub.s32 $0x0, s20;
	[sflag:s22] =	ssyncset.done $0x0  }
0xa0: {  	[sflag:s22] =	ssyncadd.s32 s4;
	_ =	sdelay $0x1  }
0xa1: {  	s23 =	simm.s32 $0x1B8B  }
0xa2: {  	_ =	swait.ge [sflag:s23], $0x1  }
0xa3: {  	[sflag:s23] =	ssyncset.done $0x0  }
0xa4: {  	s25 =	simm.s32 $0x1B8E;
	s24 =	sld [smem:$0x3FFE];
	[sflag:s23] =	ssyncadd.s32 $0xFFFFFFFF  }
0xa5: {  	s26 =	simm.s32 $execute0_lowered;
	[smem:$0x3FD2] =	sst s25  }
0xa6: {  	s5 =	sshll.u32 s26, $0x1;
	_ =	strace $0x80000046;
	[dreg:$0x1] =	wrdreg $0xFFFFFFFF  }
0xa7: {  	s28 =	simm.s32 $_size_execute0_lowered;
	s3 =	sadd.s32 s3, s5;
	[dreg:$0x0] =	wrdreg $0x0  }
0xa8: {  	s5 =	sshll.u32 s28, $0x1;
	[dreg:$0x2] =	wrdreg s3  }
0xa9: {  	[dreg:$0x3] =	wrdreg s5  }
0xaa: {  	[dreg:$0x4] =	wrdreg $0xC0  }
0xab: {  	_ =	task [dreg:s7], $0x5FFFF  }
0xac: {  	[dreg:$0x1] =	wrdreg $0xFFFFFFFF  }
0xad: {  	[dreg:$0x0] =	wrdreg $0x60  }
0xae: {  	[dreg:$0x2] =	wrdreg s24  }
0xaf: {  	[dreg:$0x3] =	wrdreg s2  }
0xb0: {  	[dreg:$0x4] =	wrdreg $0x9  }
0xb1: {  	_ =	task.clear_ibuf [dreg:s7], $0x5FFFF;
	_ =	strace $0x90000046  }
0xb2: {  	s29 =	simm.s32 $0x9;
	_ =	strace $0x80000048  }
0xb3: {  	_ =	swait.ge [sflag:s29], $0x1  }
0xb4: {  	[sflag:s29] =	ssyncadd.s32 $0xFFFFFFFF  }
0xb5: {  	_ =	strace $0x90000048  }
0xb6: {  	_ =	sfence  }
0xb7: {  	s30 =	sld [smem:$0x0];
	_ =	sdelay $0x2  }
0xb8: {  	s31 =	sshll.u32 s1, $0xD;
	s1 =	sshrl.u32 s1, $0x2  }
0xb9: {  	s3 =	sand.u32 $0x4000, s31;
	s1 =	sadd.s32 s1, s30  }
0xba: {  	s0 =	sor.u32 s3, s0;
	s1 =	sshll.u32 s1, $0x11  }
0xbb: {  	s0 =	sor.u32 s1, s0  }
0xbc: {  	s0 =	sadd.s32 $0x8F2B, s0  }
0xbd: {  	[sflag:s0] =	ssyncadd.remote.s32 $0x1  }
0xbe: {  	_ =	sfence.sel $0xFFFF  }
0xbf: {  	[dreg:$0x0] =	wrdreg $0xFFFFFFFF;
	(pc) =	sbr.abs _section_cstart, $3  }
0xc0: {  	[dreg:$0x1] =	wrdreg $0xFFFFFFFF  }
0xc1: {  	_ =	task.clear_ibuf [dreg:s7], $0x2FFFF;
	_ =	strace $0x9FFFFFFF  }
0xc2: {  	(tm) =	ssettm $0x7FFFFFFF  }
0xc3: {  	_ =	shalt  }
tec
execute0_lowered:
.L_overlay_start_1:
0x0: {  	(tag) =	ssettag $0x1  }
0x1: {  	s5 =	rddreg [dreg:$0x0];
	s1 =	srdreg.scid  }
0x2: {  	s0 =	stileid.u32;
	s2 =	rddreg [dreg:$0x1]  }
0x3: {  	s3 =	simm.s32 $0x0;
	s12 =	simm.s32 $0x3000;
	s14 =	simm.s32 $0x4000  }
0x4: {  	s15 =	simm.s32 $0x7100;
	s16 =	simm.s32 $0xA200;
	s17 =	simm.s32 $0x3  }
0x5: {  	s18 =	simm.s32 $0x0;
	s6 =	sand.u32 $0x1, s1;
	s4 =	sshll.u32 s0, $0x1  }
0x6: {  	s24 =	simm.s32 $0x0;
	s1 =	rddreg [dreg:$0x2];
	s7 =	sor.u32 s6, s4  }
0x7: {  	[smem:$0x7FF] =	sst s3;
	s6 =	ssub.s32 $0x2, s6;
	s8 =	smul.u32 $0x6180, s7  }
0x8: {  	_ =	strace $0x80000047;
	s10 =	sshrl.u32 s6, $0x1;
	s11 =	smul.u32 $0x140, s7  }
0x9: {  	s4 =	sadd.s32 $0x4400, s5;
	s9 =	sshll.u32 s7, $0x1;
	s31 =	ssub.s32 s6, s10  }
0xa: {  	s10 =	simm.s32 $0x1;
	s8 =	sshrl.u32 s8, $0x3;
	s13 =	sadd.s32 $0x140, s11  }
0xb: {  	v0 =	vmov s11;
	s11 =	simm.s32 $0x2000;
	s30 =	sadd.s32 s8, s5;
	s5 =	sadd.s32 s9, s5  }
0xc: {  	s8 =	smax.u32 s31, $0x1;
	s9 =	simm.s32 $0x1000;
	v1 =	vmov s13;
	v2 =	vadd.s32 $0x140, v0;
	s13 =	simm.s32 $0x2  }
0xd: {  	v3 =	vimm.s32 $0x0;
	v4 =	vlaneseq.u32;
	s5 =	sadd.s32 $0x26800, s5;
	s6 =	sadd.s32 $0xE200, s30;
	s7 =	sadd.s32 $0xE818, s30;
	v2 =	vbroadcast v2, $0x0  }
.LBB2_1:
0xe: {  	[tilespmem:s3], [sflag:$0x1] =	stream.linear.gather [hbm4b:s4+s3], $0xFA0, $0x38;
	[tilespmem:$0xA280] =	vst v63  }
0xf: {  	s20 =	simm.s32 $0x0;
	s19 =	simm.s32 $0x0  }
0x10: {  	[tilespmem:s9], [sflag:$0x1] =	stream.linear.gather [hbm4b:s2+s3], $0xFA0, $0x38;
	[tilespmem:$0xA280] =	vst v63  }
.LBB2_2:
0x11: {  	_ =	swait.ge [sflag:s10], $0xFA0  }
0x12: {  	[sflag:s10] =	ssyncset.done $0x0  }
0x13: {  	s21 =	smul.u32 $0x3E8, s19;
	[sflag:s10] =	ssyncadd.s32 $0xFFFFF060  }
0x14: {  	_ =	swait.ge [sflag:s10], $0xFA0  }
0x15: {  	s21 =	sadd.s32 $0x1F4, s21;
	[sflag:s10] =	ssyncset.done $0x0  }
0x16: {  	s23 =	simm.s32 $0x0;
	s22 =	sadd.s32 s4, s21;
	[sflag:s10] =	ssyncadd.s32 $0xFFFFF060  }
0x17: {  	[tilespmem:s11], [sflag:$0x2] =	stream.linear.gather [hbm4b:s22+s23], $0xFA0, $0x38;
	[tilespmem:$0xA280] =	vst v63  }
0x18: {  	s31 =	simm.s32 $0x0;
	s21 =	sadd.s32 s2, s21  }
0x19: {  	[tilespmem:s12], [sflag:$0x2] =	stream.linear.gather [hbm4b:s21+s23], $0xFA0, $0x38;
	[tilespmem:$0xA280] =	vst v63  }
0x1a: {  	v5 =	vld [tilespmem:s31+$0x1000];
	_ =	sdelay $0x4  }
0x1b: {  	vm0 =	vge.s32 v5, v0;
	vm1 =	vlt.s32 v5, v1  }
0x1c: {  	vm0 =	vmand vm0, vm1  }
0x1d: {  	v6 =	vsel vm0, $0x1, v3  }
0x1e: {  	(xrf0) =	vadd.scan.msk.s32 $0xffff, v6;
	_ =	sdelay $0x1  }
0x1f: {  	v6 =	vld [tilespmem:s31+$0x0];
	_ =	sdelay $0x3  }
0x20: {  	v7, _, _ =	vpop (xrf0)  }
0x21: {  	[tilespmem:s20+$0x4000] =	vst.msk vm0, v6;
	(v2sf) =	vpush v7, $0xF  }
0x22: {  	s22 =	simm.s32 $0x10;
	s21 =	simm.s32 $0x80;
	[tilespmem:s20+$0x7100] =	vst.msk vm0, v5  }
.LBB2_3:
0x23: {  	p0 =	sne.s32 s21, $0x3E40;
	v5 =	vld [tilespmem:s22+$0x1000];
	_ =	sdelay $0x4  }
0x24: {  	vm0 =	vge.s32 v5, v0;
	vm1 =	vlt.s32 v5, v1  }
0x25: {  	vm0 =	vmand vm0, vm1  }
0x26: {  	v6 =	vsel vm0, $0x1, v3  }
0x27: {  	(xrf0) =	vadd.scan.msk.s32 $0xffff, v6;
	_ =	sdelay $0x1  }
0x28: {  	v6 =	vld [tilespmem:s22+$0x0];
	_ =	sdelay $0x1  }
.Ltmp0:
0x29: {  	(pc) =	sbr.rel @p0 .LBB2_3-.Ltmp0, $4  }
0x2a: {  	s22 =	spop (v2sf)  }
0x2b: {  	v7, _, _ =	vpop (xrf0);
	s20 =	sadd.s32 s20, s22  }
0x2c: {  	[tilespmem:s20+$0x4000] =	vst.msk vm0, v6;
	(v2sf) =	vpush v7, $0xF  }
0x2d: {  	s22 =	sshra.s32 s21, $0x2;
	s21 =	sadd.s32 $0x40, s21;
	[tilespmem:s20+$0x7100] =	vst.msk vm0, v5  }
0x2e: {  	v5 =	vld [tilespmem:s22+$0x1000];
	_ =	sdelay $0x4  }
0x2f: {  	vm0 =	vge.s32 v5, v0;
	vm1 =	vlt.s32 v5, v1  }
0x30: {  	vm0 =	vmand vm0, vm1  }
0x31: {  	v6 =	vsel vm0, $0x1, v3  }
0x32: {  	(xrf0) =	vadd.scan.msk.s32 $0xffff, v6;
	_ =	sdelay $0x5  }
0x33: {  	v6, _, _ =	vpop (xrf0)  }
0x34: {  	(v2sf) =	vpush v6, $0xF;
	_ =	sdelay $0x8  }
0x35: {  	v6 =	vld [tilespmem:s22+$0x0];
	_ =	sdelay $0x2  }
0x36: {  	s21 =	spop (v2sf)  }
0x37: {  	s20 =	sadd.s32 s20, s21  }
0x38: {  	[tilespmem:s20+$0x4000] =	vst.msk vm0, v6  }
0x39: {  	s30 =	sshll.u32 s19, $0x1;
	[tilespmem:s20+$0x7100] =	vst.msk vm0, v5;
	s29 =	spop (v2sf)  }
0x3a: {  	s22 =	smin.u32 s30, $0x4D;
	_ =	swait.ge [sflag:s13], $0xFA0  }
0x3b: {  	s22 =	smul.u32 $0xFA0, s22;
	[sflag:s13] =	ssyncset.done $0x0  }
0x3c: {  	[sflag:s13] =	ssyncadd.s32 $0xFFFFF060  }
0x3d: {  	s22 =	sshrl.u32 s22, $0x3;
	_ =	swait.ge [sflag:s13], $0xFA0  }
0x3e: {  	s22 =	sadd.s32 $0x3E8, s22;
	[sflag:s13] =	ssyncset.done $0x0  }
0x3f: {  	s23 =	sadd.s32 s4, s22;
	[sflag:s13] =	ssyncadd.s32 $0xFFFFF060  }
0x40: {  	[tilespmem:s24], [sflag:$0x1] =	stream.linear.gather [hbm4b:s23+s24], $0xFA0, $0x38;
	[tilespmem:$0xA280] =	vst v63  }
0x41: {  	s31 =	simm.s32 $0x0;
	s22 =	sadd.s32 s2, s22  }
0x42: {  	[tilespmem:s9], [sflag:$0x1] =	stream.linear.gather [hbm4b:s22+s24], $0xFA0, $0x38;
	[tilespmem:$0xA280] =	vst v63  }
0x43: {  	v5 =	vld [tilespmem:s31+$0x3000];
	_ =	sdelay $0x4  }
0x44: {  	vm14 =	vge.s32 v5, v0;
	vm15 =	vlt.s32 v5, v1  }
0x45: {  	vm0 =	vmand vm14, vm15  }
0x46: {  	v6 =	vsel vm0, $0x1, v3  }
0x47: {  	(xrf0) =	vadd.scan.msk.s32 $0xffff, v6;
	_ =	sdelay $0x1  }
0x48: {  	v6 =	vld [tilespmem:s31+$0x2000];
	_ =	sdelay $0x3  }
0x49: {  	s20 =	sadd.s32 s20, s29;
	v7, _, _ =	vpop (xrf0)  }
0x4a: {  	[tilespmem:s20+$0x4000] =	vst.msk vm0, v6;
	(v2sf) =	vpush v7, $0xF  }
0x4b: {  	s21 =	simm.s32 $0x80;
	s22 =	simm.s32 $0x10;
	[tilespmem:s20+$0x7100] =	vst.msk vm0, v5  }
.LBB2_5:
0x4c: {  	p0 =	sne.s32 s21, $0x3E40;
	v5 =	vld [tilespmem:s22+$0x3000];
	_ =	sdelay $0x4  }
0x4d: {  	vm0 =	vge.s32 v5, v0;
	vm1 =	vlt.s32 v5, v1  }
0x4e: {  	vm0 =	vmand vm0, vm1  }
0x4f: {  	v6 =	vsel vm0, $0x1, v3  }
0x50: {  	(xrf0) =	vadd.scan.msk.s32 $0xffff, v6;
	_ =	sdelay $0x1  }
0x51: {  	v6 =	vld [tilespmem:s22+$0x2000];
	_ =	sdelay $0x1  }
.Ltmp1:
0x52: {  	(pc) =	sbr.rel @p0 .LBB2_5-.Ltmp1, $4  }
0x53: {  	s22 =	spop (v2sf)  }
0x54: {  	v7, _, _ =	vpop (xrf0);
	s20 =	sadd.s32 s20, s22  }
0x55: {  	[tilespmem:s20+$0x4000] =	vst.msk vm0, v6;
	(v2sf) =	vpush v7, $0xF  }
0x56: {  	s22 =	sshra.s32 s21, $0x2;
	s21 =	sadd.s32 $0x40, s21;
	[tilespmem:s20+$0x7100] =	vst.msk vm0, v5  }
0x57: {  	v5 =	vld [tilespmem:s22+$0x3000];
	_ =	sdelay $0x4  }
0x58: {  	vm0 =	vge.s32 v5, v0;
	vm1 =	vlt.s32 v5, v1  }
0x59: {  	vm0 =	vmand vm0, vm1  }
0x5a: {  	v6 =	vsel vm0, $0x1, v3  }
0x5b: {  	(xrf0) =	vadd.scan.msk.s32 $0xffff, v6;
	_ =	sdelay $0x5  }
0x5c: {  	v6, _, _ =	vpop (xrf0)  }
0x5d: {  	(v2sf) =	vpush v6, $0xF;
	_ =	sdelay $0x9  }
0x5e: {  	s19 =	sadd.s32 $0x1, s19;
	v6 =	vld [tilespmem:s22+$0x2000]  }
0x5f: {  	p0 =	sne.s32 s19, $0x28  }
.Ltmp2:
0x60: {  	_ = 	snop;
	(pc) =	sbr.rel @p0 .LBB2_2-.Ltmp2, $4  }
0x61: {  	s21 =	spop (v2sf)  }
0x62: {  	s20 =	sadd.s32 s20, s21  }
0x63: {  	[tilespmem:s20+$0x4000] =	vst.msk vm0, v6;
	s31 =	spop (v2sf)  }
0x64: {  	[tilespmem:s20+$0x7100] =	vst.msk vm0, v5;
	s20 =	sadd.s32 s20, s31  }
0x65: {  	_ =	swait.ge [sflag:s10], $0xFA0  }
0x66: {  	v5 =	vadd.s32 s20, v4;
	s19 =	sadd.s32 $0x5F, s20;
	s21 =	sadd.s32 $0x10, s20;
	[sflag:s10] =	ssyncset.done $0x0  }
0x67: {  	s22 =	smulhi.u32 $0x2AAAAAAB, s19;
	s23 =	sshra.s32 s19, $0x1F;
	[sflag:s10] =	ssyncadd.s32 $0xFFFFF060  }
0x68: {  	v6 =	vadd.s32 s21, v4;
	s31 =	smul.u32 $0x2AAAAAAB, s23;
	_ =	swait.ge [sflag:s10], $0xFA0  }
0x69: {  	s25 =	sadd.s32 $0x20, s20;
	[sflag:s10] =	ssyncset.done $0x0  }
0x6a: {  	v7 =	vadd.s32 s25, v4;
	s21 =	sadd.s32 s31, s22;
	[sflag:s10] =	ssyncadd.s32 $0xFFFFF060  }
0x6b: {  	s26 =	sadd.s32 $0x30, s20;
	s28 =	sshrl.u32 s21, $0x1F;
	s21 =	sshra.s32 s21, $0x4;
	[tilespmem:v5+s14+$0x0] =	vst.idx.msk $0xffff, v3  }
0x6c: {  	s21 =	sadd.s32 s28, s21;
	[tilespmem:v5+s15+$0x0] =	vst.idx.msk $0xffff, v2;
	v5 =	vadd.s32 s26, v4  }
0x6d: {  	s29 =	sadd.s32 $0x40, s20;
	s23 =	smul.u32 $0xFFFFFFA0, s21;
	[tilespmem:v6+s14+$0x0] =	vst.idx.msk $0xffff, v3  }
0x6e: {  	s30 =	ssub.s32 $0xFFFFFFA1, s20;
	[tilespmem:v6+s15+$0x0] =	vst.idx.msk $0xffff, v2;
	v6 =	vadd.s32 s29, v4  }
0x6f: {  	p0 =	slt.s32 s19, $0x1;
	s31 =	sadd.s32 $0x50, s20;
	p1 =	sne.s32 s23, s30;
	[tilespmem:v7+s14+$0x0] =	vst.idx.msk $0xffff, v3  }
0x70: {  	p0 =	por !p0, !p1;
	[tilespmem:v7+s15+$0x0] =	vst.idx.msk $0xffff, v2;
	v7 =	vadd.s32 s31, v4  }
0x71: {  	s19 =	simm.s32 $0x1;
	p0 =	por !p0, !p0;
	[tilespmem:v5+s14+$0x0] =	vst.idx.msk $0xffff, v3  }
0x72: {  	s19 =	simm.s32 @!p0 $0x0;
	[tilespmem:v5+s15+$0x0] =	vst.idx.msk $0xffff, v2  }
0x73: {  	s19 =	ssub.s32 s21, s19;
	[tilespmem:v6+s14+$0x0] =	vst.idx.msk $0xffff, v3  }
0x74: {  	s19 =	smul.u32 $0x60, s19;
	[tilespmem:v6+s15+$0x0] =	vst.idx.msk $0xffff, v2  }
0x75: {  	[tilespmem:v7+s14+$0x0] =	vst.idx.msk $0xffff, v3  }
0x76: {  	v5 =	vmov s19;
	[tilespmem:v7+s15+$0x0] =	vst.idx.msk $0xffff, v2  }
0x77: {  	[tilespmem:$0xA200] =	vst v5  }
0x78: {  	[hbm4b:s5+s3] =	stream.linear.scatter [tilespmem:s16], [sflag:$0x3], $0x10, $0x38;
	[tilespmem:$0xA280] =	vst v63  }
0x79: {  	_ =	swait.ge [sflag:s17], $0x10  }
0x7a: {  	[sflag:s17] =	ssyncset.done $0x0  }
0x7b: {  	[sflag:s17] =	ssyncadd.s32 $0xFFFFFFF0  }
0x7c: {  	[hbm4b:s6+s3] =	stream.linear.scatter [tilespmem:s14], [sflag:$0x3], $0x30C0, $0x38;
	[tilespmem:$0xA280] =	vst v63  }
0x7d: {  	s18 =	sadd.s32 $0x1, s18;
	_ =	swait.ge [sflag:s17], $0x30C0  }
0x7e: {  	p0 =	sne.s32 s18, s8;
	[sflag:s17] =	ssyncset.done $0x0  }
.Ltmp3:
0x7f: {  	[sflag:s17] =	ssyncadd.s32 $0xFFFFCF40;
	(pc) =	sbr.rel @p0 .LBB2_1-.Ltmp3, $4  }
0x80: {  	[hbm4b:s7+s3] =	stream.linear.scatter [tilespmem:s15], [sflag:$0x3], $0x30C0, $0x38;
	[tilespmem:$0xA280] =	vst v63  }
0x81: {  	_ =	swait.ge [sflag:s17], $0x30C0  }
0x82: {  	[sflag:s17] =	ssyncset.done $0x0  }
0x83: {  	[sflag:s17] =	ssyncadd.s32 $0xFFFFCF40  }
0x84: {  	_ =	sfence.sel $0x180000  }
0x85: {  	[bflag:$0x0] =	sbarrier.arrive $0xFFFF  }
0x86: {  	p0 =	sne.s32 s0, $0x0;
	_ =	strace $0x90000047  }
0x87: {  	s0 =	sadd.s32 @!p0 $0x100000, s1;
	[bflag:$0x2] =	sbarrier.arrive $0xFFFF  }
0x88: {  	[sflag:s0] =	ssyncadd.tile.s32 @!p0 $0x1;
	_ =	shalt  }
.Lfunc_end2:
_tile_overlayer_lowered:
.L_overlay_start_2:
0x89: {  	(tag) =	ssettag $0x2  }
0x8a: {  	s0 =	rddreg [dreg:$0x0];
	s2 =	stileid.u32  }
0x8b: {  	s1 =	rddreg [dreg:$0x1];
	p0 =	sne.s32 s2, $0x0  }
0x8c: {  	s3 =	rddreg [dreg:$0x2];
	[bflag:$0x3] =	sbarrier.arrive $0xFFFF;
	s2 =	simm.s32 @!p0 $0x1C03  }
0x8d: {  	[timem:s3], [sflag:s2] =	dma.local @!p0 [hbm:s0], s1  }
0x8e: {  	s0 =	simm.s32 @!p0 $0x3  }
0x8f: {  	_ =	swait.ge @!p0 [sflag:s0], s1  }
0x90: {  	s1 =	ssub.s32 @!p0 $0x0, s1;
	[sflag:s0] =	ssyncset.done @!p0 $0x0  }
0x91: {  	[sflag:s0] =	ssyncadd.s32 @!p0 s1  }
0x92: {  	[bflag:$0x3] =	sbarrier.arrive $0xFFFF  }
0x93: {  	_ =	shalt  }

</sc_bundles>
